<compile_context>
chip_gen: v7x
topology: tpu7x:2x2x1
jax: 0.10.2.dev20260603
libtpu: 0.0.44.dev20260713+nightly
codegen_flags: <defaults>
</compile_context>

<pallas_src>
import functools

import jax
import jax.numpy as jnp
from jax import lax
from jax.experimental import pallas as pl
from jax.experimental.pallas import tpu as pltpu
from jax.experimental.pallas import tpu_sc as plsc

N_NODES = 10000
N_EDGES = 320000
D = 128
F = D // 2

NC = 2
NS = 16
NW = NC * NS
NP = 10240
RPS = NP // NS
CHUNK = 128
NCH = 80
EPW = NCH * CHUNK
E_PAD = NW * EPW
PAD_ROW = N_NODES

NCH0 = 114
NCH1 = 46
N_ROWS = NW * NCH + (NCH0 - NCH1)

_mesh = plsc.VectorSubcoreMesh(core_axis_name="c", subcore_axis_name="s")


def _sc_body(h0, h1, src2, dst2, z64, parts,
             idx_s, idx_d, rows_a, rows_b, bounce, sem_a, sem_b, agg_sh):
  c = lax.axis_index("c")
  s = lax.axis_index("s")

  start = jnp.where(c == 0, s * NCH0, NS * NCH0 + s * NCH1)
  nch = jnp.where(c == 0, NCH0, NCH1)
  pltpu.sync_copy(src2.at[pl.ds(start, NCH0)], idx_s)
  pltpu.sync_copy(dst2.at[pl.ds(start, NCH0)], idx_d)

  for f, href in enumerate((h0, h1)):
    pltpu.sync_copy(z64, bounce)
    pltpu.sync_copy(bounce, agg_sh.at[pl.ds(s * RPS, RPS)])

    pltpu.async_copy(href.at[idx_s.at[0]], rows_a, sem_a)
    pltpu.async_copy(href.at[idx_s.at[1]], rows_b, sem_b)
    plsc.subcore_barrier()

    def pair(j, carry):
      ka = 2 * j
      pltpu.make_async_copy(href.at[idx_s.at[ka]], rows_a, sem_a).wait()
      pltpu.sync_copy(rows_a, agg_sh.at[idx_d.at[ka]], add=True)
      pltpu.async_copy(href.at[idx_s.at[ka + 2]], rows_a, sem_a)
      pltpu.make_async_copy(href.at[idx_s.at[ka + 1]], rows_b, sem_b).wait()
      pltpu.sync_copy(rows_b, agg_sh.at[idx_d.at[ka + 1]], add=True)
      pltpu.async_copy(href.at[idx_s.at[ka + 3]], rows_b, sem_b)
      return carry

    lax.fori_loop(0, (nch - 2) // 2, pair, 0)
    pltpu.make_async_copy(href.at[idx_s.at[nch - 2]], rows_a, sem_a).wait()
    pltpu.sync_copy(rows_a, agg_sh.at[idx_d.at[nch - 2]], add=True)
    pltpu.make_async_copy(href.at[idx_s.at[nch - 1]], rows_b, sem_b).wait()
    pltpu.sync_copy(rows_b, agg_sh.at[idx_d.at[nch - 1]], add=True)
    plsc.subcore_barrier()

    off = (c * 2 + f) * NP + s * RPS
    pltpu.sync_copy(agg_sh.at[pl.ds(s * RPS, RPS)], bounce)
    pltpu.sync_copy(bounce, parts.at[pl.ds(off, RPS)])


def _deg_body(dst2, z16, ones_hbm, degp,
              idx_d, ones_v, dbounce, deg_sh):
  c = lax.axis_index("c")
  s = lax.axis_index("s")
  w = c * NS + s

  pltpu.sync_copy(dst2.at[pl.ds(w * NCH, NCH)], idx_d)
  pltpu.sync_copy(ones_hbm, ones_v)
  pltpu.sync_copy(z16, dbounce)
  pltpu.sync_copy(dbounce, deg_sh.at[pl.ds(s * RPS, RPS)])
  plsc.subcore_barrier()

  def step(k, carry):
    pltpu.sync_copy(ones_v, deg_sh.at[idx_d.at[k]], add=True)
    return carry

  lax.fori_loop(0, NCH, step, 0)
  plsc.subcore_barrier()
  pltpu.sync_copy(deg_sh.at[pl.ds(s * RPS, RPS)], dbounce)
  pltpu.sync_copy(dbounce, degp.at[pl.ds(c * NP + s * RPS, RPS)])


_deg = pl.kernel(
    _deg_body,
    out_type=jax.ShapeDtypeStruct((NC * NP, 16), jnp.float32),
    mesh=_mesh,
    scratch_types=(
        pltpu.VMEM((NCH, CHUNK), jnp.int32),
        pltpu.VMEM((CHUNK, 16), jnp.float32),
        pltpu.VMEM((RPS, 16), jnp.float32),
        pltpu.VMEM_SHARED((NP, 16), jnp.float32),
    ),
    compiler_params=pltpu.CompilerParams(use_tc_tiling_on_sc=False),
    name="sc_sage_degree",
)

_agg = pl.kernel(
    _sc_body,
    out_type=jax.ShapeDtypeStruct((NC * 2 * NP, F), jnp.float32),
    mesh=_mesh,
    scratch_types=(
        pltpu.VMEM((NCH0, CHUNK), jnp.int32),
        pltpu.VMEM((NCH0, CHUNK), jnp.int32),
        pltpu.VMEM((CHUNK, F), jnp.float32),
        pltpu.VMEM((CHUNK, F), jnp.float32),
        pltpu.VMEM((RPS, F), jnp.float32),
        pltpu.SemaphoreType.DMA,
        pltpu.SemaphoreType.DMA,
        pltpu.VMEM_SHARED((NP, F), jnp.float32),
    ),
    compiler_params=pltpu.CompilerParams(use_tc_tiling_on_sc=False),
    name="sc_sage_aggregate",
)


BLK = 1000


def _dense_body(relu, split, *refs):
  if split:
    parts, degp, h, wn, ws, b, out, o0, o1 = refs
  else:
    parts, degp, h, wn, ws, b, out = refs
  agg = jnp.concatenate([parts[0, 0] + parts[1, 0],
                         parts[0, 1] + parts[1, 1]], axis=-1)
  deg = degp[0, :, 0] + degp[1, :, 0]
  mean = agg / jnp.maximum(deg, 1.0)[:, None]
  acc = (jnp.dot(mean, wn[...], preferred_element_type=jnp.float32)
         + jnp.dot(h[...], ws[...], preferred_element_type=jnp.float32)
         + b[...])
  if relu:
    acc = jnp.maximum(acc, 0.0)
  out[...] = acc
  if split:
    o0[...] = acc[:, :F]
    o1[...] = acc[:, F:]


def _make_dense(relu, split):
  out_shape = [jax.ShapeDtypeStruct((N_NODES, D), jnp.float32)]
  out_specs = [pl.BlockSpec((BLK, D), lambda i: (i, 0))]
  if split:
    out_shape += [jax.ShapeDtypeStruct((N_NODES, F), jnp.float32)] * 2
    out_specs += [pl.BlockSpec((BLK, F), lambda i: (i, 0))] * 2
  return pl.pallas_call(
      functools.partial(_dense_body, relu, split),
      grid=(N_NODES // BLK,),
      in_specs=[
          pl.BlockSpec((NC, 2, BLK, F), lambda i: (0, 0, i, 0)),
          pl.BlockSpec((NC, BLK, 16), lambda i: (0, i, 0)),
          pl.BlockSpec((BLK, D), lambda i: (i, 0)),
          pl.BlockSpec((D, D), lambda i: (0, 0)),
          pl.BlockSpec((D, D), lambda i: (0, 0)),
          pl.BlockSpec((1, D), lambda i: (0, 0)),
      ],
      out_specs=out_specs,
      out_shape=out_shape,
  )


_dense_mid = _make_dense(True, True)
_dense_last = _make_dense(False, False)


def kernel(x, edge_index, Wn1, Ws1, b1, Wn2, Ws2, b2, Wn3, Ws3, b3):
  src = edge_index[0].astype(jnp.int32)
  dst = edge_index[1].astype(jnp.int32)
  npad = E_PAD - N_EDGES
  nslack = (N_ROWS - NW * NCH) * CHUNK
  src2 = jnp.concatenate(
      [src, jnp.zeros((npad + nslack,), jnp.int32)]).reshape(N_ROWS, CHUNK)
  pad_dst = PAD_ROW + (jnp.arange(npad, dtype=jnp.int32) % (NP - N_NODES))
  dst2 = jnp.concatenate(
      [dst, pad_dst, jnp.full((nslack,), PAD_ROW, jnp.int32)]
  ).reshape(N_ROWS, CHUNK)
  z64 = jnp.zeros((RPS, F), jnp.float32)
  z16 = jnp.zeros((RPS, 16), jnp.float32)
  ones = jnp.ones((CHUNK, 16), jnp.float32)
  x0 = x[:, :F]
  x1 = x[:, F:]

  degp = _deg(dst2, z16, ones).reshape(NC, NP, 16)
  parts1 = _agg(x0, x1, src2, dst2, z64).reshape(NC, 2, NP, F)

  h1, h10, h11 = _dense_mid(parts1, degp, x, Wn1, Ws1, b1.reshape(1, D))
  parts2 = _agg(h10, h11, src2, dst2, z64).reshape(NC, 2, NP, F)
  h2, h20, h21 = _dense_mid(parts2, degp, h1, Wn2, Ws2, b2.reshape(1, D))
  parts3 = _agg(h20, h21, src2, dst2, z64).reshape(NC, 2, NP, F)
  h3 = _dense_last(parts3, degp, h2, Wn3, Ws3, b3.reshape(1, D))[0]
  return h3

# --- scband reference (transcript-rebuilt; emitter-appended) ---
"""Pipeline reference for scband-graph-sageembedder-56160992363059 (READ-ONLY COPY).

The authoritative reference and input builder live on the scoring server;
editing this copy changes nothing except your own understanding.
"""

import jax, jax.numpy as jnp
import numpy as np

N_NODES = 10000
N_EDGES = 320000
D = 128
H = 128


def setup_inputs(seed: int = 0) -> dict:
    key = jax.random.key(seed)
    ks = jax.random.split(key, 12)
    x = jax.random.normal(ks[0], (N_NODES, D), dtype=jnp.float32)
    edge_index = jax.random.randint(ks[1], (2, N_EDGES), 0, N_NODES, dtype=jnp.int64)
    s = 1.0 / np.sqrt(D)
    inp = {
        'x': x,
        'edge_index': edge_index,
        'Wn1': jax.random.normal(ks[2], (D, H), dtype=jnp.float32) * s,
        'Ws1': jax.random.normal(ks[3], (D, H), dtype=jnp.float32) * s,
        'b1': jnp.zeros((H,), dtype=jnp.float32),
        'Wn2': jax.random.normal(ks[4], (H, H), dtype=jnp.float32) * s,
        'Ws2': jax.random.normal(ks[5], (H, H), dtype=jnp.float32) * s,
        'b2': jnp.zeros((H,), dtype=jnp.float32),
        'Wn3': jax.random.normal(ks[6], (H, H), dtype=jnp.float32) * s,
        'Ws3': jax.random.normal(ks[7], (H, H), dtype=jnp.float32) * s,
        'b3': jnp.zeros((H,), dtype=jnp.float32),
    }
    return inp


def _sage_conv(x, src, dst, Wn, Ws, b, n_nodes):
    # SAGEConv with mean aggregation: out = lin_l(mean_{j in N(i)} x_j) + lin_r(x_i) + b
    msgs = jnp.take(x, src, axis=0)
    agg = jax.ops.segment_sum(msgs, dst, num_segments=n_nodes)
    deg = jax.ops.segment_sum(jnp.ones((src.shape[0],), dtype=x.dtype), dst, num_segments=n_nodes)
    agg = agg / jnp.maximum(deg, 1.0)[:, None]
    return agg @ Wn + x @ Ws + b


def reference(x, edge_index, Wn1, Ws1, b1, Wn2, Ws2, b2, Wn3, Ws3, b3):
    src = edge_index[0]
    dst = edge_index[1]
    n = x.shape[0]
    h = _sage_conv(x, src, dst, Wn1, Ws1, b1, n)
    h = jax.nn.relu(h)
    h = _sage_conv(h, src, dst, Wn2, Ws2, b2, n)
    h = jax.nn.relu(h)
    h = _sage_conv(h, src, dst, Wn3, Ws3, b3, n)
    return h

if __name__ == "__main__":
    import jax
    _d = setup_inputs()
    print(jax.jit(kernel)(*tuple(_d.values())))

</pallas_src>

<mosaic_0001>
#map = affine_map<(d0, d1) -> (0, 0)>
module attributes {stable_mosaic.version = 14 : i64} {
  func.func @sc_sage_degree(%arg0: i32, %arg1: i32, %arg2: memref<2628x128xi32, #tpu.memory_space<hbm>>, %arg3: memref<640x16xf32, #tpu.memory_space<hbm>>, %arg4: memref<128x16xf32, #tpu.memory_space<hbm>>, %arg5: memref<20480x16xf32, #tpu.memory_space<hbm>>, %arg6: memref<80x128xi32, #tpu.memory_space<vmem>>, %arg7: memref<128x16xf32, #tpu.memory_space<vmem>>, %arg8: memref<640x16xf32, #tpu.memory_space<vmem>>, %arg9: memref<10240x16xf32, #tpu.memory_space<vmem_shared>>) attributes {dimension_semantics = [#tpu.dimension_semantics<core_parallel>, #tpu.dimension_semantics<subcore_parallel>], iteration_bounds = array<i64: 2, 16>, scalar_prefetch = 0 : i64, scratch_operands = 4 : i64, tpu.core_type = #tpu.core_type<sc_vector_subcore>, window_params = [{transform_indices = #map}, {transform_indices = #map}, {transform_indices = #map}, {transform_indices = #map}]} {
    %mul3A = arith.constant 16 : i32
    %mul3A_0 = arith.muli %arg0, %mul3A : i32
    %add3A = arith.addi %mul3A_0, %arg1 : i32
    %mul3A_1 = arith.constant 80 : i32
    %mul3A_2 = arith.muli %add3A, %mul3A_1 : i32
    "tpu.region"() ({
      %run_scoped3A = tpu.sem_alloc : memref<!tpu.dma_semaphore, #tpu.memory_space<semaphore_mem>>
      %dma_start3A = arith.constant 0 : i32
      %dma_start3A_18 = tpu.memref_slice %arg2[%mul3A_2, %dma_start3A] : memref<2628x128xi32, #tpu.memory_space<hbm>> -> memref<80x128xi32, #tpu.memory_space<hbm>>
      %dma_start3A_19 = arith.constant 0 : i32
      %dma_start3A_20 = tpu.memref_slice %arg2[%mul3A_2, %dma_start3A_19] : memref<2628x128xi32, #tpu.memory_space<hbm>> -> memref<80x128xi32, #tpu.memory_space<hbm>>
      tpu.enqueue_dma source(%dma_start3A_20 : memref<80x128xi32, #tpu.memory_space<hbm>>) target(%arg6 : memref<80x128xi32, #tpu.memory_space<vmem>>) target_semaphore(%run_scoped3A : memref<!tpu.dma_semaphore, #tpu.memory_space<semaphore_mem>>)
      %dma_wait3A = arith.constant 0 : i32
      %dma_wait3A_21 = tpu.memref_slice %arg2[%mul3A_2, %dma_wait3A] : memref<2628x128xi32, #tpu.memory_space<hbm>> -> memref<80x128xi32, #tpu.memory_space<hbm>>
      %dma_wait3A_22 = arith.constant 0 : i32
      %dma_wait3A_23 = tpu.memref_slice %arg2[%mul3A_2, %dma_wait3A_22] : memref<2628x128xi32, #tpu.memory_space<hbm>> -> memref<80x128xi32, #tpu.memory_space<hbm>>
      tpu.wait_dma2 semaphore(%run_scoped3A : memref<!tpu.dma_semaphore, #tpu.memory_space<semaphore_mem>>) src(%dma_wait3A_23 : memref<80x128xi32, #tpu.memory_space<hbm>>) dst(%arg6 : memref<80x128xi32, #tpu.memory_space<vmem>>)
      tpu.yield
    }) : () -> ()
    "tpu.region"() ({
      %run_scoped3A = tpu.sem_alloc : memref<!tpu.dma_semaphore, #tpu.memory_space<semaphore_mem>>
      tpu.enqueue_dma source(%arg4 : memref<128x16xf32, #tpu.memory_space<hbm>>) target(%arg7 : memref<128x16xf32, #tpu.memory_space<vmem>>) target_semaphore(%run_scoped3A : memref<!tpu.dma_semaphore, #tpu.memory_space<semaphore_mem>>)
      tpu.wait_dma2 semaphore(%run_scoped3A : memref<!tpu.dma_semaphore, #tpu.memory_space<semaphore_mem>>) src(%arg4 : memref<128x16xf32, #tpu.memory_space<hbm>>) dst(%arg7 : memref<128x16xf32, #tpu.memory_space<vmem>>)
      tpu.yield
    }) : () -> ()
    "tpu.region"() ({
      %run_scoped3A = tpu.sem_alloc : memref<!tpu.dma_semaphore, #tpu.memory_space<semaphore_mem>>
      tpu.enqueue_dma source(%arg3 : memref<640x16xf32, #tpu.memory_space<hbm>>) target(%arg8 : memref<640x16xf32, #tpu.memory_space<vmem>>) target_semaphore(%run_scoped3A : memref<!tpu.dma_semaphore, #tpu.memory_space<semaphore_mem>>)
      tpu.wait_dma2 semaphore(%run_scoped3A : memref<!tpu.dma_semaphore, #tpu.memory_space<semaphore_mem>>) src(%arg3 : memref<640x16xf32, #tpu.memory_space<hbm>>) dst(%arg8 : memref<640x16xf32, #tpu.memory_space<vmem>>)
      tpu.yield
    }) : () -> ()
    %mul3A_3 = arith.constant 640 : i32
    %mul3A_4 = arith.muli %arg1, %mul3A_3 : i32
    "tpu.region"() ({
      %run_scoped3A = tpu.sem_alloc : memref<!tpu.dma_semaphore, #tpu.memory_space<semaphore_mem>>
      %dma_start3A = arith.constant 0 : i32
      %dma_start3A_18 = tpu.memref_slice %arg9[%mul3A_4, %dma_start3A] : memref<10240x16xf32, #tpu.memory_space<vmem_shared>> -> memref<640x16xf32, #tpu.memory_space<vmem_shared>>
      %dma_start3A_19 = arith.constant 0 : i32
      %dma_start3A_20 = tpu.memref_slice %arg9[%mul3A_4, %dma_start3A_19] : memref<10240x16xf32, #tpu.memory_space<vmem_shared>> -> memref<640x16xf32, #tpu.memory_space<vmem_shared>>
      tpu.enqueue_dma source(%arg8 : memref<640x16xf32, #tpu.memory_space<vmem>>) target(%dma_start3A_20 : memref<640x16xf32, #tpu.memory_space<vmem_shared>>) target_semaphore(%run_scoped3A : memref<!tpu.dma_semaphore, #tpu.memory_space<semaphore_mem>>)
      %dma_wait3A = arith.constant 0 : i32
      %dma_wait3A_21 = tpu.memref_slice %arg9[%mul3A_4, %dma_wait3A] : memref<10240x16xf32, #tpu.memory_space<vmem_shared>> -> memref<640x16xf32, #tpu.memory_space<vmem_shared>>
      %dma_wait3A_22 = arith.constant 0 : i32
      %dma_wait3A_23 = tpu.memref_slice %arg9[%mul3A_4, %dma_wait3A_22] : memref<10240x16xf32, #tpu.memory_space<vmem_shared>> -> memref<640x16xf32, #tpu.memory_space<vmem_shared>>
      tpu.wait_dma2 semaphore(%run_scoped3A : memref<!tpu.dma_semaphore, #tpu.memory_space<semaphore_mem>>) src(%arg8 : memref<640x16xf32, #tpu.memory_space<vmem>>) dst(%dma_wait3A_23 : memref<640x16xf32, #tpu.memory_space<vmem_shared>>)
      tpu.yield
    }) : () -> ()
    %barrier3A = arith.constant 0 : index
    tpu.barrier barrier_id(%barrier3A)
    %scan3A = arith.constant 0 : i32
    %scan3A_5 = arith.constant 0 : i32
    %scan3A_6 = arith.constant 80 : i32
    %scan3A_7 = arith.addi %scan3A_5, %scan3A_6 : i32
    %scan3A_8 = arith.constant 1 : i32
    scf.for %scan3A_18 = %scan3A_5 to %scan3A_7 step %scan3A_8  : i32 {
      "tpu.region"() ({
        %run_scoped3A = tpu.sem_alloc : memref<!tpu.dma_semaphore, #tpu.memory_space<semaphore_mem>>
        %dma_start3A = arith.constant 0 : i32
        %dma_start3A_19 = tpu.memref_slice %arg6[%scan3A_18, %dma_start3A] : memref<80x128xi32, #tpu.memory_space<vmem>> -> memref<1x128xi32, #tpu.memory_space<vmem>>
        %dma_start3A_20 = tpu.memref_squeeze %dma_start3A_19 : memref<1x128xi32, #tpu.memory_space<vmem>> -> memref<128xi32, #tpu.memory_space<vmem>>
        %dma_start3A_21 = arith.constant 0 : i32
        %dma_start3A_22 = arith.constant 0 : i32
        %dma_start3A_23 = tpu.memref_slice %arg9[%dma_start3A_21, %dma_start3A_22] : memref<10240x16xf32, #tpu.memory_space<vmem_shared>> -> memref<10240x16xf32, #tpu.memory_space<vmem_shared>>
        tpu.enqueue_indirect_dma source(%arg7 : memref<128x16xf32, #tpu.memory_space<vmem>>) target(%dma_start3A_23 : memref<10240x16xf32, #tpu.memory_space<vmem_shared>>) offsets(%dma_start3A_20 : memref<128xi32, #tpu.memory_space<vmem>>) semaphore(%run_scoped3A : memref<!tpu.dma_semaphore, #tpu.memory_space<semaphore_mem>>) {add = true}
        %dma_wait3A = arith.constant 0 : i32
        %dma_wait3A_24 = tpu.memref_slice %arg6[%scan3A_18, %dma_wait3A] : memref<80x128xi32, #tpu.memory_space<vmem>> -> memref<1x128xi32, #tpu.memory_space<vmem>>
        %dma_wait3A_25 = tpu.memref_squeeze %dma_wait3A_24 : memref<1x128xi32, #tpu.memory_space<vmem>> -> memref<128xi32, #tpu.memory_space<vmem>>
        %dma_wait3A_26 = arith.constant 0 : i32
        %dma_wait3A_27 = arith.constant 0 : i32
        %dma_wait3A_28 = tpu.memref_slice %arg9[%dma_wait3A_26, %dma_wait3A_27] : memref<10240x16xf32, #tpu.memory_space<vmem_shared>> -> memref<10240x16xf32, #tpu.memory_space<vmem_shared>>
        tpu.wait_indirect_dma semaphore(%run_scoped3A : memref<!tpu.dma_semaphore, #tpu.memory_space<semaphore_mem>>) src(%arg7 : memref<128x16xf32, #tpu.memory_space<vmem>>) dst(%dma_wait3A_28 : memref<10240x16xf32, #tpu.memory_space<vmem_shared>>)
        tpu.yield
      }) : () -> ()
    }
    %scan3A_9 = arith.constant 80 : i32
    %barrier3A_10 = arith.constant 0 : index
    tpu.barrier barrier_id(%barrier3A_10)
    %mul3A_11 = arith.constant 640 : i32
    %mul3A_12 = arith.muli %arg1, %mul3A_11 : i32
    "tpu.region"() ({
      %run_scoped3A = tpu.sem_alloc : memref<!tpu.dma_semaphore, #tpu.memory_space<semaphore_mem>>
      %dma_start3A = arith.constant 0 : i32
      %dma_start3A_18 = tpu.memref_slice %arg9[%mul3A_12, %dma_start3A] : memref<10240x16xf32, #tpu.memory_space<vmem_shared>> -> memref<640x16xf32, #tpu.memory_space<vmem_shared>>
      %dma_start3A_19 = arith.constant 0 : i32
      %dma_start3A_20 = tpu.memref_slice %arg9[%mul3A_12, %dma_start3A_19] : memref<10240x16xf32, #tpu.memory_space<vmem_shared>> -> memref<640x16xf32, #tpu.memory_space<vmem_shared>>
      tpu.enqueue_dma source(%dma_start3A_20 : memref<640x16xf32, #tpu.memory_space<vmem_shared>>) target(%arg8 : memref<640x16xf32, #tpu.memory_space<vmem>>) target_semaphore(%run_scoped3A : memref<!tpu.dma_semaphore, #tpu.memory_space<semaphore_mem>>)
      %dma_wait3A = arith.constant 0 : i32
      %dma_wait3A_21 = tpu.memref_slice %arg9[%mul3A_12, %dma_wait3A] : memref<10240x16xf32, #tpu.memory_space<vmem_shared>> -> memref<640x16xf32, #tpu.memory_space<vmem_shared>>
      %dma_wait3A_22 = arith.constant 0 : i32
      %dma_wait3A_23 = tpu.memref_slice %arg9[%mul3A_12, %dma_wait3A_22] : memref<10240x16xf32, #tpu.memory_space<vmem_shared>> -> memref<640x16xf32, #tpu.memory_space<vmem_shared>>
      tpu.wait_dma2 semaphore(%run_scoped3A : memref<!tpu.dma_semaphore, #tpu.memory_space<semaphore_mem>>) src(%dma_wait3A_23 : memref<640x16xf32, #tpu.memory_space<vmem_shared>>) dst(%arg8 : memref<640x16xf32, #tpu.memory_space<vmem>>)
      tpu.yield
    }) : () -> ()
    %mul3A_13 = arith.constant 10240 : i32
    %mul3A_14 = arith.muli %arg0, %mul3A_13 : i32
    %mul3A_15 = arith.constant 640 : i32
    %mul3A_16 = arith.muli %arg1, %mul3A_15 : i32
    %add3A_17 = arith.addi %mul3A_14, %mul3A_16 : i32
    "tpu.region"() ({
      %run_scoped3A = tpu.sem_alloc : memref<!tpu.dma_semaphore, #tpu.memory_space<semaphore_mem>>
      %dma_start3A = arith.constant 0 : i32
      %dma_start3A_18 = tpu.memref_slice %arg5[%add3A_17, %dma_start3A] : memref<20480x16xf32, #tpu.memory_space<hbm>> -> memref<640x16xf32, #tpu.memory_space<hbm>>
      %dma_start3A_19 = arith.constant 0 : i32
      %dma_start3A_20 = tpu.memref_slice %arg5[%add3A_17, %dma_start3A_19] : memref<20480x16xf32, #tpu.memory_space<hbm>> -> memref<640x16xf32, #tpu.memory_space<hbm>>
      tpu.enqueue_dma source(%arg8 : memref<640x16xf32, #tpu.memory_space<vmem>>) target(%dma_start3A_20 : memref<640x16xf32, #tpu.memory_space<hbm>>) target_semaphore(%run_scoped3A : memref<!tpu.dma_semaphore, #tpu.memory_space<semaphore_mem>>)
      %dma_wait3A = arith.constant 0 : i32
      %dma_wait3A_21 = tpu.memref_slice %arg5[%add3A_17, %dma_wait3A] : memref<20480x16xf32, #tpu.memory_space<hbm>> -> memref<640x16xf32, #tpu.memory_space<hbm>>
      %dma_wait3A_22 = arith.constant 0 : i32
      %dma_wait3A_23 = tpu.memref_slice %arg5[%add3A_17, %dma_wait3A_22] : memref<20480x16xf32, #tpu.memory_space<hbm>> -> memref<640x16xf32, #tpu.memory_space<hbm>>
      tpu.wait_dma2 semaphore(%run_scoped3A : memref<!tpu.dma_semaphore, #tpu.memory_space<semaphore_mem>>) src(%arg8 : memref<640x16xf32, #tpu.memory_space<vmem>>) dst(%dma_wait3A_23 : memref<640x16xf32, #tpu.memory_space<hbm>>)
      tpu.yield
    }) : () -> ()
    return
  }
}

#map = affine_map<(d0, d1) -> (0, 0)>
module attributes {stable_mosaic.version = 14 : i64} {
  func.func @sc_sage_aggregate(%arg0: i32, %arg1: i32, %arg2: memref<10000x64xf32, #tpu.memory_space<hbm>>, %arg3: memref<10000x64xf32, #tpu.memory_space<hbm>>, %arg4: memref<2628x128xi32, #tpu.memory_space<hbm>>, %arg5: memref<2628x128xi32, #tpu.memory_space<hbm>>, %arg6: memref<640x64xf32, #tpu.memory_space<hbm>>, %arg7: memref<40960x64xf32, #tpu.memory_space<hbm>>, %arg8: memref<114x128xi32, #tpu.memory_space<vmem>>, %arg9: memref<114x128xi32, #tpu.memory_space<vmem>>, %arg10: memref<128x64xf32, #tpu.memory_space<vmem>>, %arg11: memref<128x64xf32, #tpu.memory_space<vmem>>, %arg12: memref<640x64xf32, #tpu.memory_space<vmem>>, %arg13: memref<!tpu.dma_semaphore, #tpu.memory_space<semaphore_mem>>, %arg14: memref<!tpu.dma_semaphore, #tpu.memory_space<semaphore_mem>>, %arg15: memref<10240x64xf32, #tpu.memory_space<vmem_shared>>) attributes {dimension_semantics = [#tpu.dimension_semantics<core_parallel>, #tpu.dimension_semantics<subcore_parallel>], iteration_bounds = array<i64: 2, 16>, scalar_prefetch = 0 : i64, scratch_operands = 8 : i64, tpu.core_type = #tpu.core_type<sc_vector_subcore>, window_params = [{transform_indices = #map}, {transform_indices = #map}, {transform_indices = #map}, {transform_indices = #map}, {transform_indices = #map}, {transform_indices = #map}]} {
    %eq3A = arith.constant 0 : i32
    %eq3A_0 = arith.cmpi eq, %arg0, %eq3A : i32
    %mul3A = arith.constant 114 : i32
    %mul3A_1 = arith.muli %arg1, %mul3A : i32
    %mul3A_2 = arith.constant 46 : i32
    %mul3A_3 = arith.muli %arg1, %mul3A_2 : i32
    %add3A = arith.constant 1824 : i32
    %add3A_4 = arith.addi %add3A, %mul3A_3 : i32
    %select_n3A = arith.select %eq3A_0, %mul3A_1, %add3A_4 : i32
    %eq3A_5 = arith.constant 0 : i32
    %eq3A_6 = arith.cmpi eq, %arg0, %eq3A_5 : i32
    %jit3A = arith.constant 114 : i32
    %jit3A_7 = arith.constant 46 : i32
    %select_n3A_8 = arith.select %eq3A_6, %jit3A, %jit3A_7 : i32
    "tpu.region"() ({
      %run_scoped3A = tpu.sem_alloc : memref<!tpu.dma_semaphore, #tpu.memory_space<semaphore_mem>>
      %dma_start3A_169 = arith.constant 0 : i32
      %dma_start3A_170 = tpu.memref_slice %arg4[%select_n3A, %dma_start3A_169] : memref<2628x128xi32, #tpu.memory_space<hbm>> -> memref<114x128xi32, #tpu.memory_space<hbm>>
      %dma_start3A_171 = arith.constant 0 : i32
      %dma_start3A_172 = tpu.memref_slice %arg4[%select_n3A, %dma_start3A_171] : memref<2628x128xi32, #tpu.memory_space<hbm>> -> memref<114x128xi32, #tpu.memory_space<hbm>>
      tpu.enqueue_dma source(%dma_start3A_172 : memref<114x128xi32, #tpu.memory_space<hbm>>) target(%arg8 : memref<114x128xi32, #tpu.memory_space<vmem>>) target_semaphore(%run_scoped3A : memref<!tpu.dma_semaphore, #tpu.memory_space<semaphore_mem>>)
      %dma_wait3A_173 = arith.constant 0 : i32
      %dma_wait3A_174 = tpu.memref_slice %arg4[%select_n3A, %dma_wait3A_173] : memref<2628x128xi32, #tpu.memory_space<hbm>> -> memref<114x128xi32, #tpu.memory_space<hbm>>
      %dma_wait3A_175 = arith.constant 0 : i32
      %dma_wait3A_176 = tpu.memref_slice %arg4[%select_n3A, %dma_wait3A_175] : memref<2628x128xi32, #tpu.memory_space<hbm>> -> memref<114x128xi32, #tpu.memory_space<hbm>>
      tpu.wait_dma2 semaphore(%run_scoped3A : memref<!tpu.dma_semaphore, #tpu.memory_space<semaphore_mem>>) src(%dma_wait3A_176 : memref<114x128xi32, #tpu.memory_space<hbm>>) dst(%arg8 : memref<114x128xi32, #tpu.memory_space<vmem>>)
      tpu.yield
    }) : () -> ()
    "tpu.region"() ({
      %run_scoped3A = tpu.sem_alloc : memref<!tpu.dma_semaphore, #tpu.memory_space<semaphore_mem>>
      %dma_start3A_169 = arith.constant 0 : i32
      %dma_start3A_170 = tpu.memref_slice %arg5[%select_n3A, %dma_start3A_169] : memref<2628x128xi32, #tpu.memory_space<hbm>> -> memref<114x128xi32, #tpu.memory_space<hbm>>
      %dma_start3A_171 = arith.constant 0 : i32
      %dma_start3A_172 = tpu.memref_slice %arg5[%select_n3A, %dma_start3A_171] : memref<2628x128xi32, #tpu.memory_space<hbm>> -> memref<114x128xi32, #tpu.memory_space<hbm>>
      tpu.enqueue_dma source(%dma_start3A_172 : memref<114x128xi32, #tpu.memory_space<hbm>>) target(%arg9 : memref<114x128xi32, #tpu.memory_space<vmem>>) target_semaphore(%run_scoped3A : memref<!tpu.dma_semaphore, #tpu.memory_space<semaphore_mem>>)
      %dma_wait3A_173 = arith.constant 0 : i32
      %dma_wait3A_174 = tpu.memref_slice %arg5[%select_n3A, %dma_wait3A_173] : memref<2628x128xi32, #tpu.memory_space<hbm>> -> memref<114x128xi32, #tpu.memory_space<hbm>>
      %dma_wait3A_175 = arith.constant 0 : i32
      %dma_wait3A_176 = tpu.memref_slice %arg5[%select_n3A, %dma_wait3A_175] : memref<2628x128xi32, #tpu.memory_space<hbm>> -> memref<114x128xi32, #tpu.memory_space<hbm>>
      tpu.wait_dma2 semaphore(%run_scoped3A : memref<!tpu.dma_semaphore, #tpu.memory_space<semaphore_mem>>) src(%dma_wait3A_176 : memref<114x128xi32, #tpu.memory_space<hbm>>) dst(%arg9 : memref<114x128xi32, #tpu.memory_space<vmem>>)
      tpu.yield
    }) : () -> ()
    "tpu.region"() ({
      %run_scoped3A = tpu.sem_alloc : memref<!tpu.dma_semaphore, #tpu.memory_space<semaphore_mem>>
      tpu.enqueue_dma source(%arg6 : memref<640x64xf32, #tpu.memory_space<hbm>>) target(%arg12 : memref<640x64xf32, #tpu.memory_space<vmem>>) target_semaphore(%run_scoped3A : memref<!tpu.dma_semaphore, #tpu.memory_space<semaphore_mem>>)
      tpu.wait_dma2 semaphore(%run_scoped3A : memref<!tpu.dma_semaphore, #tpu.memory_space<semaphore_mem>>) src(%arg6 : memref<640x64xf32, #tpu.memory_space<hbm>>) dst(%arg12 : memref<640x64xf32, #tpu.memory_space<vmem>>)
      tpu.yield
    }) : () -> ()
    %mul3A_9 = arith.constant 640 : i32
    %mul3A_10 = arith.muli %arg1, %mul3A_9 : i32
    "tpu.region"() ({
      %run_scoped3A = tpu.sem_alloc : memref<!tpu.dma_semaphore, #tpu.memory_space<semaphore_mem>>
      %dma_start3A_169 = arith.constant 0 : i32
      %dma_start3A_170 = tpu.memref_slice %arg15[%mul3A_10, %dma_start3A_169] : memref<10240x64xf32, #tpu.memory_space<vmem_shared>> -> memref<640x64xf32, #tpu.memory_space<vmem_shared>>
      %dma_start3A_171 = arith.constant 0 : i32
      %dma_start3A_172 = tpu.memref_slice %arg15[%mul3A_10, %dma_start3A_171] : memref<10240x64xf32, #tpu.memory_space<vmem_shared>> -> memref<640x64xf32, #tpu.memory_space<vmem_shared>>
      tpu.enqueue_dma source(%arg12 : memref<640x64xf32, #tpu.memory_space<vmem>>) target(%dma_start3A_172 : memref<640x64xf32, #tpu.memory_space<vmem_shared>>) target_semaphore(%run_scoped3A : memref<!tpu.dma_semaphore, #tpu.memory_space<semaphore_mem>>)
      %dma_wait3A_173 = arith.constant 0 : i32
      %dma_wait3A_174 = tpu.memref_slice %arg15[%mul3A_10, %dma_wait3A_173] : memref<10240x64xf32, #tpu.memory_space<vmem_shared>> -> memref<640x64xf32, #tpu.memory_space<vmem_shared>>
      %dma_wait3A_175 = arith.constant 0 : i32
      %dma_wait3A_176 = tpu.memref_slice %arg15[%mul3A_10, %dma_wait3A_175] : memref<10240x64xf32, #tpu.memory_space<vmem_shared>> -> memref<640x64xf32, #tpu.memory_space<vmem_shared>>
      tpu.wait_dma2 semaphore(%run_scoped3A : memref<!tpu.dma_semaphore, #tpu.memory_space<semaphore_mem>>) src(%arg12 : memref<640x64xf32, #tpu.memory_space<vmem>>) dst(%dma_wait3A_176 : memref<640x64xf32, #tpu.memory_space<vmem_shared>>)
      tpu.yield
    }) : () -> ()
    %dma_start3A = arith.constant 0 : i32
    %dma_start3A_11 = arith.constant 0 : i32
    %dma_start3A_12 = tpu.memref_slice %arg8[%dma_start3A, %dma_start3A_11] : memref<114x128xi32, #tpu.memory_space<vmem>> -> memref<1x128xi32, #tpu.memory_space<vmem>>
    %dma_start3A_13 = tpu.memref_squeeze %dma_start3A_12 : memref<1x128xi32, #tpu.memory_space<vmem>> -> memref<128xi32, #tpu.memory_space<vmem>>
    %dma_start3A_14 = arith.constant 0 : i32
    %dma_start3A_15 = arith.constant 0 : i32
    %dma_start3A_16 = tpu.memref_slice %arg2[%dma_start3A_14, %dma_start3A_15] : memref<10000x64xf32, #tpu.memory_space<hbm>> -> memref<10000x64xf32, #tpu.memory_space<hbm>>
    tpu.enqueue_indirect_dma source(%dma_start3A_16 : memref<10000x64xf32, #tpu.memory_space<hbm>>) target(%arg10 : memref<128x64xf32, #tpu.memory_space<vmem>>) offsets(%dma_start3A_13 : memref<128xi32, #tpu.memory_space<vmem>>) semaphore(%arg13 : memref<!tpu.dma_semaphore, #tpu.memory_space<semaphore_mem>>)
    %dma_start3A_17 = arith.constant 1 : i32
    %dma_start3A_18 = arith.constant 0 : i32
    %dma_start3A_19 = tpu.memref_slice %arg8[%dma_start3A_17, %dma_start3A_18] : memref<114x128xi32, #tpu.memory_space<vmem>> -> memref<1x128xi32, #tpu.memory_space<vmem>>
    %dma_start3A_20 = tpu.memref_squeeze %dma_start3A_19 : memref<1x128xi32, #tpu.memory_space<vmem>> -> memref<128xi32, #tpu.memory_space<vmem>>
    %dma_start3A_21 = arith.constant 0 : i32
    %dma_start3A_22 = arith.constant 0 : i32
    %dma_start3A_23 = tpu.memref_slice %arg2[%dma_start3A_21, %dma_start3A_22] : memref<10000x64xf32, #tpu.memory_space<hbm>> -> memref<10000x64xf32, #tpu.memory_space<hbm>>
    tpu.enqueue_indirect_dma source(%dma_start3A_23 : memref<10000x64xf32, #tpu.memory_space<hbm>>) target(%arg11 : memref<128x64xf32, #tpu.memory_space<vmem>>) offsets(%dma_start3A_20 : memref<128xi32, #tpu.memory_space<vmem>>) semaphore(%arg14 : memref<!tpu.dma_semaphore, #tpu.memory_space<semaphore_mem>>)
    %barrier3A = arith.constant 0 : index
    tpu.barrier barrier_id(%barrier3A)
    %sub3A = arith.constant 2 : i32
    %sub3A_24 = arith.subi %select_n3A_8, %sub3A : i32
    %jit3A_25 = arith.constant 2 : i32
    %div3A = arith.divsi %sub3A_24, %jit3A_25 : i32
    %sign3A = arith.constant 0 : i32
    %sign3A_26 = arith.cmpi sgt, %sub3A_24, %sign3A : i32
    %sign3A_27 = arith.extui %sign3A_26 : i1 to i32
    %sign3A_28 = arith.constant 0 : i32
    %sign3A_29 = arith.cmpi slt, %sub3A_24, %sign3A_28 : i32
    %sign3A_30 = arith.extui %sign3A_29 : i1 to i32
    %sign3A_31 = arith.subi %sign3A_27, %sign3A_30 : i32
    %sign3A_32 = arith.constant 0 : i32
    %sign3A_33 = arith.cmpi sgt, %jit3A_25, %sign3A_32 : i32
    %sign3A_34 = arith.extui %sign3A_33 : i1 to i32
    %sign3A_35 = arith.constant 0 : i32
    %sign3A_36 = arith.cmpi slt, %jit3A_25, %sign3A_35 : i32
    %sign3A_37 = arith.extui %sign3A_36 : i1 to i32
    %sign3A_38 = arith.subi %sign3A_34, %sign3A_37 : i32
    %ne3A = arith.cmpi ne, %sign3A_31, %sign3A_38 : i32
    %rem3A = arith.remsi %sub3A_24, %jit3A_25 : i32
    %ne3A_39 = arith.constant 0 : i32
    %ne3A_40 = arith.cmpi ne, %rem3A, %ne3A_39 : i32
    %and3A = arith.andi %ne3A, %ne3A_40 : i1
    %sub3A_41 = arith.constant 1 : i32
    %sub3A_42 = arith.subi %div3A, %sub3A_41 : i32
    %select_n3A_43 = arith.select %and3A, %sub3A_42, %div3A : i32
    %while3A = arith.constant 0 : i32
    %while3A_44 = arith.constant 0 : i32
    %while3A_45 = arith.subi %select_n3A_43, %while3A_44 : i32
    %while3A_46 = arith.addi %while3A_44, %while3A_45 : i32
    %while3A_47 = arith.constant 1 : i32
    %while3A_48 = arith.divsi %while3A_45, %while3A_47 : i32
    %while3A_49 = arith.muli %while3A_48, %while3A_47 : i32
    %while3A_50 = arith.addi %while3A_44, %while3A_49 : i32
    %while3A_51 = arith.constant 1 : i32
    scf.for %while3A_169 = %while3A_44 to %while3A_50 step %while3A_51  : i32 {
      %mul3A_170 = arith.constant 2 : i32
      %mul3A_171 = arith.muli %mul3A_170, %while3A_169 : i32
      %dma_wait3A_172 = arith.constant 0 : i32
      %dma_wait3A_173 = tpu.memref_slice %arg8[%mul3A_171, %dma_wait3A_172] : memref<114x128xi32, #tpu.memory_space<vmem>> -> memref<1x128xi32, #tpu.memory_space<vmem>>
      %dma_wait3A_174 = tpu.memref_squeeze %dma_wait3A_173 : memref<1x128xi32, #tpu.memory_space<vmem>> -> memref<128xi32, #tpu.memory_space<vmem>>
      %dma_wait3A_175 = arith.constant 0 : i32
      %dma_wait3A_176 = arith.constant 0 : i32
      %dma_wait3A_177 = tpu.memref_slice %arg2[%dma_wait3A_175, %dma_wait3A_176] : memref<10000x64xf32, #tpu.memory_space<hbm>> -> memref<10000x64xf32, #tpu.memory_space<hbm>>
      tpu.wait_indirect_dma semaphore(%arg13 : memref<!tpu.dma_semaphore, #tpu.memory_space<semaphore_mem>>) src(%dma_wait3A_177 : memref<10000x64xf32, #tpu.memory_space<hbm>>) dst(%arg10 : memref<128x64xf32, #tpu.memory_space<vmem>>)
      "tpu.region"() ({
        %run_scoped3A = tpu.sem_alloc : memref<!tpu.dma_semaphore, #tpu.memory_space<semaphore_mem>>
        %dma_start3A_204 = arith.constant 0 : i32
        %dma_start3A_205 = tpu.memref_slice %arg9[%mul3A_171, %dma_start3A_204] : memref<114x128xi32, #tpu.memory_space<vmem>> -> memref<1x128xi32, #tpu.memory_space<vmem>>
        %dma_start3A_206 = tpu.memref_squeeze %dma_start3A_205 : memref<1x128xi32, #tpu.memory_space<vmem>> -> memref<128xi32, #tpu.memory_space<vmem>>
        %dma_start3A_207 = arith.constant 0 : i32
        %dma_start3A_208 = arith.constant 0 : i32
        %dma_start3A_209 = tpu.memref_slice %arg15[%dma_start3A_207, %dma_start3A_208] : memref<10240x64xf32, #tpu.memory_space<vmem_shared>> -> memref<10240x64xf32, #tpu.memory_space<vmem_shared>>
        tpu.enqueue_indirect_dma source(%arg10 : memref<128x64xf32, #tpu.memory_space<vmem>>) target(%dma_start3A_209 : memref<10240x64xf32, #tpu.memory_space<vmem_shared>>) offsets(%dma_start3A_206 : memref<128xi32, #tpu.memory_space<vmem>>) semaphore(%run_scoped3A : memref<!tpu.dma_semaphore, #tpu.memory_space<semaphore_mem>>) {add = true}
        %dma_wait3A_210 = arith.constant 0 : i32
        %dma_wait3A_211 = tpu.memref_slice %arg9[%mul3A_171, %dma_wait3A_210] : memref<114x128xi32, #tpu.memory_space<vmem>> -> memref<1x128xi32, #tpu.memory_space<vmem>>
        %dma_wait3A_212 = tpu.memref_squeeze %dma_wait3A_211 : memref<1x128xi32, #tpu.memory_space<vmem>> -> memref<128xi32, #tpu.memory_space<vmem>>
        %dma_wait3A_213 = arith.constant 0 : i32
        %dma_wait3A_214 = arith.constant 0 : i32
        %dma_wait3A_215 = tpu.memref_slice %arg15[%dma_wait3A_213, %dma_wait3A_214] : memref<10240x64xf32, #tpu.memory_space<vmem_shared>> -> memref<10240x64xf32, #tpu.memory_space<vmem_shared>>
        tpu.wait_indirect_dma semaphore(%run_scoped3A : memref<!tpu.dma_semaphore, #tpu.memory_space<semaphore_mem>>) src(%arg10 : memref<128x64xf32, #tpu.memory_space<vmem>>) dst(%dma_wait3A_215 : memref<10240x64xf32, #tpu.memory_space<vmem_shared>>)
        tpu.yield
      }) : () -> ()
      %add3A_178 = arith.constant 2 : i32
      %add3A_179 = arith.addi %mul3A_171, %add3A_178 : i32
      %dma_start3A_180 = arith.constant 0 : i32
      %dma_start3A_181 = tpu.memref_slice %arg8[%add3A_179, %dma_start3A_180] : memref<114x128xi32, #tpu.memory_space<vmem>> -> memref<1x128xi32, #tpu.memory_space<vmem>>
      %dma_start3A_182 = tpu.memref_squeeze %dma_start3A_181 : memref<1x128xi32, #tpu.memory_space<vmem>> -> memref<128xi32, #tpu.memory_space<vmem>>
      %dma_start3A_183 = arith.constant 0 : i32
      %dma_start3A_184 = arith.constant 0 : i32
      %dma_start3A_185 = tpu.memref_slice %arg2[%dma_start3A_183, %dma_start3A_184] : memref<10000x64xf32, #tpu.memory_space<hbm>> -> memref<10000x64xf32, #tpu.memory_space<hbm>>
      tpu.enqueue_indirect_dma source(%dma_start3A_185 : memref<10000x64xf32, #tpu.memory_space<hbm>>) target(%arg10 : memref<128x64xf32, #tpu.memory_space<vmem>>) offsets(%dma_start3A_182 : memref<128xi32, #tpu.memory_space<vmem>>) semaphore(%arg13 : memref<!tpu.dma_semaphore, #tpu.memory_space<semaphore_mem>>)
      %add3A_186 = arith.constant 1 : i32
      %add3A_187 = arith.addi %mul3A_171, %add3A_186 : i32
      %dma_wait3A_188 = arith.constant 0 : i32
      %dma_wait3A_189 = tpu.memref_slice %arg8[%add3A_187, %dma_wait3A_188] : memref<114x128xi32, #tpu.memory_space<vmem>> -> memref<1x128xi32, #tpu.memory_space<vmem>>
      %dma_wait3A_190 = tpu.memref_squeeze %dma_wait3A_189 : memref<1x128xi32, #tpu.memory_space<vmem>> -> memref<128xi32, #tpu.memory_space<vmem>>
      %dma_wait3A_191 = arith.constant 0 : i32
      %dma_wait3A_192 = arith.constant 0 : i32
      %dma_wait3A_193 = tpu.memref_slice %arg2[%dma_wait3A_191, %dma_wait3A_192] : memref<10000x64xf32, #tpu.memory_space<hbm>> -> memref<10000x64xf32, #tpu.memory_space<hbm>>
      tpu.wait_indirect_dma semaphore(%arg14 : memref<!tpu.dma_semaphore, #tpu.memory_space<semaphore_mem>>) src(%dma_wait3A_193 : memref<10000x64xf32, #tpu.memory_space<hbm>>) dst(%arg11 : memref<128x64xf32, #tpu.memory_space<vmem>>)
      %add3A_194 = arith.constant 1 : i32
      %add3A_195 = arith.addi %mul3A_171, %add3A_194 : i32
      "tpu.region"() ({
        %run_scoped3A = tpu.sem_alloc : memref<!tpu.dma_semaphore, #tpu.memory_space<semaphore_mem>>
        %dma_start3A_204 = arith.constant 0 : i32
        %dma_start3A_205 = tpu.memref_slice %arg9[%add3A_195, %dma_start3A_204] : memref<114x128xi32, #tpu.memory_space<vmem>> -> memref<1x128xi32, #tpu.memory_space<vmem>>
        %dma_start3A_206 = tpu.memref_squeeze %dma_start3A_205 : memref<1x128xi32, #tpu.memory_space<vmem>> -> memref<128xi32, #tpu.memory_space<vmem>>
        %dma_start3A_207 = arith.constant 0 : i32
        %dma_start3A_208 = arith.constant 0 : i32
        %dma_start3A_209 = tpu.memref_slice %arg15[%dma_start3A_207, %dma_start3A_208] : memref<10240x64xf32, #tpu.memory_space<vmem_shared>> -> memref<10240x64xf32, #tpu.memory_space<vmem_shared>>
        tpu.enqueue_indirect_dma source(%arg11 : memref<128x64xf32, #tpu.memory_space<vmem>>) target(%dma_start3A_209 : memref<10240x64xf32, #tpu.memory_space<vmem_shared>>) offsets(%dma_start3A_206 : memref<128xi32, #tpu.memory_space<vmem>>) semaphore(%run_scoped3A : memref<!tpu.dma_semaphore, #tpu.memory_space<semaphore_mem>>) {add = true}
        %dma_wait3A_210 = arith.constant 0 : i32
        %dma_wait3A_211 = tpu.memref_slice %arg9[%add3A_195, %dma_wait3A_210] : memref<114x128xi32, #tpu.memory_space<vmem>> -> memref<1x128xi32, #tpu.memory_space<vmem>>
        %dma_wait3A_212 = tpu.memref_squeeze %dma_wait3A_211 : memref<1x128xi32, #tpu.memory_space<vmem>> -> memref<128xi32, #tpu.memory_space<vmem>>
        %dma_wait3A_213 = arith.constant 0 : i32
        %dma_wait3A_214 = arith.constant 0 : i32
        %dma_wait3A_215 = tpu.memref_slice %arg15[%dma_wait3A_213, %dma_wait3A_214] : memref<10240x64xf32, #tpu.memory_space<vmem_shared>> -> memref<10240x64xf32, #tpu.memory_space<vmem_shared>>
        tpu.wait_indirect_dma semaphore(%run_scoped3A : memref<!tpu.dma_semaphore, #tpu.memory_space<semaphore_mem>>) src(%arg11 : memref<128x64xf32, #tpu.memory_space<vmem>>) dst(%dma_wait3A_215 : memref<10240x64xf32, #tpu.memory_space<vmem_shared>>)
        tpu.yield
      }) : () -> ()
      %add3A_196 = arith.constant 3 : i32
      %add3A_197 = arith.addi %mul3A_171, %add3A_196 : i32
      %dma_start3A_198 = arith.constant 0 : i32
      %dma_start3A_199 = tpu.memref_slice %arg8[%add3A_197, %dma_start3A_198] : memref<114x128xi32, #tpu.memory_space<vmem>> -> memref<1x128xi32, #tpu.memory_space<vmem>>
      %dma_start3A_200 = tpu.memref_squeeze %dma_start3A_199 : memref<1x128xi32, #tpu.memory_space<vmem>> -> memref<128xi32, #tpu.memory_space<vmem>>
      %dma_start3A_201 = arith.constant 0 : i32
      %dma_start3A_202 = arith.constant 0 : i32
      %dma_start3A_203 = tpu.memref_slice %arg2[%dma_start3A_201, %dma_start3A_202] : memref<10000x64xf32, #tpu.memory_space<hbm>> -> memref<10000x64xf32, #tpu.memory_space<hbm>>
      tpu.enqueue_indirect_dma source(%dma_start3A_203 : memref<10000x64xf32, #tpu.memory_space<hbm>>) target(%arg11 : memref<128x64xf32, #tpu.memory_space<vmem>>) offsets(%dma_start3A_200 : memref<128xi32, #tpu.memory_space<vmem>>) semaphore(%arg14 : memref<!tpu.dma_semaphore, #tpu.memory_space<semaphore_mem>>)
    }
    %while3A_52 = arith.constant 1 : i32
    scf.for %while3A_169 = %while3A_50 to %while3A_46 step %while3A_52  : i32 {
      %mul3A_170 = arith.constant 2 : i32
      %mul3A_171 = arith.muli %mul3A_170, %while3A_169 : i32
      %dma_wait3A_172 = arith.constant 0 : i32
      %dma_wait3A_173 = tpu.memref_slice %arg8[%mul3A_171, %dma_wait3A_172] : memref<114x128xi32, #tpu.memory_space<vmem>> -> memref<1x128xi32, #tpu.memory_space<vmem>>
      %dma_wait3A_174 = tpu.memref_squeeze %dma_wait3A_173 : memref<1x128xi32, #tpu.memory_space<vmem>> -> memref<128xi32, #tpu.memory_space<vmem>>
      %dma_wait3A_175 = arith.constant 0 : i32
      %dma_wait3A_176 = arith.constant 0 : i32
      %dma_wait3A_177 = tpu.memref_slice %arg2[%dma_wait3A_175, %dma_wait3A_176] : memref<10000x64xf32, #tpu.memory_space<hbm>> -> memref<10000x64xf32, #tpu.memory_space<hbm>>
      tpu.wait_indirect_dma semaphore(%arg13 : memref<!tpu.dma_semaphore, #tpu.memory_space<semaphore_mem>>) src(%dma_wait3A_177 : memref<10000x64xf32, #tpu.memory_space<hbm>>) dst(%arg10 : memref<128x64xf32, #tpu.memory_space<vmem>>)
      "tpu.region"() ({
        %run_scoped3A = tpu.sem_alloc : memref<!tpu.dma_semaphore, #tpu.memory_space<semaphore_mem>>
        %dma_start3A_204 = arith.constant 0 : i32
        %dma_start3A_205 = tpu.memref_slice %arg9[%mul3A_171, %dma_start3A_204] : memref<114x128xi32, #tpu.memory_space<vmem>> -> memref<1x128xi32, #tpu.memory_space<vmem>>
        %dma_start3A_206 = tpu.memref_squeeze %dma_start3A_205 : memref<1x128xi32, #tpu.memory_space<vmem>> -> memref<128xi32, #tpu.memory_space<vmem>>
        %dma_start3A_207 = arith.constant 0 : i32
        %dma_start3A_208 = arith.constant 0 : i32
        %dma_start3A_209 = tpu.memref_slice %arg15[%dma_start3A_207, %dma_start3A_208] : memref<10240x64xf32, #tpu.memory_space<vmem_shared>> -> memref<10240x64xf32, #tpu.memory_space<vmem_shared>>
        tpu.enqueue_indirect_dma source(%arg10 : memref<128x64xf32, #tpu.memory_space<vmem>>) target(%dma_start3A_209 : memref<10240x64xf32, #tpu.memory_space<vmem_shared>>) offsets(%dma_start3A_206 : memref<128xi32, #tpu.memory_space<vmem>>) semaphore(%run_scoped3A : memref<!tpu.dma_semaphore, #tpu.memory_space<semaphore_mem>>) {add = true}
        %dma_wait3A_210 = arith.constant 0 : i32
        %dma_wait3A_211 = tpu.memref_slice %arg9[%mul3A_171, %dma_wait3A_210] : memref<114x128xi32, #tpu.memory_space<vmem>> -> memref<1x128xi32, #tpu.memory_space<vmem>>
        %dma_wait3A_212 = tpu.memref_squeeze %dma_wait3A_211 : memref<1x128xi32, #tpu.memory_space<vmem>> -> memref<128xi32, #tpu.memory_space<vmem>>
        %dma_wait3A_213 = arith.constant 0 : i32
        %dma_wait3A_214 = arith.constant 0 : i32
        %dma_wait3A_215 = tpu.memref_slice %arg15[%dma_wait3A_213, %dma_wait3A_214] : memref<10240x64xf32, #tpu.memory_space<vmem_shared>> -> memref<10240x64xf32, #tpu.memory_space<vmem_shared>>
        tpu.wait_indirect_dma semaphore(%run_scoped3A : memref<!tpu.dma_semaphore, #tpu.memory_space<semaphore_mem>>) src(%arg10 : memref<128x64xf32, #tpu.memory_space<vmem>>) dst(%dma_wait3A_215 : memref<10240x64xf32, #tpu.memory_space<vmem_shared>>)
        tpu.yield
      }) : () -> ()
      %add3A_178 = arith.constant 2 : i32
      %add3A_179 = arith.addi %mul3A_171, %add3A_178 : i32
      %dma_start3A_180 = arith.constant 0 : i32
      %dma_start3A_181 = tpu.memref_slice %arg8[%add3A_179, %dma_start3A_180] : memref<114x128xi32, #tpu.memory_space<vmem>> -> memref<1x128xi32, #tpu.memory_space<vmem>>
      %dma_start3A_182 = tpu.memref_squeeze %dma_start3A_181 : memref<1x128xi32, #tpu.memory_space<vmem>> -> memref<128xi32, #tpu.memory_space<vmem>>
      %dma_start3A_183 = arith.constant 0 : i32
      %dma_start3A_184 = arith.constant 0 : i32
      %dma_start3A_185 = tpu.memref_slice %arg2[%dma_start3A_183, %dma_start3A_184] : memref<10000x64xf32, #tpu.memory_space<hbm>> -> memref<10000x64xf32, #tpu.memory_space<hbm>>
      tpu.enqueue_indirect_dma source(%dma_start3A_185 : memref<10000x64xf32, #tpu.memory_space<hbm>>) target(%arg10 : memref<128x64xf32, #tpu.memory_space<vmem>>) offsets(%dma_start3A_182 : memref<128xi32, #tpu.memory_space<vmem>>) semaphore(%arg13 : memref<!tpu.dma_semaphore, #tpu.memory_space<semaphore_mem>>)
      %add3A_186 = arith.constant 1 : i32
      %add3A_187 = arith.addi %mul3A_171, %add3A_186 : i32
      %dma_wait3A_188 = arith.constant 0 : i32
      %dma_wait3A_189 = tpu.memref_slice %arg8[%add3A_187, %dma_wait3A_188] : memref<114x128xi32, #tpu.memory_space<vmem>> -> memref<1x128xi32, #tpu.memory_space<vmem>>
      %dma_wait3A_190 = tpu.memref_squeeze %dma_wait3A_189 : memref<1x128xi32, #tpu.memory_space<vmem>> -> memref<128xi32, #tpu.memory_space<vmem>>
      %dma_wait3A_191 = arith.constant 0 : i32
      %dma_wait3A_192 = arith.constant 0 : i32
      %dma_wait3A_193 = tpu.memref_slice %arg2[%dma_wait3A_191, %dma_wait3A_192] : memref<10000x64xf32, #tpu.memory_space<hbm>> -> memref<10000x64xf32, #tpu.memory_space<hbm>>
      tpu.wait_indirect_dma semaphore(%arg14 : memref<!tpu.dma_semaphore, #tpu.memory_space<semaphore_mem>>) src(%dma_wait3A_193 : memref<10000x64xf32, #tpu.memory_space<hbm>>) dst(%arg11 : memref<128x64xf32, #tpu.memory_space<vmem>>)
      %add3A_194 = arith.constant 1 : i32
      %add3A_195 = arith.addi %mul3A_171, %add3A_194 : i32
      "tpu.region"() ({
        %run_scoped3A = tpu.sem_alloc : memref<!tpu.dma_semaphore, #tpu.memory_space<semaphore_mem>>
        %dma_start3A_204 = arith.constant 0 : i32
        %dma_start3A_205 = tpu.memref_slice %arg9[%add3A_195, %dma_start3A_204] : memref<114x128xi32, #tpu.memory_space<vmem>> -> memref<1x128xi32, #tpu.memory_space<vmem>>
        %dma_start3A_206 = tpu.memref_squeeze %dma_start3A_205 : memref<1x128xi32, #tpu.memory_space<vmem>> -> memref<128xi32, #tpu.memory_space<vmem>>
        %dma_start3A_207 = arith.constant 0 : i32
        %dma_start3A_208 = arith.constant 0 : i32
        %dma_start3A_209 = tpu.memref_slice %arg15[%dma_start3A_207, %dma_start3A_208] : memref<10240x64xf32, #tpu.memory_space<vmem_shared>> -> memref<10240x64xf32, #tpu.memory_space<vmem_shared>>
        tpu.enqueue_indirect_dma source(%arg11 : memref<128x64xf32, #tpu.memory_space<vmem>>) target(%dma_start3A_209 : memref<10240x64xf32, #tpu.memory_space<vmem_shared>>) offsets(%dma_start3A_206 : memref<128xi32, #tpu.memory_space<vmem>>) semaphore(%run_scoped3A : memref<!tpu.dma_semaphore, #tpu.memory_space<semaphore_mem>>) {add = true}
        %dma_wait3A_210 = arith.constant 0 : i32
        %dma_wait3A_211 = tpu.memref_slice %arg9[%add3A_195, %dma_wait3A_210] : memref<114x128xi32, #tpu.memory_space<vmem>> -> memref<1x128xi32, #tpu.memory_space<vmem>>
        %dma_wait3A_212 = tpu.memref_squeeze %dma_wait3A_211 : memref<1x128xi32, #tpu.memory_space<vmem>> -> memref<128xi32, #tpu.memory_space<vmem>>
        %dma_wait3A_213 = arith.constant 0 : i32
        %dma_wait3A_214 = arith.constant 0 : i32
        %dma_wait3A_215 = tpu.memref_slice %arg15[%dma_wait3A_213, %dma_wait3A_214] : memref<10240x64xf32, #tpu.memory_space<vmem_shared>> -> memref<10240x64xf32, #tpu.memory_space<vmem_shared>>
        tpu.wait_indirect_dma semaphore(%run_scoped3A : memref<!tpu.dma_semaphore, #tpu.memory_space<semaphore_mem>>) src(%arg11 : memref<128x64xf32, #tpu.memory_space<vmem>>) dst(%dma_wait3A_215 : memref<10240x64xf32, #tpu.memory_space<vmem_shared>>)
        tpu.yield
      }) : () -> ()
      %add3A_196 = arith.constant 3 : i32
      %add3A_197 = arith.addi %mul3A_171, %add3A_196 : i32
      %dma_start3A_198 = arith.constant 0 : i32
      %dma_start3A_199 = tpu.memref_slice %arg8[%add3A_197, %dma_start3A_198] : memref<114x128xi32, #tpu.memory_space<vmem>> -> memref<1x128xi32, #tpu.memory_space<vmem>>
      %dma_start3A_200 = tpu.memref_squeeze %dma_start3A_199 : memref<1x128xi32, #tpu.memory_space<vmem>> -> memref<128xi32, #tpu.memory_space<vmem>>
      %dma_start3A_201 = arith.constant 0 : i32
      %dma_start3A_202 = arith.constant 0 : i32
      %dma_start3A_203 = tpu.memref_slice %arg2[%dma_start3A_201, %dma_start3A_202] : memref<10000x64xf32, #tpu.memory_space<hbm>> -> memref<10000x64xf32, #tpu.memory_space<hbm>>
      tpu.enqueue_indirect_dma source(%dma_start3A_203 : memref<10000x64xf32, #tpu.memory_space<hbm>>) target(%arg11 : memref<128x64xf32, #tpu.memory_space<vmem>>) offsets(%dma_start3A_200 : memref<128xi32, #tpu.memory_space<vmem>>) semaphore(%arg14 : memref<!tpu.dma_semaphore, #tpu.memory_space<semaphore_mem>>)
    }
    %sub3A_53 = arith.constant 2 : i32
    %sub3A_54 = arith.subi %select_n3A_8, %sub3A_53 : i32
    %dma_wait3A = arith.constant 0 : i32
    %dma_wait3A_55 = tpu.memref_slice %arg8[%sub3A_54, %dma_wait3A] : memref<114x128xi32, #tpu.memory_space<vmem>> -> memref<1x128xi32, #tpu.memory_space<vmem>>
    %dma_wait3A_56 = tpu.memref_squeeze %dma_wait3A_55 : memref<1x128xi32, #tpu.memory_space<vmem>> -> memref<128xi32, #tpu.memory_space<vmem>>
    %dma_wait3A_57 = arith.constant 0 : i32
    %dma_wait3A_58 = arith.constant 0 : i32
    %dma_wait3A_59 = tpu.memref_slice %arg2[%dma_wait3A_57, %dma_wait3A_58] : memref<10000x64xf32, #tpu.memory_space<hbm>> -> memref<10000x64xf32, #tpu.memory_space<hbm>>
    tpu.wait_indirect_dma semaphore(%arg13 : memref<!tpu.dma_semaphore, #tpu.memory_space<semaphore_mem>>) src(%dma_wait3A_59 : memref<10000x64xf32, #tpu.memory_space<hbm>>) dst(%arg10 : memref<128x64xf32, #tpu.memory_space<vmem>>)
    %sub3A_60 = arith.constant 2 : i32
    %sub3A_61 = arith.subi %select_n3A_8, %sub3A_60 : i32
    "tpu.region"() ({
      %run_scoped3A = tpu.sem_alloc : memref<!tpu.dma_semaphore, #tpu.memory_space<semaphore_mem>>
      %dma_start3A_169 = arith.constant 0 : i32
      %dma_start3A_170 = tpu.memref_slice %arg9[%sub3A_61, %dma_start3A_169] : memref<114x128xi32, #tpu.memory_space<vmem>> -> memref<1x128xi32, #tpu.memory_space<vmem>>
      %dma_start3A_171 = tpu.memref_squeeze %dma_start3A_170 : memref<1x128xi32, #tpu.memory_space<vmem>> -> memref<128xi32, #tpu.memory_space<vmem>>
      %dma_start3A_172 = arith.constant 0 : i32
      %dma_start3A_173 = arith.constant 0 : i32
      %dma_start3A_174 = tpu.memref_slice %arg15[%dma_start3A_172, %dma_start3A_173] : memref<10240x64xf32, #tpu.memory_space<vmem_shared>> -> memref<10240x64xf32, #tpu.memory_space<vmem_shared>>
      tpu.enqueue_indirect_dma source(%arg10 : memref<128x64xf32, #tpu.memory_space<vmem>>) target(%dma_start3A_174 : memref<10240x64xf32, #tpu.memory_space<vmem_shared>>) offsets(%dma_start3A_171 : memref<128xi32, #tpu.memory_space<vmem>>) semaphore(%run_scoped3A : memref<!tpu.dma_semaphore, #tpu.memory_space<semaphore_mem>>) {add = true}
      %dma_wait3A_175 = arith.constant 0 : i32
      %dma_wait3A_176 = tpu.memref_slice %arg9[%sub3A_61, %dma_wait3A_175] : memref<114x128xi32, #tpu.memory_space<vmem>> -> memref<1x128xi32, #tpu.memory_space<vmem>>
      %dma_wait3A_177 = tpu.memref_squeeze %dma_wait3A_176 : memref<1x128xi32, #tpu.memory_space<vmem>> -> memref<128xi32, #tpu.memory_space<vmem>>
      %dma_wait3A_178 = arith.constant 0 : i32
      %dma_wait3A_179 = arith.constant 0 : i32
      %dma_wait3A_180 = tpu.memref_slice %arg15[%dma_wait3A_178, %dma_wait3A_179] : memref<10240x64xf32, #tpu.memory_space<vmem_shared>> -> memref<10240x64xf32, #tpu.memory_space<vmem_shared>>
      tpu.wait_indirect_dma semaphore(%run_scoped3A : memref<!tpu.dma_semaphore, #tpu.memory_space<semaphore_mem>>) src(%arg10 : memref<128x64xf32, #tpu.memory_space<vmem>>) dst(%dma_wait3A_180 : memref<10240x64xf32, #tpu.memory_space<vmem_shared>>)
      tpu.yield
    }) : () -> ()
    %sub3A_62 = arith.constant 1 : i32
    %sub3A_63 = arith.subi %select_n3A_8, %sub3A_62 : i32
    %dma_wait3A_64 = arith.constant 0 : i32
    %dma_wait3A_65 = tpu.memref_slice %arg8[%sub3A_63, %dma_wait3A_64] : memref<114x128xi32, #tpu.memory_space<vmem>> -> memref<1x128xi32, #tpu.memory_space<vmem>>
    %dma_wait3A_66 = tpu.memref_squeeze %dma_wait3A_65 : memref<1x128xi32, #tpu.memory_space<vmem>> -> memref<128xi32, #tpu.memory_space<vmem>>
    %dma_wait3A_67 = arith.constant 0 : i32
    %dma_wait3A_68 = arith.constant 0 : i32
    %dma_wait3A_69 = tpu.memref_slice %arg2[%dma_wait3A_67, %dma_wait3A_68] : memref<10000x64xf32, #tpu.memory_space<hbm>> -> memref<10000x64xf32, #tpu.memory_space<hbm>>
    tpu.wait_indirect_dma semaphore(%arg14 : memref<!tpu.dma_semaphore, #tpu.memory_space<semaphore_mem>>) src(%dma_wait3A_69 : memref<10000x64xf32, #tpu.memory_space<hbm>>) dst(%arg11 : memref<128x64xf32, #tpu.memory_space<vmem>>)
    %sub3A_70 = arith.constant 1 : i32
    %sub3A_71 = arith.subi %select_n3A_8, %sub3A_70 : i32
    "tpu.region"() ({
      %run_scoped3A = tpu.sem_alloc : memref<!tpu.dma_semaphore, #tpu.memory_space<semaphore_mem>>
      %dma_start3A_169 = arith.constant 0 : i32
      %dma_start3A_170 = tpu.memref_slice %arg9[%sub3A_71, %dma_start3A_169] : memref<114x128xi32, #tpu.memory_space<vmem>> -> memref<1x128xi32, #tpu.memory_space<vmem>>
      %dma_start3A_171 = tpu.memref_squeeze %dma_start3A_170 : memref<1x128xi32, #tpu.memory_space<vmem>> -> memref<128xi32, #tpu.memory_space<vmem>>
      %dma_start3A_172 = arith.constant 0 : i32
      %dma_start3A_173 = arith.constant 0 : i32
      %dma_start3A_174 = tpu.memref_slice %arg15[%dma_start3A_172, %dma_start3A_173] : memref<10240x64xf32, #tpu.memory_space<vmem_shared>> -> memref<10240x64xf32, #tpu.memory_space<vmem_shared>>
      tpu.enqueue_indirect_dma source(%arg11 : memref<128x64xf32, #tpu.memory_space<vmem>>) target(%dma_start3A_174 : memref<10240x64xf32, #tpu.memory_space<vmem_shared>>) offsets(%dma_start3A_171 : memref<128xi32, #tpu.memory_space<vmem>>) semaphore(%run_scoped3A : memref<!tpu.dma_semaphore, #tpu.memory_space<semaphore_mem>>) {add = true}
      %dma_wait3A_175 = arith.constant 0 : i32
      %dma_wait3A_176 = tpu.memref_slice %arg9[%sub3A_71, %dma_wait3A_175] : memref<114x128xi32, #tpu.memory_space<vmem>> -> memref<1x128xi32, #tpu.memory_space<vmem>>
      %dma_wait3A_177 = tpu.memref_squeeze %dma_wait3A_176 : memref<1x128xi32, #tpu.memory_space<vmem>> -> memref<128xi32, #tpu.memory_space<vmem>>
      %dma_wait3A_178 = arith.constant 0 : i32
      %dma_wait3A_179 = arith.constant 0 : i32
      %dma_wait3A_180 = tpu.memref_slice %arg15[%dma_wait3A_178, %dma_wait3A_179] : memref<10240x64xf32, #tpu.memory_space<vmem_shared>> -> memref<10240x64xf32, #tpu.memory_space<vmem_shared>>
      tpu.wait_indirect_dma semaphore(%run_scoped3A : memref<!tpu.dma_semaphore, #tpu.memory_space<semaphore_mem>>) src(%arg11 : memref<128x64xf32, #tpu.memory_space<vmem>>) dst(%dma_wait3A_180 : memref<10240x64xf32, #tpu.memory_space<vmem_shared>>)
      tpu.yield
    }) : () -> ()
    %barrier3A_72 = arith.constant 0 : index
    tpu.barrier barrier_id(%barrier3A_72)
    %mul3A_73 = arith.constant 2 : i32
    %mul3A_74 = arith.muli %arg0, %mul3A_73 : i32
    %add3A_75 = arith.constant 0 : i32
    %add3A_76 = arith.addi %mul3A_74, %add3A_75 : i32
    %mul3A_77 = arith.constant 10240 : i32
    %mul3A_78 = arith.muli %add3A_76, %mul3A_77 : i32
    %mul3A_79 = arith.constant 640 : i32
    %mul3A_80 = arith.muli %arg1, %mul3A_79 : i32
    %add3A_81 = arith.addi %mul3A_78, %mul3A_80 : i32
    %mul3A_82 = arith.constant 640 : i32
    %mul3A_83 = arith.muli %arg1, %mul3A_82 : i32
    "tpu.region"() ({
      %run_scoped3A = tpu.sem_alloc : memref<!tpu.dma_semaphore, #tpu.memory_space<semaphore_mem>>
      %dma_start3A_169 = arith.constant 0 : i32
      %dma_start3A_170 = tpu.memref_slice %arg15[%mul3A_83, %dma_start3A_169] : memref<10240x64xf32, #tpu.memory_space<vmem_shared>> -> memref<640x64xf32, #tpu.memory_space<vmem_shared>>
      %dma_start3A_171 = arith.constant 0 : i32
      %dma_start3A_172 = tpu.memref_slice %arg15[%mul3A_83, %dma_start3A_171] : memref<10240x64xf32, #tpu.memory_space<vmem_shared>> -> memref<640x64xf32, #tpu.memory_space<vmem_shared>>
      tpu.enqueue_dma source(%dma_start3A_172 : memref<640x64xf32, #tpu.memory_space<vmem_shared>>) target(%arg12 : memref<640x64xf32, #tpu.memory_space<vmem>>) target_semaphore(%run_scoped3A : memref<!tpu.dma_semaphore, #tpu.memory_space<semaphore_mem>>)
      %dma_wait3A_173 = arith.constant 0 : i32
      %dma_wait3A_174 = tpu.memref_slice %arg15[%mul3A_83, %dma_wait3A_173] : memref<10240x64xf32, #tpu.memory_space<vmem_shared>> -> memref<640x64xf32, #tpu.memory_space<vmem_shared>>
      %dma_wait3A_175 = arith.constant 0 : i32
      %dma_wait3A_176 = tpu.memref_slice %arg15[%mul3A_83, %dma_wait3A_175] : memref<10240x64xf32, #tpu.memory_space<vmem_shared>> -> memref<640x64xf32, #tpu.memory_space<vmem_shared>>
      tpu.wait_dma2 semaphore(%run_scoped3A : memref<!tpu.dma_semaphore, #tpu.memory_space<semaphore_mem>>) src(%dma_wait3A_176 : memref<640x64xf32, #tpu.memory_space<vmem_shared>>) dst(%arg12 : memref<640x64xf32, #tpu.memory_space<vmem>>)
      tpu.yield
    }) : () -> ()
    "tpu.region"() ({
      %run_scoped3A = tpu.sem_alloc : memref<!tpu.dma_semaphore, #tpu.memory_space<semaphore_mem>>
      %dma_start3A_169 = arith.constant 0 : i32
      %dma_start3A_170 = tpu.memref_slice %arg7[%add3A_81, %dma_start3A_169] : memref<40960x64xf32, #tpu.memory_space<hbm>> -> memref<640x64xf32, #tpu.memory_space<hbm>>
      %dma_start3A_171 = arith.constant 0 : i32
      %dma_start3A_172 = tpu.memref_slice %arg7[%add3A_81, %dma_start3A_171] : memref<40960x64xf32, #tpu.memory_space<hbm>> -> memref<640x64xf32, #tpu.memory_space<hbm>>
      tpu.enqueue_dma source(%arg12 : memref<640x64xf32, #tpu.memory_space<vmem>>) target(%dma_start3A_172 : memref<640x64xf32, #tpu.memory_space<hbm>>) target_semaphore(%run_scoped3A : memref<!tpu.dma_semaphore, #tpu.memory_space<semaphore_mem>>)
      %dma_wait3A_173 = arith.constant 0 : i32
      %dma_wait3A_174 = tpu.memref_slice %arg7[%add3A_81, %dma_wait3A_173] : memref<40960x64xf32, #tpu.memory_space<hbm>> -> memref<640x64xf32, #tpu.memory_space<hbm>>
      %dma_wait3A_175 = arith.constant 0 : i32
      %dma_wait3A_176 = tpu.memref_slice %arg7[%add3A_81, %dma_wait3A_175] : memref<40960x64xf32, #tpu.memory_space<hbm>> -> memref<640x64xf32, #tpu.memory_space<hbm>>
      tpu.wait_dma2 semaphore(%run_scoped3A : memref<!tpu.dma_semaphore, #tpu.memory_space<semaphore_mem>>) src(%arg12 : memref<640x64xf32, #tpu.memory_space<vmem>>) dst(%dma_wait3A_176 : memref<640x64xf32, #tpu.memory_space<hbm>>)
      tpu.yield
    }) : () -> ()
    "tpu.region"() ({
      %run_scoped3A = tpu.sem_alloc : memref<!tpu.dma_semaphore, #tpu.memory_space<semaphore_mem>>
      tpu.enqueue_dma source(%arg6 : memref<640x64xf32, #tpu.memory_space<hbm>>) target(%arg12 : memref<640x64xf32, #tpu.memory_space<vmem>>) target_semaphore(%run_scoped3A : memref<!tpu.dma_semaphore, #tpu.memory_space<semaphore_mem>>)
      tpu.wait_dma2 semaphore(%run_scoped3A : memref<!tpu.dma_semaphore, #tpu.memory_space<semaphore_mem>>) src(%arg6 : memref<640x64xf32, #tpu.memory_space<hbm>>) dst(%arg12 : memref<640x64xf32, #tpu.memory_space<vmem>>)
      tpu.yield
    }) : () -> ()
    %mul3A_84 = arith.constant 640 : i32
    %mul3A_85 = arith.muli %arg1, %mul3A_84 : i32
    "tpu.region"() ({
      %run_scoped3A = tpu.sem_alloc : memref<!tpu.dma_semaphore, #tpu.memory_space<semaphore_mem>>
      %dma_start3A_169 = arith.constant 0 : i32
      %dma_start3A_170 = tpu.memref_slice %arg15[%mul3A_85, %dma_start3A_169] : memref<10240x64xf32, #tpu.memory_space<vmem_shared>> -> memref<640x64xf32, #tpu.memory_space<vmem_shared>>
      %dma_start3A_171 = arith.constant 0 : i32
      %dma_start3A_172 = tpu.memref_slice %arg15[%mul3A_85, %dma_start3A_171] : memref<10240x64xf32, #tpu.memory_space<vmem_shared>> -> memref<640x64xf32, #tpu.memory_space<vmem_shared>>
      tpu.enqueue_dma source(%arg12 : memref<640x64xf32, #tpu.memory_space<vmem>>) target(%dma_start3A_172 : memref<640x64xf32, #tpu.memory_space<vmem_shared>>) target_semaphore(%run_scoped3A : memref<!tpu.dma_semaphore, #tpu.memory_space<semaphore_mem>>)
      %dma_wait3A_173 = arith.constant 0 : i32
      %dma_wait3A_174 = tpu.memref_slice %arg15[%mul3A_85, %dma_wait3A_173] : memref<10240x64xf32, #tpu.memory_space<vmem_shared>> -> memref<640x64xf32, #tpu.memory_space<vmem_shared>>
      %dma_wait3A_175 = arith.constant 0 : i32
      %dma_wait3A_176 = tpu.memref_slice %arg15[%mul3A_85, %dma_wait3A_175] : memref<10240x64xf32, #tpu.memory_space<vmem_shared>> -> memref<640x64xf32, #tpu.memory_space<vmem_shared>>
      tpu.wait_dma2 semaphore(%run_scoped3A : memref<!tpu.dma_semaphore, #tpu.memory_space<semaphore_mem>>) src(%arg12 : memref<640x64xf32, #tpu.memory_space<vmem>>) dst(%dma_wait3A_176 : memref<640x64xf32, #tpu.memory_space<vmem_shared>>)
      tpu.yield
    }) : () -> ()
    %dma_start3A_86 = arith.constant 0 : i32
    %dma_start3A_87 = arith.constant 0 : i32
    %dma_start3A_88 = tpu.memref_slice %arg8[%dma_start3A_86, %dma_start3A_87] : memref<114x128xi32, #tpu.memory_space<vmem>> -> memref<1x128xi32, #tpu.memory_space<vmem>>
    %dma_start3A_89 = tpu.memref_squeeze %dma_start3A_88 : memref<1x128xi32, #tpu.memory_space<vmem>> -> memref<128xi32, #tpu.memory_space<vmem>>
    %dma_start3A_90 = arith.constant 0 : i32
    %dma_start3A_91 = arith.constant 0 : i32
    %dma_start3A_92 = tpu.memref_slice %arg3[%dma_start3A_90, %dma_start3A_91] : memref<10000x64xf32, #tpu.memory_space<hbm>> -> memref<10000x64xf32, #tpu.memory_space<hbm>>
    tpu.enqueue_indirect_dma source(%dma_start3A_92 : memref<10000x64xf32, #tpu.memory_space<hbm>>) target(%arg10 : memref<128x64xf32, #tpu.memory_space<vmem>>) offsets(%dma_start3A_89 : memref<128xi32, #tpu.memory_space<vmem>>) semaphore(%arg13 : memref<!tpu.dma_semaphore, #tpu.memory_space<semaphore_mem>>)
    %dma_start3A_93 = arith.constant 1 : i32
    %dma_start3A_94 = arith.constant 0 : i32
    %dma_start3A_95 = tpu.memref_slice %arg8[%dma_start3A_93, %dma_start3A_94] : memref<114x128xi32, #tpu.memory_space<vmem>> -> memref<1x128xi32, #tpu.memory_space<vmem>>
    %dma_start3A_96 = tpu.memref_squeeze %dma_start3A_95 : memref<1x128xi32, #tpu.memory_space<vmem>> -> memref<128xi32, #tpu.memory_space<vmem>>
    %dma_start3A_97 = arith.constant 0 : i32
    %dma_start3A_98 = arith.constant 0 : i32
    %dma_start3A_99 = tpu.memref_slice %arg3[%dma_start3A_97, %dma_start3A_98] : memref<10000x64xf32, #tpu.memory_space<hbm>> -> memref<10000x64xf32, #tpu.memory_space<hbm>>
    tpu.enqueue_indirect_dma source(%dma_start3A_99 : memref<10000x64xf32, #tpu.memory_space<hbm>>) target(%arg11 : memref<128x64xf32, #tpu.memory_space<vmem>>) offsets(%dma_start3A_96 : memref<128xi32, #tpu.memory_space<vmem>>) semaphore(%arg14 : memref<!tpu.dma_semaphore, #tpu.memory_space<semaphore_mem>>)
    %barrier3A_100 = arith.constant 0 : index
    tpu.barrier barrier_id(%barrier3A_100)
    %sub3A_101 = arith.constant 2 : i32
    %sub3A_102 = arith.subi %select_n3A_8, %sub3A_101 : i32
    %jit3A_103 = arith.constant 2 : i32
    %div3A_104 = arith.divsi %sub3A_102, %jit3A_103 : i32
    %sign3A_105 = arith.constant 0 : i32
    %sign3A_106 = arith.cmpi sgt, %sub3A_102, %sign3A_105 : i32
    %sign3A_107 = arith.extui %sign3A_106 : i1 to i32
    %sign3A_108 = arith.constant 0 : i32
    %sign3A_109 = arith.cmpi slt, %sub3A_102, %sign3A_108 : i32
    %sign3A_110 = arith.extui %sign3A_109 : i1 to i32
    %sign3A_111 = arith.subi %sign3A_107, %sign3A_110 : i32
    %sign3A_112 = arith.constant 0 : i32
    %sign3A_113 = arith.cmpi sgt, %jit3A_103, %sign3A_112 : i32
    %sign3A_114 = arith.extui %sign3A_113 : i1 to i32
    %sign3A_115 = arith.constant 0 : i32
    %sign3A_116 = arith.cmpi slt, %jit3A_103, %sign3A_115 : i32
    %sign3A_117 = arith.extui %sign3A_116 : i1 to i32
    %sign3A_118 = arith.subi %sign3A_114, %sign3A_117 : i32
    %ne3A_119 = arith.cmpi ne, %sign3A_111, %sign3A_118 : i32
    %rem3A_120 = arith.remsi %sub3A_102, %jit3A_103 : i32
    %ne3A_121 = arith.constant 0 : i32
    %ne3A_122 = arith.cmpi ne, %rem3A_120, %ne3A_121 : i32
    %and3A_123 = arith.andi %ne3A_119, %ne3A_122 : i1
    %sub3A_124 = arith.constant 1 : i32
    %sub3A_125 = arith.subi %div3A_104, %sub3A_124 : i32
    %select_n3A_126 = arith.select %and3A_123, %sub3A_125, %div3A_104 : i32
    %while3A_127 = arith.constant 0 : i32
    %while3A_128 = arith.constant 0 : i32
    %while3A_129 = arith.subi %select_n3A_126, %while3A_128 : i32
    %while3A_130 = arith.addi %while3A_128, %while3A_129 : i32
    %while3A_131 = arith.constant 1 : i32
    %while3A_132 = arith.divsi %while3A_129, %while3A_131 : i32
    %while3A_133 = arith.muli %while3A_132, %while3A_131 : i32
    %while3A_134 = arith.addi %while3A_128, %while3A_133 : i32
    %while3A_135 = arith.constant 1 : i32
    scf.for %while3A_169 = %while3A_128 to %while3A_134 step %while3A_135  : i32 {
      %mul3A_170 = arith.constant 2 : i32
      %mul3A_171 = arith.muli %mul3A_170, %while3A_169 : i32
      %dma_wait3A_172 = arith.constant 0 : i32
      %dma_wait3A_173 = tpu.memref_slice %arg8[%mul3A_171, %dma_wait3A_172] : memref<114x128xi32, #tpu.memory_space<vmem>> -> memref<1x128xi32, #tpu.memory_space<vmem>>
      %dma_wait3A_174 = tpu.memref_squeeze %dma_wait3A_173 : memref<1x128xi32, #tpu.memory_space<vmem>> -> memref<128xi32, #tpu.memory_space<vmem>>
      %dma_wait3A_175 = arith.constant 0 : i32
      %dma_wait3A_176 = arith.constant 0 : i32
      %dma_wait3A_177 = tpu.memref_slice %arg3[%dma_wait3A_175, %dma_wait3A_176] : memref<10000x64xf32, #tpu.memory_space<hbm>> -> memref<10000x64xf32, #tpu.memory_space<hbm>>
      tpu.wait_indirect_dma semaphore(%arg13 : memref<!tpu.dma_semaphore, #tpu.memory_space<semaphore_mem>>) src(%dma_wait3A_177 : memref<10000x64xf32, #tpu.memory_space<hbm>>) dst(%arg10 : memref<128x64xf32, #tpu.memory_space<vmem>>)
      "tpu.region"() ({
        %run_scoped3A = tpu.sem_alloc : memref<!tpu.dma_semaphore, #tpu.memory_space<semaphore_mem>>
        %dma_start3A_204 = arith.constant 0 : i32
        %dma_start3A_205 = tpu.memref_slice %arg9[%mul3A_171, %dma_start3A_204] : memref<114x128xi32, #tpu.memory_space<vmem>> -> memref<1x128xi32, #tpu.memory_space<vmem>>
        %dma_start3A_206 = tpu.memref_squeeze %dma_start3A_205 : memref<1x128xi32, #tpu.memory_space<vmem>> -> memref<128xi32, #tpu.memory_space<vmem>>
        %dma_start3A_207 = arith.constant 0 : i32
        %dma_start3A_208 = arith.constant 0 : i32
        %dma_start3A_209 = tpu.memref_slice %arg15[%dma_start3A_207, %dma_start3A_208] : memref<10240x64xf32, #tpu.memory_space<vmem_shared>> -> memref<10240x64xf32, #tpu.memory_space<vmem_shared>>
        tpu.enqueue_indirect_dma source(%arg10 : memref<128x64xf32, #tpu.memory_space<vmem>>) target(%dma_start3A_209 : memref<10240x64xf32, #tpu.memory_space<vmem_shared>>) offsets(%dma_start3A_206 : memref<128xi32, #tpu.memory_space<vmem>>) semaphore(%run_scoped3A : memref<!tpu.dma_semaphore, #tpu.memory_space<semaphore_mem>>) {add = true}
        %dma_wait3A_210 = arith.constant 0 : i32
        %dma_wait3A_211 = tpu.memref_slice %arg9[%mul3A_171, %dma_wait3A_210] : memref<114x128xi32, #tpu.memory_space<vmem>> -> memref<1x128xi32, #tpu.memory_space<vmem>>
        %dma_wait3A_212 = tpu.memref_squeeze %dma_wait3A_211 : memref<1x128xi32, #tpu.memory_space<vmem>> -> memref<128xi32, #tpu.memory_space<vmem>>
        %dma_wait3A_213 = arith.constant 0 : i32
        %dma_wait3A_214 = arith.constant 0 : i32
        %dma_wait3A_215 = tpu.memref_slice %arg15[%dma_wait3A_213, %dma_wait3A_214] : memref<10240x64xf32, #tpu.memory_space<vmem_shared>> -> memref<10240x64xf32, #tpu.memory_space<vmem_shared>>
        tpu.wait_indirect_dma semaphore(%run_scoped3A : memref<!tpu.dma_semaphore, #tpu.memory_space<semaphore_mem>>) src(%arg10 : memref<128x64xf32, #tpu.memory_space<vmem>>) dst(%dma_wait3A_215 : memref<10240x64xf32, #tpu.memory_space<vmem_shared>>)
        tpu.yield
      }) : () -> ()
      %add3A_178 = arith.constant 2 : i32
      %add3A_179 = arith.addi %mul3A_171, %add3A_178 : i32
      %dma_start3A_180 = arith.constant 0 : i32
      %dma_start3A_181 = tpu.memref_slice %arg8[%add3A_179, %dma_start3A_180] : memref<114x128xi32, #tpu.memory_space<vmem>> -> memref<1x128xi32, #tpu.memory_space<vmem>>
      %dma_start3A_182 = tpu.memref_squeeze %dma_start3A_181 : memref<1x128xi32, #tpu.memory_space<vmem>> -> memref<128xi32, #tpu.memory_space<vmem>>
      %dma_start3A_183 = arith.constant 0 : i32
      %dma_start3A_184 = arith.constant 0 : i32
      %dma_start3A_185 = tpu.memref_slice %arg3[%dma_start3A_183, %dma_start3A_184] : memref<10000x64xf32, #tpu.memory_space<hbm>> -> memref<10000x64xf32, #tpu.memory_space<hbm>>
      tpu.enqueue_indirect_dma source(%dma_start3A_185 : memref<10000x64xf32, #tpu.memory_space<hbm>>) target(%arg10 : memref<128x64xf32, #tpu.memory_space<vmem>>) offsets(%dma_start3A_182 : memref<128xi32, #tpu.memory_space<vmem>>) semaphore(%arg13 : memref<!tpu.dma_semaphore, #tpu.memory_space<semaphore_mem>>)
      %add3A_186 = arith.constant 1 : i32
      %add3A_187 = arith.addi %mul3A_171, %add3A_186 : i32
      %dma_wait3A_188 = arith.constant 0 : i32
      %dma_wait3A_189 = tpu.memref_slice %arg8[%add3A_187, %dma_wait3A_188] : memref<114x128xi32, #tpu.memory_space<vmem>> -> memref<1x128xi32, #tpu.memory_space<vmem>>
      %dma_wait3A_190 = tpu.memref_squeeze %dma_wait3A_189 : memref<1x128xi32, #tpu.memory_space<vmem>> -> memref<128xi32, #tpu.memory_space<vmem>>
      %dma_wait3A_191 = arith.constant 0 : i32
      %dma_wait3A_192 = arith.constant 0 : i32
      %dma_wait3A_193 = tpu.memref_slice %arg3[%dma_wait3A_191, %dma_wait3A_192] : memref<10000x64xf32, #tpu.memory_space<hbm>> -> memref<10000x64xf32, #tpu.memory_space<hbm>>
      tpu.wait_indirect_dma semaphore(%arg14 : memref<!tpu.dma_semaphore, #tpu.memory_space<semaphore_mem>>) src(%dma_wait3A_193 : memref<10000x64xf32, #tpu.memory_space<hbm>>) dst(%arg11 : memref<128x64xf32, #tpu.memory_space<vmem>>)
      %add3A_194 = arith.constant 1 : i32
      %add3A_195 = arith.addi %mul3A_171, %add3A_194 : i32
      "tpu.region"() ({
        %run_scoped3A = tpu.sem_alloc : memref<!tpu.dma_semaphore, #tpu.memory_space<semaphore_mem>>
        %dma_start3A_204 = arith.constant 0 : i32
        %dma_start3A_205 = tpu.memref_slice %arg9[%add3A_195, %dma_start3A_204] : memref<114x128xi32, #tpu.memory_space<vmem>> -> memref<1x128xi32, #tpu.memory_space<vmem>>
        %dma_start3A_206 = tpu.memref_squeeze %dma_start3A_205 : memref<1x128xi32, #tpu.memory_space<vmem>> -> memref<128xi32, #tpu.memory_space<vmem>>
        %dma_start3A_207 = arith.constant 0 : i32
        %dma_start3A_208 = arith.constant 0 : i32
        %dma_start3A_209 = tpu.memref_slice %arg15[%dma_start3A_207, %dma_start3A_208] : memref<10240x64xf32, #tpu.memory_space<vmem_shared>> -> memref<10240x64xf32, #tpu.memory_space<vmem_shared>>
        tpu.enqueue_indirect_dma source(%arg11 : memref<128x64xf32, #tpu.memory_space<vmem>>) target(%dma_start3A_209 : memref<10240x64xf32, #tpu.memory_space<vmem_shared>>) offsets(%dma_start3A_206 : memref<128xi32, #tpu.memory_space<vmem>>) semaphore(%run_scoped3A : memref<!tpu.dma_semaphore, #tpu.memory_space<semaphore_mem>>) {add = true}
        %dma_wait3A_210 = arith.constant 0 : i32
        %dma_wait3A_211 = tpu.memref_slice %arg9[%add3A_195, %dma_wait3A_210] : memref<114x128xi32, #tpu.memory_space<vmem>> -> memref<1x128xi32, #tpu.memory_space<vmem>>
        %dma_wait3A_212 = tpu.memref_squeeze %dma_wait3A_211 : memref<1x128xi32, #tpu.memory_space<vmem>> -> memref<128xi32, #tpu.memory_space<vmem>>
        %dma_wait3A_213 = arith.constant 0 : i32
        %dma_wait3A_214 = arith.constant 0 : i32
        %dma_wait3A_215 = tpu.memref_slice %arg15[%dma_wait3A_213, %dma_wait3A_214] : memref<10240x64xf32, #tpu.memory_space<vmem_shared>> -> memref<10240x64xf32, #tpu.memory_space<vmem_shared>>
        tpu.wait_indirect_dma semaphore(%run_scoped3A : memref<!tpu.dma_semaphore, #tpu.memory_space<semaphore_mem>>) src(%arg11 : memref<128x64xf32, #tpu.memory_space<vmem>>) dst(%dma_wait3A_215 : memref<10240x64xf32, #tpu.memory_space<vmem_shared>>)
        tpu.yield
      }) : () -> ()
      %add3A_196 = arith.constant 3 : i32
      %add3A_197 = arith.addi %mul3A_171, %add3A_196 : i32
      %dma_start3A_198 = arith.constant 0 : i32
      %dma_start3A_199 = tpu.memref_slice %arg8[%add3A_197, %dma_start3A_198] : memref<114x128xi32, #tpu.memory_space<vmem>> -> memref<1x128xi32, #tpu.memory_space<vmem>>
      %dma_start3A_200 = tpu.memref_squeeze %dma_start3A_199 : memref<1x128xi32, #tpu.memory_space<vmem>> -> memref<128xi32, #tpu.memory_space<vmem>>
      %dma_start3A_201 = arith.constant 0 : i32
      %dma_start3A_202 = arith.constant 0 : i32
      %dma_start3A_203 = tpu.memref_slice %arg3[%dma_start3A_201, %dma_start3A_202] : memref<10000x64xf32, #tpu.memory_space<hbm>> -> memref<10000x64xf32, #tpu.memory_space<hbm>>
      tpu.enqueue_indirect_dma source(%dma_start3A_203 : memref<10000x64xf32, #tpu.memory_space<hbm>>) target(%arg11 : memref<128x64xf32, #tpu.memory_space<vmem>>) offsets(%dma_start3A_200 : memref<128xi32, #tpu.memory_space<vmem>>) semaphore(%arg14 : memref<!tpu.dma_semaphore, #tpu.memory_space<semaphore_mem>>)
    }
    %while3A_136 = arith.constant 1 : i32
    scf.for %while3A_169 = %while3A_134 to %while3A_130 step %while3A_136  : i32 {
      %mul3A_170 = arith.constant 2 : i32
      %mul3A_171 = arith.muli %mul3A_170, %while3A_169 : i32
      %dma_wait3A_172 = arith.constant 0 : i32
      %dma_wait3A_173 = tpu.memref_slice %arg8[%mul3A_171, %dma_wait3A_172] : memref<114x128xi32, #tpu.memory_space<vmem>> -> memref<1x128xi32, #tpu.memory_space<vmem>>
      %dma_wait3A_174 = tpu.memref_squeeze %dma_wait3A_173 : memref<1x128xi32, #tpu.memory_space<vmem>> -> memref<128xi32, #tpu.memory_space<vmem>>
      %dma_wait3A_175 = arith.constant 0 : i32
      %dma_wait3A_176 = arith.constant 0 : i32
      %dma_wait3A_177 = tpu.memref_slice %arg3[%dma_wait3A_175, %dma_wait3A_176] : memref<10000x64xf32, #tpu.memory_space<hbm>> -> memref<10000x64xf32, #tpu.memory_space<hbm>>
      tpu.wait_indirect_dma semaphore(%arg13 : memref<!tpu.dma_semaphore, #tpu.memory_space<semaphore_mem>>) src(%dma_wait3A_177 : memref<10000x64xf32, #tpu.memory_space<hbm>>) dst(%arg10 : memref<128x64xf32, #tpu.memory_space<vmem>>)
      "tpu.region"() ({
        %run_scoped3A = tpu.sem_alloc : memref<!tpu.dma_semaphore, #tpu.memory_space<semaphore_mem>>
        %dma_start3A_204 = arith.constant 0 : i32
        %dma_start3A_205 = tpu.memref_slice %arg9[%mul3A_171, %dma_start3A_204] : memref<114x128xi32, #tpu.memory_space<vmem>> -> memref<1x128xi32, #tpu.memory_space<vmem>>
        %dma_start3A_206 = tpu.memref_squeeze %dma_start3A_205 : memref<1x128xi32, #tpu.memory_space<vmem>> -> memref<128xi32, #tpu.memory_space<vmem>>
        %dma_start3A_207 = arith.constant 0 : i32
        %dma_start3A_208 = arith.constant 0 : i32
        %dma_start3A_209 = tpu.memref_slice %arg15[%dma_start3A_207, %dma_start3A_208] : memref<10240x64xf32, #tpu.memory_space<vmem_shared>> -> memref<10240x64xf32, #tpu.memory_space<vmem_shared>>
        tpu.enqueue_indirect_dma source(%arg10 : memref<128x64xf32, #tpu.memory_space<vmem>>) target(%dma_start3A_209 : memref<10240x64xf32, #tpu.memory_space<vmem_shared>>) offsets(%dma_start3A_206 : memref<128xi32, #tpu.memory_space<vmem>>) semaphore(%run_scoped3A : memref<!tpu.dma_semaphore, #tpu.memory_space<semaphore_mem>>) {add = true}
        %dma_wait3A_210 = arith.constant 0 : i32
        %dma_wait3A_211 = tpu.memref_slice %arg9[%mul3A_171, %dma_wait3A_210] : memref<114x128xi32, #tpu.memory_space<vmem>> -> memref<1x128xi32, #tpu.memory_space<vmem>>
        %dma_wait3A_212 = tpu.memref_squeeze %dma_wait3A_211 : memref<1x128xi32, #tpu.memory_space<vmem>> -> memref<128xi32, #tpu.memory_space<vmem>>
        %dma_wait3A_213 = arith.constant 0 : i32
        %dma_wait3A_214 = arith.constant 0 : i32
        %dma_wait3A_215 = tpu.memref_slice %arg15[%dma_wait3A_213, %dma_wait3A_214] : memref<10240x64xf32, #tpu.memory_space<vmem_shared>> -> memref<10240x64xf32, #tpu.memory_space<vmem_shared>>
        tpu.wait_indirect_dma semaphore(%run_scoped3A : memref<!tpu.dma_semaphore, #tpu.memory_space<semaphore_mem>>) src(%arg10 : memref<128x64xf32, #tpu.memory_space<vmem>>) dst(%dma_wait3A_215 : memref<10240x64xf32, #tpu.memory_space<vmem_shared>>)
        tpu.yield
      }) : () -> ()
      %add3A_178 = arith.constant 2 : i32
      %add3A_179 = arith.addi %mul3A_171, %add3A_178 : i32
      %dma_start3A_180 = arith.constant 0 : i32
      %dma_start3A_181 = tpu.memref_slice %arg8[%add3A_179, %dma_start3A_180] : memref<114x128xi32, #tpu.memory_space<vmem>> -> memref<1x128xi32, #tpu.memory_space<vmem>>
      %dma_start3A_182 = tpu.memref_squeeze %dma_start3A_181 : memref<1x128xi32, #tpu.memory_space<vmem>> -> memref<128xi32, #tpu.memory_space<vmem>>
      %dma_start3A_183 = arith.constant 0 : i32
      %dma_start3A_184 = arith.constant 0 : i32
      %dma_start3A_185 = tpu.memref_slice %arg3[%dma_start3A_183, %dma_start3A_184] : memref<10000x64xf32, #tpu.memory_space<hbm>> -> memref<10000x64xf32, #tpu.memory_space<hbm>>
      tpu.enqueue_indirect_dma source(%dma_start3A_185 : memref<10000x64xf32, #tpu.memory_space<hbm>>) target(%arg10 : memref<128x64xf32, #tpu.memory_space<vmem>>) offsets(%dma_start3A_182 : memref<128xi32, #tpu.memory_space<vmem>>) semaphore(%arg13 : memref<!tpu.dma_semaphore, #tpu.memory_space<semaphore_mem>>)
      %add3A_186 = arith.constant 1 : i32
      %add3A_187 = arith.addi %mul3A_171, %add3A_186 : i32
      %dma_wait3A_188 = arith.constant 0 : i32
      %dma_wait3A_189 = tpu.memref_slice %arg8[%add3A_187, %dma_wait3A_188] : memref<114x128xi32, #tpu.memory_space<vmem>> -> memref<1x128xi32, #tpu.memory_space<vmem>>
      %dma_wait3A_190 = tpu.memref_squeeze %dma_wait3A_189 : memref<1x128xi32, #tpu.memory_space<vmem>> -> memref<128xi32, #tpu.memory_space<vmem>>
      %dma_wait3A_191 = arith.constant 0 : i32
      %dma_wait3A_192 = arith.constant 0 : i32
      %dma_wait3A_193 = tpu.memref_slice %arg3[%dma_wait3A_191, %dma_wait3A_192] : memref<10000x64xf32, #tpu.memory_space<hbm>> -> memref<10000x64xf32, #tpu.memory_space<hbm>>
      tpu.wait_indirect_dma semaphore(%arg14 : memref<!tpu.dma_semaphore, #tpu.memory_space<semaphore_mem>>) src(%dma_wait3A_193 : memref<10000x64xf32, #tpu.memory_space<hbm>>) dst(%arg11 : memref<128x64xf32, #tpu.memory_space<vmem>>)
      %add3A_194 = arith.constant 1 : i32
      %add3A_195 = arith.addi %mul3A_171, %add3A_194 : i32
      "tpu.region"() ({
        %run_scoped3A = tpu.sem_alloc : memref<!tpu.dma_semaphore, #tpu.memory_space<semaphore_mem>>
        %dma_start3A_204 = arith.constant 0 : i32
        %dma_start3A_205 = tpu.memref_slice %arg9[%add3A_195, %dma_start3A_204] : memref<114x128xi32, #tpu.memory_space<vmem>> -> memref<1x128xi32, #tpu.memory_space<vmem>>
        %dma_start3A_206 = tpu.memref_squeeze %dma_start3A_205 : memref<1x128xi32, #tpu.memory_space<vmem>> -> memref<128xi32, #tpu.memory_space<vmem>>
        %dma_start3A_207 = arith.constant 0 : i32
        %dma_start3A_208 = arith.constant 0 : i32
        %dma_start3A_209 = tpu.memref_slice %arg15[%dma_start3A_207, %dma_start3A_208] : memref<10240x64xf32, #tpu.memory_space<vmem_shared>> -> memref<10240x64xf32, #tpu.memory_space<vmem_shared>>
        tpu.enqueue_indirect_dma source(%arg11 : memref<128x64xf32, #tpu.memory_space<vmem>>) target(%dma_start3A_209 : memref<10240x64xf32, #tpu.memory_space<vmem_shared>>) offsets(%dma_start3A_206 : memref<128xi32, #tpu.memory_space<vmem>>) semaphore(%run_scoped3A : memref<!tpu.dma_semaphore, #tpu.memory_space<semaphore_mem>>) {add = true}
        %dma_wait3A_210 = arith.constant 0 : i32
        %dma_wait3A_211 = tpu.memref_slice %arg9[%add3A_195, %dma_wait3A_210] : memref<114x128xi32, #tpu.memory_space<vmem>> -> memref<1x128xi32, #tpu.memory_space<vmem>>
        %dma_wait3A_212 = tpu.memref_squeeze %dma_wait3A_211 : memref<1x128xi32, #tpu.memory_space<vmem>> -> memref<128xi32, #tpu.memory_space<vmem>>
        %dma_wait3A_213 = arith.constant 0 : i32
        %dma_wait3A_214 = arith.constant 0 : i32
        %dma_wait3A_215 = tpu.memref_slice %arg15[%dma_wait3A_213, %dma_wait3A_214] : memref<10240x64xf32, #tpu.memory_space<vmem_shared>> -> memref<10240x64xf32, #tpu.memory_space<vmem_shared>>
        tpu.wait_indirect_dma semaphore(%run_scoped3A : memref<!tpu.dma_semaphore, #tpu.memory_space<semaphore_mem>>) src(%arg11 : memref<128x64xf32, #tpu.memory_space<vmem>>) dst(%dma_wait3A_215 : memref<10240x64xf32, #tpu.memory_space<vmem_shared>>)
        tpu.yield
      }) : () -> ()
      %add3A_196 = arith.constant 3 : i32
      %add3A_197 = arith.addi %mul3A_171, %add3A_196 : i32
      %dma_start3A_198 = arith.constant 0 : i32
      %dma_start3A_199 = tpu.memref_slice %arg8[%add3A_197, %dma_start3A_198] : memref<114x128xi32, #tpu.memory_space<vmem>> -> memref<1x128xi32, #tpu.memory_space<vmem>>
      %dma_start3A_200 = tpu.memref_squeeze %dma_start3A_199 : memref<1x128xi32, #tpu.memory_space<vmem>> -> memref<128xi32, #tpu.memory_space<vmem>>
      %dma_start3A_201 = arith.constant 0 : i32
      %dma_start3A_202 = arith.constant 0 : i32
      %dma_start3A_203 = tpu.memref_slice %arg3[%dma_start3A_201, %dma_start3A_202] : memref<10000x64xf32, #tpu.memory_space<hbm>> -> memref<10000x64xf32, #tpu.memory_space<hbm>>
      tpu.enqueue_indirect_dma source(%dma_start3A_203 : memref<10000x64xf32, #tpu.memory_space<hbm>>) target(%arg11 : memref<128x64xf32, #tpu.memory_space<vmem>>) offsets(%dma_start3A_200 : memref<128xi32, #tpu.memory_space<vmem>>) semaphore(%arg14 : memref<!tpu.dma_semaphore, #tpu.memory_space<semaphore_mem>>)
    }
    %sub3A_137 = arith.constant 2 : i32
    %sub3A_138 = arith.subi %select_n3A_8, %sub3A_137 : i32
    %dma_wait3A_139 = arith.constant 0 : i32
    %dma_wait3A_140 = tpu.memref_slice %arg8[%sub3A_138, %dma_wait3A_139] : memref<114x128xi32, #tpu.memory_space<vmem>> -> memref<1x128xi32, #tpu.memory_space<vmem>>
    %dma_wait3A_141 = tpu.memref_squeeze %dma_wait3A_140 : memref<1x128xi32, #tpu.memory_space<vmem>> -> memref<128xi32, #tpu.memory_space<vmem>>
    %dma_wait3A_142 = arith.constant 0 : i32
    %dma_wait3A_143 = arith.constant 0 : i32
    %dma_wait3A_144 = tpu.memref_slice %arg3[%dma_wait3A_142, %dma_wait3A_143] : memref<10000x64xf32, #tpu.memory_space<hbm>> -> memref<10000x64xf32, #tpu.memory_space<hbm>>
    tpu.wait_indirect_dma semaphore(%arg13 : memref<!tpu.dma_semaphore, #tpu.memory_space<semaphore_mem>>) src(%dma_wait3A_144 : memref<10000x64xf32, #tpu.memory_space<hbm>>) dst(%arg10 : memref<128x64xf32, #tpu.memory_space<vmem>>)
    %sub3A_145 = arith.constant 2 : i32
    %sub3A_146 = arith.subi %select_n3A_8, %sub3A_145 : i32
    "tpu.region"() ({
      %run_scoped3A = tpu.sem_alloc : memref<!tpu.dma_semaphore, #tpu.memory_space<semaphore_mem>>
      %dma_start3A_169 = arith.constant 0 : i32
      %dma_start3A_170 = tpu.memref_slice %arg9[%sub3A_146, %dma_start3A_169] : memref<114x128xi32, #tpu.memory_space<vmem>> -> memref<1x128xi32, #tpu.memory_space<vmem>>
      %dma_start3A_171 = tpu.memref_squeeze %dma_start3A_170 : memref<1x128xi32, #tpu.memory_space<vmem>> -> memref<128xi32, #tpu.memory_space<vmem>>
      %dma_start3A_172 = arith.constant 0 : i32
      %dma_start3A_173 = arith.constant 0 : i32
      %dma_start3A_174 = tpu.memref_slice %arg15[%dma_start3A_172, %dma_start3A_173] : memref<10240x64xf32, #tpu.memory_space<vmem_shared>> -> memref<10240x64xf32, #tpu.memory_space<vmem_shared>>
      tpu.enqueue_indirect_dma source(%arg10 : memref<128x64xf32, #tpu.memory_space<vmem>>) target(%dma_start3A_174 : memref<10240x64xf32, #tpu.memory_space<vmem_shared>>) offsets(%dma_start3A_171 : memref<128xi32, #tpu.memory_space<vmem>>) semaphore(%run_scoped3A : memref<!tpu.dma_semaphore, #tpu.memory_space<semaphore_mem>>) {add = true}
      %dma_wait3A_175 = arith.constant 0 : i32
      %dma_wait3A_176 = tpu.memref_slice %arg9[%sub3A_146, %dma_wait3A_175] : memref<114x128xi32, #tpu.memory_space<vmem>> -> memref<1x128xi32, #tpu.memory_space<vmem>>
      %dma_wait3A_177 = tpu.memref_squeeze %dma_wait3A_176 : memref<1x128xi32, #tpu.memory_space<vmem>> -> memref<128xi32, #tpu.memory_space<vmem>>
      %dma_wait3A_178 = arith.constant 0 : i32
      %dma_wait3A_179 = arith.constant 0 : i32
      %dma_wait3A_180 = tpu.memref_slice %arg15[%dma_wait3A_178, %dma_wait3A_179] : memref<10240x64xf32, #tpu.memory_space<vmem_shared>> -> memref<10240x64xf32, #tpu.memory_space<vmem_shared>>
      tpu.wait_indirect_dma semaphore(%run_scoped3A : memref<!tpu.dma_semaphore, #tpu.memory_space<semaphore_mem>>) src(%arg10 : memref<128x64xf32, #tpu.memory_space<vmem>>) dst(%dma_wait3A_180 : memref<10240x64xf32, #tpu.memory_space<vmem_shared>>)
      tpu.yield
    }) : () -> ()
    %sub3A_147 = arith.constant 1 : i32
    %sub3A_148 = arith.subi %select_n3A_8, %sub3A_147 : i32
    %dma_wait3A_149 = arith.constant 0 : i32
    %dma_wait3A_150 = tpu.memref_slice %arg8[%sub3A_148, %dma_wait3A_149] : memref<114x128xi32, #tpu.memory_space<vmem>> -> memref<1x128xi32, #tpu.memory_space<vmem>>
    %dma_wait3A_151 = tpu.memref_squeeze %dma_wait3A_150 : memref<1x128xi32, #tpu.memory_space<vmem>> -> memref<128xi32, #tpu.memory_space<vmem>>
    %dma_wait3A_152 = arith.constant 0 : i32
    %dma_wait3A_153 = arith.constant 0 : i32
    %dma_wait3A_154 = tpu.memref_slice %arg3[%dma_wait3A_152, %dma_wait3A_153] : memref<10000x64xf32, #tpu.memory_space<hbm>> -> memref<10000x64xf32, #tpu.memory_space<hbm>>
    tpu.wait_indirect_dma semaphore(%arg14 : memref<!tpu.dma_semaphore, #tpu.memory_space<semaphore_mem>>) src(%dma_wait3A_154 : memref<10000x64xf32, #tpu.memory_space<hbm>>) dst(%arg11 : memref<128x64xf32, #tpu.memory_space<vmem>>)
    %sub3A_155 = arith.constant 1 : i32
    %sub3A_156 = arith.subi %select_n3A_8, %sub3A_155 : i32
    "tpu.region"() ({
      %run_scoped3A = tpu.sem_alloc : memref<!tpu.dma_semaphore, #tpu.memory_space<semaphore_mem>>
      %dma_start3A_169 = arith.constant 0 : i32
      %dma_start3A_170 = tpu.memref_slice %arg9[%sub3A_156, %dma_start3A_169] : memref<114x128xi32, #tpu.memory_space<vmem>> -> memref<1x128xi32, #tpu.memory_space<vmem>>
      %dma_start3A_171 = tpu.memref_squeeze %dma_start3A_170 : memref<1x128xi32, #tpu.memory_space<vmem>> -> memref<128xi32, #tpu.memory_space<vmem>>
      %dma_start3A_172 = arith.constant 0 : i32
      %dma_start3A_173 = arith.constant 0 : i32
      %dma_start3A_174 = tpu.memref_slice %arg15[%dma_start3A_172, %dma_start3A_173] : memref<10240x64xf32, #tpu.memory_space<vmem_shared>> -> memref<10240x64xf32, #tpu.memory_space<vmem_shared>>
      tpu.enqueue_indirect_dma source(%arg11 : memref<128x64xf32, #tpu.memory_space<vmem>>) target(%dma_start3A_174 : memref<10240x64xf32, #tpu.memory_space<vmem_shared>>) offsets(%dma_start3A_171 : memref<128xi32, #tpu.memory_space<vmem>>) semaphore(%run_scoped3A : memref<!tpu.dma_semaphore, #tpu.memory_space<semaphore_mem>>) {add = true}
      %dma_wait3A_175 = arith.constant 0 : i32
      %dma_wait3A_176 = tpu.memref_slice %arg9[%sub3A_156, %dma_wait3A_175] : memref<114x128xi32, #tpu.memory_space<vmem>> -> memref<1x128xi32, #tpu.memory_space<vmem>>
      %dma_wait3A_177 = tpu.memref_squeeze %dma_wait3A_176 : memref<1x128xi32, #tpu.memory_space<vmem>> -> memref<128xi32, #tpu.memory_space<vmem>>
      %dma_wait3A_178 = arith.constant 0 : i32
      %dma_wait3A_179 = arith.constant 0 : i32
      %dma_wait3A_180 = tpu.memref_slice %arg15[%dma_wait3A_178, %dma_wait3A_179] : memref<10240x64xf32, #tpu.memory_space<vmem_shared>> -> memref<10240x64xf32, #tpu.memory_space<vmem_shared>>
      tpu.wait_indirect_dma semaphore(%run_scoped3A : memref<!tpu.dma_semaphore, #tpu.memory_space<semaphore_mem>>) src(%arg11 : memref<128x64xf32, #tpu.memory_space<vmem>>) dst(%dma_wait3A_180 : memref<10240x64xf32, #tpu.memory_space<vmem_shared>>)
      tpu.yield
    }) : () -> ()
    %barrier3A_157 = arith.constant 0 : index
    tpu.barrier barrier_id(%barrier3A_157)
    %mul3A_158 = arith.constant 2 : i32
    %mul3A_159 = arith.muli %arg0, %mul3A_158 : i32
    %add3A_160 = arith.constant 1 : i32
    %add3A_161 = arith.addi %mul3A_159, %add3A_160 : i32
    %mul3A_162 = arith.constant 10240 : i32
    %mul3A_163 = arith.muli %add3A_161, %mul3A_162 : i32
    %mul3A_164 = arith.constant 640 : i32
    %mul3A_165 = arith.muli %arg1, %mul3A_164 : i32
    %add3A_166 = arith.addi %mul3A_163, %mul3A_165 : i32
    %mul3A_167 = arith.constant 640 : i32
    %mul3A_168 = arith.muli %arg1, %mul3A_167 : i32
    "tpu.region"() ({
      %run_scoped3A = tpu.sem_alloc : memref<!tpu.dma_semaphore, #tpu.memory_space<semaphore_mem>>
      %dma_start3A_169 = arith.constant 0 : i32
      %dma_start3A_170 = tpu.memref_slice %arg15[%mul3A_168, %dma_start3A_169] : memref<10240x64xf32, #tpu.memory_space<vmem_shared>> -> memref<640x64xf32, #tpu.memory_space<vmem_shared>>
      %dma_start3A_171 = arith.constant 0 : i32
      %dma_start3A_172 = tpu.memref_slice %arg15[%mul3A_168, %dma_start3A_171] : memref<10240x64xf32, #tpu.memory_space<vmem_shared>> -> memref<640x64xf32, #tpu.memory_space<vmem_shared>>
      tpu.enqueue_dma source(%dma_start3A_172 : memref<640x64xf32, #tpu.memory_space<vmem_shared>>) target(%arg12 : memref<640x64xf32, #tpu.memory_space<vmem>>) target_semaphore(%run_scoped3A : memref<!tpu.dma_semaphore, #tpu.memory_space<semaphore_mem>>)
      %dma_wait3A_173 = arith.constant 0 : i32
      %dma_wait3A_174 = tpu.memref_slice %arg15[%mul3A_168, %dma_wait3A_173] : memref<10240x64xf32, #tpu.memory_space<vmem_shared>> -> memref<640x64xf32, #tpu.memory_space<vmem_shared>>
      %dma_wait3A_175 = arith.constant 0 : i32
      %dma_wait3A_176 = tpu.memref_slice %arg15[%mul3A_168, %dma_wait3A_175] : memref<10240x64xf32, #tpu.memory_space<vmem_shared>> -> memref<640x64xf32, #tpu.memory_space<vmem_shared>>
      tpu.wait_dma2 semaphore(%run_scoped3A : memref<!tpu.dma_semaphore, #tpu.memory_space<semaphore_mem>>) src(%dma_wait3A_176 : memref<640x64xf32, #tpu.memory_space<vmem_shared>>) dst(%arg12 : memref<640x64xf32, #tpu.memory_space<vmem>>)
      tpu.yield
    }) : () -> ()
    "tpu.region"() ({
      %run_scoped3A = tpu.sem_alloc : memref<!tpu.dma_semaphore, #tpu.memory_space<semaphore_mem>>
      %dma_start3A_169 = arith.constant 0 : i32
      %dma_start3A_170 = tpu.memref_slice %arg7[%add3A_166, %dma_start3A_169] : memref<40960x64xf32, #tpu.memory_space<hbm>> -> memref<640x64xf32, #tpu.memory_space<hbm>>
      %dma_start3A_171 = arith.constant 0 : i32
      %dma_start3A_172 = tpu.memref_slice %arg7[%add3A_166, %dma_start3A_171] : memref<40960x64xf32, #tpu.memory_space<hbm>> -> memref<640x64xf32, #tpu.memory_space<hbm>>
      tpu.enqueue_dma source(%arg12 : memref<640x64xf32, #tpu.memory_space<vmem>>) target(%dma_start3A_172 : memref<640x64xf32, #tpu.memory_space<hbm>>) target_semaphore(%run_scoped3A : memref<!tpu.dma_semaphore, #tpu.memory_space<semaphore_mem>>)
      %dma_wait3A_173 = arith.constant 0 : i32
      %dma_wait3A_174 = tpu.memref_slice %arg7[%add3A_166, %dma_wait3A_173] : memref<40960x64xf32, #tpu.memory_space<hbm>> -> memref<640x64xf32, #tpu.memory_space<hbm>>
      %dma_wait3A_175 = arith.constant 0 : i32
      %dma_wait3A_176 = tpu.memref_slice %arg7[%add3A_166, %dma_wait3A_175] : memref<40960x64xf32, #tpu.memory_space<hbm>> -> memref<640x64xf32, #tpu.memory_space<hbm>>
      tpu.wait_dma2 semaphore(%run_scoped3A : memref<!tpu.dma_semaphore, #tpu.memory_space<semaphore_mem>>) src(%arg12 : memref<640x64xf32, #tpu.memory_space<vmem>>) dst(%dma_wait3A_176 : memref<640x64xf32, #tpu.memory_space<hbm>>)
      tpu.yield
    }) : () -> ()
    return
  }
}

#map = affine_map<(d0, d1) -> (0, 0)>
module attributes {stable_mosaic.version = 14 : i64} {
  func.func @sc_sage_aggregate(%arg0: i32, %arg1: i32, %arg2: memref<10000x64xf32, #tpu.memory_space<hbm>>, %arg3: memref<10000x64xf32, #tpu.memory_space<hbm>>, %arg4: memref<2628x128xi32, #tpu.memory_space<hbm>>, %arg5: memref<2628x128xi32, #tpu.memory_space<hbm>>, %arg6: memref<640x64xf32, #tpu.memory_space<hbm>>, %arg7: memref<40960x64xf32, #tpu.memory_space<hbm>>, %arg8: memref<114x128xi32, #tpu.memory_space<vmem>>, %arg9: memref<114x128xi32, #tpu.memory_space<vmem>>, %arg10: memref<128x64xf32, #tpu.memory_space<vmem>>, %arg11: memref<128x64xf32, #tpu.memory_space<vmem>>, %arg12: memref<640x64xf32, #tpu.memory_space<vmem>>, %arg13: memref<!tpu.dma_semaphore, #tpu.memory_space<semaphore_mem>>, %arg14: memref<!tpu.dma_semaphore, #tpu.memory_space<semaphore_mem>>, %arg15: memref<10240x64xf32, #tpu.memory_space<vmem_shared>>) attributes {dimension_semantics = [#tpu.dimension_semantics<core_parallel>, #tpu.dimension_semantics<subcore_parallel>], iteration_bounds = array<i64: 2, 16>, scalar_prefetch = 0 : i64, scratch_operands = 8 : i64, tpu.core_type = #tpu.core_type<sc_vector_subcore>, window_params = [{transform_indices = #map}, {transform_indices = #map}, {transform_indices = #map}, {transform_indices = #map}, {transform_indices = #map}, {transform_indices = #map}]} {
    %eq3A = arith.constant 0 : i32
    %eq3A_0 = arith.cmpi eq, %arg0, %eq3A : i32
    %mul3A = arith.constant 114 : i32
    %mul3A_1 = arith.muli %arg1, %mul3A : i32
    %mul3A_2 = arith.constant 46 : i32
    %mul3A_3 = arith.muli %arg1, %mul3A_2 : i32
    %add3A = arith.constant 1824 : i32
    %add3A_4 = arith.addi %add3A, %mul3A_3 : i32
    %select_n3A = arith.select %eq3A_0, %mul3A_1, %add3A_4 : i32
    %eq3A_5 = arith.constant 0 : i32
    %eq3A_6 = arith.cmpi eq, %arg0, %eq3A_5 : i32
    %jit3A = arith.constant 114 : i32
    %jit3A_7 = arith.constant 46 : i32
    %select_n3A_8 = arith.select %eq3A_6, %jit3A, %jit3A_7 : i32
    "tpu.region"() ({
      %run_scoped3A = tpu.sem_alloc : memref<!tpu.dma_semaphore, #tpu.memory_space<semaphore_mem>>
      %dma_start3A_169 = arith.constant 0 : i32
      %dma_start3A_170 = tpu.memref_slice %arg4[%select_n3A, %dma_start3A_169] : memref<2628x128xi32, #tpu.memory_space<hbm>> -> memref<114x128xi32, #tpu.memory_space<hbm>>
      %dma_start3A_171 = arith.constant 0 : i32
      %dma_start3A_172 = tpu.memref_slice %arg4[%select_n3A, %dma_start3A_171] : memref<2628x128xi32, #tpu.memory_space<hbm>> -> memref<114x128xi32, #tpu.memory_space<hbm>>
      tpu.enqueue_dma source(%dma_start3A_172 : memref<114x128xi32, #tpu.memory_space<hbm>>) target(%arg8 : memref<114x128xi32, #tpu.memory_space<vmem>>) target_semaphore(%run_scoped3A : memref<!tpu.dma_semaphore, #tpu.memory_space<semaphore_mem>>)
      %dma_wait3A_173 = arith.constant 0 : i32
      %dma_wait3A_174 = tpu.memref_slice %arg4[%select_n3A, %dma_wait3A_173] : memref<2628x128xi32, #tpu.memory_space<hbm>> -> memref<114x128xi32, #tpu.memory_space<hbm>>
      %dma_wait3A_175 = arith.constant 0 : i32
      %dma_wait3A_176 = tpu.memref_slice %arg4[%select_n3A, %dma_wait3A_175] : memref<2628x128xi32, #tpu.memory_space<hbm>> -> memref<114x128xi32, #tpu.memory_space<hbm>>
      tpu.wait_dma2 semaphore(%run_scoped3A : memref<!tpu.dma_semaphore, #tpu.memory_space<semaphore_mem>>) src(%dma_wait3A_176 : memref<114x128xi32, #tpu.memory_space<hbm>>) dst(%arg8 : memref<114x128xi32, #tpu.memory_space<vmem>>)
      tpu.yield
    }) : () -> ()
    "tpu.region"() ({
      %run_scoped3A = tpu.sem_alloc : memref<!tpu.dma_semaphore, #tpu.memory_space<semaphore_mem>>
      %dma_start3A_169 = arith.constant 0 : i32
      %dma_start3A_170 = tpu.memref_slice %arg5[%select_n3A, %dma_start3A_169] : memref<2628x128xi32, #tpu.memory_space<hbm>> -> memref<114x128xi32, #tpu.memory_space<hbm>>
      %dma_start3A_171 = arith.constant 0 : i32
      %dma_start3A_172 = tpu.memref_slice %arg5[%select_n3A, %dma_start3A_171] : memref<2628x128xi32, #tpu.memory_space<hbm>> -> memref<114x128xi32, #tpu.memory_space<hbm>>
      tpu.enqueue_dma source(%dma_start3A_172 : memref<114x128xi32, #tpu.memory_space<hbm>>) target(%arg9 : memref<114x128xi32, #tpu.memory_space<vmem>>) target_semaphore(%run_scoped3A : memref<!tpu.dma_semaphore, #tpu.memory_space<semaphore_mem>>)
      %dma_wait3A_173 = arith.constant 0 : i32
      %dma_wait3A_174 = tpu.memref_slice %arg5[%select_n3A, %dma_wait3A_173] : memref<2628x128xi32, #tpu.memory_space<hbm>> -> memref<114x128xi32, #tpu.memory_space<hbm>>
      %dma_wait3A_175 = arith.constant 0 : i32
      %dma_wait3A_176 = tpu.memref_slice %arg5[%select_n3A, %dma_wait3A_175] : memref<2628x128xi32, #tpu.memory_space<hbm>> -> memref<114x128xi32, #tpu.memory_space<hbm>>
      tpu.wait_dma2 semaphore(%run_scoped3A : memref<!tpu.dma_semaphore, #tpu.memory_space<semaphore_mem>>) src(%dma_wait3A_176 : memref<114x128xi32, #tpu.memory_space<hbm>>) dst(%arg9 : memref<114x128xi32, #tpu.memory_space<vmem>>)
      tpu.yield
    }) : () -> ()
    "tpu.region"() ({
      %run_scoped3A = tpu.sem_alloc : memref<!tpu.dma_semaphore, #tpu.memory_space<semaphore_mem>>
      tpu.enqueue_dma source(%arg6 : memref<640x64xf32, #tpu.memory_space<hbm>>) target(%arg12 : memref<640x64xf32, #tpu.memory_space<vmem>>) target_semaphore(%run_scoped3A : memref<!tpu.dma_semaphore, #tpu.memory_space<semaphore_mem>>)
      tpu.wait_dma2 semaphore(%run_scoped3A : memref<!tpu.dma_semaphore, #tpu.memory_space<semaphore_mem>>) src(%arg6 : memref<640x64xf32, #tpu.memory_space<hbm>>) dst(%arg12 : memref<640x64xf32, #tpu.memory_space<vmem>>)
      tpu.yield
    }) : () -> ()
    %mul3A_9 = arith.constant 640 : i32
    %mul3A_10 = arith.muli %arg1, %mul3A_9 : i32
    "tpu.region"() ({
      %run_scoped3A = tpu.sem_alloc : memref<!tpu.dma_semaphore, #tpu.memory_space<semaphore_mem>>
      %dma_start3A_169 = arith.constant 0 : i32
      %dma_start3A_170 = tpu.memref_slice %arg15[%mul3A_10, %dma_start3A_169] : memref<10240x64xf32, #tpu.memory_space<vmem_shared>> -> memref<640x64xf32, #tpu.memory_space<vmem_shared>>
      %dma_start3A_171 = arith.constant 0 : i32
      %dma_start3A_172 = tpu.memref_slice %arg15[%mul3A_10, %dma_start3A_171] : memref<10240x64xf32, #tpu.memory_space<vmem_shared>> -> memref<640x64xf32, #tpu.memory_space<vmem_shared>>
      tpu.enqueue_dma source(%arg12 : memref<640x64xf32, #tpu.memory_space<vmem>>) target(%dma_start3A_172 : memref<640x64xf32, #tpu.memory_space<vmem_shared>>) target_semaphore(%run_scoped3A : memref<!tpu.dma_semaphore, #tpu.memory_space<semaphore_mem>>)
      %dma_wait3A_173 = arith.constant 0 : i32
      %dma_wait3A_174 = tpu.memref_slice %arg15[%mul3A_10, %dma_wait3A_173] : memref<10240x64xf32, #tpu.memory_space<vmem_shared>> -> memref<640x64xf32, #tpu.memory_space<vmem_shared>>
      %dma_wait3A_175 = arith.constant 0 : i32
      %dma_wait3A_176 = tpu.memref_slice %arg15[%mul3A_10, %dma_wait3A_175] : memref<10240x64xf32, #tpu.memory_space<vmem_shared>> -> memref<640x64xf32, #tpu.memory_space<vmem_shared>>
      tpu.wait_dma2 semaphore(%run_scoped3A : memref<!tpu.dma_semaphore, #tpu.memory_space<semaphore_mem>>) src(%arg12 : memref<640x64xf32, #tpu.memory_space<vmem>>) dst(%dma_wait3A_176 : memref<640x64xf32, #tpu.memory_space<vmem_shared>>)
      tpu.yield
    }) : () -> ()
    %dma_start3A = arith.constant 0 : i32
    %dma_start3A_11 = arith.constant 0 : i32
    %dma_start3A_12 = tpu.memref_slice %arg8[%dma_start3A, %dma_start3A_11] : memref<114x128xi32, #tpu.memory_space<vmem>> -> memref<1x128xi32, #tpu.memory_space<vmem>>
    %dma_start3A_13 = tpu.memref_squeeze %dma_start3A_12 : memref<1x128xi32, #tpu.memory_space<vmem>> -> memref<128xi32, #tpu.memory_space<vmem>>
    %dma_start3A_14 = arith.constant 0 : i32
    %dma_start3A_15 = arith.constant 0 : i32
    %dma_start3A_16 = tpu.memref_slice %arg2[%dma_start3A_14, %dma_start3A_15] : memref<10000x64xf32, #tpu.memory_space<hbm>> -> memref<10000x64xf32, #tpu.memory_space<hbm>>
    tpu.enqueue_indirect_dma source(%dma_start3A_16 : memref<10000x64xf32, #tpu.memory_space<hbm>>) target(%arg10 : memref<128x64xf32, #tpu.memory_space<vmem>>) offsets(%dma_start3A_13 : memref<128xi32, #tpu.memory_space<vmem>>) semaphore(%arg13 : memref<!tpu.dma_semaphore, #tpu.memory_space<semaphore_mem>>)
    %dma_start3A_17 = arith.constant 1 : i32
    %dma_start3A_18 = arith.constant 0 : i32
    %dma_start3A_19 = tpu.memref_slice %arg8[%dma_start3A_17, %dma_start3A_18] : memref<114x128xi32, #tpu.memory_space<vmem>> -> memref<1x128xi32, #tpu.memory_space<vmem>>
    %dma_start3A_20 = tpu.memref_squeeze %dma_start3A_19 : memref<1x128xi32, #tpu.memory_space<vmem>> -> memref<128xi32, #tpu.memory_space<vmem>>
    %dma_start3A_21 = arith.constant 0 : i32
    %dma_start3A_22 = arith.constant 0 : i32
    %dma_start3A_23 = tpu.memref_slice %arg2[%dma_start3A_21, %dma_start3A_22] : memref<10000x64xf32, #tpu.memory_space<hbm>> -> memref<10000x64xf32, #tpu.memory_space<hbm>>
    tpu.enqueue_indirect_dma source(%dma_start3A_23 : memref<10000x64xf32, #tpu.memory_space<hbm>>) target(%arg11 : memref<128x64xf32, #tpu.memory_space<vmem>>) offsets(%dma_start3A_20 : memref<128xi32, #tpu.memory_space<vmem>>) semaphore(%arg14 : memref<!tpu.dma_semaphore, #tpu.memory_space<semaphore_mem>>)
    %barrier3A = arith.constant 0 : index
    tpu.barrier barrier_id(%barrier3A)
    %sub3A = arith.constant 2 : i32
    %sub3A_24 = arith.subi %select_n3A_8, %sub3A : i32
    %jit3A_25 = arith.constant 2 : i32
    %div3A = arith.divsi %sub3A_24, %jit3A_25 : i32
    %sign3A = arith.constant 0 : i32
    %sign3A_26 = arith.cmpi sgt, %sub3A_24, %sign3A : i32
    %sign3A_27 = arith.extui %sign3A_26 : i1 to i32
    %sign3A_28 = arith.constant 0 : i32
    %sign3A_29 = arith.cmpi slt, %sub3A_24, %sign3A_28 : i32
    %sign3A_30 = arith.extui %sign3A_29 : i1 to i32
    %sign3A_31 = arith.subi %sign3A_27, %sign3A_30 : i32
    %sign3A_32 = arith.constant 0 : i32
    %sign3A_33 = arith.cmpi sgt, %jit3A_25, %sign3A_32 : i32
    %sign3A_34 = arith.extui %sign3A_33 : i1 to i32
    %sign3A_35 = arith.constant 0 : i32
    %sign3A_36 = arith.cmpi slt, %jit3A_25, %sign3A_35 : i32
    %sign3A_37 = arith.extui %sign3A_36 : i1 to i32
    %sign3A_38 = arith.subi %sign3A_34, %sign3A_37 : i32
    %ne3A = arith.cmpi ne, %sign3A_31, %sign3A_38 : i32
    %rem3A = arith.remsi %sub3A_24, %jit3A_25 : i32
    %ne3A_39 = arith.constant 0 : i32
    %ne3A_40 = arith.cmpi ne, %rem3A, %ne3A_39 : i32
    %and3A = arith.andi %ne3A, %ne3A_40 : i1
    %sub3A_41 = arith.constant 1 : i32
    %sub3A_42 = arith.subi %div3A, %sub3A_41 : i32
    %select_n3A_43 = arith.select %and3A, %sub3A_42, %div3A : i32
    %while3A = arith.constant 0 : i32
    %while3A_44 = arith.constant 0 : i32
    %while3A_45 = arith.subi %select_n3A_43, %while3A_44 : i32
    %while3A_46 = arith.addi %while3A_44, %while3A_45 : i32
    %while3A_47 = arith.constant 1 : i32
    %while3A_48 = arith.divsi %while3A_45, %while3A_47 : i32
    %while3A_49 = arith.muli %while3A_48, %while3A_47 : i32
    %while3A_50 = arith.addi %while3A_44, %while3A_49 : i32
    %while3A_51 = arith.constant 1 : i32
    scf.for %while3A_169 = %while3A_44 to %while3A_50 step %while3A_51  : i32 {
      %mul3A_170 = arith.constant 2 : i32
      %mul3A_171 = arith.muli %mul3A_170, %while3A_169 : i32
      %dma_wait3A_172 = arith.constant 0 : i32
      %dma_wait3A_173 = tpu.memref_slice %arg8[%mul3A_171, %dma_wait3A_172] : memref<114x128xi32, #tpu.memory_space<vmem>> -> memref<1x128xi32, #tpu.memory_space<vmem>>
      %dma_wait3A_174 = tpu.memref_squeeze %dma_wait3A_173 : memref<1x128xi32, #tpu.memory_space<vmem>> -> memref<128xi32, #tpu.memory_space<vmem>>
      %dma_wait3A_175 = arith.constant 0 : i32
      %dma_wait3A_176 = arith.constant 0 : i32
      %dma_wait3A_177 = tpu.memref_slice %arg2[%dma_wait3A_175, %dma_wait3A_176] : memref<10000x64xf32, #tpu.memory_space<hbm>> -> memref<10000x64xf32, #tpu.memory_space<hbm>>
      tpu.wait_indirect_dma semaphore(%arg13 : memref<!tpu.dma_semaphore, #tpu.memory_space<semaphore_mem>>) src(%dma_wait3A_177 : memref<10000x64xf32, #tpu.memory_space<hbm>>) dst(%arg10 : memref<128x64xf32, #tpu.memory_space<vmem>>)
      "tpu.region"() ({
        %run_scoped3A = tpu.sem_alloc : memref<!tpu.dma_semaphore, #tpu.memory_space<semaphore_mem>>
        %dma_start3A_204 = arith.constant 0 : i32
        %dma_start3A_205 = tpu.memref_slice %arg9[%mul3A_171, %dma_start3A_204] : memref<114x128xi32, #tpu.memory_space<vmem>> -> memref<1x128xi32, #tpu.memory_space<vmem>>
        %dma_start3A_206 = tpu.memref_squeeze %dma_start3A_205 : memref<1x128xi32, #tpu.memory_space<vmem>> -> memref<128xi32, #tpu.memory_space<vmem>>
        %dma_start3A_207 = arith.constant 0 : i32
        %dma_start3A_208 = arith.constant 0 : i32
        %dma_start3A_209 = tpu.memref_slice %arg15[%dma_start3A_207, %dma_start3A_208] : memref<10240x64xf32, #tpu.memory_space<vmem_shared>> -> memref<10240x64xf32, #tpu.memory_space<vmem_shared>>
        tpu.enqueue_indirect_dma source(%arg10 : memref<128x64xf32, #tpu.memory_space<vmem>>) target(%dma_start3A_209 : memref<10240x64xf32, #tpu.memory_space<vmem_shared>>) offsets(%dma_start3A_206 : memref<128xi32, #tpu.memory_space<vmem>>) semaphore(%run_scoped3A : memref<!tpu.dma_semaphore, #tpu.memory_space<semaphore_mem>>) {add = true}
        %dma_wait3A_210 = arith.constant 0 : i32
        %dma_wait3A_211 = tpu.memref_slice %arg9[%mul3A_171, %dma_wait3A_210] : memref<114x128xi32, #tpu.memory_space<vmem>> -> memref<1x128xi32, #tpu.memory_space<vmem>>
        %dma_wait3A_212 = tpu.memref_squeeze %dma_wait3A_211 : memref<1x128xi32, #tpu.memory_space<vmem>> -> memref<128xi32, #tpu.memory_space<vmem>>
        %dma_wait3A_213 = arith.constant 0 : i32
        %dma_wait3A_214 = arith.constant 0 : i32
        %dma_wait3A_215 = tpu.memref_slice %arg15[%dma_wait3A_213, %dma_wait3A_214] : memref<10240x64xf32, #tpu.memory_space<vmem_shared>> -> memref<10240x64xf32, #tpu.memory_space<vmem_shared>>
        tpu.wait_indirect_dma semaphore(%run_scoped3A : memref<!tpu.dma_semaphore, #tpu.memory_space<semaphore_mem>>) src(%arg10 : memref<128x64xf32, #tpu.memory_space<vmem>>) dst(%dma_wait3A_215 : memref<10240x64xf32, #tpu.memory_space<vmem_shared>>)
        tpu.yield
      }) : () -> ()
      %add3A_178 = arith.constant 2 : i32
      %add3A_179 = arith.addi %mul3A_171, %add3A_178 : i32
      %dma_start3A_180 = arith.constant 0 : i32
      %dma_start3A_181 = tpu.memref_slice %arg8[%add3A_179, %dma_start3A_180] : memref<114x128xi32, #tpu.memory_space<vmem>> -> memref<1x128xi32, #tpu.memory_space<vmem>>
      %dma_start3A_182 = tpu.memref_squeeze %dma_start3A_181 : memref<1x128xi32, #tpu.memory_space<vmem>> -> memref<128xi32, #tpu.memory_space<vmem>>
      %dma_start3A_183 = arith.constant 0 : i32
      %dma_start3A_184 = arith.constant 0 : i32
      %dma_start3A_185 = tpu.memref_slice %arg2[%dma_start3A_183, %dma_start3A_184] : memref<10000x64xf32, #tpu.memory_space<hbm>> -> memref<10000x64xf32, #tpu.memory_space<hbm>>
      tpu.enqueue_indirect_dma source(%dma_start3A_185 : memref<10000x64xf32, #tpu.memory_space<hbm>>) target(%arg10 : memref<128x64xf32, #tpu.memory_space<vmem>>) offsets(%dma_start3A_182 : memref<128xi32, #tpu.memory_space<vmem>>) semaphore(%arg13 : memref<!tpu.dma_semaphore, #tpu.memory_space<semaphore_mem>>)
      %add3A_186 = arith.constant 1 : i32
      %add3A_187 = arith.addi %mul3A_171, %add3A_186 : i32
      %dma_wait3A_188 = arith.constant 0 : i32
      %dma_wait3A_189 = tpu.memref_slice %arg8[%add3A_187, %dma_wait3A_188] : memref<114x128xi32, #tpu.memory_space<vmem>> -> memref<1x128xi32, #tpu.memory_space<vmem>>
      %dma_wait3A_190 = tpu.memref_squeeze %dma_wait3A_189 : memref<1x128xi32, #tpu.memory_space<vmem>> -> memref<128xi32, #tpu.memory_space<vmem>>
      %dma_wait3A_191 = arith.constant 0 : i32
      %dma_wait3A_192 = arith.constant 0 : i32
      %dma_wait3A_193 = tpu.memref_slice %arg2[%dma_wait3A_191, %dma_wait3A_192] : memref<10000x64xf32, #tpu.memory_space<hbm>> -> memref<10000x64xf32, #tpu.memory_space<hbm>>
      tpu.wait_indirect_dma semaphore(%arg14 : memref<!tpu.dma_semaphore, #tpu.memory_space<semaphore_mem>>) src(%dma_wait3A_193 : memref<10000x64xf32, #tpu.memory_space<hbm>>) dst(%arg11 : memref<128x64xf32, #tpu.memory_space<vmem>>)
      %add3A_194 = arith.constant 1 : i32
      %add3A_195 = arith.addi %mul3A_171, %add3A_194 : i32
      "tpu.region"() ({
        %run_scoped3A = tpu.sem_alloc : memref<!tpu.dma_semaphore, #tpu.memory_space<semaphore_mem>>
        %dma_start3A_204 = arith.constant 0 : i32
        %dma_start3A_205 = tpu.memref_slice %arg9[%add3A_195, %dma_start3A_204] : memref<114x128xi32, #tpu.memory_space<vmem>> -> memref<1x128xi32, #tpu.memory_space<vmem>>
        %dma_start3A_206 = tpu.memref_squeeze %dma_start3A_205 : memref<1x128xi32, #tpu.memory_space<vmem>> -> memref<128xi32, #tpu.memory_space<vmem>>
        %dma_start3A_207 = arith.constant 0 : i32
        %dma_start3A_208 = arith.constant 0 : i32
        %dma_start3A_209 = tpu.memref_slice %arg15[%dma_start3A_207, %dma_start3A_208] : memref<10240x64xf32, #tpu.memory_space<vmem_shared>> -> memref<10240x64xf32, #tpu.memory_space<vmem_shared>>
        tpu.enqueue_indirect_dma source(%arg11 : memref<128x64xf32, #tpu.memory_space<vmem>>) target(%dma_start3A_209 : memref<10240x64xf32, #tpu.memory_space<vmem_shared>>) offsets(%dma_start3A_206 : memref<128xi32, #tpu.memory_space<vmem>>) semaphore(%run_scoped3A : memref<!tpu.dma_semaphore, #tpu.memory_space<semaphore_mem>>) {add = true}
        %dma_wait3A_210 = arith.constant 0 : i32
        %dma_wait3A_211 = tpu.memref_slice %arg9[%add3A_195, %dma_wait3A_210] : memref<114x128xi32, #tpu.memory_space<vmem>> -> memref<1x128xi32, #tpu.memory_space<vmem>>
        %dma_wait3A_212 = tpu.memref_squeeze %dma_wait3A_211 : memref<1x128xi32, #tpu.memory_space<vmem>> -> memref<128xi32, #tpu.memory_space<vmem>>
        %dma_wait3A_213 = arith.constant 0 : i32
        %dma_wait3A_214 = arith.constant 0 : i32
        %dma_wait3A_215 = tpu.memref_slice %arg15[%dma_wait3A_213, %dma_wait3A_214] : memref<10240x64xf32, #tpu.memory_space<vmem_shared>> -> memref<10240x64xf32, #tpu.memory_space<vmem_shared>>
        tpu.wait_indirect_dma semaphore(%run_scoped3A : memref<!tpu.dma_semaphore, #tpu.memory_space<semaphore_mem>>) src(%arg11 : memref<128x64xf32, #tpu.memory_space<vmem>>) dst(%dma_wait3A_215 : memref<10240x64xf32, #tpu.memory_space<vmem_shared>>)
        tpu.yield
      }) : () -> ()
      %add3A_196 = arith.constant 3 : i32
      %add3A_197 = arith.addi %mul3A_171, %add3A_196 : i32
      %dma_start3A_198 = arith.constant 0 : i32
      %dma_start3A_199 = tpu.memref_slice %arg8[%add3A_197, %dma_start3A_198] : memref<114x128xi32, #tpu.memory_space<vmem>> -> memref<1x128xi32, #tpu.memory_space<vmem>>
      %dma_start3A_200 = tpu.memref_squeeze %dma_start3A_199 : memref<1x128xi32, #tpu.memory_space<vmem>> -> memref<128xi32, #tpu.memory_space<vmem>>
      %dma_start3A_201 = arith.constant 0 : i32
      %dma_start3A_202 = arith.constant 0 : i32
      %dma_start3A_203 = tpu.memref_slice %arg2[%dma_start3A_201, %dma_start3A_202] : memref<10000x64xf32, #tpu.memory_space<hbm>> -> memref<10000x64xf32, #tpu.memory_space<hbm>>
      tpu.enqueue_indirect_dma source(%dma_start3A_203 : memref<10000x64xf32, #tpu.memory_space<hbm>>) target(%arg11 : memref<128x64xf32, #tpu.memory_space<vmem>>) offsets(%dma_start3A_200 : memref<128xi32, #tpu.memory_space<vmem>>) semaphore(%arg14 : memref<!tpu.dma_semaphore, #tpu.memory_space<semaphore_mem>>)
    }
    %while3A_52 = arith.constant 1 : i32
    scf.for %while3A_169 = %while3A_50 to %while3A_46 step %while3A_52  : i32 {
      %mul3A_170 = arith.constant 2 : i32
      %mul3A_171 = arith.muli %mul3A_170, %while3A_169 : i32
      %dma_wait3A_172 = arith.constant 0 : i32
      %dma_wait3A_173 = tpu.memref_slice %arg8[%mul3A_171, %dma_wait3A_172] : memref<114x128xi32, #tpu.memory_space<vmem>> -> memref<1x128xi32, #tpu.memory_space<vmem>>
      %dma_wait3A_174 = tpu.memref_squeeze %dma_wait3A_173 : memref<1x128xi32, #tpu.memory_space<vmem>> -> memref<128xi32, #tpu.memory_space<vmem>>
      %dma_wait3A_175 = arith.constant 0 : i32
      %dma_wait3A_176 = arith.constant 0 : i32
      %dma_wait3A_177 = tpu.memref_slice %arg2[%dma_wait3A_175, %dma_wait3A_176] : memref<10000x64xf32, #tpu.memory_space<hbm>> -> memref<10000x64xf32, #tpu.memory_space<hbm>>
      tpu.wait_indirect_dma semaphore(%arg13 : memref<!tpu.dma_semaphore, #tpu.memory_space<semaphore_mem>>) src(%dma_wait3A_177 : memref<10000x64xf32, #tpu.memory_space<hbm>>) dst(%arg10 : memref<128x64xf32, #tpu.memory_space<vmem>>)
      "tpu.region"() ({
        %run_scoped3A = tpu.sem_alloc : memref<!tpu.dma_semaphore, #tpu.memory_space<semaphore_mem>>
        %dma_start3A_204 = arith.constant 0 : i32
        %dma_start3A_205 = tpu.memref_slice %arg9[%mul3A_171, %dma_start3A_204] : memref<114x128xi32, #tpu.memory_space<vmem>> -> memref<1x128xi32, #tpu.memory_space<vmem>>
        %dma_start3A_206 = tpu.memref_squeeze %dma_start3A_205 : memref<1x128xi32, #tpu.memory_space<vmem>> -> memref<128xi32, #tpu.memory_space<vmem>>
        %dma_start3A_207 = arith.constant 0 : i32
        %dma_start3A_208 = arith.constant 0 : i32
        %dma_start3A_209 = tpu.memref_slice %arg15[%dma_start3A_207, %dma_start3A_208] : memref<10240x64xf32, #tpu.memory_space<vmem_shared>> -> memref<10240x64xf32, #tpu.memory_space<vmem_shared>>
        tpu.enqueue_indirect_dma source(%arg10 : memref<128x64xf32, #tpu.memory_space<vmem>>) target(%dma_start3A_209 : memref<10240x64xf32, #tpu.memory_space<vmem_shared>>) offsets(%dma_start3A_206 : memref<128xi32, #tpu.memory_space<vmem>>) semaphore(%run_scoped3A : memref<!tpu.dma_semaphore, #tpu.memory_space<semaphore_mem>>) {add = true}
        %dma_wait3A_210 = arith.constant 0 : i32
        %dma_wait3A_211 = tpu.memref_slice %arg9[%mul3A_171, %dma_wait3A_210] : memref<114x128xi32, #tpu.memory_space<vmem>> -> memref<1x128xi32, #tpu.memory_space<vmem>>
        %dma_wait3A_212 = tpu.memref_squeeze %dma_wait3A_211 : memref<1x128xi32, #tpu.memory_space<vmem>> -> memref<128xi32, #tpu.memory_space<vmem>>
        %dma_wait3A_213 = arith.constant 0 : i32
        %dma_wait3A_214 = arith.constant 0 : i32
        %dma_wait3A_215 = tpu.memref_slice %arg15[%dma_wait3A_213, %dma_wait3A_214] : memref<10240x64xf32, #tpu.memory_space<vmem_shared>> -> memref<10240x64xf32, #tpu.memory_space<vmem_shared>>
        tpu.wait_indirect_dma semaphore(%run_scoped3A : memref<!tpu.dma_semaphore, #tpu.memory_space<semaphore_mem>>) src(%arg10 : memref<128x64xf32, #tpu.memory_space<vmem>>) dst(%dma_wait3A_215 : memref<10240x64xf32, #tpu.memory_space<vmem_shared>>)
        tpu.yield
      }) : () -> ()
      %add3A_178 = arith.constant 2 : i32
      %add3A_179 = arith.addi %mul3A_171, %add3A_178 : i32
      %dma_start3A_180 = arith.constant 0 : i32
      %dma_start3A_181 = tpu.memref_slice %arg8[%add3A_179, %dma_start3A_180] : memref<114x128xi32, #tpu.memory_space<vmem>> -> memref<1x128xi32, #tpu.memory_space<vmem>>
      %dma_start3A_182 = tpu.memref_squeeze %dma_start3A_181 : memref<1x128xi32, #tpu.memory_space<vmem>> -> memref<128xi32, #tpu.memory_space<vmem>>
      %dma_start3A_183 = arith.constant 0 : i32
      %dma_start3A_184 = arith.constant 0 : i32
      %dma_start3A_185 = tpu.memref_slice %arg2[%dma_start3A_183, %dma_start3A_184] : memref<10000x64xf32, #tpu.memory_space<hbm>> -> memref<10000x64xf32, #tpu.memory_space<hbm>>
      tpu.enqueue_indirect_dma source(%dma_start3A_185 : memref<10000x64xf32, #tpu.memory_space<hbm>>) target(%arg10 : memref<128x64xf32, #tpu.memory_space<vmem>>) offsets(%dma_start3A_182 : memref<128xi32, #tpu.memory_space<vmem>>) semaphore(%arg13 : memref<!tpu.dma_semaphore, #tpu.memory_space<semaphore_mem>>)
      %add3A_186 = arith.constant 1 : i32
      %add3A_187 = arith.addi %mul3A_171, %add3A_186 : i32
      %dma_wait3A_188 = arith.constant 0 : i32
      %dma_wait3A_189 = tpu.memref_slice %arg8[%add3A_187, %dma_wait3A_188] : memref<114x128xi32, #tpu.memory_space<vmem>> -> memref<1x128xi32, #tpu.memory_space<vmem>>
      %dma_wait3A_190 = tpu.memref_squeeze %dma_wait3A_189 : memref<1x128xi32, #tpu.memory_space<vmem>> -> memref<128xi32, #tpu.memory_space<vmem>>
      %dma_wait3A_191 = arith.constant 0 : i32
      %dma_wait3A_192 = arith.constant 0 : i32
      %dma_wait3A_193 = tpu.memref_slice %arg2[%dma_wait3A_191, %dma_wait3A_192] : memref<10000x64xf32, #tpu.memory_space<hbm>> -> memref<10000x64xf32, #tpu.memory_space<hbm>>
      tpu.wait_indirect_dma semaphore(%arg14 : memref<!tpu.dma_semaphore, #tpu.memory_space<semaphore_mem>>) src(%dma_wait3A_193 : memref<10000x64xf32, #tpu.memory_space<hbm>>) dst(%arg11 : memref<128x64xf32, #tpu.memory_space<vmem>>)
      %add3A_194 = arith.constant 1 : i32
      %add3A_195 = arith.addi %mul3A_171, %add3A_194 : i32
      "tpu.region"() ({
        %run_scoped3A = tpu.sem_alloc : memref<!tpu.dma_semaphore, #tpu.memory_space<semaphore_mem>>
        %dma_start3A_204 = arith.constant 0 : i32
        %dma_start3A_205 = tpu.memref_slice %arg9[%add3A_195, %dma_start3A_204] : memref<114x128xi32, #tpu.memory_space<vmem>> -> memref<1x128xi32, #tpu.memory_space<vmem>>
        %dma_start3A_206 = tpu.memref_squeeze %dma_start3A_205 : memref<1x128xi32, #tpu.memory_space<vmem>> -> memref<128xi32, #tpu.memory_space<vmem>>
        %dma_start3A_207 = arith.constant 0 : i32
        %dma_start3A_208 = arith.constant 0 : i32
        %dma_start3A_209 = tpu.memref_slice %arg15[%dma_start3A_207, %dma_start3A_208] : memref<10240x64xf32, #tpu.memory_space<vmem_shared>> -> memref<10240x64xf32, #tpu.memory_space<vmem_shared>>
        tpu.enqueue_indirect_dma source(%arg11 : memref<128x64xf32, #tpu.memory_space<vmem>>) target(%dma_start3A_209 : memref<10240x64xf32, #tpu.memory_space<vmem_shared>>) offsets(%dma_start3A_206 : memref<128xi32, #tpu.memory_space<vmem>>) semaphore(%run_scoped3A : memref<!tpu.dma_semaphore, #tpu.memory_space<semaphore_mem>>) {add = true}
        %dma_wait3A_210 = arith.constant 0 : i32
        %dma_wait3A_211 = tpu.memref_slice %arg9[%add3A_195, %dma_wait3A_210] : memref<114x128xi32, #tpu.memory_space<vmem>> -> memref<1x128xi32, #tpu.memory_space<vmem>>
        %dma_wait3A_212 = tpu.memref_squeeze %dma_wait3A_211 : memref<1x128xi32, #tpu.memory_space<vmem>> -> memref<128xi32, #tpu.memory_space<vmem>>
        %dma_wait3A_213 = arith.constant 0 : i32
        %dma_wait3A_214 = arith.constant 0 : i32
        %dma_wait3A_215 = tpu.memref_slice %arg15[%dma_wait3A_213, %dma_wait3A_214] : memref<10240x64xf32, #tpu.memory_space<vmem_shared>> -> memref<10240x64xf32, #tpu.memory_space<vmem_shared>>
        tpu.wait_indirect_dma semaphore(%run_scoped3A : memref<!tpu.dma_semaphore, #tpu.memory_space<semaphore_mem>>) src(%arg11 : memref<128x64xf32, #tpu.memory_space<vmem>>) dst(%dma_wait3A_215 : memref<10240x64xf32, #tpu.memory_space<vmem_shared>>)
        tpu.yield
      }) : () -> ()
      %add3A_196 = arith.constant 3 : i32
      %add3A_197 = arith.addi %mul3A_171, %add3A_196 : i32
      %dma_start3A_198 = arith.constant 0 : i32
      %dma_start3A_199 = tpu.memref_slice %arg8[%add3A_197, %dma_start3A_198] : memref<114x128xi32, #tpu.memory_space<vmem>> -> memref<1x128xi32, #tpu.memory_space<vmem>>
      %dma_start3A_200 = tpu.memref_squeeze %dma_start3A_199 : memref<1x128xi32, #tpu.memory_space<vmem>> -> memref<128xi32, #tpu.memory_space<vmem>>
      %dma_start3A_201 = arith.constant 0 : i32
      %dma_start3A_202 = arith.constant 0 : i32
      %dma_start3A_203 = tpu.memref_slice %arg2[%dma_start3A_201, %dma_start3A_202] : memref<10000x64xf32, #tpu.memory_space<hbm>> -> memref<10000x64xf32, #tpu.memory_space<hbm>>
      tpu.enqueue_indirect_dma source(%dma_start3A_203 : memref<10000x64xf32, #tpu.memory_space<hbm>>) target(%arg11 : memref<128x64xf32, #tpu.memory_space<vmem>>) offsets(%dma_start3A_200 : memref<128xi32, #tpu.memory_space<vmem>>) semaphore(%arg14 : memref<!tpu.dma_semaphore, #tpu.memory_space<semaphore_mem>>)
    }
    %sub3A_53 = arith.constant 2 : i32
    %sub3A_54 = arith.subi %select_n3A_8, %sub3A_53 : i32
    %dma_wait3A = arith.constant 0 : i32
    %dma_wait3A_55 = tpu.memref_slice %arg8[%sub3A_54, %dma_wait3A] : memref<114x128xi32, #tpu.memory_space<vmem>> -> memref<1x128xi32, #tpu.memory_space<vmem>>
    %dma_wait3A_56 = tpu.memref_squeeze %dma_wait3A_55 : memref<1x128xi32, #tpu.memory_space<vmem>> -> memref<128xi32, #tpu.memory_space<vmem>>
    %dma_wait3A_57 = arith.constant 0 : i32
    %dma_wait3A_58 = arith.constant 0 : i32
    %dma_wait3A_59 = tpu.memref_slice %arg2[%dma_wait3A_57, %dma_wait3A_58] : memref<10000x64xf32, #tpu.memory_space<hbm>> -> memref<10000x64xf32, #tpu.memory_space<hbm>>
    tpu.wait_indirect_dma semaphore(%arg13 : memref<!tpu.dma_semaphore, #tpu.memory_space<semaphore_mem>>) src(%dma_wait3A_59 : memref<10000x64xf32, #tpu.memory_space<hbm>>) dst(%arg10 : memref<128x64xf32, #tpu.memory_space<vmem>>)
    %sub3A_60 = arith.constant 2 : i32
    %sub3A_61 = arith.subi %select_n3A_8, %sub3A_60 : i32
    "tpu.region"() ({
      %run_scoped3A = tpu.sem_alloc : memref<!tpu.dma_semaphore, #tpu.memory_space<semaphore_mem>>
      %dma_start3A_169 = arith.constant 0 : i32
      %dma_start3A_170 = tpu.memref_slice %arg9[%sub3A_61, %dma_start3A_169] : memref<114x128xi32, #tpu.memory_space<vmem>> -> memref<1x128xi32, #tpu.memory_space<vmem>>
      %dma_start3A_171 = tpu.memref_squeeze %dma_start3A_170 : memref<1x128xi32, #tpu.memory_space<vmem>> -> memref<128xi32, #tpu.memory_space<vmem>>
      %dma_start3A_172 = arith.constant 0 : i32
      %dma_start3A_173 = arith.constant 0 : i32
      %dma_start3A_174 = tpu.memref_slice %arg15[%dma_start3A_172, %dma_start3A_173] : memref<10240x64xf32, #tpu.memory_space<vmem_shared>> -> memref<10240x64xf32, #tpu.memory_space<vmem_shared>>
      tpu.enqueue_indirect_dma source(%arg10 : memref<128x64xf32, #tpu.memory_space<vmem>>) target(%dma_start3A_174 : memref<10240x64xf32, #tpu.memory_space<vmem_shared>>) offsets(%dma_start3A_171 : memref<128xi32, #tpu.memory_space<vmem>>) semaphore(%run_scoped3A : memref<!tpu.dma_semaphore, #tpu.memory_space<semaphore_mem>>) {add = true}
      %dma_wait3A_175 = arith.constant 0 : i32
      %dma_wait3A_176 = tpu.memref_slice %arg9[%sub3A_61, %dma_wait3A_175] : memref<114x128xi32, #tpu.memory_space<vmem>> -> memref<1x128xi32, #tpu.memory_space<vmem>>
      %dma_wait3A_177 = tpu.memref_squeeze %dma_wait3A_176 : memref<1x128xi32, #tpu.memory_space<vmem>> -> memref<128xi32, #tpu.memory_space<vmem>>
      %dma_wait3A_178 = arith.constant 0 : i32
      %dma_wait3A_179 = arith.constant 0 : i32
      %dma_wait3A_180 = tpu.memref_slice %arg15[%dma_wait3A_178, %dma_wait3A_179] : memref<10240x64xf32, #tpu.memory_space<vmem_shared>> -> memref<10240x64xf32, #tpu.memory_space<vmem_shared>>
      tpu.wait_indirect_dma semaphore(%run_scoped3A : memref<!tpu.dma_semaphore, #tpu.memory_space<semaphore_mem>>) src(%arg10 : memref<128x64xf32, #tpu.memory_space<vmem>>) dst(%dma_wait3A_180 : memref<10240x64xf32, #tpu.memory_space<vmem_shared>>)
      tpu.yield
    }) : () -> ()
    %sub3A_62 = arith.constant 1 : i32
    %sub3A_63 = arith.subi %select_n3A_8, %sub3A_62 : i32
    %dma_wait3A_64 = arith.constant 0 : i32
    %dma_wait3A_65 = tpu.memref_slice %arg8[%sub3A_63, %dma_wait3A_64] : memref<114x128xi32, #tpu.memory_space<vmem>> -> memref<1x128xi32, #tpu.memory_space<vmem>>
    %dma_wait3A_66 = tpu.memref_squeeze %dma_wait3A_65 : memref<1x128xi32, #tpu.memory_space<vmem>> -> memref<128xi32, #tpu.memory_space<vmem>>
    %dma_wait3A_67 = arith.constant 0 : i32
    %dma_wait3A_68 = arith.constant 0 : i32
    %dma_wait3A_69 = tpu.memref_slice %arg2[%dma_wait3A_67, %dma_wait3A_68] : memref<10000x64xf32, #tpu.memory_space<hbm>> -> memref<10000x64xf32, #tpu.memory_space<hbm>>
    tpu.wait_indirect_dma semaphore(%arg14 : memref<!tpu.dma_semaphore, #tpu.memory_space<semaphore_mem>>) src(%dma_wait3A_69 : memref<10000x64xf32, #tpu.memory_space<hbm>>) dst(%arg11 : memref<128x64xf32, #tpu.memory_space<vmem>>)
    %sub3A_70 = arith.constant 1 : i32
    %sub3A_71 = arith.subi %select_n3A_8, %sub3A_70 : i32
    "tpu.region"() ({
      %run_scoped3A = tpu.sem_alloc : memref<!tpu.dma_semaphore, #tpu.memory_space<semaphore_mem>>
      %dma_start3A_169 = arith.constant 0 : i32
      %dma_start3A_170 = tpu.memref_slice %arg9[%sub3A_71, %dma_start3A_169] : memref<114x128xi32, #tpu.memory_space<vmem>> -> memref<1x128xi32, #tpu.memory_space<vmem>>
      %dma_start3A_171 = tpu.memref_squeeze %dma_start3A_170 : memref<1x128xi32, #tpu.memory_space<vmem>> -> memref<128xi32, #tpu.memory_space<vmem>>
      %dma_start3A_172 = arith.constant 0 : i32
      %dma_start3A_173 = arith.constant 0 : i32
      %dma_start3A_174 = tpu.memref_slice %arg15[%dma_start3A_172, %dma_start3A_173] : memref<10240x64xf32, #tpu.memory_space<vmem_shared>> -> memref<10240x64xf32, #tpu.memory_space<vmem_shared>>
      tpu.enqueue_indirect_dma source(%arg11 : memref<128x64xf32, #tpu.memory_space<vmem>>) target(%dma_start3A_174 : memref<10240x64xf32, #tpu.memory_space<vmem_shared>>) offsets(%dma_start3A_171 : memref<128xi32, #tpu.memory_space<vmem>>) semaphore(%run_scoped3A : memref<!tpu.dma_semaphore, #tpu.memory_space<semaphore_mem>>) {add = true}
      %dma_wait3A_175 = arith.constant 0 : i32
      %dma_wait3A_176 = tpu.memref_slice %arg9[%sub3A_71, %dma_wait3A_175] : memref<114x128xi32, #tpu.memory_space<vmem>> -> memref<1x128xi32, #tpu.memory_space<vmem>>
      %dma_wait3A_177 = tpu.memref_squeeze %dma_wait3A_176 : memref<1x128xi32, #tpu.memory_space<vmem>> -> memref<128xi32, #tpu.memory_space<vmem>>
      %dma_wait3A_178 = arith.constant 0 : i32
      %dma_wait3A_179 = arith.constant 0 : i32
      %dma_wait3A_180 = tpu.memref_slice %arg15[%dma_wait3A_178, %dma_wait3A_179] : memref<10240x64xf32, #tpu.memory_space<vmem_shared>> -> memref<10240x64xf32, #tpu.memory_space<vmem_shared>>
      tpu.wait_indirect_dma semaphore(%run_scoped3A : memref<!tpu.dma_semaphore, #tpu.memory_space<semaphore_mem>>) src(%arg11 : memref<128x64xf32, #tpu.memory_space<vmem>>) dst(%dma_wait3A_180 : memref<10240x64xf32, #tpu.memory_space<vmem_shared>>)
      tpu.yield
    }) : () -> ()
    %barrier3A_72 = arith.constant 0 : index
    tpu.barrier barrier_id(%barrier3A_72)
    %mul3A_73 = arith.constant 2 : i32
    %mul3A_74 = arith.muli %arg0, %mul3A_73 : i32
    %add3A_75 = arith.constant 0 : i32
    %add3A_76 = arith.addi %mul3A_74, %add3A_75 : i32
    %mul3A_77 = arith.constant 10240 : i32
    %mul3A_78 = arith.muli %add3A_76, %mul3A_77 : i32
    %mul3A_79 = arith.constant 640 : i32
    %mul3A_80 = arith.muli %arg1, %mul3A_79 : i32
    %add3A_81 = arith.addi %mul3A_78, %mul3A_80 : i32
    %mul3A_82 = arith.constant 640 : i32
    %mul3A_83 = arith.muli %arg1, %mul3A_82 : i32
    "tpu.region"() ({
      %run_scoped3A = tpu.sem_alloc : memref<!tpu.dma_semaphore, #tpu.memory_space<semaphore_mem>>
      %dma_start3A_169 = arith.constant 0 : i32
      %dma_start3A_170 = tpu.memref_slice %arg15[%mul3A_83, %dma_start3A_169] : memref<10240x64xf32, #tpu.memory_space<vmem_shared>> -> memref<640x64xf32, #tpu.memory_space<vmem_shared>>
      %dma_start3A_171 = arith.constant 0 : i32
      %dma_start3A_172 = tpu.memref_slice %arg15[%mul3A_83, %dma_start3A_171] : memref<10240x64xf32, #tpu.memory_space<vmem_shared>> -> memref<640x64xf32, #tpu.memory_space<vmem_shared>>
      tpu.enqueue_dma source(%dma_start3A_172 : memref<640x64xf32, #tpu.memory_space<vmem_shared>>) target(%arg12 : memref<640x64xf32, #tpu.memory_space<vmem>>) target_semaphore(%run_scoped3A : memref<!tpu.dma_semaphore, #tpu.memory_space<semaphore_mem>>)
      %dma_wait3A_173 = arith.constant 0 : i32
      %dma_wait3A_174 = tpu.memref_slice %arg15[%mul3A_83, %dma_wait3A_173] : memref<10240x64xf32, #tpu.memory_space<vmem_shared>> -> memref<640x64xf32, #tpu.memory_space<vmem_shared>>
      %dma_wait3A_175 = arith.constant 0 : i32
      %dma_wait3A_176 = tpu.memref_slice %arg15[%mul3A_83, %dma_wait3A_175] : memref<10240x64xf32, #tpu.memory_space<vmem_shared>> -> memref<640x64xf32, #tpu.memory_space<vmem_shared>>
      tpu.wait_dma2 semaphore(%run_scoped3A : memref<!tpu.dma_semaphore, #tpu.memory_space<semaphore_mem>>) src(%dma_wait3A_176 : memref<640x64xf32, #tpu.memory_space<vmem_shared>>) dst(%arg12 : memref<640x64xf32, #tpu.memory_space<vmem>>)
      tpu.yield
    }) : () -> ()
    "tpu.region"() ({
      %run_scoped3A = tpu.sem_alloc : memref<!tpu.dma_semaphore, #tpu.memory_space<semaphore_mem>>
      %dma_start3A_169 = arith.constant 0 : i32
      %dma_start3A_170 = tpu.memref_slice %arg7[%add3A_81, %dma_start3A_169] : memref<40960x64xf32, #tpu.memory_space<hbm>> -> memref<640x64xf32, #tpu.memory_space<hbm>>
      %dma_start3A_171 = arith.constant 0 : i32
      %dma_start3A_172 = tpu.memref_slice %arg7[%add3A_81, %dma_start3A_171] : memref<40960x64xf32, #tpu.memory_space<hbm>> -> memref<640x64xf32, #tpu.memory_space<hbm>>
      tpu.enqueue_dma source(%arg12 : memref<640x64xf32, #tpu.memory_space<vmem>>) target(%dma_start3A_172 : memref<640x64xf32, #tpu.memory_space<hbm>>) target_semaphore(%run_scoped3A : memref<!tpu.dma_semaphore, #tpu.memory_space<semaphore_mem>>)
      %dma_wait3A_173 = arith.constant 0 : i32
      %dma_wait3A_174 = tpu.memref_slice %arg7[%add3A_81, %dma_wait3A_173] : memref<40960x64xf32, #tpu.memory_space<hbm>> -> memref<640x64xf32, #tpu.memory_space<hbm>>
      %dma_wait3A_175 = arith.constant 0 : i32
      %dma_wait3A_176 = tpu.memref_slice %arg7[%add3A_81, %dma_wait3A_175] : memref<40960x64xf32, #tpu.memory_space<hbm>> -> memref<640x64xf32, #tpu.memory_space<hbm>>
      tpu.wait_dma2 semaphore(%run_scoped3A : memref<!tpu.dma_semaphore, #tpu.memory_space<semaphore_mem>>) src(%arg12 : memref<640x64xf32, #tpu.memory_space<vmem>>) dst(%dma_wait3A_176 : memref<640x64xf32, #tpu.memory_space<hbm>>)
      tpu.yield
    }) : () -> ()
    "tpu.region"() ({
      %run_scoped3A = tpu.sem_alloc : memref<!tpu.dma_semaphore, #tpu.memory_space<semaphore_mem>>
      tpu.enqueue_dma source(%arg6 : memref<640x64xf32, #tpu.memory_space<hbm>>) target(%arg12 : memref<640x64xf32, #tpu.memory_space<vmem>>) target_semaphore(%run_scoped3A : memref<!tpu.dma_semaphore, #tpu.memory_space<semaphore_mem>>)
      tpu.wait_dma2 semaphore(%run_scoped3A : memref<!tpu.dma_semaphore, #tpu.memory_space<semaphore_mem>>) src(%arg6 : memref<640x64xf32, #tpu.memory_space<hbm>>) dst(%arg12 : memref<640x64xf32, #tpu.memory_space<vmem>>)
      tpu.yield
    }) : () -> ()
    %mul3A_84 = arith.constant 640 : i32
    %mul3A_85 = arith.muli %arg1, %mul3A_84 : i32
    "tpu.region"() ({
      %run_scoped3A = tpu.sem_alloc : memref<!tpu.dma_semaphore, #tpu.memory_space<semaphore_mem>>
      %dma_start3A_169 = arith.constant 0 : i32
      %dma_start3A_170 = tpu.memref_slice %arg15[%mul3A_85, %dma_start3A_169] : memref<10240x64xf32, #tpu.memory_space<vmem_shared>> -> memref<640x64xf32, #tpu.memory_space<vmem_shared>>
      %dma_start3A_171 = arith.constant 0 : i32
      %dma_start3A_172 = tpu.memref_slice %arg15[%mul3A_85, %dma_start3A_171] : memref<10240x64xf32, #tpu.memory_space<vmem_shared>> -> memref<640x64xf32, #tpu.memory_space<vmem_shared>>
      tpu.enqueue_dma source(%arg12 : memref<640x64xf32, #tpu.memory_space<vmem>>) target(%dma_start3A_172 : memref<640x64xf32, #tpu.memory_space<vmem_shared>>) target_semaphore(%run_scoped3A : memref<!tpu.dma_semaphore, #tpu.memory_space<semaphore_mem>>)
      %dma_wait3A_173 = arith.constant 0 : i32
      %dma_wait3A_174 = tpu.memref_slice %arg15[%mul3A_85, %dma_wait3A_173] : memref<10240x64xf32, #tpu.memory_space<vmem_shared>> -> memref<640x64xf32, #tpu.memory_space<vmem_shared>>
      %dma_wait3A_175 = arith.constant 0 : i32
      %dma_wait3A_176 = tpu.memref_slice %arg15[%mul3A_85, %dma_wait3A_175] : memref<10240x64xf32, #tpu.memory_space<vmem_shared>> -> memref<640x64xf32, #tpu.memory_space<vmem_shared>>
      tpu.wait_dma2 semaphore(%run_scoped3A : memref<!tpu.dma_semaphore, #tpu.memory_space<semaphore_mem>>) src(%arg12 : memref<640x64xf32, #tpu.memory_space<vmem>>) dst(%dma_wait3A_176 : memref<640x64xf32, #tpu.memory_space<vmem_shared>>)
      tpu.yield
    }) : () -> ()
    %dma_start3A_86 = arith.constant 0 : i32
    %dma_start3A_87 = arith.constant 0 : i32
    %dma_start3A_88 = tpu.memref_slice %arg8[%dma_start3A_86, %dma_start3A_87] : memref<114x128xi32, #tpu.memory_space<vmem>> -> memref<1x128xi32, #tpu.memory_space<vmem>>
    %dma_start3A_89 = tpu.memref_squeeze %dma_start3A_88 : memref<1x128xi32, #tpu.memory_space<vmem>> -> memref<128xi32, #tpu.memory_space<vmem>>
    %dma_start3A_90 = arith.constant 0 : i32
    %dma_start3A_91 = arith.constant 0 : i32
    %dma_start3A_92 = tpu.memref_slice %arg3[%dma_start3A_90, %dma_start3A_91] : memref<10000x64xf32, #tpu.memory_space<hbm>> -> memref<10000x64xf32, #tpu.memory_space<hbm>>
    tpu.enqueue_indirect_dma source(%dma_start3A_92 : memref<10000x64xf32, #tpu.memory_space<hbm>>) target(%arg10 : memref<128x64xf32, #tpu.memory_space<vmem>>) offsets(%dma_start3A_89 : memref<128xi32, #tpu.memory_space<vmem>>) semaphore(%arg13 : memref<!tpu.dma_semaphore, #tpu.memory_space<semaphore_mem>>)
    %dma_start3A_93 = arith.constant 1 : i32
    %dma_start3A_94 = arith.constant 0 : i32
    %dma_start3A_95 = tpu.memref_slice %arg8[%dma_start3A_93, %dma_start3A_94] : memref<114x128xi32, #tpu.memory_space<vmem>> -> memref<1x128xi32, #tpu.memory_space<vmem>>
    %dma_start3A_96 = tpu.memref_squeeze %dma_start3A_95 : memref<1x128xi32, #tpu.memory_space<vmem>> -> memref<128xi32, #tpu.memory_space<vmem>>
    %dma_start3A_97 = arith.constant 0 : i32
    %dma_start3A_98 = arith.constant 0 : i32
    %dma_start3A_99 = tpu.memref_slice %arg3[%dma_start3A_97, %dma_start3A_98] : memref<10000x64xf32, #tpu.memory_space<hbm>> -> memref<10000x64xf32, #tpu.memory_space<hbm>>
    tpu.enqueue_indirect_dma source(%dma_start3A_99 : memref<10000x64xf32, #tpu.memory_space<hbm>>) target(%arg11 : memref<128x64xf32, #tpu.memory_space<vmem>>) offsets(%dma_start3A_96 : memref<128xi32, #tpu.memory_space<vmem>>) semaphore(%arg14 : memref<!tpu.dma_semaphore, #tpu.memory_space<semaphore_mem>>)
    %barrier3A_100 = arith.constant 0 : index
    tpu.barrier barrier_id(%barrier3A_100)
    %sub3A_101 = arith.constant 2 : i32
    %sub3A_102 = arith.subi %select_n3A_8, %sub3A_101 : i32
    %jit3A_103 = arith.constant 2 : i32
    %div3A_104 = arith.divsi %sub3A_102, %jit3A_103 : i32
    %sign3A_105 = arith.constant 0 : i32
    %sign3A_106 = arith.cmpi sgt, %sub3A_102, %sign3A_105 : i32
    %sign3A_107 = arith.extui %sign3A_106 : i1 to i32
    %sign3A_108 = arith.constant 0 : i32
    %sign3A_109 = arith.cmpi slt, %sub3A_102, %sign3A_108 : i32
    %sign3A_110 = arith.extui %sign3A_109 : i1 to i32
    %sign3A_111 = arith.subi %sign3A_107, %sign3A_110 : i32
    %sign3A_112 = arith.constant 0 : i32
    %sign3A_113 = arith.cmpi sgt, %jit3A_103, %sign3A_112 : i32
    %sign3A_114 = arith.extui %sign3A_113 : i1 to i32
    %sign3A_115 = arith.constant 0 : i32
    %sign3A_116 = arith.cmpi slt, %jit3A_103, %sign3A_115 : i32
    %sign3A_117 = arith.extui %sign3A_116 : i1 to i32
    %sign3A_118 = arith.subi %sign3A_114, %sign3A_117 : i32
    %ne3A_119 = arith.cmpi ne, %sign3A_111, %sign3A_118 : i32
    %rem3A_120 = arith.remsi %sub3A_102, %jit3A_103 : i32
    %ne3A_121 = arith.constant 0 : i32
    %ne3A_122 = arith.cmpi ne, %rem3A_120, %ne3A_121 : i32
    %and3A_123 = arith.andi %ne3A_119, %ne3A_122 : i1
    %sub3A_124 = arith.constant 1 : i32
    %sub3A_125 = arith.subi %div3A_104, %sub3A_124 : i32
    %select_n3A_126 = arith.select %and3A_123, %sub3A_125, %div3A_104 : i32
    %while3A_127 = arith.constant 0 : i32
    %while3A_128 = arith.constant 0 : i32
    %while3A_129 = arith.subi %select_n3A_126, %while3A_128 : i32
    %while3A_130 = arith.addi %while3A_128, %while3A_129 : i32
    %while3A_131 = arith.constant 1 : i32
    %while3A_132 = arith.divsi %while3A_129, %while3A_131 : i32
    %while3A_133 = arith.muli %while3A_132, %while3A_131 : i32
    %while3A_134 = arith.addi %while3A_128, %while3A_133 : i32
    %while3A_135 = arith.constant 1 : i32
    scf.for %while3A_169 = %while3A_128 to %while3A_134 step %while3A_135  : i32 {
      %mul3A_170 = arith.constant 2 : i32
      %mul3A_171 = arith.muli %mul3A_170, %while3A_169 : i32
      %dma_wait3A_172 = arith.constant 0 : i32
      %dma_wait3A_173 = tpu.memref_slice %arg8[%mul3A_171, %dma_wait3A_172] : memref<114x128xi32, #tpu.memory_space<vmem>> -> memref<1x128xi32, #tpu.memory_space<vmem>>
      %dma_wait3A_174 = tpu.memref_squeeze %dma_wait3A_173 : memref<1x128xi32, #tpu.memory_space<vmem>> -> memref<128xi32, #tpu.memory_space<vmem>>
      %dma_wait3A_175 = arith.constant 0 : i32
      %dma_wait3A_176 = arith.constant 0 : i32
      %dma_wait3A_177 = tpu.memref_slice %arg3[%dma_wait3A_175, %dma_wait3A_176] : memref<10000x64xf32, #tpu.memory_space<hbm>> -> memref<10000x64xf32, #tpu.memory_space<hbm>>
      tpu.wait_indirect_dma semaphore(%arg13 : memref<!tpu.dma_semaphore, #tpu.memory_space<semaphore_mem>>) src(%dma_wait3A_177 : memref<10000x64xf32, #tpu.memory_space<hbm>>) dst(%arg10 : memref<128x64xf32, #tpu.memory_space<vmem>>)
      "tpu.region"() ({
        %run_scoped3A = tpu.sem_alloc : memref<!tpu.dma_semaphore, #tpu.memory_space<semaphore_mem>>
        %dma_start3A_204 = arith.constant 0 : i32
        %dma_start3A_205 = tpu.memref_slice %arg9[%mul3A_171, %dma_start3A_204] : memref<114x128xi32, #tpu.memory_space<vmem>> -> memref<1x128xi32, #tpu.memory_space<vmem>>
        %dma_start3A_206 = tpu.memref_squeeze %dma_start3A_205 : memref<1x128xi32, #tpu.memory_space<vmem>> -> memref<128xi32, #tpu.memory_space<vmem>>
        %dma_start3A_207 = arith.constant 0 : i32
        %dma_start3A_208 = arith.constant 0 : i32
        %dma_start3A_209 = tpu.memref_slice %arg15[%dma_start3A_207, %dma_start3A_208] : memref<10240x64xf32, #tpu.memory_space<vmem_shared>> -> memref<10240x64xf32, #tpu.memory_space<vmem_shared>>
        tpu.enqueue_indirect_dma source(%arg10 : memref<128x64xf32, #tpu.memory_space<vmem>>) target(%dma_start3A_209 : memref<10240x64xf32, #tpu.memory_space<vmem_shared>>) offsets(%dma_start3A_206 : memref<128xi32, #tpu.memory_space<vmem>>) semaphore(%run_scoped3A : memref<!tpu.dma_semaphore, #tpu.memory_space<semaphore_mem>>) {add = true}
        %dma_wait3A_210 = arith.constant 0 : i32
        %dma_wait3A_211 = tpu.memref_slice %arg9[%mul3A_171, %dma_wait3A_210] : memref<114x128xi32, #tpu.memory_space<vmem>> -> memref<1x128xi32, #tpu.memory_space<vmem>>
        %dma_wait3A_212 = tpu.memref_squeeze %dma_wait3A_211 : memref<1x128xi32, #tpu.memory_space<vmem>> -> memref<128xi32, #tpu.memory_space<vmem>>
        %dma_wait3A_213 = arith.constant 0 : i32
        %dma_wait3A_214 = arith.constant 0 : i32
        %dma_wait3A_215 = tpu.memref_slice %arg15[%dma_wait3A_213, %dma_wait3A_214] : memref<10240x64xf32, #tpu.memory_space<vmem_shared>> -> memref<10240x64xf32, #tpu.memory_space<vmem_shared>>
        tpu.wait_indirect_dma semaphore(%run_scoped3A : memref<!tpu.dma_semaphore, #tpu.memory_space<semaphore_mem>>) src(%arg10 : memref<128x64xf32, #tpu.memory_space<vmem>>) dst(%dma_wait3A_215 : memref<10240x64xf32, #tpu.memory_space<vmem_shared>>)
        tpu.yield
      }) : () -> ()
      %add3A_178 = arith.constant 2 : i32
      %add3A_179 = arith.addi %mul3A_171, %add3A_178 : i32
      %dma_start3A_180 = arith.constant 0 : i32
      %dma_start3A_181 = tpu.memref_slice %arg8[%add3A_179, %dma_start3A_180] : memref<114x128xi32, #tpu.memory_space<vmem>> -> memref<1x128xi32, #tpu.memory_space<vmem>>
      %dma_start3A_182 = tpu.memref_squeeze %dma_start3A_181 : memref<1x128xi32, #tpu.memory_space<vmem>> -> memref<128xi32, #tpu.memory_space<vmem>>
      %dma_start3A_183 = arith.constant 0 : i32
      %dma_start3A_184 = arith.constant 0 : i32
      %dma_start3A_185 = tpu.memref_slice %arg3[%dma_start3A_183, %dma_start3A_184] : memref<10000x64xf32, #tpu.memory_space<hbm>> -> memref<10000x64xf32, #tpu.memory_space<hbm>>
      tpu.enqueue_indirect_dma source(%dma_start3A_185 : memref<10000x64xf32, #tpu.memory_space<hbm>>) target(%arg10 : memref<128x64xf32, #tpu.memory_space<vmem>>) offsets(%dma_start3A_182 : memref<128xi32, #tpu.memory_space<vmem>>) semaphore(%arg13 : memref<!tpu.dma_semaphore, #tpu.memory_space<semaphore_mem>>)
      %add3A_186 = arith.constant 1 : i32
      %add3A_187 = arith.addi %mul3A_171, %add3A_186 : i32
      %dma_wait3A_188 = arith.constant 0 : i32
      %dma_wait3A_189 = tpu.memref_slice %arg8[%add3A_187, %dma_wait3A_188] : memref<114x128xi32, #tpu.memory_space<vmem>> -> memref<1x128xi32, #tpu.memory_space<vmem>>
      %dma_wait3A_190 = tpu.memref_squeeze %dma_wait3A_189 : memref<1x128xi32, #tpu.memory_space<vmem>> -> memref<128xi32, #tpu.memory_space<vmem>>
      %dma_wait3A_191 = arith.constant 0 : i32
      %dma_wait3A_192 = arith.constant 0 : i32
      %dma_wait3A_193 = tpu.memref_slice %arg3[%dma_wait3A_191, %dma_wait3A_192] : memref<10000x64xf32, #tpu.memory_space<hbm>> -> memref<10000x64xf32, #tpu.memory_space<hbm>>
      tpu.wait_indirect_dma semaphore(%arg14 : memref<!tpu.dma_semaphore, #tpu.memory_space<semaphore_mem>>) src(%dma_wait3A_193 : memref<10000x64xf32, #tpu.memory_space<hbm>>) dst(%arg11 : memref<128x64xf32, #tpu.memory_space<vmem>>)
      %add3A_194 = arith.constant 1 : i32
      %add3A_195 = arith.addi %mul3A_171, %add3A_194 : i32
      "tpu.region"() ({
        %run_scoped3A = tpu.sem_alloc : memref<!tpu.dma_semaphore, #tpu.memory_space<semaphore_mem>>
        %dma_start3A_204 = arith.constant 0 : i32
        %dma_start3A_205 = tpu.memref_slice %arg9[%add3A_195, %dma_start3A_204] : memref<114x128xi32, #tpu.memory_space<vmem>> -> memref<1x128xi32, #tpu.memory_space<vmem>>
        %dma_start3A_206 = tpu.memref_squeeze %dma_start3A_205 : memref<1x128xi32, #tpu.memory_space<vmem>> -> memref<128xi32, #tpu.memory_space<vmem>>
        %dma_start3A_207 = arith.constant 0 : i32
        %dma_start3A_208 = arith.constant 0 : i32
        %dma_start3A_209 = tpu.memref_slice %arg15[%dma_start3A_207, %dma_start3A_208] : memref<10240x64xf32, #tpu.memory_space<vmem_shared>> -> memref<10240x64xf32, #tpu.memory_space<vmem_shared>>
        tpu.enqueue_indirect_dma source(%arg11 : memref<128x64xf32, #tpu.memory_space<vmem>>) target(%dma_start3A_209 : memref<10240x64xf32, #tpu.memory_space<vmem_shared>>) offsets(%dma_start3A_206 : memref<128xi32, #tpu.memory_space<vmem>>) semaphore(%run_scoped3A : memref<!tpu.dma_semaphore, #tpu.memory_space<semaphore_mem>>) {add = true}
        %dma_wait3A_210 = arith.constant 0 : i32
        %dma_wait3A_211 = tpu.memref_slice %arg9[%add3A_195, %dma_wait3A_210] : memref<114x128xi32, #tpu.memory_space<vmem>> -> memref<1x128xi32, #tpu.memory_space<vmem>>
        %dma_wait3A_212 = tpu.memref_squeeze %dma_wait3A_211 : memref<1x128xi32, #tpu.memory_space<vmem>> -> memref<128xi32, #tpu.memory_space<vmem>>
        %dma_wait3A_213 = arith.constant 0 : i32
        %dma_wait3A_214 = arith.constant 0 : i32
        %dma_wait3A_215 = tpu.memref_slice %arg15[%dma_wait3A_213, %dma_wait3A_214] : memref<10240x64xf32, #tpu.memory_space<vmem_shared>> -> memref<10240x64xf32, #tpu.memory_space<vmem_shared>>
        tpu.wait_indirect_dma semaphore(%run_scoped3A : memref<!tpu.dma_semaphore, #tpu.memory_space<semaphore_mem>>) src(%arg11 : memref<128x64xf32, #tpu.memory_space<vmem>>) dst(%dma_wait3A_215 : memref<10240x64xf32, #tpu.memory_space<vmem_shared>>)
        tpu.yield
      }) : () -> ()
      %add3A_196 = arith.constant 3 : i32
      %add3A_197 = arith.addi %mul3A_171, %add3A_196 : i32
      %dma_start3A_198 = arith.constant 0 : i32
      %dma_start3A_199 = tpu.memref_slice %arg8[%add3A_197, %dma_start3A_198] : memref<114x128xi32, #tpu.memory_space<vmem>> -> memref<1x128xi32, #tpu.memory_space<vmem>>
      %dma_start3A_200 = tpu.memref_squeeze %dma_start3A_199 : memref<1x128xi32, #tpu.memory_space<vmem>> -> memref<128xi32, #tpu.memory_space<vmem>>
      %dma_start3A_201 = arith.constant 0 : i32
      %dma_start3A_202 = arith.constant 0 : i32
      %dma_start3A_203 = tpu.memref_slice %arg3[%dma_start3A_201, %dma_start3A_202] : memref<10000x64xf32, #tpu.memory_space<hbm>> -> memref<10000x64xf32, #tpu.memory_space<hbm>>
      tpu.enqueue_indirect_dma source(%dma_start3A_203 : memref<10000x64xf32, #tpu.memory_space<hbm>>) target(%arg11 : memref<128x64xf32, #tpu.memory_space<vmem>>) offsets(%dma_start3A_200 : memref<128xi32, #tpu.memory_space<vmem>>) semaphore(%arg14 : memref<!tpu.dma_semaphore, #tpu.memory_space<semaphore_mem>>)
    }
    %while3A_136 = arith.constant 1 : i32
    scf.for %while3A_169 = %while3A_134 to %while3A_130 step %while3A_136  : i32 {
      %mul3A_170 = arith.constant 2 : i32
      %mul3A_171 = arith.muli %mul3A_170, %while3A_169 : i32
      %dma_wait3A_172 = arith.constant 0 : i32
      %dma_wait3A_173 = tpu.memref_slice %arg8[%mul3A_171, %dma_wait3A_172] : memref<114x128xi32, #tpu.memory_space<vmem>> -> memref<1x128xi32, #tpu.memory_space<vmem>>
      %dma_wait3A_174 = tpu.memref_squeeze %dma_wait3A_173 : memref<1x128xi32, #tpu.memory_space<vmem>> -> memref<128xi32, #tpu.memory_space<vmem>>
      %dma_wait3A_175 = arith.constant 0 : i32
      %dma_wait3A_176 = arith.constant 0 : i32
      %dma_wait3A_177 = tpu.memref_slice %arg3[%dma_wait3A_175, %dma_wait3A_176] : memref<10000x64xf32, #tpu.memory_space<hbm>> -> memref<10000x64xf32, #tpu.memory_space<hbm>>
      tpu.wait_indirect_dma semaphore(%arg13 : memref<!tpu.dma_semaphore, #tpu.memory_space<semaphore_mem>>) src(%dma_wait3A_177 : memref<10000x64xf32, #tpu.memory_space<hbm>>) dst(%arg10 : memref<128x64xf32, #tpu.memory_space<vmem>>)
      "tpu.region"() ({
        %run_scoped3A = tpu.sem_alloc : memref<!tpu.dma_semaphore, #tpu.memory_space<semaphore_mem>>
        %dma_start3A_204 = arith.constant 0 : i32
        %dma_start3A_205 = tpu.memref_slice %arg9[%mul3A_171, %dma_start3A_204] : memref<114x128xi32, #tpu.memory_space<vmem>> -> memref<1x128xi32, #tpu.memory_space<vmem>>
        %dma_start3A_206 = tpu.memref_squeeze %dma_start3A_205 : memref<1x128xi32, #tpu.memory_space<vmem>> -> memref<128xi32, #tpu.memory_space<vmem>>
        %dma_start3A_207 = arith.constant 0 : i32
        %dma_start3A_208 = arith.constant 0 : i32
        %dma_start3A_209 = tpu.memref_slice %arg15[%dma_start3A_207, %dma_start3A_208] : memref<10240x64xf32, #tpu.memory_space<vmem_shared>> -> memref<10240x64xf32, #tpu.memory_space<vmem_shared>>
        tpu.enqueue_indirect_dma source(%arg10 : memref<128x64xf32, #tpu.memory_space<vmem>>) target(%dma_start3A_209 : memref<10240x64xf32, #tpu.memory_space<vmem_shared>>) offsets(%dma_start3A_206 : memref<128xi32, #tpu.memory_space<vmem>>) semaphore(%run_scoped3A : memref<!tpu.dma_semaphore, #tpu.memory_space<semaphore_mem>>) {add = true}
        %dma_wait3A_210 = arith.constant 0 : i32
        %dma_wait3A_211 = tpu.memref_slice %arg9[%mul3A_171, %dma_wait3A_210] : memref<114x128xi32, #tpu.memory_space<vmem>> -> memref<1x128xi32, #tpu.memory_space<vmem>>
        %dma_wait3A_212 = tpu.memref_squeeze %dma_wait3A_211 : memref<1x128xi32, #tpu.memory_space<vmem>> -> memref<128xi32, #tpu.memory_space<vmem>>
        %dma_wait3A_213 = arith.constant 0 : i32
        %dma_wait3A_214 = arith.constant 0 : i32
        %dma_wait3A_215 = tpu.memref_slice %arg15[%dma_wait3A_213, %dma_wait3A_214] : memref<10240x64xf32, #tpu.memory_space<vmem_shared>> -> memref<10240x64xf32, #tpu.memory_space<vmem_shared>>
        tpu.wait_indirect_dma semaphore(%run_scoped3A : memref<!tpu.dma_semaphore, #tpu.memory_space<semaphore_mem>>) src(%arg10 : memref<128x64xf32, #tpu.memory_space<vmem>>) dst(%dma_wait3A_215 : memref<10240x64xf32, #tpu.memory_space<vmem_shared>>)
        tpu.yield
      }) : () -> ()
      %add3A_178 = arith.constant 2 : i32
      %add3A_179 = arith.addi %mul3A_171, %add3A_178 : i32
      %dma_start3A_180 = arith.constant 0 : i32
      %dma_start3A_181 = tpu.memref_slice %arg8[%add3A_179, %dma_start3A_180] : memref<114x128xi32, #tpu.memory_space<vmem>> -> memref<1x128xi32, #tpu.memory_space<vmem>>
      %dma_start3A_182 = tpu.memref_squeeze %dma_start3A_181 : memref<1x128xi32, #tpu.memory_space<vmem>> -> memref<128xi32, #tpu.memory_space<vmem>>
      %dma_start3A_183 = arith.constant 0 : i32
      %dma_start3A_184 = arith.constant 0 : i32
      %dma_start3A_185 = tpu.memref_slice %arg3[%dma_start3A_183, %dma_start3A_184] : memref<10000x64xf32, #tpu.memory_space<hbm>> -> memref<10000x64xf32, #tpu.memory_space<hbm>>
      tpu.enqueue_indirect_dma source(%dma_start3A_185 : memref<10000x64xf32, #tpu.memory_space<hbm>>) target(%arg10 : memref<128x64xf32, #tpu.memory_space<vmem>>) offsets(%dma_start3A_182 : memref<128xi32, #tpu.memory_space<vmem>>) semaphore(%arg13 : memref<!tpu.dma_semaphore, #tpu.memory_space<semaphore_mem>>)
      %add3A_186 = arith.constant 1 : i32
      %add3A_187 = arith.addi %mul3A_171, %add3A_186 : i32
      %dma_wait3A_188 = arith.constant 0 : i32
      %dma_wait3A_189 = tpu.memref_slice %arg8[%add3A_187, %dma_wait3A_188] : memref<114x128xi32, #tpu.memory_space<vmem>> -> memref<1x128xi32, #tpu.memory_space<vmem>>
      %dma_wait3A_190 = tpu.memref_squeeze %dma_wait3A_189 : memref<1x128xi32, #tpu.memory_space<vmem>> -> memref<128xi32, #tpu.memory_space<vmem>>
      %dma_wait3A_191 = arith.constant 0 : i32
      %dma_wait3A_192 = arith.constant 0 : i32
      %dma_wait3A_193 = tpu.memref_slice %arg3[%dma_wait3A_191, %dma_wait3A_192] : memref<10000x64xf32, #tpu.memory_space<hbm>> -> memref<10000x64xf32, #tpu.memory_space<hbm>>
      tpu.wait_indirect_dma semaphore(%arg14 : memref<!tpu.dma_semaphore, #tpu.memory_space<semaphore_mem>>) src(%dma_wait3A_193 : memref<10000x64xf32, #tpu.memory_space<hbm>>) dst(%arg11 : memref<128x64xf32, #tpu.memory_space<vmem>>)
      %add3A_194 = arith.constant 1 : i32
      %add3A_195 = arith.addi %mul3A_171, %add3A_194 : i32
      "tpu.region"() ({
        %run_scoped3A = tpu.sem_alloc : memref<!tpu.dma_semaphore, #tpu.memory_space<semaphore_mem>>
        %dma_start3A_204 = arith.constant 0 : i32
        %dma_start3A_205 = tpu.memref_slice %arg9[%add3A_195, %dma_start3A_204] : memref<114x128xi32, #tpu.memory_space<vmem>> -> memref<1x128xi32, #tpu.memory_space<vmem>>
        %dma_start3A_206 = tpu.memref_squeeze %dma_start3A_205 : memref<1x128xi32, #tpu.memory_space<vmem>> -> memref<128xi32, #tpu.memory_space<vmem>>
        %dma_start3A_207 = arith.constant 0 : i32
        %dma_start3A_208 = arith.constant 0 : i32
        %dma_start3A_209 = tpu.memref_slice %arg15[%dma_start3A_207, %dma_start3A_208] : memref<10240x64xf32, #tpu.memory_space<vmem_shared>> -> memref<10240x64xf32, #tpu.memory_space<vmem_shared>>
        tpu.enqueue_indirect_dma source(%arg11 : memref<128x64xf32, #tpu.memory_space<vmem>>) target(%dma_start3A_209 : memref<10240x64xf32, #tpu.memory_space<vmem_shared>>) offsets(%dma_start3A_206 : memref<128xi32, #tpu.memory_space<vmem>>) semaphore(%run_scoped3A : memref<!tpu.dma_semaphore, #tpu.memory_space<semaphore_mem>>) {add = true}
        %dma_wait3A_210 = arith.constant 0 : i32
        %dma_wait3A_211 = tpu.memref_slice %arg9[%add3A_195, %dma_wait3A_210] : memref<114x128xi32, #tpu.memory_space<vmem>> -> memref<1x128xi32, #tpu.memory_space<vmem>>
        %dma_wait3A_212 = tpu.memref_squeeze %dma_wait3A_211 : memref<1x128xi32, #tpu.memory_space<vmem>> -> memref<128xi32, #tpu.memory_space<vmem>>
        %dma_wait3A_213 = arith.constant 0 : i32
        %dma_wait3A_214 = arith.constant 0 : i32
        %dma_wait3A_215 = tpu.memref_slice %arg15[%dma_wait3A_213, %dma_wait3A_214] : memref<10240x64xf32, #tpu.memory_space<vmem_shared>> -> memref<10240x64xf32, #tpu.memory_space<vmem_shared>>
        tpu.wait_indirect_dma semaphore(%run_scoped3A : memref<!tpu.dma_semaphore, #tpu.memory_space<semaphore_mem>>) src(%arg11 : memref<128x64xf32, #tpu.memory_space<vmem>>) dst(%dma_wait3A_215 : memref<10240x64xf32, #tpu.memory_space<vmem_shared>>)
        tpu.yield
      }) : () -> ()
      %add3A_196 = arith.constant 3 : i32
      %add3A_197 = arith.addi %mul3A_171, %add3A_196 : i32
      %dma_start3A_198 = arith.constant 0 : i32
      %dma_start3A_199 = tpu.memref_slice %arg8[%add3A_197, %dma_start3A_198] : memref<114x128xi32, #tpu.memory_space<vmem>> -> memref<1x128xi32, #tpu.memory_space<vmem>>
      %dma_start3A_200 = tpu.memref_squeeze %dma_start3A_199 : memref<1x128xi32, #tpu.memory_space<vmem>> -> memref<128xi32, #tpu.memory_space<vmem>>
      %dma_start3A_201 = arith.constant 0 : i32
      %dma_start3A_202 = arith.constant 0 : i32
      %dma_start3A_203 = tpu.memref_slice %arg3[%dma_start3A_201, %dma_start3A_202] : memref<10000x64xf32, #tpu.memory_space<hbm>> -> memref<10000x64xf32, #tpu.memory_space<hbm>>
      tpu.enqueue_indirect_dma source(%dma_start3A_203 : memref<10000x64xf32, #tpu.memory_space<hbm>>) target(%arg11 : memref<128x64xf32, #tpu.memory_space<vmem>>) offsets(%dma_start3A_200 : memref<128xi32, #tpu.memory_space<vmem>>) semaphore(%arg14 : memref<!tpu.dma_semaphore, #tpu.memory_space<semaphore_mem>>)
    }
    %sub3A_137 = arith.constant 2 : i32
    %sub3A_138 = arith.subi %select_n3A_8, %sub3A_137 : i32
    %dma_wait3A_139 = arith.constant 0 : i32
    %dma_wait3A_140 = tpu.memref_slice %arg8[%sub3A_138, %dma_wait3A_139] : memref<114x128xi32, #tpu.memory_space<vmem>> -> memref<1x128xi32, #tpu.memory_space<vmem>>
    %dma_wait3A_141 = tpu.memref_squeeze %dma_wait3A_140 : memref<1x128xi32, #tpu.memory_space<vmem>> -> memref<128xi32, #tpu.memory_space<vmem>>
    %dma_wait3A_142 = arith.constant 0 : i32
    %dma_wait3A_143 = arith.constant 0 : i32
    %dma_wait3A_144 = tpu.memref_slice %arg3[%dma_wait3A_142, %dma_wait3A_143] : memref<10000x64xf32, #tpu.memory_space<hbm>> -> memref<10000x64xf32, #tpu.memory_space<hbm>>
    tpu.wait_indirect_dma semaphore(%arg13 : memref<!tpu.dma_semaphore, #tpu.memory_space<semaphore_mem>>) src(%dma_wait3A_144 : memref<10000x64xf32, #tpu.memory_space<hbm>>) dst(%arg10 : memref<128x64xf32, #tpu.memory_space<vmem>>)
    %sub3A_145 = arith.constant 2 : i32
    %sub3A_146 = arith.subi %select_n3A_8, %sub3A_145 : i32
    "tpu.region"() ({
      %run_scoped3A = tpu.sem_alloc : memref<!tpu.dma_semaphore, #tpu.memory_space<semaphore_mem>>
      %dma_start3A_169 = arith.constant 0 : i32
      %dma_start3A_170 = tpu.memref_slice %arg9[%sub3A_146, %dma_start3A_169] : memref<114x128xi32, #tpu.memory_space<vmem>> -> memref<1x128xi32, #tpu.memory_space<vmem>>
      %dma_start3A_171 = tpu.memref_squeeze %dma_start3A_170 : memref<1x128xi32, #tpu.memory_space<vmem>> -> memref<128xi32, #tpu.memory_space<vmem>>
      %dma_start3A_172 = arith.constant 0 : i32
      %dma_start3A_173 = arith.constant 0 : i32
      %dma_start3A_174 = tpu.memref_slice %arg15[%dma_start3A_172, %dma_start3A_173] : memref<10240x64xf32, #tpu.memory_space<vmem_shared>> -> memref<10240x64xf32, #tpu.memory_space<vmem_shared>>
      tpu.enqueue_indirect_dma source(%arg10 : memref<128x64xf32, #tpu.memory_space<vmem>>) target(%dma_start3A_174 : memref<10240x64xf32, #tpu.memory_space<vmem_shared>>) offsets(%dma_start3A_171 : memref<128xi32, #tpu.memory_space<vmem>>) semaphore(%run_scoped3A : memref<!tpu.dma_semaphore, #tpu.memory_space<semaphore_mem>>) {add = true}
      %dma_wait3A_175 = arith.constant 0 : i32
      %dma_wait3A_176 = tpu.memref_slice %arg9[%sub3A_146, %dma_wait3A_175] : memref<114x128xi32, #tpu.memory_space<vmem>> -> memref<1x128xi32, #tpu.memory_space<vmem>>
      %dma_wait3A_177 = tpu.memref_squeeze %dma_wait3A_176 : memref<1x128xi32, #tpu.memory_space<vmem>> -> memref<128xi32, #tpu.memory_space<vmem>>
      %dma_wait3A_178 = arith.constant 0 : i32
      %dma_wait3A_179 = arith.constant 0 : i32
      %dma_wait3A_180 = tpu.memref_slice %arg15[%dma_wait3A_178, %dma_wait3A_179] : memref<10240x64xf32, #tpu.memory_space<vmem_shared>> -> memref<10240x64xf32, #tpu.memory_space<vmem_shared>>
      tpu.wait_indirect_dma semaphore(%run_scoped3A : memref<!tpu.dma_semaphore, #tpu.memory_space<semaphore_mem>>) src(%arg10 : memref<128x64xf32, #tpu.memory_space<vmem>>) dst(%dma_wait3A_180 : memref<10240x64xf32, #tpu.memory_space<vmem_shared>>)
      tpu.yield
    }) : () -> ()
    %sub3A_147 = arith.constant 1 : i32
    %sub3A_148 = arith.subi %select_n3A_8, %sub3A_147 : i32
    %dma_wait3A_149 = arith.constant 0 : i32
    %dma_wait3A_150 = tpu.memref_slice %arg8[%sub3A_148, %dma_wait3A_149] : memref<114x128xi32, #tpu.memory_space<vmem>> -> memref<1x128xi32, #tpu.memory_space<vmem>>
    %dma_wait3A_151 = tpu.memref_squeeze %dma_wait3A_150 : memref<1x128xi32, #tpu.memory_space<vmem>> -> memref<128xi32, #tpu.memory_space<vmem>>
    %dma_wait3A_152 = arith.constant 0 : i32
    %dma_wait3A_153 = arith.constant 0 : i32
    %dma_wait3A_154 = tpu.memref_slice %arg3[%dma_wait3A_152, %dma_wait3A_153] : memref<10000x64xf32, #tpu.memory_space<hbm>> -> memref<10000x64xf32, #tpu.memory_space<hbm>>
    tpu.wait_indirect_dma semaphore(%arg14 : memref<!tpu.dma_semaphore, #tpu.memory_space<semaphore_mem>>) src(%dma_wait3A_154 : memref<10000x64xf32, #tpu.memory_space<hbm>>) dst(%arg11 : memref<128x64xf32, #tpu.memory_space<vmem>>)
    %sub3A_155 = arith.constant 1 : i32
    %sub3A_156 = arith.subi %select_n3A_8, %sub3A_155 : i32
    "tpu.region"() ({
      %run_scoped3A = tpu.sem_alloc : memref<!tpu.dma_semaphore, #tpu.memory_space<semaphore_mem>>
      %dma_start3A_169 = arith.constant 0 : i32
      %dma_start3A_170 = tpu.memref_slice %arg9[%sub3A_156, %dma_start3A_169] : memref<114x128xi32, #tpu.memory_space<vmem>> -> memref<1x128xi32, #tpu.memory_space<vmem>>
      %dma_start3A_171 = tpu.memref_squeeze %dma_start3A_170 : memref<1x128xi32, #tpu.memory_space<vmem>> -> memref<128xi32, #tpu.memory_space<vmem>>
      %dma_start3A_172 = arith.constant 0 : i32
      %dma_start3A_173 = arith.constant 0 : i32
      %dma_start3A_174 = tpu.memref_slice %arg15[%dma_start3A_172, %dma_start3A_173] : memref<10240x64xf32, #tpu.memory_space<vmem_shared>> -> memref<10240x64xf32, #tpu.memory_space<vmem_shared>>
      tpu.enqueue_indirect_dma source(%arg11 : memref<128x64xf32, #tpu.memory_space<vmem>>) target(%dma_start3A_174 : memref<10240x64xf32, #tpu.memory_space<vmem_shared>>) offsets(%dma_start3A_171 : memref<128xi32, #tpu.memory_space<vmem>>) semaphore(%run_scoped3A : memref<!tpu.dma_semaphore, #tpu.memory_space<semaphore_mem>>) {add = true}
      %dma_wait3A_175 = arith.constant 0 : i32
      %dma_wait3A_176 = tpu.memref_slice %arg9[%sub3A_156, %dma_wait3A_175] : memref<114x128xi32, #tpu.memory_space<vmem>> -> memref<1x128xi32, #tpu.memory_space<vmem>>
      %dma_wait3A_177 = tpu.memref_squeeze %dma_wait3A_176 : memref<1x128xi32, #tpu.memory_space<vmem>> -> memref<128xi32, #tpu.memory_space<vmem>>
      %dma_wait3A_178 = arith.constant 0 : i32
      %dma_wait3A_179 = arith.constant 0 : i32
      %dma_wait3A_180 = tpu.memref_slice %arg15[%dma_wait3A_178, %dma_wait3A_179] : memref<10240x64xf32, #tpu.memory_space<vmem_shared>> -> memref<10240x64xf32, #tpu.memory_space<vmem_shared>>
      tpu.wait_indirect_dma semaphore(%run_scoped3A : memref<!tpu.dma_semaphore, #tpu.memory_space<semaphore_mem>>) src(%arg11 : memref<128x64xf32, #tpu.memory_space<vmem>>) dst(%dma_wait3A_180 : memref<10240x64xf32, #tpu.memory_space<vmem_shared>>)
      tpu.yield
    }) : () -> ()
    %barrier3A_157 = arith.constant 0 : index
    tpu.barrier barrier_id(%barrier3A_157)
    %mul3A_158 = arith.constant 2 : i32
    %mul3A_159 = arith.muli %arg0, %mul3A_158 : i32
    %add3A_160 = arith.constant 1 : i32
    %add3A_161 = arith.addi %mul3A_159, %add3A_160 : i32
    %mul3A_162 = arith.constant 10240 : i32
    %mul3A_163 = arith.muli %add3A_161, %mul3A_162 : i32
    %mul3A_164 = arith.constant 640 : i32
    %mul3A_165 = arith.muli %arg1, %mul3A_164 : i32
    %add3A_166 = arith.addi %mul3A_163, %mul3A_165 : i32
    %mul3A_167 = arith.constant 640 : i32
    %mul3A_168 = arith.muli %arg1, %mul3A_167 : i32
    "tpu.region"() ({
      %run_scoped3A = tpu.sem_alloc : memref<!tpu.dma_semaphore, #tpu.memory_space<semaphore_mem>>
      %dma_start3A_169 = arith.constant 0 : i32
      %dma_start3A_170 = tpu.memref_slice %arg15[%mul3A_168, %dma_start3A_169] : memref<10240x64xf32, #tpu.memory_space<vmem_shared>> -> memref<640x64xf32, #tpu.memory_space<vmem_shared>>
      %dma_start3A_171 = arith.constant 0 : i32
      %dma_start3A_172 = tpu.memref_slice %arg15[%mul3A_168, %dma_start3A_171] : memref<10240x64xf32, #tpu.memory_space<vmem_shared>> -> memref<640x64xf32, #tpu.memory_space<vmem_shared>>
      tpu.enqueue_dma source(%dma_start3A_172 : memref<640x64xf32, #tpu.memory_space<vmem_shared>>) target(%arg12 : memref<640x64xf32, #tpu.memory_space<vmem>>) target_semaphore(%run_scoped3A : memref<!tpu.dma_semaphore, #tpu.memory_space<semaphore_mem>>)
      %dma_wait3A_173 = arith.constant 0 : i32
      %dma_wait3A_174 = tpu.memref_slice %arg15[%mul3A_168, %dma_wait3A_173] : memref<10240x64xf32, #tpu.memory_space<vmem_shared>> -> memref<640x64xf32, #tpu.memory_space<vmem_shared>>
      %dma_wait3A_175 = arith.constant 0 : i32
      %dma_wait3A_176 = tpu.memref_slice %arg15[%mul3A_168, %dma_wait3A_175] : memref<10240x64xf32, #tpu.memory_space<vmem_shared>> -> memref<640x64xf32, #tpu.memory_space<vmem_shared>>
      tpu.wait_dma2 semaphore(%run_scoped3A : memref<!tpu.dma_semaphore, #tpu.memory_space<semaphore_mem>>) src(%dma_wait3A_176 : memref<640x64xf32, #tpu.memory_space<vmem_shared>>) dst(%arg12 : memref<640x64xf32, #tpu.memory_space<vmem>>)
      tpu.yield
    }) : () -> ()
    "tpu.region"() ({
      %run_scoped3A = tpu.sem_alloc : memref<!tpu.dma_semaphore, #tpu.memory_space<semaphore_mem>>
      %dma_start3A_169 = arith.constant 0 : i32
      %dma_start3A_170 = tpu.memref_slice %arg7[%add3A_166, %dma_start3A_169] : memref<40960x64xf32, #tpu.memory_space<hbm>> -> memref<640x64xf32, #tpu.memory_space<hbm>>
      %dma_start3A_171 = arith.constant 0 : i32
      %dma_start3A_172 = tpu.memref_slice %arg7[%add3A_166, %dma_start3A_171] : memref<40960x64xf32, #tpu.memory_space<hbm>> -> memref<640x64xf32, #tpu.memory_space<hbm>>
      tpu.enqueue_dma source(%arg12 : memref<640x64xf32, #tpu.memory_space<vmem>>) target(%dma_start3A_172 : memref<640x64xf32, #tpu.memory_space<hbm>>) target_semaphore(%run_scoped3A : memref<!tpu.dma_semaphore, #tpu.memory_space<semaphore_mem>>)
      %dma_wait3A_173 = arith.constant 0 : i32
      %dma_wait3A_174 = tpu.memref_slice %arg7[%add3A_166, %dma_wait3A_173] : memref<40960x64xf32, #tpu.memory_space<hbm>> -> memref<640x64xf32, #tpu.memory_space<hbm>>
      %dma_wait3A_175 = arith.constant 0 : i32
      %dma_wait3A_176 = tpu.memref_slice %arg7[%add3A_166, %dma_wait3A_175] : memref<40960x64xf32, #tpu.memory_space<hbm>> -> memref<640x64xf32, #tpu.memory_space<hbm>>
      tpu.wait_dma2 semaphore(%run_scoped3A : memref<!tpu.dma_semaphore, #tpu.memory_space<semaphore_mem>>) src(%arg12 : memref<640x64xf32, #tpu.memory_space<vmem>>) dst(%dma_wait3A_176 : memref<640x64xf32, #tpu.memory_space<hbm>>)
      tpu.yield
    }) : () -> ()
    return
  }
}

#map = affine_map<(d0, d1) -> (0, 0)>
module attributes {stable_mosaic.version = 14 : i64} {
  func.func @sc_sage_aggregate(%arg0: i32, %arg1: i32, %arg2: memref<10000x64xf32, #tpu.memory_space<hbm>>, %arg3: memref<10000x64xf32, #tpu.memory_space<hbm>>, %arg4: memref<2628x128xi32, #tpu.memory_space<hbm>>, %arg5: memref<2628x128xi32, #tpu.memory_space<hbm>>, %arg6: memref<640x64xf32, #tpu.memory_space<hbm>>, %arg7: memref<40960x64xf32, #tpu.memory_space<hbm>>, %arg8: memref<114x128xi32, #tpu.memory_space<vmem>>, %arg9: memref<114x128xi32, #tpu.memory_space<vmem>>, %arg10: memref<128x64xf32, #tpu.memory_space<vmem>>, %arg11: memref<128x64xf32, #tpu.memory_space<vmem>>, %arg12: memref<640x64xf32, #tpu.memory_space<vmem>>, %arg13: memref<!tpu.dma_semaphore, #tpu.memory_space<semaphore_mem>>, %arg14: memref<!tpu.dma_semaphore, #tpu.memory_space<semaphore_mem>>, %arg15: memref<10240x64xf32, #tpu.memory_space<vmem_shared>>) attributes {dimension_semantics = [#tpu.dimension_semantics<core_parallel>, #tpu.dimension_semantics<subcore_parallel>], iteration_bounds = array<i64: 2, 16>, scalar_prefetch = 0 : i64, scratch_operands = 8 : i64, tpu.core_type = #tpu.core_type<sc_vector_subcore>, window_params = [{transform_indices = #map}, {transform_indices = #map}, {transform_indices = #map}, {transform_indices = #map}, {transform_indices = #map}, {transform_indices = #map}]} {
    %eq3A = arith.constant 0 : i32
    %eq3A_0 = arith.cmpi eq, %arg0, %eq3A : i32
    %mul3A = arith.constant 114 : i32
    %mul3A_1 = arith.muli %arg1, %mul3A : i32
    %mul3A_2 = arith.constant 46 : i32
    %mul3A_3 = arith.muli %arg1, %mul3A_2 : i32
    %add3A = arith.constant 1824 : i32
    %add3A_4 = arith.addi %add3A, %mul3A_3 : i32
    %select_n3A = arith.select %eq3A_0, %mul3A_1, %add3A_4 : i32
    %eq3A_5 = arith.constant 0 : i32
    %eq3A_6 = arith.cmpi eq, %arg0, %eq3A_5 : i32
    %jit3A = arith.constant 114 : i32
    %jit3A_7 = arith.constant 46 : i32
    %select_n3A_8 = arith.select %eq3A_6, %jit3A, %jit3A_7 : i32
    "tpu.region"() ({
      %run_scoped3A = tpu.sem_alloc : memref<!tpu.dma_semaphore, #tpu.memory_space<semaphore_mem>>
      %dma_start3A_169 = arith.constant 0 : i32
      %dma_start3A_170 = tpu.memref_slice %arg4[%select_n3A, %dma_start3A_169] : memref<2628x128xi32, #tpu.memory_space<hbm>> -> memref<114x128xi32, #tpu.memory_space<hbm>>
      %dma_start3A_171 = arith.constant 0 : i32
      %dma_start3A_172 = tpu.memref_slice %arg4[%select_n3A, %dma_start3A_171] : memref<2628x128xi32, #tpu.memory_space<hbm>> -> memref<114x128xi32, #tpu.memory_space<hbm>>
      tpu.enqueue_dma source(%dma_start3A_172 : memref<114x128xi32, #tpu.memory_space<hbm>>) target(%arg8 : memref<114x128xi32, #tpu.memory_space<vmem>>) target_semaphore(%run_scoped3A : memref<!tpu.dma_semaphore, #tpu.memory_space<semaphore_mem>>)
      %dma_wait3A_173 = arith.constant 0 : i32
      %dma_wait3A_174 = tpu.memref_slice %arg4[%select_n3A, %dma_wait3A_173] : memref<2628x128xi32, #tpu.memory_space<hbm>> -> memref<114x128xi32, #tpu.memory_space<hbm>>
      %dma_wait3A_175 = arith.constant 0 : i32
      %dma_wait3A_176 = tpu.memref_slice %arg4[%select_n3A, %dma_wait3A_175] : memref<2628x128xi32, #tpu.memory_space<hbm>> -> memref<114x128xi32, #tpu.memory_space<hbm>>
      tpu.wait_dma2 semaphore(%run_scoped3A : memref<!tpu.dma_semaphore, #tpu.memory_space<semaphore_mem>>) src(%dma_wait3A_176 : memref<114x128xi32, #tpu.memory_space<hbm>>) dst(%arg8 : memref<114x128xi32, #tpu.memory_space<vmem>>)
      tpu.yield
    }) : () -> ()
    "tpu.region"() ({
      %run_scoped3A = tpu.sem_alloc : memref<!tpu.dma_semaphore, #tpu.memory_space<semaphore_mem>>
      %dma_start3A_169 = arith.constant 0 : i32
      %dma_start3A_170 = tpu.memref_slice %arg5[%select_n3A, %dma_start3A_169] : memref<2628x128xi32, #tpu.memory_space<hbm>> -> memref<114x128xi32, #tpu.memory_space<hbm>>
      %dma_start3A_171 = arith.constant 0 : i32
      %dma_start3A_172 = tpu.memref_slice %arg5[%select_n3A, %dma_start3A_171] : memref<2628x128xi32, #tpu.memory_space<hbm>> -> memref<114x128xi32, #tpu.memory_space<hbm>>
      tpu.enqueue_dma source(%dma_start3A_172 : memref<114x128xi32, #tpu.memory_space<hbm>>) target(%arg9 : memref<114x128xi32, #tpu.memory_space<vmem>>) target_semaphore(%run_scoped3A : memref<!tpu.dma_semaphore, #tpu.memory_space<semaphore_mem>>)
      %dma_wait3A_173 = arith.constant 0 : i32
      %dma_wait3A_174 = tpu.memref_slice %arg5[%select_n3A, %dma_wait3A_173] : memref<2628x128xi32, #tpu.memory_space<hbm>> -> memref<114x128xi32, #tpu.memory_space<hbm>>
      %dma_wait3A_175 = arith.constant 0 : i32
      %dma_wait3A_176 = tpu.memref_slice %arg5[%select_n3A, %dma_wait3A_175] : memref<2628x128xi32, #tpu.memory_space<hbm>> -> memref<114x128xi32, #tpu.memory_space<hbm>>
      tpu.wait_dma2 semaphore(%run_scoped3A : memref<!tpu.dma_semaphore, #tpu.memory_space<semaphore_mem>>) src(%dma_wait3A_176 : memref<114x128xi32, #tpu.memory_space<hbm>>) dst(%arg9 : memref<114x128xi32, #tpu.memory_space<vmem>>)
      tpu.yield
    }) : () -> ()
    "tpu.region"() ({
      %run_scoped3A = tpu.sem_alloc : memref<!tpu.dma_semaphore, #tpu.memory_space<semaphore_mem>>
      tpu.enqueue_dma source(%arg6 : memref<640x64xf32, #tpu.memory_space<hbm>>) target(%arg12 : memref<640x64xf32, #tpu.memory_space<vmem>>) target_semaphore(%run_scoped3A : memref<!tpu.dma_semaphore, #tpu.memory_space<semaphore_mem>>)
      tpu.wait_dma2 semaphore(%run_scoped3A : memref<!tpu.dma_semaphore, #tpu.memory_space<semaphore_mem>>) src(%arg6 : memref<640x64xf32, #tpu.memory_space<hbm>>) dst(%arg12 : memref<640x64xf32, #tpu.memory_space<vmem>>)
      tpu.yield
    }) : () -> ()
    %mul3A_9 = arith.constant 640 : i32
    %mul3A_10 = arith.muli %arg1, %mul3A_9 : i32
    "tpu.region"() ({
      %run_scoped3A = tpu.sem_alloc : memref<!tpu.dma_semaphore, #tpu.memory_space<semaphore_mem>>
      %dma_start3A_169 = arith.constant 0 : i32
      %dma_start3A_170 = tpu.memref_slice %arg15[%mul3A_10, %dma_start3A_169] : memref<10240x64xf32, #tpu.memory_space<vmem_shared>> -> memref<640x64xf32, #tpu.memory_space<vmem_shared>>
      %dma_start3A_171 = arith.constant 0 : i32
      %dma_start3A_172 = tpu.memref_slice %arg15[%mul3A_10, %dma_start3A_171] : memref<10240x64xf32, #tpu.memory_space<vmem_shared>> -> memref<640x64xf32, #tpu.memory_space<vmem_shared>>
      tpu.enqueue_dma source(%arg12 : memref<640x64xf32, #tpu.memory_space<vmem>>) target(%dma_start3A_172 : memref<640x64xf32, #tpu.memory_space<vmem_shared>>) target_semaphore(%run_scoped3A : memref<!tpu.dma_semaphore, #tpu.memory_space<semaphore_mem>>)
      %dma_wait3A_173 = arith.constant 0 : i32
      %dma_wait3A_174 = tpu.memref_slice %arg15[%mul3A_10, %dma_wait3A_173] : memref<10240x64xf32, #tpu.memory_space<vmem_shared>> -> memref<640x64xf32, #tpu.memory_space<vmem_shared>>
      %dma_wait3A_175 = arith.constant 0 : i32
      %dma_wait3A_176 = tpu.memref_slice %arg15[%mul3A_10, %dma_wait3A_175] : memref<10240x64xf32, #tpu.memory_space<vmem_shared>> -> memref<640x64xf32, #tpu.memory_space<vmem_shared>>
      tpu.wait_dma2 semaphore(%run_scoped3A : memref<!tpu.dma_semaphore, #tpu.memory_space<semaphore_mem>>) src(%arg12 : memref<640x64xf32, #tpu.memory_space<vmem>>) dst(%dma_wait3A_176 : memref<640x64xf32, #tpu.memory_space<vmem_shared>>)
      tpu.yield
    }) : () -> ()
    %dma_start3A = arith.constant 0 : i32
    %dma_start3A_11 = arith.constant 0 : i32
    %dma_start3A_12 = tpu.memref_slice %arg8[%dma_start3A, %dma_start3A_11] : memref<114x128xi32, #tpu.memory_space<vmem>> -> memref<1x128xi32, #tpu.memory_space<vmem>>
    %dma_start3A_13 = tpu.memref_squeeze %dma_start3A_12 : memref<1x128xi32, #tpu.memory_space<vmem>> -> memref<128xi32, #tpu.memory_space<vmem>>
    %dma_start3A_14 = arith.constant 0 : i32
    %dma_start3A_15 = arith.constant 0 : i32
    %dma_start3A_16 = tpu.memref_slice %arg2[%dma_start3A_14, %dma_start3A_15] : memref<10000x64xf32, #tpu.memory_space<hbm>> -> memref<10000x64xf32, #tpu.memory_space<hbm>>
    tpu.enqueue_indirect_dma source(%dma_start3A_16 : memref<10000x64xf32, #tpu.memory_space<hbm>>) target(%arg10 : memref<128x64xf32, #tpu.memory_space<vmem>>) offsets(%dma_start3A_13 : memref<128xi32, #tpu.memory_space<vmem>>) semaphore(%arg13 : memref<!tpu.dma_semaphore, #tpu.memory_space<semaphore_mem>>)
    %dma_start3A_17 = arith.constant 1 : i32
    %dma_start3A_18 = arith.constant 0 : i32
    %dma_start3A_19 = tpu.memref_slice %arg8[%dma_start3A_17, %dma_start3A_18] : memref<114x128xi32, #tpu.memory_space<vmem>> -> memref<1x128xi32, #tpu.memory_space<vmem>>
    %dma_start3A_20 = tpu.memref_squeeze %dma_start3A_19 : memref<1x128xi32, #tpu.memory_space<vmem>> -> memref<128xi32, #tpu.memory_space<vmem>>
    %dma_start3A_21 = arith.constant 0 : i32
    %dma_start3A_22 = arith.constant 0 : i32
    %dma_start3A_23 = tpu.memref_slice %arg2[%dma_start3A_21, %dma_start3A_22] : memref<10000x64xf32, #tpu.memory_space<hbm>> -> memref<10000x64xf32, #tpu.memory_space<hbm>>
    tpu.enqueue_indirect_dma source(%dma_start3A_23 : memref<10000x64xf32, #tpu.memory_space<hbm>>) target(%arg11 : memref<128x64xf32, #tpu.memory_space<vmem>>) offsets(%dma_start3A_20 : memref<128xi32, #tpu.memory_space<vmem>>) semaphore(%arg14 : memref<!tpu.dma_semaphore, #tpu.memory_space<semaphore_mem>>)
    %barrier3A = arith.constant 0 : index
    tpu.barrier barrier_id(%barrier3A)
    %sub3A = arith.constant 2 : i32
    %sub3A_24 = arith.subi %select_n3A_8, %sub3A : i32
    %jit3A_25 = arith.constant 2 : i32
    %div3A = arith.divsi %sub3A_24, %jit3A_25 : i32
    %sign3A = arith.constant 0 : i32
    %sign3A_26 = arith.cmpi sgt, %sub3A_24, %sign3A : i32
    %sign3A_27 = arith.extui %sign3A_26 : i1 to i32
    %sign3A_28 = arith.constant 0 : i32
    %sign3A_29 = arith.cmpi slt, %sub3A_24, %sign3A_28 : i32
    %sign3A_30 = arith.extui %sign3A_29 : i1 to i32
    %sign3A_31 = arith.subi %sign3A_27, %sign3A_30 : i32
    %sign3A_32 = arith.constant 0 : i32
    %sign3A_33 = arith.cmpi sgt, %jit3A_25, %sign3A_32 : i32
    %sign3A_34 = arith.extui %sign3A_33 : i1 to i32
    %sign3A_35 = arith.constant 0 : i32
    %sign3A_36 = arith.cmpi slt, %jit3A_25, %sign3A_35 : i32
    %sign3A_37 = arith.extui %sign3A_36 : i1 to i32
    %sign3A_38 = arith.subi %sign3A_34, %sign3A_37 : i32
    %ne3A = arith.cmpi ne, %sign3A_31, %sign3A_38 : i32
    %rem3A = arith.remsi %sub3A_24, %jit3A_25 : i32
    %ne3A_39 = arith.constant 0 : i32
    %ne3A_40 = arith.cmpi ne, %rem3A, %ne3A_39 : i32
    %and3A = arith.andi %ne3A, %ne3A_40 : i1
    %sub3A_41 = arith.constant 1 : i32
    %sub3A_42 = arith.subi %div3A, %sub3A_41 : i32
    %select_n3A_43 = arith.select %and3A, %sub3A_42, %div3A : i32
    %while3A = arith.constant 0 : i32
    %while3A_44 = arith.constant 0 : i32
    %while3A_45 = arith.subi %select_n3A_43, %while3A_44 : i32
    %while3A_46 = arith.addi %while3A_44, %while3A_45 : i32
    %while3A_47 = arith.constant 1 : i32
    %while3A_48 = arith.divsi %while3A_45, %while3A_47 : i32
    %while3A_49 = arith.muli %while3A_48, %while3A_47 : i32
    %while3A_50 = arith.addi %while3A_44, %while3A_49 : i32
    %while3A_51 = arith.constant 1 : i32
    scf.for %while3A_169 = %while3A_44 to %while3A_50 step %while3A_51  : i32 {
      %mul3A_170 = arith.constant 2 : i32
      %mul3A_171 = arith.muli %mul3A_170, %while3A_169 : i32
      %dma_wait3A_172 = arith.constant 0 : i32
      %dma_wait3A_173 = tpu.memref_slice %arg8[%mul3A_171, %dma_wait3A_172] : memref<114x128xi32, #tpu.memory_space<vmem>> -> memref<1x128xi32, #tpu.memory_space<vmem>>
      %dma_wait3A_174 = tpu.memref_squeeze %dma_wait3A_173 : memref<1x128xi32, #tpu.memory_space<vmem>> -> memref<128xi32, #tpu.memory_space<vmem>>
      %dma_wait3A_175 = arith.constant 0 : i32
      %dma_wait3A_176 = arith.constant 0 : i32
      %dma_wait3A_177 = tpu.memref_slice %arg2[%dma_wait3A_175, %dma_wait3A_176] : memref<10000x64xf32, #tpu.memory_space<hbm>> -> memref<10000x64xf32, #tpu.memory_space<hbm>>
      tpu.wait_indirect_dma semaphore(%arg13 : memref<!tpu.dma_semaphore, #tpu.memory_space<semaphore_mem>>) src(%dma_wait3A_177 : memref<10000x64xf32, #tpu.memory_space<hbm>>) dst(%arg10 : memref<128x64xf32, #tpu.memory_space<vmem>>)
      "tpu.region"() ({
        %run_scoped3A = tpu.sem_alloc : memref<!tpu.dma_semaphore, #tpu.memory_space<semaphore_mem>>
        %dma_start3A_204 = arith.constant 0 : i32
        %dma_start3A_205 = tpu.memref_slice %arg9[%mul3A_171, %dma_start3A_204] : memref<114x128xi32, #tpu.memory_space<vmem>> -> memref<1x128xi32, #tpu.memory_space<vmem>>
        %dma_start3A_206 = tpu.memref_squeeze %dma_start3A_205 : memref<1x128xi32, #tpu.memory_space<vmem>> -> memref<128xi32, #tpu.memory_space<vmem>>
        %dma_start3A_207 = arith.constant 0 : i32
        %dma_start3A_208 = arith.constant 0 : i32
        %dma_start3A_209 = tpu.memref_slice %arg15[%dma_start3A_207, %dma_start3A_208] : memref<10240x64xf32, #tpu.memory_space<vmem_shared>> -> memref<10240x64xf32, #tpu.memory_space<vmem_shared>>
        tpu.enqueue_indirect_dma source(%arg10 : memref<128x64xf32, #tpu.memory_space<vmem>>) target(%dma_start3A_209 : memref<10240x64xf32, #tpu.memory_space<vmem_shared>>) offsets(%dma_start3A_206 : memref<128xi32, #tpu.memory_space<vmem>>) semaphore(%run_scoped3A : memref<!tpu.dma_semaphore, #tpu.memory_space<semaphore_mem>>) {add = true}
        %dma_wait3A_210 = arith.constant 0 : i32
        %dma_wait3A_211 = tpu.memref_slice %arg9[%mul3A_171, %dma_wait3A_210] : memref<114x128xi32, #tpu.memory_space<vmem>> -> memref<1x128xi32, #tpu.memory_space<vmem>>
        %dma_wait3A_212 = tpu.memref_squeeze %dma_wait3A_211 : memref<1x128xi32, #tpu.memory_space<vmem>> -> memref<128xi32, #tpu.memory_space<vmem>>
        %dma_wait3A_213 = arith.constant 0 : i32
        %dma_wait3A_214 = arith.constant 0 : i32
        %dma_wait3A_215 = tpu.memref_slice %arg15[%dma_wait3A_213, %dma_wait3A_214] : memref<10240x64xf32, #tpu.memory_space<vmem_shared>> -> memref<10240x64xf32, #tpu.memory_space<vmem_shared>>
        tpu.wait_indirect_dma semaphore(%run_scoped3A : memref<!tpu.dma_semaphore, #tpu.memory_space<semaphore_mem>>) src(%arg10 : memref<128x64xf32, #tpu.memory_space<vmem>>) dst(%dma_wait3A_215 : memref<10240x64xf32, #tpu.memory_space<vmem_shared>>)
        tpu.yield
      }) : () -> ()
      %add3A_178 = arith.constant 2 : i32
      %add3A_179 = arith.addi %mul3A_171, %add3A_178 : i32
      %dma_start3A_180 = arith.constant 0 : i32
      %dma_start3A_181 = tpu.memref_slice %arg8[%add3A_179, %dma_start3A_180] : memref<114x128xi32, #tpu.memory_space<vmem>> -> memref<1x128xi32, #tpu.memory_space<vmem>>
      %dma_start3A_182 = tpu.memref_squeeze %dma_start3A_181 : memref<1x128xi32, #tpu.memory_space<vmem>> -> memref<128xi32, #tpu.memory_space<vmem>>
      %dma_start3A_183 = arith.constant 0 : i32
      %dma_start3A_184 = arith.constant 0 : i32
      %dma_start3A_185 = tpu.memref_slice %arg2[%dma_start3A_183, %dma_start3A_184] : memref<10000x64xf32, #tpu.memory_space<hbm>> -> memref<10000x64xf32, #tpu.memory_space<hbm>>
      tpu.enqueue_indirect_dma source(%dma_start3A_185 : memref<10000x64xf32, #tpu.memory_space<hbm>>) target(%arg10 : memref<128x64xf32, #tpu.memory_space<vmem>>) offsets(%dma_start3A_182 : memref<128xi32, #tpu.memory_space<vmem>>) semaphore(%arg13 : memref<!tpu.dma_semaphore, #tpu.memory_space<semaphore_mem>>)
      %add3A_186 = arith.constant 1 : i32
      %add3A_187 = arith.addi %mul3A_171, %add3A_186 : i32
      %dma_wait3A_188 = arith.constant 0 : i32
      %dma_wait3A_189 = tpu.memref_slice %arg8[%add3A_187, %dma_wait3A_188] : memref<114x128xi32, #tpu.memory_space<vmem>> -> memref<1x128xi32, #tpu.memory_space<vmem>>
      %dma_wait3A_190 = tpu.memref_squeeze %dma_wait3A_189 : memref<1x128xi32, #tpu.memory_space<vmem>> -> memref<128xi32, #tpu.memory_space<vmem>>
      %dma_wait3A_191 = arith.constant 0 : i32
      %dma_wait3A_192 = arith.constant 0 : i32
      %dma_wait3A_193 = tpu.memref_slice %arg2[%dma_wait3A_191, %dma_wait3A_192] : memref<10000x64xf32, #tpu.memory_space<hbm>> -> memref<10000x64xf32, #tpu.memory_space<hbm>>
      tpu.wait_indirect_dma semaphore(%arg14 : memref<!tpu.dma_semaphore, #tpu.memory_space<semaphore_mem>>) src(%dma_wait3A_193 : memref<10000x64xf32, #tpu.memory_space<hbm>>) dst(%arg11 : memref<128x64xf32, #tpu.memory_space<vmem>>)
      %add3A_194 = arith.constant 1 : i32
      %add3A_195 = arith.addi %mul3A_171, %add3A_194 : i32
      "tpu.region"() ({
        %run_scoped3A = tpu.sem_alloc : memref<!tpu.dma_semaphore, #tpu.memory_space<semaphore_mem>>
        %dma_start3A_204 = arith.constant 0 : i32
        %dma_start3A_205 = tpu.memref_slice %arg9[%add3A_195, %dma_start3A_204] : memref<114x128xi32, #tpu.memory_space<vmem>> -> memref<1x128xi32, #tpu.memory_space<vmem>>
        %dma_start3A_206 = tpu.memref_squeeze %dma_start3A_205 : memref<1x128xi32, #tpu.memory_space<vmem>> -> memref<128xi32, #tpu.memory_space<vmem>>
        %dma_start3A_207 = arith.constant 0 : i32
        %dma_start3A_208 = arith.constant 0 : i32
        %dma_start3A_209 = tpu.memref_slice %arg15[%dma_start3A_207, %dma_start3A_208] : memref<10240x64xf32, #tpu.memory_space<vmem_shared>> -> memref<10240x64xf32, #tpu.memory_space<vmem_shared>>
        tpu.enqueue_indirect_dma source(%arg11 : memref<128x64xf32, #tpu.memory_space<vmem>>) target(%dma_start3A_209 : memref<10240x64xf32, #tpu.memory_space<vmem_shared>>) offsets(%dma_start3A_206 : memref<128xi32, #tpu.memory_space<vmem>>) semaphore(%run_scoped3A : memref<!tpu.dma_semaphore, #tpu.memory_space<semaphore_mem>>) {add = true}
        %dma_wait3A_210 = arith.constant 0 : i32
        %dma_wait3A_211 = tpu.memref_slice %arg9[%add3A_195, %dma_wait3A_210] : memref<114x128xi32, #tpu.memory_space<vmem>> -> memref<1x128xi32, #tpu.memory_space<vmem>>
        %dma_wait3A_212 = tpu.memref_squeeze %dma_wait3A_211 : memref<1x128xi32, #tpu.memory_space<vmem>> -> memref<128xi32, #tpu.memory_space<vmem>>
        %dma_wait3A_213 = arith.constant 0 : i32
        %dma_wait3A_214 = arith.constant 0 : i32
        %dma_wait3A_215 = tpu.memref_slice %arg15[%dma_wait3A_213, %dma_wait3A_214] : memref<10240x64xf32, #tpu.memory_space<vmem_shared>> -> memref<10240x64xf32, #tpu.memory_space<vmem_shared>>
        tpu.wait_indirect_dma semaphore(%run_scoped3A : memref<!tpu.dma_semaphore, #tpu.memory_space<semaphore_mem>>) src(%arg11 : memref<128x64xf32, #tpu.memory_space<vmem>>) dst(%dma_wait3A_215 : memref<10240x64xf32, #tpu.memory_space<vmem_shared>>)
        tpu.yield
      }) : () -> ()
      %add3A_196 = arith.constant 3 : i32
      %add3A_197 = arith.addi %mul3A_171, %add3A_196 : i32
      %dma_start3A_198 = arith.constant 0 : i32
      %dma_start3A_199 = tpu.memref_slice %arg8[%add3A_197, %dma_start3A_198] : memref<114x128xi32, #tpu.memory_space<vmem>> -> memref<1x128xi32, #tpu.memory_space<vmem>>
      %dma_start3A_200 = tpu.memref_squeeze %dma_start3A_199 : memref<1x128xi32, #tpu.memory_space<vmem>> -> memref<128xi32, #tpu.memory_space<vmem>>
      %dma_start3A_201 = arith.constant 0 : i32
      %dma_start3A_202 = arith.constant 0 : i32
      %dma_start3A_203 = tpu.memref_slice %arg2[%dma_start3A_201, %dma_start3A_202] : memref<10000x64xf32, #tpu.memory_space<hbm>> -> memref<10000x64xf32, #tpu.memory_space<hbm>>
      tpu.enqueue_indirect_dma source(%dma_start3A_203 : memref<10000x64xf32, #tpu.memory_space<hbm>>) target(%arg11 : memref<128x64xf32, #tpu.memory_space<vmem>>) offsets(%dma_start3A_200 : memref<128xi32, #tpu.memory_space<vmem>>) semaphore(%arg14 : memref<!tpu.dma_semaphore, #tpu.memory_space<semaphore_mem>>)
    }
    %while3A_52 = arith.constant 1 : i32
    scf.for %while3A_169 = %while3A_50 to %while3A_46 step %while3A_52  : i32 {
      %mul3A_170 = arith.constant 2 : i32
      %mul3A_171 = arith.muli %mul3A_170, %while3A_169 : i32
      %dma_wait3A_172 = arith.constant 0 : i32
      %dma_wait3A_173 = tpu.memref_slice %arg8[%mul3A_171, %dma_wait3A_172] : memref<114x128xi32, #tpu.memory_space<vmem>> -> memref<1x128xi32, #tpu.memory_space<vmem>>
      %dma_wait3A_174 = tpu.memref_squeeze %dma_wait3A_173 : memref<1x128xi32, #tpu.memory_space<vmem>> -> memref<128xi32, #tpu.memory_space<vmem>>
      %dma_wait3A_175 = arith.constant 0 : i32
      %dma_wait3A_176 = arith.constant 0 : i32
      %dma_wait3A_177 = tpu.memref_slice %arg2[%dma_wait3A_175, %dma_wait3A_176] : memref<10000x64xf32, #tpu.memory_space<hbm>> -> memref<10000x64xf32, #tpu.memory_space<hbm>>
      tpu.wait_indirect_dma semaphore(%arg13 : memref<!tpu.dma_semaphore, #tpu.memory_space<semaphore_mem>>) src(%dma_wait3A_177 : memref<10000x64xf32, #tpu.memory_space<hbm>>) dst(%arg10 : memref<128x64xf32, #tpu.memory_space<vmem>>)
      "tpu.region"() ({
        %run_scoped3A = tpu.sem_alloc : memref<!tpu.dma_semaphore, #tpu.memory_space<semaphore_mem>>
        %dma_start3A_204 = arith.constant 0 : i32
        %dma_start3A_205 = tpu.memref_slice %arg9[%mul3A_171, %dma_start3A_204] : memref<114x128xi32, #tpu.memory_space<vmem>> -> memref<1x128xi32, #tpu.memory_space<vmem>>
        %dma_start3A_206 = tpu.memref_squeeze %dma_start3A_205 : memref<1x128xi32, #tpu.memory_space<vmem>> -> memref<128xi32, #tpu.memory_space<vmem>>
        %dma_start3A_207 = arith.constant 0 : i32
        %dma_start3A_208 = arith.constant 0 : i32
        %dma_start3A_209 = tpu.memref_slice %arg15[%dma_start3A_207, %dma_start3A_208] : memref<10240x64xf32, #tpu.memory_space<vmem_shared>> -> memref<10240x64xf32, #tpu.memory_space<vmem_shared>>
        tpu.enqueue_indirect_dma source(%arg10 : memref<128x64xf32, #tpu.memory_space<vmem>>) target(%dma_start3A_209 : memref<10240x64xf32, #tpu.memory_space<vmem_shared>>) offsets(%dma_start3A_206 : memref<128xi32, #tpu.memory_space<vmem>>) semaphore(%run_scoped3A : memref<!tpu.dma_semaphore, #tpu.memory_space<semaphore_mem>>) {add = true}
        %dma_wait3A_210 = arith.constant 0 : i32
        %dma_wait3A_211 = tpu.memref_slice %arg9[%mul3A_171, %dma_wait3A_210] : memref<114x128xi32, #tpu.memory_space<vmem>> -> memref<1x128xi32, #tpu.memory_space<vmem>>
        %dma_wait3A_212 = tpu.memref_squeeze %dma_wait3A_211 : memref<1x128xi32, #tpu.memory_space<vmem>> -> memref<128xi32, #tpu.memory_space<vmem>>
        %dma_wait3A_213 = arith.constant 0 : i32
        %dma_wait3A_214 = arith.constant 0 : i32
        %dma_wait3A_215 = tpu.memref_slice %arg15[%dma_wait3A_213, %dma_wait3A_214] : memref<10240x64xf32, #tpu.memory_space<vmem_shared>> -> memref<10240x64xf32, #tpu.memory_space<vmem_shared>>
        tpu.wait_indirect_dma semaphore(%run_scoped3A : memref<!tpu.dma_semaphore, #tpu.memory_space<semaphore_mem>>) src(%arg10 : memref<128x64xf32, #tpu.memory_space<vmem>>) dst(%dma_wait3A_215 : memref<10240x64xf32, #tpu.memory_space<vmem_shared>>)
        tpu.yield
      }) : () -> ()
      %add3A_178 = arith.constant 2 : i32
      %add3A_179 = arith.addi %mul3A_171, %add3A_178 : i32
      %dma_start3A_180 = arith.constant 0 : i32
      %dma_start3A_181 = tpu.memref_slice %arg8[%add3A_179, %dma_start3A_180] : memref<114x128xi32, #tpu.memory_space<vmem>> -> memref<1x128xi32, #tpu.memory_space<vmem>>
      %dma_start3A_182 = tpu.memref_squeeze %dma_start3A_181 : memref<1x128xi32, #tpu.memory_space<vmem>> -> memref<128xi32, #tpu.memory_space<vmem>>
      %dma_start3A_183 = arith.constant 0 : i32
      %dma_start3A_184 = arith.constant 0 : i32
      %dma_start3A_185 = tpu.memref_slice %arg2[%dma_start3A_183, %dma_start3A_184] : memref<10000x64xf32, #tpu.memory_space<hbm>> -> memref<10000x64xf32, #tpu.memory_space<hbm>>
      tpu.enqueue_indirect_dma source(%dma_start3A_185 : memref<10000x64xf32, #tpu.memory_space<hbm>>) target(%arg10 : memref<128x64xf32, #tpu.memory_space<vmem>>) offsets(%dma_start3A_182 : memref<128xi32, #tpu.memory_space<vmem>>) semaphore(%arg13 : memref<!tpu.dma_semaphore, #tpu.memory_space<semaphore_mem>>)
      %add3A_186 = arith.constant 1 : i32
      %add3A_187 = arith.addi %mul3A_171, %add3A_186 : i32
      %dma_wait3A_188 = arith.constant 0 : i32
      %dma_wait3A_189 = tpu.memref_slice %arg8[%add3A_187, %dma_wait3A_188] : memref<114x128xi32, #tpu.memory_space<vmem>> -> memref<1x128xi32, #tpu.memory_space<vmem>>
      %dma_wait3A_190 = tpu.memref_squeeze %dma_wait3A_189 : memref<1x128xi32, #tpu.memory_space<vmem>> -> memref<128xi32, #tpu.memory_space<vmem>>
      %dma_wait3A_191 = arith.constant 0 : i32
      %dma_wait3A_192 = arith.constant 0 : i32
      %dma_wait3A_193 = tpu.memref_slice %arg2[%dma_wait3A_191, %dma_wait3A_192] : memref<10000x64xf32, #tpu.memory_space<hbm>> -> memref<10000x64xf32, #tpu.memory_space<hbm>>
      tpu.wait_indirect_dma semaphore(%arg14 : memref<!tpu.dma_semaphore, #tpu.memory_space<semaphore_mem>>) src(%dma_wait3A_193 : memref<10000x64xf32, #tpu.memory_space<hbm>>) dst(%arg11 : memref<128x64xf32, #tpu.memory_space<vmem>>)
      %add3A_194 = arith.constant 1 : i32
      %add3A_195 = arith.addi %mul3A_171, %add3A_194 : i32
      "tpu.region"() ({
        %run_scoped3A = tpu.sem_alloc : memref<!tpu.dma_semaphore, #tpu.memory_space<semaphore_mem>>
        %dma_start3A_204 = arith.constant 0 : i32
        %dma_start3A_205 = tpu.memref_slice %arg9[%add3A_195, %dma_start3A_204] : memref<114x128xi32, #tpu.memory_space<vmem>> -> memref<1x128xi32, #tpu.memory_space<vmem>>
        %dma_start3A_206 = tpu.memref_squeeze %dma_start3A_205 : memref<1x128xi32, #tpu.memory_space<vmem>> -> memref<128xi32, #tpu.memory_space<vmem>>
        %dma_start3A_207 = arith.constant 0 : i32
        %dma_start3A_208 = arith.constant 0 : i32
        %dma_start3A_209 = tpu.memref_slice %arg15[%dma_start3A_207, %dma_start3A_208] : memref<10240x64xf32, #tpu.memory_space<vmem_shared>> -> memref<10240x64xf32, #tpu.memory_space<vmem_shared>>
        tpu.enqueue_indirect_dma source(%arg11 : memref<128x64xf32, #tpu.memory_space<vmem>>) target(%dma_start3A_209 : memref<10240x64xf32, #tpu.memory_space<vmem_shared>>) offsets(%dma_start3A_206 : memref<128xi32, #tpu.memory_space<vmem>>) semaphore(%run_scoped3A : memref<!tpu.dma_semaphore, #tpu.memory_space<semaphore_mem>>) {add = true}
        %dma_wait3A_210 = arith.constant 0 : i32
        %dma_wait3A_211 = tpu.memref_slice %arg9[%add3A_195, %dma_wait3A_210] : memref<114x128xi32, #tpu.memory_space<vmem>> -> memref<1x128xi32, #tpu.memory_space<vmem>>
        %dma_wait3A_212 = tpu.memref_squeeze %dma_wait3A_211 : memref<1x128xi32, #tpu.memory_space<vmem>> -> memref<128xi32, #tpu.memory_space<vmem>>
        %dma_wait3A_213 = arith.constant 0 : i32
        %dma_wait3A_214 = arith.constant 0 : i32
        %dma_wait3A_215 = tpu.memref_slice %arg15[%dma_wait3A_213, %dma_wait3A_214] : memref<10240x64xf32, #tpu.memory_space<vmem_shared>> -> memref<10240x64xf32, #tpu.memory_space<vmem_shared>>
        tpu.wait_indirect_dma semaphore(%run_scoped3A : memref<!tpu.dma_semaphore, #tpu.memory_space<semaphore_mem>>) src(%arg11 : memref<128x64xf32, #tpu.memory_space<vmem>>) dst(%dma_wait3A_215 : memref<10240x64xf32, #tpu.memory_space<vmem_shared>>)
        tpu.yield
      }) : () -> ()
      %add3A_196 = arith.constant 3 : i32
      %add3A_197 = arith.addi %mul3A_171, %add3A_196 : i32
      %dma_start3A_198 = arith.constant 0 : i32
      %dma_start3A_199 = tpu.memref_slice %arg8[%add3A_197, %dma_start3A_198] : memref<114x128xi32, #tpu.memory_space<vmem>> -> memref<1x128xi32, #tpu.memory_space<vmem>>
      %dma_start3A_200 = tpu.memref_squeeze %dma_start3A_199 : memref<1x128xi32, #tpu.memory_space<vmem>> -> memref<128xi32, #tpu.memory_space<vmem>>
      %dma_start3A_201 = arith.constant 0 : i32
      %dma_start3A_202 = arith.constant 0 : i32
      %dma_start3A_203 = tpu.memref_slice %arg2[%dma_start3A_201, %dma_start3A_202] : memref<10000x64xf32, #tpu.memory_space<hbm>> -> memref<10000x64xf32, #tpu.memory_space<hbm>>
      tpu.enqueue_indirect_dma source(%dma_start3A_203 : memref<10000x64xf32, #tpu.memory_space<hbm>>) target(%arg11 : memref<128x64xf32, #tpu.memory_space<vmem>>) offsets(%dma_start3A_200 : memref<128xi32, #tpu.memory_space<vmem>>) semaphore(%arg14 : memref<!tpu.dma_semaphore, #tpu.memory_space<semaphore_mem>>)
    }
    %sub3A_53 = arith.constant 2 : i32
    %sub3A_54 = arith.subi %select_n3A_8, %sub3A_53 : i32
    %dma_wait3A = arith.constant 0 : i32
    %dma_wait3A_55 = tpu.memref_slice %arg8[%sub3A_54, %dma_wait3A] : memref<114x128xi32, #tpu.memory_space<vmem>> -> memref<1x128xi32, #tpu.memory_space<vmem>>
    %dma_wait3A_56 = tpu.memref_squeeze %dma_wait3A_55 : memref<1x128xi32, #tpu.memory_space<vmem>> -> memref<128xi32, #tpu.memory_space<vmem>>
    %dma_wait3A_57 = arith.constant 0 : i32
    %dma_wait3A_58 = arith.constant 0 : i32
    %dma_wait3A_59 = tpu.memref_slice %arg2[%dma_wait3A_57, %dma_wait3A_58] : memref<10000x64xf32, #tpu.memory_space<hbm>> -> memref<10000x64xf32, #tpu.memory_space<hbm>>
    tpu.wait_indirect_dma semaphore(%arg13 : memref<!tpu.dma_semaphore, #tpu.memory_space<semaphore_mem>>) src(%dma_wait3A_59 : memref<10000x64xf32, #tpu.memory_space<hbm>>) dst(%arg10 : memref<128x64xf32, #tpu.memory_space<vmem>>)
    %sub3A_60 = arith.constant 2 : i32
    %sub3A_61 = arith.subi %select_n3A_8, %sub3A_60 : i32
    "tpu.region"() ({
      %run_scoped3A = tpu.sem_alloc : memref<!tpu.dma_semaphore, #tpu.memory_space<semaphore_mem>>
      %dma_start3A_169 = arith.constant 0 : i32
      %dma_start3A_170 = tpu.memref_slice %arg9[%sub3A_61, %dma_start3A_169] : memref<114x128xi32, #tpu.memory_space<vmem>> -> memref<1x128xi32, #tpu.memory_space<vmem>>
      %dma_start3A_171 = tpu.memref_squeeze %dma_start3A_170 : memref<1x128xi32, #tpu.memory_space<vmem>> -> memref<128xi32, #tpu.memory_space<vmem>>
      %dma_start3A_172 = arith.constant 0 : i32
      %dma_start3A_173 = arith.constant 0 : i32
      %dma_start3A_174 = tpu.memref_slice %arg15[%dma_start3A_172, %dma_start3A_173] : memref<10240x64xf32, #tpu.memory_space<vmem_shared>> -> memref<10240x64xf32, #tpu.memory_space<vmem_shared>>
      tpu.enqueue_indirect_dma source(%arg10 : memref<128x64xf32, #tpu.memory_space<vmem>>) target(%dma_start3A_174 : memref<10240x64xf32, #tpu.memory_space<vmem_shared>>) offsets(%dma_start3A_171 : memref<128xi32, #tpu.memory_space<vmem>>) semaphore(%run_scoped3A : memref<!tpu.dma_semaphore, #tpu.memory_space<semaphore_mem>>) {add = true}
      %dma_wait3A_175 = arith.constant 0 : i32
      %dma_wait3A_176 = tpu.memref_slice %arg9[%sub3A_61, %dma_wait3A_175] : memref<114x128xi32, #tpu.memory_space<vmem>> -> memref<1x128xi32, #tpu.memory_space<vmem>>
      %dma_wait3A_177 = tpu.memref_squeeze %dma_wait3A_176 : memref<1x128xi32, #tpu.memory_space<vmem>> -> memref<128xi32, #tpu.memory_space<vmem>>
      %dma_wait3A_178 = arith.constant 0 : i32
      %dma_wait3A_179 = arith.constant 0 : i32
      %dma_wait3A_180 = tpu.memref_slice %arg15[%dma_wait3A_178, %dma_wait3A_179] : memref<10240x64xf32, #tpu.memory_space<vmem_shared>> -> memref<10240x64xf32, #tpu.memory_space<vmem_shared>>
      tpu.wait_indirect_dma semaphore(%run_scoped3A : memref<!tpu.dma_semaphore, #tpu.memory_space<semaphore_mem>>) src(%arg10 : memref<128x64xf32, #tpu.memory_space<vmem>>) dst(%dma_wait3A_180 : memref<10240x64xf32, #tpu.memory_space<vmem_shared>>)
      tpu.yield
    }) : () -> ()
    %sub3A_62 = arith.constant 1 : i32
    %sub3A_63 = arith.subi %select_n3A_8, %sub3A_62 : i32
    %dma_wait3A_64 = arith.constant 0 : i32
    %dma_wait3A_65 = tpu.memref_slice %arg8[%sub3A_63, %dma_wait3A_64] : memref<114x128xi32, #tpu.memory_space<vmem>> -> memref<1x128xi32, #tpu.memory_space<vmem>>
    %dma_wait3A_66 = tpu.memref_squeeze %dma_wait3A_65 : memref<1x128xi32, #tpu.memory_space<vmem>> -> memref<128xi32, #tpu.memory_space<vmem>>
    %dma_wait3A_67 = arith.constant 0 : i32
    %dma_wait3A_68 = arith.constant 0 : i32
    %dma_wait3A_69 = tpu.memref_slice %arg2[%dma_wait3A_67, %dma_wait3A_68] : memref<10000x64xf32, #tpu.memory_space<hbm>> -> memref<10000x64xf32, #tpu.memory_space<hbm>>
    tpu.wait_indirect_dma semaphore(%arg14 : memref<!tpu.dma_semaphore, #tpu.memory_space<semaphore_mem>>) src(%dma_wait3A_69 : memref<10000x64xf32, #tpu.memory_space<hbm>>) dst(%arg11 : memref<128x64xf32, #tpu.memory_space<vmem>>)
    %sub3A_70 = arith.constant 1 : i32
    %sub3A_71 = arith.subi %select_n3A_8, %sub3A_70 : i32
    "tpu.region"() ({
      %run_scoped3A = tpu.sem_alloc : memref<!tpu.dma_semaphore, #tpu.memory_space<semaphore_mem>>
      %dma_start3A_169 = arith.constant 0 : i32
      %dma_start3A_170 = tpu.memref_slice %arg9[%sub3A_71, %dma_start3A_169] : memref<114x128xi32, #tpu.memory_space<vmem>> -> memref<1x128xi32, #tpu.memory_space<vmem>>
      %dma_start3A_171 = tpu.memref_squeeze %dma_start3A_170 : memref<1x128xi32, #tpu.memory_space<vmem>> -> memref<128xi32, #tpu.memory_space<vmem>>
      %dma_start3A_172 = arith.constant 0 : i32
      %dma_start3A_173 = arith.constant 0 : i32
      %dma_start3A_174 = tpu.memref_slice %arg15[%dma_start3A_172, %dma_start3A_173] : memref<10240x64xf32, #tpu.memory_space<vmem_shared>> -> memref<10240x64xf32, #tpu.memory_space<vmem_shared>>
      tpu.enqueue_indirect_dma source(%arg11 : memref<128x64xf32, #tpu.memory_space<vmem>>) target(%dma_start3A_174 : memref<10240x64xf32, #tpu.memory_space<vmem_shared>>) offsets(%dma_start3A_171 : memref<128xi32, #tpu.memory_space<vmem>>) semaphore(%run_scoped3A : memref<!tpu.dma_semaphore, #tpu.memory_space<semaphore_mem>>) {add = true}
      %dma_wait3A_175 = arith.constant 0 : i32
      %dma_wait3A_176 = tpu.memref_slice %arg9[%sub3A_71, %dma_wait3A_175] : memref<114x128xi32, #tpu.memory_space<vmem>> -> memref<1x128xi32, #tpu.memory_space<vmem>>
      %dma_wait3A_177 = tpu.memref_squeeze %dma_wait3A_176 : memref<1x128xi32, #tpu.memory_space<vmem>> -> memref<128xi32, #tpu.memory_space<vmem>>
      %dma_wait3A_178 = arith.constant 0 : i32
      %dma_wait3A_179 = arith.constant 0 : i32
      %dma_wait3A_180 = tpu.memref_slice %arg15[%dma_wait3A_178, %dma_wait3A_179] : memref<10240x64xf32, #tpu.memory_space<vmem_shared>> -> memref<10240x64xf32, #tpu.memory_space<vmem_shared>>
      tpu.wait_indirect_dma semaphore(%run_scoped3A : memref<!tpu.dma_semaphore, #tpu.memory_space<semaphore_mem>>) src(%arg11 : memref<128x64xf32, #tpu.memory_space<vmem>>) dst(%dma_wait3A_180 : memref<10240x64xf32, #tpu.memory_space<vmem_shared>>)
      tpu.yield
    }) : () -> ()
    %barrier3A_72 = arith.constant 0 : index
    tpu.barrier barrier_id(%barrier3A_72)
    %mul3A_73 = arith.constant 2 : i32
    %mul3A_74 = arith.muli %arg0, %mul3A_73 : i32
    %add3A_75 = arith.constant 0 : i32
    %add3A_76 = arith.addi %mul3A_74, %add3A_75 : i32
    %mul3A_77 = arith.constant 10240 : i32
    %mul3A_78 = arith.muli %add3A_76, %mul3A_77 : i32
    %mul3A_79 = arith.constant 640 : i32
    %mul3A_80 = arith.muli %arg1, %mul3A_79 : i32
    %add3A_81 = arith.addi %mul3A_78, %mul3A_80 : i32
    %mul3A_82 = arith.constant 640 : i32
    %mul3A_83 = arith.muli %arg1, %mul3A_82 : i32
    "tpu.region"() ({
      %run_scoped3A = tpu.sem_alloc : memref<!tpu.dma_semaphore, #tpu.memory_space<semaphore_mem>>
      %dma_start3A_169 = arith.constant 0 : i32
      %dma_start3A_170 = tpu.memref_slice %arg15[%mul3A_83, %dma_start3A_169] : memref<10240x64xf32, #tpu.memory_space<vmem_shared>> -> memref<640x64xf32, #tpu.memory_space<vmem_shared>>
      %dma_start3A_171 = arith.constant 0 : i32
      %dma_start3A_172 = tpu.memref_slice %arg15[%mul3A_83, %dma_start3A_171] : memref<10240x64xf32, #tpu.memory_space<vmem_shared>> -> memref<640x64xf32, #tpu.memory_space<vmem_shared>>
      tpu.enqueue_dma source(%dma_start3A_172 : memref<640x64xf32, #tpu.memory_space<vmem_shared>>) target(%arg12 : memref<640x64xf32, #tpu.memory_space<vmem>>) target_semaphore(%run_scoped3A : memref<!tpu.dma_semaphore, #tpu.memory_space<semaphore_mem>>)
      %dma_wait3A_173 = arith.constant 0 : i32
      %dma_wait3A_174 = tpu.memref_slice %arg15[%mul3A_83, %dma_wait3A_173] : memref<10240x64xf32, #tpu.memory_space<vmem_shared>> -> memref<640x64xf32, #tpu.memory_space<vmem_shared>>
      %dma_wait3A_175 = arith.constant 0 : i32
      %dma_wait3A_176 = tpu.memref_slice %arg15[%mul3A_83, %dma_wait3A_175] : memref<10240x64xf32, #tpu.memory_space<vmem_shared>> -> memref<640x64xf32, #tpu.memory_space<vmem_shared>>
      tpu.wait_dma2 semaphore(%run_scoped3A : memref<!tpu.dma_semaphore, #tpu.memory_space<semaphore_mem>>) src(%dma_wait3A_176 : memref<640x64xf32, #tpu.memory_space<vmem_shared>>) dst(%arg12 : memref<640x64xf32, #tpu.memory_space<vmem>>)
      tpu.yield
    }) : () -> ()
    "tpu.region"() ({
      %run_scoped3A = tpu.sem_alloc : memref<!tpu.dma_semaphore, #tpu.memory_space<semaphore_mem>>
      %dma_start3A_169 = arith.constant 0 : i32
      %dma_start3A_170 = tpu.memref_slice %arg7[%add3A_81, %dma_start3A_169] : memref<40960x64xf32, #tpu.memory_space<hbm>> -> memref<640x64xf32, #tpu.memory_space<hbm>>
      %dma_start3A_171 = arith.constant 0 : i32
      %dma_start3A_172 = tpu.memref_slice %arg7[%add3A_81, %dma_start3A_171] : memref<40960x64xf32, #tpu.memory_space<hbm>> -> memref<640x64xf32, #tpu.memory_space<hbm>>
      tpu.enqueue_dma source(%arg12 : memref<640x64xf32, #tpu.memory_space<vmem>>) target(%dma_start3A_172 : memref<640x64xf32, #tpu.memory_space<hbm>>) target_semaphore(%run_scoped3A : memref<!tpu.dma_semaphore, #tpu.memory_space<semaphore_mem>>)
      %dma_wait3A_173 = arith.constant 0 : i32
      %dma_wait3A_174 = tpu.memref_slice %arg7[%add3A_81, %dma_wait3A_173] : memref<40960x64xf32, #tpu.memory_space<hbm>> -> memref<640x64xf32, #tpu.memory_space<hbm>>
      %dma_wait3A_175 = arith.constant 0 : i32
      %dma_wait3A_176 = tpu.memref_slice %arg7[%add3A_81, %dma_wait3A_175] : memref<40960x64xf32, #tpu.memory_space<hbm>> -> memref<640x64xf32, #tpu.memory_space<hbm>>
      tpu.wait_dma2 semaphore(%run_scoped3A : memref<!tpu.dma_semaphore, #tpu.memory_space<semaphore_mem>>) src(%arg12 : memref<640x64xf32, #tpu.memory_space<vmem>>) dst(%dma_wait3A_176 : memref<640x64xf32, #tpu.memory_space<hbm>>)
      tpu.yield
    }) : () -> ()
    "tpu.region"() ({
      %run_scoped3A = tpu.sem_alloc : memref<!tpu.dma_semaphore, #tpu.memory_space<semaphore_mem>>
      tpu.enqueue_dma source(%arg6 : memref<640x64xf32, #tpu.memory_space<hbm>>) target(%arg12 : memref<640x64xf32, #tpu.memory_space<vmem>>) target_semaphore(%run_scoped3A : memref<!tpu.dma_semaphore, #tpu.memory_space<semaphore_mem>>)
      tpu.wait_dma2 semaphore(%run_scoped3A : memref<!tpu.dma_semaphore, #tpu.memory_space<semaphore_mem>>) src(%arg6 : memref<640x64xf32, #tpu.memory_space<hbm>>) dst(%arg12 : memref<640x64xf32, #tpu.memory_space<vmem>>)
      tpu.yield
    }) : () -> ()
    %mul3A_84 = arith.constant 640 : i32
    %mul3A_85 = arith.muli %arg1, %mul3A_84 : i32
    "tpu.region"() ({
      %run_scoped3A = tpu.sem_alloc : memref<!tpu.dma_semaphore, #tpu.memory_space<semaphore_mem>>
      %dma_start3A_169 = arith.constant 0 : i32
      %dma_start3A_170 = tpu.memref_slice %arg15[%mul3A_85, %dma_start3A_169] : memref<10240x64xf32, #tpu.memory_space<vmem_shared>> -> memref<640x64xf32, #tpu.memory_space<vmem_shared>>
      %dma_start3A_171 = arith.constant 0 : i32
      %dma_start3A_172 = tpu.memref_slice %arg15[%mul3A_85, %dma_start3A_171] : memref<10240x64xf32, #tpu.memory_space<vmem_shared>> -> memref<640x64xf32, #tpu.memory_space<vmem_shared>>
      tpu.enqueue_dma source(%arg12 : memref<640x64xf32, #tpu.memory_space<vmem>>) target(%dma_start3A_172 : memref<640x64xf32, #tpu.memory_space<vmem_shared>>) target_semaphore(%run_scoped3A : memref<!tpu.dma_semaphore, #tpu.memory_space<semaphore_mem>>)
      %dma_wait3A_173 = arith.constant 0 : i32
      %dma_wait3A_174 = tpu.memref_slice %arg15[%mul3A_85, %dma_wait3A_173] : memref<10240x64xf32, #tpu.memory_space<vmem_shared>> -> memref<640x64xf32, #tpu.memory_space<vmem_shared>>
      %dma_wait3A_175 = arith.constant 0 : i32
      %dma_wait3A_176 = tpu.memref_slice %arg15[%mul3A_85, %dma_wait3A_175] : memref<10240x64xf32, #tpu.memory_space<vmem_shared>> -> memref<640x64xf32, #tpu.memory_space<vmem_shared>>
      tpu.wait_dma2 semaphore(%run_scoped3A : memref<!tpu.dma_semaphore, #tpu.memory_space<semaphore_mem>>) src(%arg12 : memref<640x64xf32, #tpu.memory_space<vmem>>) dst(%dma_wait3A_176 : memref<640x64xf32, #tpu.memory_space<vmem_shared>>)
      tpu.yield
    }) : () -> ()
    %dma_start3A_86 = arith.constant 0 : i32
    %dma_start3A_87 = arith.constant 0 : i32
    %dma_start3A_88 = tpu.memref_slice %arg8[%dma_start3A_86, %dma_start3A_87] : memref<114x128xi32, #tpu.memory_space<vmem>> -> memref<1x128xi32, #tpu.memory_space<vmem>>
    %dma_start3A_89 = tpu.memref_squeeze %dma_start3A_88 : memref<1x128xi32, #tpu.memory_space<vmem>> -> memref<128xi32, #tpu.memory_space<vmem>>
    %dma_start3A_90 = arith.constant 0 : i32
    %dma_start3A_91 = arith.constant 0 : i32
    %dma_start3A_92 = tpu.memref_slice %arg3[%dma_start3A_90, %dma_start3A_91] : memref<10000x64xf32, #tpu.memory_space<hbm>> -> memref<10000x64xf32, #tpu.memory_space<hbm>>
    tpu.enqueue_indirect_dma source(%dma_start3A_92 : memref<10000x64xf32, #tpu.memory_space<hbm>>) target(%arg10 : memref<128x64xf32, #tpu.memory_space<vmem>>) offsets(%dma_start3A_89 : memref<128xi32, #tpu.memory_space<vmem>>) semaphore(%arg13 : memref<!tpu.dma_semaphore, #tpu.memory_space<semaphore_mem>>)
    %dma_start3A_93 = arith.constant 1 : i32
    %dma_start3A_94 = arith.constant 0 : i32
    %dma_start3A_95 = tpu.memref_slice %arg8[%dma_start3A_93, %dma_start3A_94] : memref<114x128xi32, #tpu.memory_space<vmem>> -> memref<1x128xi32, #tpu.memory_space<vmem>>
    %dma_start3A_96 = tpu.memref_squeeze %dma_start3A_95 : memref<1x128xi32, #tpu.memory_space<vmem>> -> memref<128xi32, #tpu.memory_space<vmem>>
    %dma_start3A_97 = arith.constant 0 : i32
    %dma_start3A_98 = arith.constant 0 : i32
    %dma_start3A_99 = tpu.memref_slice %arg3[%dma_start3A_97, %dma_start3A_98] : memref<10000x64xf32, #tpu.memory_space<hbm>> -> memref<10000x64xf32, #tpu.memory_space<hbm>>
    tpu.enqueue_indirect_dma source(%dma_start3A_99 : memref<10000x64xf32, #tpu.memory_space<hbm>>) target(%arg11 : memref<128x64xf32, #tpu.memory_space<vmem>>) offsets(%dma_start3A_96 : memref<128xi32, #tpu.memory_space<vmem>>) semaphore(%arg14 : memref<!tpu.dma_semaphore, #tpu.memory_space<semaphore_mem>>)
    %barrier3A_100 = arith.constant 0 : index
    tpu.barrier barrier_id(%barrier3A_100)
    %sub3A_101 = arith.constant 2 : i32
    %sub3A_102 = arith.subi %select_n3A_8, %sub3A_101 : i32
    %jit3A_103 = arith.constant 2 : i32
    %div3A_104 = arith.divsi %sub3A_102, %jit3A_103 : i32
    %sign3A_105 = arith.constant 0 : i32
    %sign3A_106 = arith.cmpi sgt, %sub3A_102, %sign3A_105 : i32
    %sign3A_107 = arith.extui %sign3A_106 : i1 to i32
    %sign3A_108 = arith.constant 0 : i32
    %sign3A_109 = arith.cmpi slt, %sub3A_102, %sign3A_108 : i32
    %sign3A_110 = arith.extui %sign3A_109 : i1 to i32
    %sign3A_111 = arith.subi %sign3A_107, %sign3A_110 : i32
    %sign3A_112 = arith.constant 0 : i32
    %sign3A_113 = arith.cmpi sgt, %jit3A_103, %sign3A_112 : i32
    %sign3A_114 = arith.extui %sign3A_113 : i1 to i32
    %sign3A_115 = arith.constant 0 : i32
    %sign3A_116 = arith.cmpi slt, %jit3A_103, %sign3A_115 : i32
    %sign3A_117 = arith.extui %sign3A_116 : i1 to i32
    %sign3A_118 = arith.subi %sign3A_114, %sign3A_117 : i32
    %ne3A_119 = arith.cmpi ne, %sign3A_111, %sign3A_118 : i32
    %rem3A_120 = arith.remsi %sub3A_102, %jit3A_103 : i32
    %ne3A_121 = arith.constant 0 : i32
    %ne3A_122 = arith.cmpi ne, %rem3A_120, %ne3A_121 : i32
    %and3A_123 = arith.andi %ne3A_119, %ne3A_122 : i1
    %sub3A_124 = arith.constant 1 : i32
    %sub3A_125 = arith.subi %div3A_104, %sub3A_124 : i32
    %select_n3A_126 = arith.select %and3A_123, %sub3A_125, %div3A_104 : i32
    %while3A_127 = arith.constant 0 : i32
    %while3A_128 = arith.constant 0 : i32
    %while3A_129 = arith.subi %select_n3A_126, %while3A_128 : i32
    %while3A_130 = arith.addi %while3A_128, %while3A_129 : i32
    %while3A_131 = arith.constant 1 : i32
    %while3A_132 = arith.divsi %while3A_129, %while3A_131 : i32
    %while3A_133 = arith.muli %while3A_132, %while3A_131 : i32
    %while3A_134 = arith.addi %while3A_128, %while3A_133 : i32
    %while3A_135 = arith.constant 1 : i32
    scf.for %while3A_169 = %while3A_128 to %while3A_134 step %while3A_135  : i32 {
      %mul3A_170 = arith.constant 2 : i32
      %mul3A_171 = arith.muli %mul3A_170, %while3A_169 : i32
      %dma_wait3A_172 = arith.constant 0 : i32
      %dma_wait3A_173 = tpu.memref_slice %arg8[%mul3A_171, %dma_wait3A_172] : memref<114x128xi32, #tpu.memory_space<vmem>> -> memref<1x128xi32, #tpu.memory_space<vmem>>
      %dma_wait3A_174 = tpu.memref_squeeze %dma_wait3A_173 : memref<1x128xi32, #tpu.memory_space<vmem>> -> memref<128xi32, #tpu.memory_space<vmem>>
      %dma_wait3A_175 = arith.constant 0 : i32
      %dma_wait3A_176 = arith.constant 0 : i32
      %dma_wait3A_177 = tpu.memref_slice %arg3[%dma_wait3A_175, %dma_wait3A_176] : memref<10000x64xf32, #tpu.memory_space<hbm>> -> memref<10000x64xf32, #tpu.memory_space<hbm>>
      tpu.wait_indirect_dma semaphore(%arg13 : memref<!tpu.dma_semaphore, #tpu.memory_space<semaphore_mem>>) src(%dma_wait3A_177 : memref<10000x64xf32, #tpu.memory_space<hbm>>) dst(%arg10 : memref<128x64xf32, #tpu.memory_space<vmem>>)
      "tpu.region"() ({
        %run_scoped3A = tpu.sem_alloc : memref<!tpu.dma_semaphore, #tpu.memory_space<semaphore_mem>>
        %dma_start3A_204 = arith.constant 0 : i32
        %dma_start3A_205 = tpu.memref_slice %arg9[%mul3A_171, %dma_start3A_204] : memref<114x128xi32, #tpu.memory_space<vmem>> -> memref<1x128xi32, #tpu.memory_space<vmem>>
        %dma_start3A_206 = tpu.memref_squeeze %dma_start3A_205 : memref<1x128xi32, #tpu.memory_space<vmem>> -> memref<128xi32, #tpu.memory_space<vmem>>
        %dma_start3A_207 = arith.constant 0 : i32
        %dma_start3A_208 = arith.constant 0 : i32
        %dma_start3A_209 = tpu.memref_slice %arg15[%dma_start3A_207, %dma_start3A_208] : memref<10240x64xf32, #tpu.memory_space<vmem_shared>> -> memref<10240x64xf32, #tpu.memory_space<vmem_shared>>
        tpu.enqueue_indirect_dma source(%arg10 : memref<128x64xf32, #tpu.memory_space<vmem>>) target(%dma_start3A_209 : memref<10240x64xf32, #tpu.memory_space<vmem_shared>>) offsets(%dma_start3A_206 : memref<128xi32, #tpu.memory_space<vmem>>) semaphore(%run_scoped3A : memref<!tpu.dma_semaphore, #tpu.memory_space<semaphore_mem>>) {add = true}
        %dma_wait3A_210 = arith.constant 0 : i32
        %dma_wait3A_211 = tpu.memref_slice %arg9[%mul3A_171, %dma_wait3A_210] : memref<114x128xi32, #tpu.memory_space<vmem>> -> memref<1x128xi32, #tpu.memory_space<vmem>>
        %dma_wait3A_212 = tpu.memref_squeeze %dma_wait3A_211 : memref<1x128xi32, #tpu.memory_space<vmem>> -> memref<128xi32, #tpu.memory_space<vmem>>
        %dma_wait3A_213 = arith.constant 0 : i32
        %dma_wait3A_214 = arith.constant 0 : i32
        %dma_wait3A_215 = tpu.memref_slice %arg15[%dma_wait3A_213, %dma_wait3A_214] : memref<10240x64xf32, #tpu.memory_space<vmem_shared>> -> memref<10240x64xf32, #tpu.memory_space<vmem_shared>>
        tpu.wait_indirect_dma semaphore(%run_scoped3A : memref<!tpu.dma_semaphore, #tpu.memory_space<semaphore_mem>>) src(%arg10 : memref<128x64xf32, #tpu.memory_space<vmem>>) dst(%dma_wait3A_215 : memref<10240x64xf32, #tpu.memory_space<vmem_shared>>)
        tpu.yield
      }) : () -> ()
      %add3A_178 = arith.constant 2 : i32
      %add3A_179 = arith.addi %mul3A_171, %add3A_178 : i32
      %dma_start3A_180 = arith.constant 0 : i32
      %dma_start3A_181 = tpu.memref_slice %arg8[%add3A_179, %dma_start3A_180] : memref<114x128xi32, #tpu.memory_space<vmem>> -> memref<1x128xi32, #tpu.memory_space<vmem>>
      %dma_start3A_182 = tpu.memref_squeeze %dma_start3A_181 : memref<1x128xi32, #tpu.memory_space<vmem>> -> memref<128xi32, #tpu.memory_space<vmem>>
      %dma_start3A_183 = arith.constant 0 : i32
      %dma_start3A_184 = arith.constant 0 : i32
      %dma_start3A_185 = tpu.memref_slice %arg3[%dma_start3A_183, %dma_start3A_184] : memref<10000x64xf32, #tpu.memory_space<hbm>> -> memref<10000x64xf32, #tpu.memory_space<hbm>>
      tpu.enqueue_indirect_dma source(%dma_start3A_185 : memref<10000x64xf32, #tpu.memory_space<hbm>>) target(%arg10 : memref<128x64xf32, #tpu.memory_space<vmem>>) offsets(%dma_start3A_182 : memref<128xi32, #tpu.memory_space<vmem>>) semaphore(%arg13 : memref<!tpu.dma_semaphore, #tpu.memory_space<semaphore_mem>>)
      %add3A_186 = arith.constant 1 : i32
      %add3A_187 = arith.addi %mul3A_171, %add3A_186 : i32
      %dma_wait3A_188 = arith.constant 0 : i32
      %dma_wait3A_189 = tpu.memref_slice %arg8[%add3A_187, %dma_wait3A_188] : memref<114x128xi32, #tpu.memory_space<vmem>> -> memref<1x128xi32, #tpu.memory_space<vmem>>
      %dma_wait3A_190 = tpu.memref_squeeze %dma_wait3A_189 : memref<1x128xi32, #tpu.memory_space<vmem>> -> memref<128xi32, #tpu.memory_space<vmem>>
      %dma_wait3A_191 = arith.constant 0 : i32
      %dma_wait3A_192 = arith.constant 0 : i32
      %dma_wait3A_193 = tpu.memref_slice %arg3[%dma_wait3A_191, %dma_wait3A_192] : memref<10000x64xf32, #tpu.memory_space<hbm>> -> memref<10000x64xf32, #tpu.memory_space<hbm>>
      tpu.wait_indirect_dma semaphore(%arg14 : memref<!tpu.dma_semaphore, #tpu.memory_space<semaphore_mem>>) src(%dma_wait3A_193 : memref<10000x64xf32, #tpu.memory_space<hbm>>) dst(%arg11 : memref<128x64xf32, #tpu.memory_space<vmem>>)
      %add3A_194 = arith.constant 1 : i32
      %add3A_195 = arith.addi %mul3A_171, %add3A_194 : i32
      "tpu.region"() ({
        %run_scoped3A = tpu.sem_alloc : memref<!tpu.dma_semaphore, #tpu.memory_space<semaphore_mem>>
        %dma_start3A_204 = arith.constant 0 : i32
        %dma_start3A_205 = tpu.memref_slice %arg9[%add3A_195, %dma_start3A_204] : memref<114x128xi32, #tpu.memory_space<vmem>> -> memref<1x128xi32, #tpu.memory_space<vmem>>
        %dma_start3A_206 = tpu.memref_squeeze %dma_start3A_205 : memref<1x128xi32, #tpu.memory_space<vmem>> -> memref<128xi32, #tpu.memory_space<vmem>>
        %dma_start3A_207 = arith.constant 0 : i32
        %dma_start3A_208 = arith.constant 0 : i32
        %dma_start3A_209 = tpu.memref_slice %arg15[%dma_start3A_207, %dma_start3A_208] : memref<10240x64xf32, #tpu.memory_space<vmem_shared>> -> memref<10240x64xf32, #tpu.memory_space<vmem_shared>>
        tpu.enqueue_indirect_dma source(%arg11 : memref<128x64xf32, #tpu.memory_space<vmem>>) target(%dma_start3A_209 : memref<10240x64xf32, #tpu.memory_space<vmem_shared>>) offsets(%dma_start3A_206 : memref<128xi32, #tpu.memory_space<vmem>>) semaphore(%run_scoped3A : memref<!tpu.dma_semaphore, #tpu.memory_space<semaphore_mem>>) {add = true}
        %dma_wait3A_210 = arith.constant 0 : i32
        %dma_wait3A_211 = tpu.memref_slice %arg9[%add3A_195, %dma_wait3A_210] : memref<114x128xi32, #tpu.memory_space<vmem>> -> memref<1x128xi32, #tpu.memory_space<vmem>>
        %dma_wait3A_212 = tpu.memref_squeeze %dma_wait3A_211 : memref<1x128xi32, #tpu.memory_space<vmem>> -> memref<128xi32, #tpu.memory_space<vmem>>
        %dma_wait3A_213 = arith.constant 0 : i32
        %dma_wait3A_214 = arith.constant 0 : i32
        %dma_wait3A_215 = tpu.memref_slice %arg15[%dma_wait3A_213, %dma_wait3A_214] : memref<10240x64xf32, #tpu.memory_space<vmem_shared>> -> memref<10240x64xf32, #tpu.memory_space<vmem_shared>>
        tpu.wait_indirect_dma semaphore(%run_scoped3A : memref<!tpu.dma_semaphore, #tpu.memory_space<semaphore_mem>>) src(%arg11 : memref<128x64xf32, #tpu.memory_space<vmem>>) dst(%dma_wait3A_215 : memref<10240x64xf32, #tpu.memory_space<vmem_shared>>)
        tpu.yield
      }) : () -> ()
      %add3A_196 = arith.constant 3 : i32
      %add3A_197 = arith.addi %mul3A_171, %add3A_196 : i32
      %dma_start3A_198 = arith.constant 0 : i32
      %dma_start3A_199 = tpu.memref_slice %arg8[%add3A_197, %dma_start3A_198] : memref<114x128xi32, #tpu.memory_space<vmem>> -> memref<1x128xi32, #tpu.memory_space<vmem>>
      %dma_start3A_200 = tpu.memref_squeeze %dma_start3A_199 : memref<1x128xi32, #tpu.memory_space<vmem>> -> memref<128xi32, #tpu.memory_space<vmem>>
      %dma_start3A_201 = arith.constant 0 : i32
      %dma_start3A_202 = arith.constant 0 : i32
      %dma_start3A_203 = tpu.memref_slice %arg3[%dma_start3A_201, %dma_start3A_202] : memref<10000x64xf32, #tpu.memory_space<hbm>> -> memref<10000x64xf32, #tpu.memory_space<hbm>>
      tpu.enqueue_indirect_dma source(%dma_start3A_203 : memref<10000x64xf32, #tpu.memory_space<hbm>>) target(%arg11 : memref<128x64xf32, #tpu.memory_space<vmem>>) offsets(%dma_start3A_200 : memref<128xi32, #tpu.memory_space<vmem>>) semaphore(%arg14 : memref<!tpu.dma_semaphore, #tpu.memory_space<semaphore_mem>>)
    }
    %while3A_136 = arith.constant 1 : i32
    scf.for %while3A_169 = %while3A_134 to %while3A_130 step %while3A_136  : i32 {
      %mul3A_170 = arith.constant 2 : i32
      %mul3A_171 = arith.muli %mul3A_170, %while3A_169 : i32
      %dma_wait3A_172 = arith.constant 0 : i32
      %dma_wait3A_173 = tpu.memref_slice %arg8[%mul3A_171, %dma_wait3A_172] : memref<114x128xi32, #tpu.memory_space<vmem>> -> memref<1x128xi32, #tpu.memory_space<vmem>>
      %dma_wait3A_174 = tpu.memref_squeeze %dma_wait3A_173 : memref<1x128xi32, #tpu.memory_space<vmem>> -> memref<128xi32, #tpu.memory_space<vmem>>
      %dma_wait3A_175 = arith.constant 0 : i32
      %dma_wait3A_176 = arith.constant 0 : i32
      %dma_wait3A_177 = tpu.memref_slice %arg3[%dma_wait3A_175, %dma_wait3A_176] : memref<10000x64xf32, #tpu.memory_space<hbm>> -> memref<10000x64xf32, #tpu.memory_space<hbm>>
      tpu.wait_indirect_dma semaphore(%arg13 : memref<!tpu.dma_semaphore, #tpu.memory_space<semaphore_mem>>) src(%dma_wait3A_177 : memref<10000x64xf32, #tpu.memory_space<hbm>>) dst(%arg10 : memref<128x64xf32, #tpu.memory_space<vmem>>)
      "tpu.region"() ({
        %run_scoped3A = tpu.sem_alloc : memref<!tpu.dma_semaphore, #tpu.memory_space<semaphore_mem>>
        %dma_start3A_204 = arith.constant 0 : i32
        %dma_start3A_205 = tpu.memref_slice %arg9[%mul3A_171, %dma_start3A_204] : memref<114x128xi32, #tpu.memory_space<vmem>> -> memref<1x128xi32, #tpu.memory_space<vmem>>
        %dma_start3A_206 = tpu.memref_squeeze %dma_start3A_205 : memref<1x128xi32, #tpu.memory_space<vmem>> -> memref<128xi32, #tpu.memory_space<vmem>>
        %dma_start3A_207 = arith.constant 0 : i32
        %dma_start3A_208 = arith.constant 0 : i32
        %dma_start3A_209 = tpu.memref_slice %arg15[%dma_start3A_207, %dma_start3A_208] : memref<10240x64xf32, #tpu.memory_space<vmem_shared>> -> memref<10240x64xf32, #tpu.memory_space<vmem_shared>>
        tpu.enqueue_indirect_dma source(%arg10 : memref<128x64xf32, #tpu.memory_space<vmem>>) target(%dma_start3A_209 : memref<10240x64xf32, #tpu.memory_space<vmem_shared>>) offsets(%dma_start3A_206 : memref<128xi32, #tpu.memory_space<vmem>>) semaphore(%run_scoped3A : memref<!tpu.dma_semaphore, #tpu.memory_space<semaphore_mem>>) {add = true}
        %dma_wait3A_210 = arith.constant 0 : i32
        %dma_wait3A_211 = tpu.memref_slice %arg9[%mul3A_171, %dma_wait3A_210] : memref<114x128xi32, #tpu.memory_space<vmem>> -> memref<1x128xi32, #tpu.memory_space<vmem>>
        %dma_wait3A_212 = tpu.memref_squeeze %dma_wait3A_211 : memref<1x128xi32, #tpu.memory_space<vmem>> -> memref<128xi32, #tpu.memory_space<vmem>>
        %dma_wait3A_213 = arith.constant 0 : i32
        %dma_wait3A_214 = arith.constant 0 : i32
        %dma_wait3A_215 = tpu.memref_slice %arg15[%dma_wait3A_213, %dma_wait3A_214] : memref<10240x64xf32, #tpu.memory_space<vmem_shared>> -> memref<10240x64xf32, #tpu.memory_space<vmem_shared>>
        tpu.wait_indirect_dma semaphore(%run_scoped3A : memref<!tpu.dma_semaphore, #tpu.memory_space<semaphore_mem>>) src(%arg10 : memref<128x64xf32, #tpu.memory_space<vmem>>) dst(%dma_wait3A_215 : memref<10240x64xf32, #tpu.memory_space<vmem_shared>>)
        tpu.yield
      }) : () -> ()
      %add3A_178 = arith.constant 2 : i32
      %add3A_179 = arith.addi %mul3A_171, %add3A_178 : i32
      %dma_start3A_180 = arith.constant 0 : i32
      %dma_start3A_181 = tpu.memref_slice %arg8[%add3A_179, %dma_start3A_180] : memref<114x128xi32, #tpu.memory_space<vmem>> -> memref<1x128xi32, #tpu.memory_space<vmem>>
      %dma_start3A_182 = tpu.memref_squeeze %dma_start3A_181 : memref<1x128xi32, #tpu.memory_space<vmem>> -> memref<128xi32, #tpu.memory_space<vmem>>
      %dma_start3A_183 = arith.constant 0 : i32
      %dma_start3A_184 = arith.constant 0 : i32
      %dma_start3A_185 = tpu.memref_slice %arg3[%dma_start3A_183, %dma_start3A_184] : memref<10000x64xf32, #tpu.memory_space<hbm>> -> memref<10000x64xf32, #tpu.memory_space<hbm>>
      tpu.enqueue_indirect_dma source(%dma_start3A_185 : memref<10000x64xf32, #tpu.memory_space<hbm>>) target(%arg10 : memref<128x64xf32, #tpu.memory_space<vmem>>) offsets(%dma_start3A_182 : memref<128xi32, #tpu.memory_space<vmem>>) semaphore(%arg13 : memref<!tpu.dma_semaphore, #tpu.memory_space<semaphore_mem>>)
      %add3A_186 = arith.constant 1 : i32
      %add3A_187 = arith.addi %mul3A_171, %add3A_186 : i32
      %dma_wait3A_188 = arith.constant 0 : i32
      %dma_wait3A_189 = tpu.memref_slice %arg8[%add3A_187, %dma_wait3A_188] : memref<114x128xi32, #tpu.memory_space<vmem>> -> memref<1x128xi32, #tpu.memory_space<vmem>>
      %dma_wait3A_190 = tpu.memref_squeeze %dma_wait3A_189 : memref<1x128xi32, #tpu.memory_space<vmem>> -> memref<128xi32, #tpu.memory_space<vmem>>
      %dma_wait3A_191 = arith.constant 0 : i32
      %dma_wait3A_192 = arith.constant 0 : i32
      %dma_wait3A_193 = tpu.memref_slice %arg3[%dma_wait3A_191, %dma_wait3A_192] : memref<10000x64xf32, #tpu.memory_space<hbm>> -> memref<10000x64xf32, #tpu.memory_space<hbm>>
      tpu.wait_indirect_dma semaphore(%arg14 : memref<!tpu.dma_semaphore, #tpu.memory_space<semaphore_mem>>) src(%dma_wait3A_193 : memref<10000x64xf32, #tpu.memory_space<hbm>>) dst(%arg11 : memref<128x64xf32, #tpu.memory_space<vmem>>)
      %add3A_194 = arith.constant 1 : i32
      %add3A_195 = arith.addi %mul3A_171, %add3A_194 : i32
      "tpu.region"() ({
        %run_scoped3A = tpu.sem_alloc : memref<!tpu.dma_semaphore, #tpu.memory_space<semaphore_mem>>
        %dma_start3A_204 = arith.constant 0 : i32
        %dma_start3A_205 = tpu.memref_slice %arg9[%add3A_195, %dma_start3A_204] : memref<114x128xi32, #tpu.memory_space<vmem>> -> memref<1x128xi32, #tpu.memory_space<vmem>>
        %dma_start3A_206 = tpu.memref_squeeze %dma_start3A_205 : memref<1x128xi32, #tpu.memory_space<vmem>> -> memref<128xi32, #tpu.memory_space<vmem>>
        %dma_start3A_207 = arith.constant 0 : i32
        %dma_start3A_208 = arith.constant 0 : i32
        %dma_start3A_209 = tpu.memref_slice %arg15[%dma_start3A_207, %dma_start3A_208] : memref<10240x64xf32, #tpu.memory_space<vmem_shared>> -> memref<10240x64xf32, #tpu.memory_space<vmem_shared>>
        tpu.enqueue_indirect_dma source(%arg11 : memref<128x64xf32, #tpu.memory_space<vmem>>) target(%dma_start3A_209 : memref<10240x64xf32, #tpu.memory_space<vmem_shared>>) offsets(%dma_start3A_206 : memref<128xi32, #tpu.memory_space<vmem>>) semaphore(%run_scoped3A : memref<!tpu.dma_semaphore, #tpu.memory_space<semaphore_mem>>) {add = true}
        %dma_wait3A_210 = arith.constant 0 : i32
        %dma_wait3A_211 = tpu.memref_slice %arg9[%add3A_195, %dma_wait3A_210] : memref<114x128xi32, #tpu.memory_space<vmem>> -> memref<1x128xi32, #tpu.memory_space<vmem>>
        %dma_wait3A_212 = tpu.memref_squeeze %dma_wait3A_211 : memref<1x128xi32, #tpu.memory_space<vmem>> -> memref<128xi32, #tpu.memory_space<vmem>>
        %dma_wait3A_213 = arith.constant 0 : i32
        %dma_wait3A_214 = arith.constant 0 : i32
        %dma_wait3A_215 = tpu.memref_slice %arg15[%dma_wait3A_213, %dma_wait3A_214] : memref<10240x64xf32, #tpu.memory_space<vmem_shared>> -> memref<10240x64xf32, #tpu.memory_space<vmem_shared>>
        tpu.wait_indirect_dma semaphore(%run_scoped3A : memref<!tpu.dma_semaphore, #tpu.memory_space<semaphore_mem>>) src(%arg11 : memref<128x64xf32, #tpu.memory_space<vmem>>) dst(%dma_wait3A_215 : memref<10240x64xf32, #tpu.memory_space<vmem_shared>>)
        tpu.yield
      }) : () -> ()
      %add3A_196 = arith.constant 3 : i32
      %add3A_197 = arith.addi %mul3A_171, %add3A_196 : i32
      %dma_start3A_198 = arith.constant 0 : i32
      %dma_start3A_199 = tpu.memref_slice %arg8[%add3A_197, %dma_start3A_198] : memref<114x128xi32, #tpu.memory_space<vmem>> -> memref<1x128xi32, #tpu.memory_space<vmem>>
      %dma_start3A_200 = tpu.memref_squeeze %dma_start3A_199 : memref<1x128xi32, #tpu.memory_space<vmem>> -> memref<128xi32, #tpu.memory_space<vmem>>
      %dma_start3A_201 = arith.constant 0 : i32
      %dma_start3A_202 = arith.constant 0 : i32
      %dma_start3A_203 = tpu.memref_slice %arg3[%dma_start3A_201, %dma_start3A_202] : memref<10000x64xf32, #tpu.memory_space<hbm>> -> memref<10000x64xf32, #tpu.memory_space<hbm>>
      tpu.enqueue_indirect_dma source(%dma_start3A_203 : memref<10000x64xf32, #tpu.memory_space<hbm>>) target(%arg11 : memref<128x64xf32, #tpu.memory_space<vmem>>) offsets(%dma_start3A_200 : memref<128xi32, #tpu.memory_space<vmem>>) semaphore(%arg14 : memref<!tpu.dma_semaphore, #tpu.memory_space<semaphore_mem>>)
    }
    %sub3A_137 = arith.constant 2 : i32
    %sub3A_138 = arith.subi %select_n3A_8, %sub3A_137 : i32
    %dma_wait3A_139 = arith.constant 0 : i32
    %dma_wait3A_140 = tpu.memref_slice %arg8[%sub3A_138, %dma_wait3A_139] : memref<114x128xi32, #tpu.memory_space<vmem>> -> memref<1x128xi32, #tpu.memory_space<vmem>>
    %dma_wait3A_141 = tpu.memref_squeeze %dma_wait3A_140 : memref<1x128xi32, #tpu.memory_space<vmem>> -> memref<128xi32, #tpu.memory_space<vmem>>
    %dma_wait3A_142 = arith.constant 0 : i32
    %dma_wait3A_143 = arith.constant 0 : i32
    %dma_wait3A_144 = tpu.memref_slice %arg3[%dma_wait3A_142, %dma_wait3A_143] : memref<10000x64xf32, #tpu.memory_space<hbm>> -> memref<10000x64xf32, #tpu.memory_space<hbm>>
    tpu.wait_indirect_dma semaphore(%arg13 : memref<!tpu.dma_semaphore, #tpu.memory_space<semaphore_mem>>) src(%dma_wait3A_144 : memref<10000x64xf32, #tpu.memory_space<hbm>>) dst(%arg10 : memref<128x64xf32, #tpu.memory_space<vmem>>)
    %sub3A_145 = arith.constant 2 : i32
    %sub3A_146 = arith.subi %select_n3A_8, %sub3A_145 : i32
    "tpu.region"() ({
      %run_scoped3A = tpu.sem_alloc : memref<!tpu.dma_semaphore, #tpu.memory_space<semaphore_mem>>
      %dma_start3A_169 = arith.constant 0 : i32
      %dma_start3A_170 = tpu.memref_slice %arg9[%sub3A_146, %dma_start3A_169] : memref<114x128xi32, #tpu.memory_space<vmem>> -> memref<1x128xi32, #tpu.memory_space<vmem>>
      %dma_start3A_171 = tpu.memref_squeeze %dma_start3A_170 : memref<1x128xi32, #tpu.memory_space<vmem>> -> memref<128xi32, #tpu.memory_space<vmem>>
      %dma_start3A_172 = arith.constant 0 : i32
      %dma_start3A_173 = arith.constant 0 : i32
      %dma_start3A_174 = tpu.memref_slice %arg15[%dma_start3A_172, %dma_start3A_173] : memref<10240x64xf32, #tpu.memory_space<vmem_shared>> -> memref<10240x64xf32, #tpu.memory_space<vmem_shared>>
      tpu.enqueue_indirect_dma source(%arg10 : memref<128x64xf32, #tpu.memory_space<vmem>>) target(%dma_start3A_174 : memref<10240x64xf32, #tpu.memory_space<vmem_shared>>) offsets(%dma_start3A_171 : memref<128xi32, #tpu.memory_space<vmem>>) semaphore(%run_scoped3A : memref<!tpu.dma_semaphore, #tpu.memory_space<semaphore_mem>>) {add = true}
      %dma_wait3A_175 = arith.constant 0 : i32
      %dma_wait3A_176 = tpu.memref_slice %arg9[%sub3A_146, %dma_wait3A_175] : memref<114x128xi32, #tpu.memory_space<vmem>> -> memref<1x128xi32, #tpu.memory_space<vmem>>
      %dma_wait3A_177 = tpu.memref_squeeze %dma_wait3A_176 : memref<1x128xi32, #tpu.memory_space<vmem>> -> memref<128xi32, #tpu.memory_space<vmem>>
      %dma_wait3A_178 = arith.constant 0 : i32
      %dma_wait3A_179 = arith.constant 0 : i32
      %dma_wait3A_180 = tpu.memref_slice %arg15[%dma_wait3A_178, %dma_wait3A_179] : memref<10240x64xf32, #tpu.memory_space<vmem_shared>> -> memref<10240x64xf32, #tpu.memory_space<vmem_shared>>
      tpu.wait_indirect_dma semaphore(%run_scoped3A : memref<!tpu.dma_semaphore, #tpu.memory_space<semaphore_mem>>) src(%arg10 : memref<128x64xf32, #tpu.memory_space<vmem>>) dst(%dma_wait3A_180 : memref<10240x64xf32, #tpu.memory_space<vmem_shared>>)
      tpu.yield
    }) : () -> ()
    %sub3A_147 = arith.constant 1 : i32
    %sub3A_148 = arith.subi %select_n3A_8, %sub3A_147 : i32
    %dma_wait3A_149 = arith.constant 0 : i32
    %dma_wait3A_150 = tpu.memref_slice %arg8[%sub3A_148, %dma_wait3A_149] : memref<114x128xi32, #tpu.memory_space<vmem>> -> memref<1x128xi32, #tpu.memory_space<vmem>>
    %dma_wait3A_151 = tpu.memref_squeeze %dma_wait3A_150 : memref<1x128xi32, #tpu.memory_space<vmem>> -> memref<128xi32, #tpu.memory_space<vmem>>
    %dma_wait3A_152 = arith.constant 0 : i32
    %dma_wait3A_153 = arith.constant 0 : i32
    %dma_wait3A_154 = tpu.memref_slice %arg3[%dma_wait3A_152, %dma_wait3A_153] : memref<10000x64xf32, #tpu.memory_space<hbm>> -> memref<10000x64xf32, #tpu.memory_space<hbm>>
    tpu.wait_indirect_dma semaphore(%arg14 : memref<!tpu.dma_semaphore, #tpu.memory_space<semaphore_mem>>) src(%dma_wait3A_154 : memref<10000x64xf32, #tpu.memory_space<hbm>>) dst(%arg11 : memref<128x64xf32, #tpu.memory_space<vmem>>)
    %sub3A_155 = arith.constant 1 : i32
    %sub3A_156 = arith.subi %select_n3A_8, %sub3A_155 : i32
    "tpu.region"() ({
      %run_scoped3A = tpu.sem_alloc : memref<!tpu.dma_semaphore, #tpu.memory_space<semaphore_mem>>
      %dma_start3A_169 = arith.constant 0 : i32
      %dma_start3A_170 = tpu.memref_slice %arg9[%sub3A_156, %dma_start3A_169] : memref<114x128xi32, #tpu.memory_space<vmem>> -> memref<1x128xi32, #tpu.memory_space<vmem>>
      %dma_start3A_171 = tpu.memref_squeeze %dma_start3A_170 : memref<1x128xi32, #tpu.memory_space<vmem>> -> memref<128xi32, #tpu.memory_space<vmem>>
      %dma_start3A_172 = arith.constant 0 : i32
      %dma_start3A_173 = arith.constant 0 : i32
      %dma_start3A_174 = tpu.memref_slice %arg15[%dma_start3A_172, %dma_start3A_173] : memref<10240x64xf32, #tpu.memory_space<vmem_shared>> -> memref<10240x64xf32, #tpu.memory_space<vmem_shared>>
      tpu.enqueue_indirect_dma source(%arg11 : memref<128x64xf32, #tpu.memory_space<vmem>>) target(%dma_start3A_174 : memref<10240x64xf32, #tpu.memory_space<vmem_shared>>) offsets(%dma_start3A_171 : memref<128xi32, #tpu.memory_space<vmem>>) semaphore(%run_scoped3A : memref<!tpu.dma_semaphore, #tpu.memory_space<semaphore_mem>>) {add = true}
      %dma_wait3A_175 = arith.constant 0 : i32
      %dma_wait3A_176 = tpu.memref_slice %arg9[%sub3A_156, %dma_wait3A_175] : memref<114x128xi32, #tpu.memory_space<vmem>> -> memref<1x128xi32, #tpu.memory_space<vmem>>
      %dma_wait3A_177 = tpu.memref_squeeze %dma_wait3A_176 : memref<1x128xi32, #tpu.memory_space<vmem>> -> memref<128xi32, #tpu.memory_space<vmem>>
      %dma_wait3A_178 = arith.constant 0 : i32
      %dma_wait3A_179 = arith.constant 0 : i32
      %dma_wait3A_180 = tpu.memref_slice %arg15[%dma_wait3A_178, %dma_wait3A_179] : memref<10240x64xf32, #tpu.memory_space<vmem_shared>> -> memref<10240x64xf32, #tpu.memory_space<vmem_shared>>
      tpu.wait_indirect_dma semaphore(%run_scoped3A : memref<!tpu.dma_semaphore, #tpu.memory_space<semaphore_mem>>) src(%arg11 : memref<128x64xf32, #tpu.memory_space<vmem>>) dst(%dma_wait3A_180 : memref<10240x64xf32, #tpu.memory_space<vmem_shared>>)
      tpu.yield
    }) : () -> ()
    %barrier3A_157 = arith.constant 0 : index
    tpu.barrier barrier_id(%barrier3A_157)
    %mul3A_158 = arith.constant 2 : i32
    %mul3A_159 = arith.muli %arg0, %mul3A_158 : i32
    %add3A_160 = arith.constant 1 : i32
    %add3A_161 = arith.addi %mul3A_159, %add3A_160 : i32
    %mul3A_162 = arith.constant 10240 : i32
    %mul3A_163 = arith.muli %add3A_161, %mul3A_162 : i32
    %mul3A_164 = arith.constant 640 : i32
    %mul3A_165 = arith.muli %arg1, %mul3A_164 : i32
    %add3A_166 = arith.addi %mul3A_163, %mul3A_165 : i32
    %mul3A_167 = arith.constant 640 : i32
    %mul3A_168 = arith.muli %arg1, %mul3A_167 : i32
    "tpu.region"() ({
      %run_scoped3A = tpu.sem_alloc : memref<!tpu.dma_semaphore, #tpu.memory_space<semaphore_mem>>
      %dma_start3A_169 = arith.constant 0 : i32
      %dma_start3A_170 = tpu.memref_slice %arg15[%mul3A_168, %dma_start3A_169] : memref<10240x64xf32, #tpu.memory_space<vmem_shared>> -> memref<640x64xf32, #tpu.memory_space<vmem_shared>>
      %dma_start3A_171 = arith.constant 0 : i32
      %dma_start3A_172 = tpu.memref_slice %arg15[%mul3A_168, %dma_start3A_171] : memref<10240x64xf32, #tpu.memory_space<vmem_shared>> -> memref<640x64xf32, #tpu.memory_space<vmem_shared>>
      tpu.enqueue_dma source(%dma_start3A_172 : memref<640x64xf32, #tpu.memory_space<vmem_shared>>) target(%arg12 : memref<640x64xf32, #tpu.memory_space<vmem>>) target_semaphore(%run_scoped3A : memref<!tpu.dma_semaphore, #tpu.memory_space<semaphore_mem>>)
      %dma_wait3A_173 = arith.constant 0 : i32
      %dma_wait3A_174 = tpu.memref_slice %arg15[%mul3A_168, %dma_wait3A_173] : memref<10240x64xf32, #tpu.memory_space<vmem_shared>> -> memref<640x64xf32, #tpu.memory_space<vmem_shared>>
      %dma_wait3A_175 = arith.constant 0 : i32
      %dma_wait3A_176 = tpu.memref_slice %arg15[%mul3A_168, %dma_wait3A_175] : memref<10240x64xf32, #tpu.memory_space<vmem_shared>> -> memref<640x64xf32, #tpu.memory_space<vmem_shared>>
      tpu.wait_dma2 semaphore(%run_scoped3A : memref<!tpu.dma_semaphore, #tpu.memory_space<semaphore_mem>>) src(%dma_wait3A_176 : memref<640x64xf32, #tpu.memory_space<vmem_shared>>) dst(%arg12 : memref<640x64xf32, #tpu.memory_space<vmem>>)
      tpu.yield
    }) : () -> ()
    "tpu.region"() ({
      %run_scoped3A = tpu.sem_alloc : memref<!tpu.dma_semaphore, #tpu.memory_space<semaphore_mem>>
      %dma_start3A_169 = arith.constant 0 : i32
      %dma_start3A_170 = tpu.memref_slice %arg7[%add3A_166, %dma_start3A_169] : memref<40960x64xf32, #tpu.memory_space<hbm>> -> memref<640x64xf32, #tpu.memory_space<hbm>>
      %dma_start3A_171 = arith.constant 0 : i32
      %dma_start3A_172 = tpu.memref_slice %arg7[%add3A_166, %dma_start3A_171] : memref<40960x64xf32, #tpu.memory_space<hbm>> -> memref<640x64xf32, #tpu.memory_space<hbm>>
      tpu.enqueue_dma source(%arg12 : memref<640x64xf32, #tpu.memory_space<vmem>>) target(%dma_start3A_172 : memref<640x64xf32, #tpu.memory_space<hbm>>) target_semaphore(%run_scoped3A : memref<!tpu.dma_semaphore, #tpu.memory_space<semaphore_mem>>)
      %dma_wait3A_173 = arith.constant 0 : i32
      %dma_wait3A_174 = tpu.memref_slice %arg7[%add3A_166, %dma_wait3A_173] : memref<40960x64xf32, #tpu.memory_space<hbm>> -> memref<640x64xf32, #tpu.memory_space<hbm>>
      %dma_wait3A_175 = arith.constant 0 : i32
      %dma_wait3A_176 = tpu.memref_slice %arg7[%add3A_166, %dma_wait3A_175] : memref<40960x64xf32, #tpu.memory_space<hbm>> -> memref<640x64xf32, #tpu.memory_space<hbm>>
      tpu.wait_dma2 semaphore(%run_scoped3A : memref<!tpu.dma_semaphore, #tpu.memory_space<semaphore_mem>>) src(%arg12 : memref<640x64xf32, #tpu.memory_space<vmem>>) dst(%dma_wait3A_176 : memref<640x64xf32, #tpu.memory_space<hbm>>)
      tpu.yield
    }) : () -> ()
    return
  }
}

module attributes {stable_mosaic.version = 14 : i64} {
  func.func @_dense_body(%arg0: i32, %arg1: memref<2x2x1000x64xf32, #tpu.memory_space<vmem>>, %arg2: memref<2x1000x16xf32, #tpu.memory_space<vmem>>, %arg3: memref<1000x128xf32, #tpu.memory_space<vmem>>, %arg4: memref<128x128xf32, #tpu.memory_space<vmem>>, %arg5: memref<128x128xf32, #tpu.memory_space<vmem>>, %arg6: memref<1x128xf32, #tpu.memory_space<vmem>>, %arg7: memref<1000x128xf32, #tpu.memory_space<vmem>>, %arg8: memref<1000x64xf32, #tpu.memory_space<vmem>>, %arg9: memref<1000x64xf32, #tpu.memory_space<vmem>>) attributes {dimension_semantics = [#tpu.dimension_semantics<arbitrary>], iteration_bounds = array<i64: 10>, scalar_prefetch = 0 : i64, scratch_operands = 0 : i64, tpu.core_type = #tpu.core_type<tc>, window_params = [{transform_indices = @transform_0, window_bounds = array<i64: 2, 2, 1000, 64>}, {transform_indices = @transform_1, window_bounds = array<i64: 2, 1000, 16>}, {transform_indices = @transform_2, window_bounds = array<i64: 1000, 128>}, {pipeline_mode = #tpu.pipeline_mode<synchronous>, transform_indices = @transform_3, window_bounds = array<i64: 128, 128>}, {pipeline_mode = #tpu.pipeline_mode<synchronous>, transform_indices = @transform_4, window_bounds = array<i64: 128, 128>}, {pipeline_mode = #tpu.pipeline_mode<synchronous>, transform_indices = @transform_5, window_bounds = array<i64: 1, 128>}, {transform_indices = @transform_6, window_bounds = array<i64: 1000, 128>}, {transform_indices = @transform_7, window_bounds = array<i64: 1000, 64>}, {transform_indices = @transform_8, window_bounds = array<i64: 1000, 64>}]} {
    %get3A = arith.constant 0 : index
    %get3A_0 = arith.constant 0 : index
    %get3A_1 = arith.constant 0 : index
    %get3A_2 = arith.constant 0 : index
    %get3A_3 = vector.load %arg1[%get3A, %get3A_0, %get3A_1, %get3A_2] : memref<2x2x1000x64xf32, #tpu.memory_space<vmem>>, vector<1x1x1000x64xf32>
    %get3A_4 = vector.shape_cast %get3A_3 : vector<1x1x1000x64xf32> to vector<1000x64xf32>
    %get3A_5 = arith.constant 1 : index
    %get3A_6 = arith.constant 0 : index
    %get3A_7 = arith.constant 0 : index
    %get3A_8 = arith.constant 0 : index
    %get3A_9 = vector.load %arg1[%get3A_5, %get3A_6, %get3A_7, %get3A_8] : memref<2x2x1000x64xf32, #tpu.memory_space<vmem>>, vector<1x1x1000x64xf32>
    %get3A_10 = vector.shape_cast %get3A_9 : vector<1x1x1000x64xf32> to vector<1000x64xf32>
    %add3A = arith.addf %get3A_4, %get3A_10 : vector<1000x64xf32>
    %get3A_11 = arith.constant 0 : index
    %get3A_12 = arith.constant 1 : index
    %get3A_13 = arith.constant 0 : index
    %get3A_14 = arith.constant 0 : index
    %get3A_15 = vector.load %arg1[%get3A_11, %get3A_12, %get3A_13, %get3A_14] : memref<2x2x1000x64xf32, #tpu.memory_space<vmem>>, vector<1x1x1000x64xf32>
    %get3A_16 = vector.shape_cast %get3A_15 : vector<1x1x1000x64xf32> to vector<1000x64xf32>
    %get3A_17 = arith.constant 1 : index
    %get3A_18 = arith.constant 1 : index
    %get3A_19 = arith.constant 0 : index
    %get3A_20 = arith.constant 0 : index
    %get3A_21 = vector.load %arg1[%get3A_17, %get3A_18, %get3A_19, %get3A_20] : memref<2x2x1000x64xf32, #tpu.memory_space<vmem>>, vector<1x1x1000x64xf32>
    %get3A_22 = vector.shape_cast %get3A_21 : vector<1x1x1000x64xf32> to vector<1000x64xf32>
    %add3A_23 = arith.addf %get3A_16, %get3A_22 : vector<1000x64xf32>
    %concatenate3A = tpu.concatenate %add3A, %add3A_23 in 1 : vector<1000x64xf32>, vector<1000x64xf32> -> vector<1000x128xf32>
    %get3A_24 = arith.constant 0 : index
    %get3A_25 = arith.constant 0 : index
    %get3A_26 = arith.constant 0 : index
    %get3A_27 = vector.load %arg2[%get3A_24, %get3A_25, %get3A_26] : memref<2x1000x16xf32, #tpu.memory_space<vmem>>, vector<1x1000x1xf32>
    %get3A_28 = vector.shape_cast %get3A_27 : vector<1x1000x1xf32> to vector<1000xf32>
    %get3A_29 = arith.constant 1 : index
    %get3A_30 = arith.constant 0 : index
    %get3A_31 = arith.constant 0 : index
    %get3A_32 = vector.load %arg2[%get3A_29, %get3A_30, %get3A_31] : memref<2x1000x16xf32, #tpu.memory_space<vmem>>, vector<1x1000x1xf32>
    %get3A_33 = vector.shape_cast %get3A_32 : vector<1x1000x1xf32> to vector<1000xf32>
    %add3A_34 = arith.addf %get3A_28, %get3A_33 : vector<1000xf32>
    %max3A = arith.constant 1.000000e+00 : f32
    %max3A_35 = vector.broadcast %max3A : f32 to vector<1000xf32>
    %max3A_36 = arith.maximumf %add3A_34, %max3A_35 : vector<1000xf32>
    %broadcast_in_dim3A = vector.shape_cast %max3A_36 : vector<1000xf32> to vector<1000x1xf32>
    %div3A = vector.broadcast %broadcast_in_dim3A : vector<1000x1xf32> to vector<1000x128xf32>
    %div3A_37 = arith.divf %concatenate3A, %div3A : vector<1000x128xf32>
    %get3A_38 = arith.constant 0 : index
    %get3A_39 = arith.constant 0 : index
    %get3A_40 = vector.load %arg4[%get3A_38, %get3A_39] : memref<128x128xf32, #tpu.memory_space<vmem>>, vector<128x128xf32>
    %dot_general3A = arith.constant dense<0.000000e+00> : vector<1000x128xf32>
    %dot_general3A_41 = tpu.matmul %div3A_37, %get3A_40, %dot_general3A {dimension_numbers = #tpu.dot_dimension_numbers<[1], [0], [0], [1], [0, 0, 1, 1], [], []>, transpose_lhs_hint = false} : vector<1000x128xf32>, vector<128x128xf32>, vector<1000x128xf32> -> vector<1000x128xf32>
    %get3A_42 = arith.constant 0 : index
    %get3A_43 = arith.constant 0 : index
    %get3A_44 = vector.load %arg3[%get3A_42, %get3A_43] : memref<1000x128xf32, #tpu.memory_space<vmem>>, vector<1000x128xf32>
    %get3A_45 = arith.constant 0 : index
    %get3A_46 = arith.constant 0 : index
    %get3A_47 = vector.load %arg5[%get3A_45, %get3A_46] : memref<128x128xf32, #tpu.memory_space<vmem>>, vector<128x128xf32>
    %dot_general3A_48 = arith.constant dense<0.000000e+00> : vector<1000x128xf32>
    %dot_general3A_49 = tpu.matmul %get3A_44, %get3A_47, %dot_general3A_48 {dimension_numbers = #tpu.dot_dimension_numbers<[1], [0], [0], [1], [0, 0, 1, 1], [], []>, transpose_lhs_hint = false} : vector<1000x128xf32>, vector<128x128xf32>, vector<1000x128xf32> -> vector<1000x128xf32>
    %add3A_50 = arith.addf %dot_general3A_41, %dot_general3A_49 : vector<1000x128xf32>
    %get3A_51 = arith.constant 0 : index
    %get3A_52 = arith.constant 0 : index
    %get3A_53 = vector.load %arg6[%get3A_51, %get3A_52] : memref<1x128xf32, #tpu.memory_space<vmem>>, vector<1x128xf32>
    %add3A_54 = vector.broadcast %get3A_53 : vector<1x128xf32> to vector<1000x128xf32>
    %add3A_55 = arith.addf %add3A_50, %add3A_54 : vector<1000x128xf32>
    %max3A_56 = arith.constant 0.000000e+00 : f32
    %max3A_57 = vector.broadcast %max3A_56 : f32 to vector<1000x128xf32>
    %max3A_58 = arith.maximumf %add3A_55, %max3A_57 : vector<1000x128xf32>
    %swap3A = arith.constant 0 : index
    %swap3A_59 = arith.constant 0 : index
    %swap3A_60 = vector.load %arg7[%swap3A, %swap3A_59] : memref<1000x128xf32, #tpu.memory_space<vmem>>, vector<1000x128xf32>
    tpu.vector_store %arg7[%swap3A, %swap3A_59], %max3A_58 {strides = array<i32>} : memref<1000x128xf32, #tpu.memory_space<vmem>>, vector<1000x128xf32>,
    %slice3A = vector.extract_strided_slice %max3A_58 {offsets = [0, 0], sizes = [1000, 64], strides = [1, 1]} : vector<1000x128xf32> to vector<1000x64xf32>
    %swap3A_61 = arith.constant 0 : index
    %swap3A_62 = arith.constant 0 : index
    %swap3A_63 = vector.load %arg8[%swap3A_61, %swap3A_62] : memref<1000x64xf32, #tpu.memory_space<vmem>>, vector<1000x64xf32>
    tpu.vector_store %arg8[%swap3A_61, %swap3A_62], %slice3A {strides = array<i32>} : memref<1000x64xf32, #tpu.memory_space<vmem>>, vector<1000x64xf32>,
    %slice3A_64 = vector.extract_strided_slice %max3A_58 {offsets = [0, 64], sizes = [1000, 64], strides = [1, 1]} : vector<1000x128xf32> to vector<1000x64xf32>
    %swap3A_65 = arith.constant 0 : index
    %swap3A_66 = arith.constant 0 : index
    %swap3A_67 = vector.load %arg9[%swap3A_65, %swap3A_66] : memref<1000x64xf32, #tpu.memory_space<vmem>>, vector<1000x64xf32>
    tpu.vector_store %arg9[%swap3A_65, %swap3A_66], %slice3A_64 {strides = array<i32>} : memref<1000x64xf32, #tpu.memory_space<vmem>>, vector<1000x64xf32>,
    return
  }
  func.func @transform_0(%arg0: i32) -> (i32, i32, i32, i32) {
    %c0_i32 = arith.constant 0 : i32
    %c0_i32_0 = arith.constant 0 : i32
    %c0_i32_1 = arith.constant 0 : i32
    %c0_i32_2 = arith.constant 0 : i32
    return %c0_i32, %c0_i32_0, %arg0, %c0_i32_1 : i32, i32, i32, i32
  }
  func.func @transform_1(%arg0: i32) -> (i32, i32, i32) {
    %c0_i32 = arith.constant 0 : i32
    %c0_i32_0 = arith.constant 0 : i32
    %c0_i32_1 = arith.constant 0 : i32
    return %c0_i32, %arg0, %c0_i32_0 : i32, i32, i32
  }
  func.func @transform_2(%arg0: i32) -> (i32, i32) {
    %c0_i32 = arith.constant 0 : i32
    %c0_i32_0 = arith.constant 0 : i32
    return %arg0, %c0_i32 : i32, i32
  }
  func.func @transform_3(%arg0: i32) -> (i32, i32) {
    %c0_i32 = arith.constant 0 : i32
    %c0_i32_0 = arith.constant 0 : i32
    %c0_i32_1 = arith.constant 0 : i32
    return %c0_i32, %c0_i32_0 : i32, i32
  }
  func.func @transform_4(%arg0: i32) -> (i32, i32) {
    %c0_i32 = arith.constant 0 : i32
    %c0_i32_0 = arith.constant 0 : i32
    %c0_i32_1 = arith.constant 0 : i32
    return %c0_i32, %c0_i32_0 : i32, i32
  }
  func.func @transform_5(%arg0: i32) -> (i32, i32) {
    %c0_i32 = arith.constant 0 : i32
    %c0_i32_0 = arith.constant 0 : i32
    %c0_i32_1 = arith.constant 0 : i32
    return %c0_i32, %c0_i32_0 : i32, i32
  }
  func.func @transform_6(%arg0: i32) -> (i32, i32) {
    %c0_i32 = arith.constant 0 : i32
    %c0_i32_0 = arith.constant 0 : i32
    return %arg0, %c0_i32 : i32, i32
  }
  func.func @transform_7(%arg0: i32) -> (i32, i32) {
    %c0_i32 = arith.constant 0 : i32
    %c0_i32_0 = arith.constant 0 : i32
    return %arg0, %c0_i32 : i32, i32
  }
  func.func @transform_8(%arg0: i32) -> (i32, i32) {
    %c0_i32 = arith.constant 0 : i32
    %c0_i32_0 = arith.constant 0 : i32
    return %arg0, %c0_i32 : i32, i32
  }
}

module attributes {stable_mosaic.version = 14 : i64} {
  func.func @_dense_body(%arg0: i32, %arg1: memref<2x2x1000x64xf32, #tpu.memory_space<vmem>>, %arg2: memref<2x1000x16xf32, #tpu.memory_space<vmem>>, %arg3: memref<1000x128xf32, #tpu.memory_space<vmem>>, %arg4: memref<128x128xf32, #tpu.memory_space<vmem>>, %arg5: memref<128x128xf32, #tpu.memory_space<vmem>>, %arg6: memref<1x128xf32, #tpu.memory_space<vmem>>, %arg7: memref<1000x128xf32, #tpu.memory_space<vmem>>) attributes {dimension_semantics = [#tpu.dimension_semantics<arbitrary>], iteration_bounds = array<i64: 10>, scalar_prefetch = 0 : i64, scratch_operands = 0 : i64, tpu.core_type = #tpu.core_type<tc>, window_params = [{transform_indices = @transform_0, window_bounds = array<i64: 2, 2, 1000, 64>}, {transform_indices = @transform_1, window_bounds = array<i64: 2, 1000, 16>}, {transform_indices = @transform_2, window_bounds = array<i64: 1000, 128>}, {pipeline_mode = #tpu.pipeline_mode<synchronous>, transform_indices = @transform_3, window_bounds = array<i64: 128, 128>}, {pipeline_mode = #tpu.pipeline_mode<synchronous>, transform_indices = @transform_4, window_bounds = array<i64: 128, 128>}, {pipeline_mode = #tpu.pipeline_mode<synchronous>, transform_indices = @transform_5, window_bounds = array<i64: 1, 128>}, {transform_indices = @transform_6, window_bounds = array<i64: 1000, 128>}]} {
    %get3A = arith.constant 0 : index
    %get3A_0 = arith.constant 0 : index
    %get3A_1 = arith.constant 0 : index
    %get3A_2 = arith.constant 0 : index
    %get3A_3 = vector.load %arg1[%get3A, %get3A_0, %get3A_1, %get3A_2] : memref<2x2x1000x64xf32, #tpu.memory_space<vmem>>, vector<1x1x1000x64xf32>
    %get3A_4 = vector.shape_cast %get3A_3 : vector<1x1x1000x64xf32> to vector<1000x64xf32>
    %get3A_5 = arith.constant 1 : index
    %get3A_6 = arith.constant 0 : index
    %get3A_7 = arith.constant 0 : index
    %get3A_8 = arith.constant 0 : index
    %get3A_9 = vector.load %arg1[%get3A_5, %get3A_6, %get3A_7, %get3A_8] : memref<2x2x1000x64xf32, #tpu.memory_space<vmem>>, vector<1x1x1000x64xf32>
    %get3A_10 = vector.shape_cast %get3A_9 : vector<1x1x1000x64xf32> to vector<1000x64xf32>
    %add3A = arith.addf %get3A_4, %get3A_10 : vector<1000x64xf32>
    %get3A_11 = arith.constant 0 : index
    %get3A_12 = arith.constant 1 : index
    %get3A_13 = arith.constant 0 : index
    %get3A_14 = arith.constant 0 : index
    %get3A_15 = vector.load %arg1[%get3A_11, %get3A_12, %get3A_13, %get3A_14] : memref<2x2x1000x64xf32, #tpu.memory_space<vmem>>, vector<1x1x1000x64xf32>
    %get3A_16 = vector.shape_cast %get3A_15 : vector<1x1x1000x64xf32> to vector<1000x64xf32>
    %get3A_17 = arith.constant 1 : index
    %get3A_18 = arith.constant 1 : index
    %get3A_19 = arith.constant 0 : index
    %get3A_20 = arith.constant 0 : index
    %get3A_21 = vector.load %arg1[%get3A_17, %get3A_18, %get3A_19, %get3A_20] : memref<2x2x1000x64xf32, #tpu.memory_space<vmem>>, vector<1x1x1000x64xf32>
    %get3A_22 = vector.shape_cast %get3A_21 : vector<1x1x1000x64xf32> to vector<1000x64xf32>
    %add3A_23 = arith.addf %get3A_16, %get3A_22 : vector<1000x64xf32>
    %concatenate3A = tpu.concatenate %add3A, %add3A_23 in 1 : vector<1000x64xf32>, vector<1000x64xf32> -> vector<1000x128xf32>
    %get3A_24 = arith.constant 0 : index
    %get3A_25 = arith.constant 0 : index
    %get3A_26 = arith.constant 0 : index
    %get3A_27 = vector.load %arg2[%get3A_24, %get3A_25, %get3A_26] : memref<2x1000x16xf32, #tpu.memory_space<vmem>>, vector<1x1000x1xf32>
    %get3A_28 = vector.shape_cast %get3A_27 : vector<1x1000x1xf32> to vector<1000xf32>
    %get3A_29 = arith.constant 1 : index
    %get3A_30 = arith.constant 0 : index
    %get3A_31 = arith.constant 0 : index
    %get3A_32 = vector.load %arg2[%get3A_29, %get3A_30, %get3A_31] : memref<2x1000x16xf32, #tpu.memory_space<vmem>>, vector<1x1000x1xf32>
    %get3A_33 = vector.shape_cast %get3A_32 : vector<1x1000x1xf32> to vector<1000xf32>
    %add3A_34 = arith.addf %get3A_28, %get3A_33 : vector<1000xf32>
    %max3A = arith.constant 1.000000e+00 : f32
    %max3A_35 = vector.broadcast %max3A : f32 to vector<1000xf32>
    %max3A_36 = arith.maximumf %add3A_34, %max3A_35 : vector<1000xf32>
    %broadcast_in_dim3A = vector.shape_cast %max3A_36 : vector<1000xf32> to vector<1000x1xf32>
    %div3A = vector.broadcast %broadcast_in_dim3A : vector<1000x1xf32> to vector<1000x128xf32>
    %div3A_37 = arith.divf %concatenate3A, %div3A : vector<1000x128xf32>
    %get3A_38 = arith.constant 0 : index
    %get3A_39 = arith.constant 0 : index
    %get3A_40 = vector.load %arg4[%get3A_38, %get3A_39] : memref<128x128xf32, #tpu.memory_space<vmem>>, vector<128x128xf32>
    %dot_general3A = arith.constant dense<0.000000e+00> : vector<1000x128xf32>
    %dot_general3A_41 = tpu.matmul %div3A_37, %get3A_40, %dot_general3A {dimension_numbers = #tpu.dot_dimension_numbers<[1], [0], [0], [1], [0, 0, 1, 1], [], []>, transpose_lhs_hint = false} : vector<1000x128xf32>, vector<128x128xf32>, vector<1000x128xf32> -> vector<1000x128xf32>
    %get3A_42 = arith.constant 0 : index
    %get3A_43 = arith.constant 0 : index
    %get3A_44 = vector.load %arg3[%get3A_42, %get3A_43] : memref<1000x128xf32, #tpu.memory_space<vmem>>, vector<1000x128xf32>
    %get3A_45 = arith.constant 0 : index
    %get3A_46 = arith.constant 0 : index
    %get3A_47 = vector.load %arg5[%get3A_45, %get3A_46] : memref<128x128xf32, #tpu.memory_space<vmem>>, vector<128x128xf32>
    %dot_general3A_48 = arith.constant dense<0.000000e+00> : vector<1000x128xf32>
    %dot_general3A_49 = tpu.matmul %get3A_44, %get3A_47, %dot_general3A_48 {dimension_numbers = #tpu.dot_dimension_numbers<[1], [0], [0], [1], [0, 0, 1, 1], [], []>, transpose_lhs_hint = false} : vector<1000x128xf32>, vector<128x128xf32>, vector<1000x128xf32> -> vector<1000x128xf32>
    %add3A_50 = arith.addf %dot_general3A_41, %dot_general3A_49 : vector<1000x128xf32>
    %get3A_51 = arith.constant 0 : index
    %get3A_52 = arith.constant 0 : index
    %get3A_53 = vector.load %arg6[%get3A_51, %get3A_52] : memref<1x128xf32, #tpu.memory_space<vmem>>, vector<1x128xf32>
    %add3A_54 = vector.broadcast %get3A_53 : vector<1x128xf32> to vector<1000x128xf32>
    %add3A_55 = arith.addf %add3A_50, %add3A_54 : vector<1000x128xf32>
    %swap3A = arith.constant 0 : index
    %swap3A_56 = arith.constant 0 : index
    %swap3A_57 = vector.load %arg7[%swap3A, %swap3A_56] : memref<1000x128xf32, #tpu.memory_space<vmem>>, vector<1000x128xf32>
    tpu.vector_store %arg7[%swap3A, %swap3A_56], %add3A_55 {strides = array<i32>} : memref<1000x128xf32, #tpu.memory_space<vmem>>, vector<1000x128xf32>,
    return
  }
  func.func @transform_0(%arg0: i32) -> (i32, i32, i32, i32) {
    %c0_i32 = arith.constant 0 : i32
    %c0_i32_0 = arith.constant 0 : i32
    %c0_i32_1 = arith.constant 0 : i32
    %c0_i32_2 = arith.constant 0 : i32
    return %c0_i32, %c0_i32_0, %arg0, %c0_i32_1 : i32, i32, i32, i32
  }
  func.func @transform_1(%arg0: i32) -> (i32, i32, i32) {
    %c0_i32 = arith.constant 0 : i32
    %c0_i32_0 = arith.constant 0 : i32
    %c0_i32_1 = arith.constant 0 : i32
    return %c0_i32, %arg0, %c0_i32_0 : i32, i32, i32
  }
  func.func @transform_2(%arg0: i32) -> (i32, i32) {
    %c0_i32 = arith.constant 0 : i32
    %c0_i32_0 = arith.constant 0 : i32
    return %arg0, %c0_i32 : i32, i32
  }
  func.func @transform_3(%arg0: i32) -> (i32, i32) {
    %c0_i32 = arith.constant 0 : i32
    %c0_i32_0 = arith.constant 0 : i32
    %c0_i32_1 = arith.constant 0 : i32
    return %c0_i32, %c0_i32_0 : i32, i32
  }
  func.func @transform_4(%arg0: i32) -> (i32, i32) {
    %c0_i32 = arith.constant 0 : i32
    %c0_i32_0 = arith.constant 0 : i32
    %c0_i32_1 = arith.constant 0 : i32
    return %c0_i32, %c0_i32_0 : i32, i32
  }
  func.func @transform_5(%arg0: i32) -> (i32, i32) {
    %c0_i32 = arith.constant 0 : i32
    %c0_i32_0 = arith.constant 0 : i32
    %c0_i32_1 = arith.constant 0 : i32
    return %c0_i32, %c0_i32_0 : i32, i32
  }
  func.func @transform_6(%arg0: i32) -> (i32, i32) {
    %c0_i32 = arith.constant 0 : i32
    %c0_i32_0 = arith.constant 0 : i32
    return %arg0, %c0_i32 : i32, i32
  }
}

</mosaic_0001>

<sc_bundles>
// kernel: sc_sage_aggregate.11.cloned.1.call-start
scs
__scs_entry_jumppad:
0x0: {  	(pc) =	sbr.rel $0x88, $3  }
0x1: {  	(tag) =	ssettag $0x0;
	lr =	simm.s32 $0x1  }
0x2: {  	[smem:$0x3F96] =	sst lr;
	_ =	strace $0xD0000000  }
0x3: {  	_ = 	snop  }
0x4: {  	_ = 	snop  }
0x5: {  	_ = 	snop  }
0x6: {  	_ = 	snop  }
0x7: {  	_ = 	snop  }
__scs_overlays_trampoline_lowered:
0x8: {  	[smem:$0x3FA5] =	sst s0  }
0x9: {  	[smem:$0x3FA6] =	sst s1  }
0xa: {  	[smem:$0x3FA7] =	sst s2  }
0xb: {  	[smem:$0x3FA8] =	sst s3  }
0xc: {  	[smem:$0x3FA9] =	sst s4  }
0xd: {  	[smem:$0x3FAA] =	sst s5  }
0xe: {  	[smem:$0x3FAB] =	sst s6  }
0xf: {  	[smem:$0x3FAC] =	sst s7  }
0x10: {  	[smem:$0x3FAD] =	sst s8  }
0x11: {  	[smem:$0x3FAE] =	sst s9;
	s0 =	simm.s32 @!p0 $0x0  }
0x12: {  	s1 =	sld [smem:$0x3F94];
	s0 =	simm.s32 @p0 $0x1  }
0x13: {  	[smem:$0x3FAF] =	sst s0;
	s0 =	simm.s32 @!p1 $0x0  }
0x14: {  	s2 =	sld [smem:$0x3F93];
	s0 =	simm.s32 @p1 $0x1  }
0x15: {  	[smem:$0x3FB0] =	sst s0;
	s0 =	simm.s32 @!p2 $0x0  }
0x16: {  	s3 =	sld [smem:$0x3FDB];
	s0 =	simm.s32 @p2 $0x1  }
0x17: {  	s4 =	simm.s32 $0x1BF5;
	[smem:$0x3FB2] =	sst s0  }
0x18: {  	s0 =	sld [smem:$0x3F95];
	_ =	swait.ge [sflag:s4], $0x0  }
0x19: {  	s7 =	sld [smem:$0x3F96]  }
0x1a: {  	s8 =	sadd.s32 $0xFFFFE003, lr  }
0x1b: {  	s9 =	sadd.s32 $0xFFFFFEF7, lr;
	s5 =	simm.s32 $0xFFFFFFFF;
	p2 =	slt.u32 s8, $0xFFFFF086  }
0x1c: {  	p1 =	slt.u32 s9, $0xF7A;
	s5 =	simm.s32 @!p2 $0x0  }
0x1d: {  	s5 =	simm.s32 @p1 $0x1;
	p0 =	seq.s32 s7, s2  }
0x1e: {  	s7 =	smul.u32 @!p0 $0xF7A, s2;
	p2 =	seq.s32 @!p0 s5, $0x0  }
0x1f: {  	s9 =	smul.u32 $0xF7A, s1;
	s8 =	simm.s32 @!p0 $0x1BF5;
	p2 =	por !p2, p0  }
0x20: {  	[sflag:s8] =	ssyncset.s32 @!p0 $0xFFFFF086;
	s6 =	sadd.s32 @!p0 s3, s7;
	s7 =	simm.s32 @!p0 $0x108  }
0x21: {  	s3 =	sadd.s32 s3, s9;
	s6 =	sadd.s32 @!p0 $0x88, s6;
	s7 =	simm.s32 @p2 $0x1082  }
0x22: {  	[simem:s7], [sflag:s8] =	dma.local @!p0 [hbm:s6], $0xF7A  }
0x23: {  	s9 =	sor.u32 $0xD0000000, s2;
	s6 =	simm.s32 $0x108;
	_ =	swait.ge @!p0 [sflag:s8], $0x0  }
0x24: {  	s3 =	sadd.s32 $0x88, s3;
	s6 =	simm.s32 @!p1 $0x1082;
	[sflag:s4] =	ssyncset.s32 $0xFFFFF086  }
0x25: {  	[simem:s6], [sflag:s4] =	dma.local [hbm:s3], $0xF7A  }
0x26: {  	[smem:$0x3F96] =	sst s1;
	(tag) =	ssettag s2;
	_ =	strace s9  }
0x27: {  	s1 =	sld [smem:$0x3FA6]  }
0x28: {  	s2 =	sld [smem:$0x3FA7]  }
0x29: {  	s4 =	sld [smem:$0x3FA9]  }
0x2a: {  	p0 =	seq.s32 s5, $0x0;
	s5 =	sld [smem:$0x3FAA]  }
0x2b: {  	s6 =	sld [smem:$0x3FAB]  }
0x2c: {  	s7 =	sld [smem:$0x3FAC]  }
0x2d: {  	s3 =	simm.s32 $0x108;
	s8 =	sld [smem:$0x3FAD]  }
0x2e: {  	s3 =	simm.s32 @!p0 $0x1082;
	s9 =	sld [smem:$0x3FAE]  }
0x2f: {  	lr =	sadd.s32 s0, s3;
	s0 =	sld [smem:$0x3FA5]  }
0x30: {  	s3 =	sld [smem:$0x3FA8]  }
0x31: {  	[smem:$0x3FB1] =	sst s10  }
0x32: {  	s10 =	sld [smem:$0x3FAF];
	_ =	sdelay $0x3  }
0x33: {  	p0 =	seq.s32 s10, $0x1;
	s10 =	sld [smem:$0x3FB1];
	_ =	sdelay $0x3  }
0x34: {  	[smem:$0x3FB1] =	sst s10  }
0x35: {  	s10 =	sld [smem:$0x3FB0];
	_ =	sdelay $0x3  }
0x36: {  	p1 =	seq.s32 s10, $0x1;
	s10 =	sld [smem:$0x3FB1];
	_ =	sdelay $0x3  }
0x37: {  	[smem:$0x3FB1] =	sst s10  }
0x38: {  	s10 =	sld [smem:$0x3FB2]  }
0x39: {  	_ = 	snop;
	(pc) =	sbr.ind lr, $3  }
0x3a: {  	_ = 	snop  }
0x3b: {  	_ = 	snop  }
0x3c: {  	p2 =	seq.s32 s10, $0x1;
	s10 =	sld [smem:$0x3FB1]  }
0x3d: {  	_ =	shalt  }
0x3e: {  	_ =	shalt  }
0x3f: {  	_ =	shalt  }
0x40: {  	_ =	shalt  }
0x41: {  	_ =	shalt  }
0x42: {  	_ =	shalt  }
0x43: {  	_ =	shalt  }
0x44: {  	_ =	shalt  }
0x45: {  	_ =	shalt  }
0x46: {  	_ =	shalt  }
0x47: {  	_ =	shalt  }
0x48: {  	_ =	shalt  }
0x49: {  	_ =	shalt  }
0x4a: {  	_ =	shalt  }
0x4b: {  	_ =	shalt  }
0x4c: {  	_ =	shalt  }
0x4d: {  	_ =	shalt  }
0x4e: {  	_ =	shalt  }
0x4f: {  	_ =	shalt  }
0x50: {  	_ =	shalt  }
0x51: {  	_ =	shalt  }
0x52: {  	_ =	shalt  }
0x53: {  	_ =	shalt  }
0x54: {  	_ =	shalt  }
0x55: {  	_ =	shalt  }
0x56: {  	_ =	shalt  }
0x57: {  	_ =	shalt  }
0x58: {  	_ =	shalt  }
0x59: {  	_ =	shalt  }
0x5a: {  	_ =	shalt  }
0x5b: {  	_ =	shalt  }
0x5c: {  	_ =	shalt  }
0x5d: {  	_ =	shalt  }
0x5e: {  	_ =	shalt  }
0x5f: {  	_ =	shalt  }
0x60: {  	_ =	shalt  }
0x61: {  	_ =	shalt  }
0x62: {  	_ =	shalt  }
0x63: {  	_ =	shalt  }
0x64: {  	_ =	shalt  }
0x65: {  	_ =	shalt  }
0x66: {  	_ =	shalt  }
0x67: {  	_ =	shalt  }
0x68: {  	_ =	shalt  }
0x69: {  	_ =	shalt  }
0x6a: {  	_ =	shalt  }
0x6b: {  	_ =	shalt  }
0x6c: {  	_ =	shalt  }
0x6d: {  	_ =	shalt  }
0x6e: {  	_ =	shalt  }
0x6f: {  	_ =	shalt  }
0x70: {  	_ =	shalt  }
0x71: {  	_ =	shalt  }
0x72: {  	_ =	shalt  }
0x73: {  	_ =	shalt  }
0x74: {  	_ =	shalt  }
0x75: {  	_ =	shalt  }
0x76: {  	_ =	shalt  }
0x77: {  	_ =	shalt  }
0x78: {  	_ =	shalt  }
0x79: {  	_ =	shalt  }
0x7a: {  	_ =	shalt  }
0x7b: {  	_ =	shalt  }
0x7c: {  	_ =	shalt  }
0x7d: {  	_ =	shalt  }
0x7e: {  	_ =	shalt  }
0x7f: {  	_ =	shalt  }
0x80: {  	_ =	shalt  }
0x81: {  	_ =	shalt  }
0x82: {  	_ =	shalt  }
0x83: {  	_ =	shalt  }
0x84: {  	_ =	shalt  }
0x85: {  	_ =	shalt  }
0x86: {  	_ =	shalt  }
0x87: {  	_ =	shalt  }
.Lfunc_end0:
.L_simem_size_0:
called_computation.3_lowered:
.L_overlay_start_0:
0x88: {  	s2 =	sld [smem:$0x3FD9]  }
0x89: {  	s3 =	sld [smem:$0x3FFE];
	_ =	sdelay $0x1  }
0x8a: {  	s1 =	srdreg.scid  }
0x8b: {  	s0 =	sand.u32 $0x1, s1  }
0x8c: {  	s17 =	sshll.u32 s0, $0xA;
	s2 =	sadd.s32 s3, s2  }
0x8d: {  	s2 =	sadd.s32 s2, s17  }
0x8e: {  	[smem:$0x3FBD] =	sst s2  }
0x8f: {  	_ = 	snop  }
0x90: {  	s2 =	sld [smem:$0x3FD0];
	(tm) =	ssettm $0x1  }
0x91: {  	s18 =	sld [smem:$0x3FFB];
	_ =	sdelay $0x3  }
0x92: {  	_ =	strace s18  }
0x93: {  	s3 =	sld [smem:$0x3FFC];
	_ =	sdelay $0x3  }
0x94: {  	_ =	strace s3  }
0x95: {  	s3 =	sld [smem:$0x3FFD];
	_ =	sdelay $0x3  }
0x96: {  	_ =	strace s3  }
0x97: {  	_ =	strace $0x8FFFFFFF  }
0x98: {  	s19 =	sld [smem:$0x3FDB];
	_ =	sdelay $0x1  }
0x99: {  	s4 =	simm.s32 $_scs_section_size  }
0x9a: {  	s5 =	simm.s32 $_size__tile_overlayer_lowered;
	s6 =	simm.s32 $_tile_overlayer_lowered  }
0x9b: {  	s22 =	simm.s32 $0x1BFF;
	s21 =	sshll.u32 s6, $0x1;
	s3 =	sadd.s32 s4, s19  }
0x9c: {  	s7 =	simm.s32 $0x0;
	s20 =	sshll.u32 s5, $0x1;
	s5 =	sadd.s32 s21, s3  }
0x9d: {  	[timem:s7], [sflag:s22] =	dma.local [hbm:s5], s20  }
0x9e: {  	_ =	swait.ge [sflag:s22], s20  }
0x9f: {  	s4 =	ssub.s32 $0x0, s20;
	[sflag:s22] =	ssyncset.done $0x0  }
0xa0: {  	[sflag:s22] =	ssyncadd.s32 s4;
	_ =	sdelay $0x1  }
0xa1: {  	s23 =	simm.s32 $0x1B8B  }
0xa2: {  	_ =	swait.ge [sflag:s23], $0x1  }
0xa3: {  	[sflag:s23] =	ssyncset.done $0x0  }
0xa4: {  	s25 =	simm.s32 $0x1B8E;
	s24 =	sld [smem:$0x3FFE];
	[sflag:s23] =	ssyncadd.s32 $0xFFFFFFFF  }
0xa5: {  	s26 =	simm.s32 $execute0_lowered;
	[smem:$0x3FD2] =	sst s25  }
0xa6: {  	s5 =	sshll.u32 s26, $0x1;
	_ =	strace $0x8000004F;
	[dreg:$0x1] =	wrdreg $0xFFFFFFFF  }
0xa7: {  	s28 =	simm.s32 $_size_execute0_lowered;
	s3 =	sadd.s32 s3, s5;
	[dreg:$0x0] =	wrdreg $0x0  }
0xa8: {  	s5 =	sshll.u32 s28, $0x1;
	[dreg:$0x2] =	wrdreg s3  }
0xa9: {  	[dreg:$0x3] =	wrdreg s5  }
0xaa: {  	[dreg:$0x4] =	wrdreg $0xC0  }
0xab: {  	_ =	task [dreg:s7], $0x5FFFF  }
0xac: {  	[dreg:$0x1] =	wrdreg $0xFFFFFFFF  }
0xad: {  	[dreg:$0x0] =	wrdreg $0x60  }
0xae: {  	[dreg:$0x2] =	wrdreg s2  }
0xaf: {  	[dreg:$0x3] =	wrdreg s24  }
0xb0: {  	[dreg:$0x4] =	wrdreg $0x152000  }
0xb1: {  	[dreg:$0x5] =	wrdreg $0x9  }
0xb2: {  	_ =	task.clear_ibuf [dreg:s7], $0x6FFFF;
	_ =	strace $0x9000004F  }
0xb3: {  	s29 =	simm.s32 $0x9;
	_ =	strace $0x80000051  }
0xb4: {  	_ =	swait.ge [sflag:s29], $0x1  }
0xb5: {  	[sflag:s29] =	ssyncadd.s32 $0xFFFFFFFF  }
0xb6: {  	_ =	strace $0x90000051  }
0xb7: {  	_ =	sfence  }
0xb8: {  	s30 =	sld [smem:$0x0];
	_ =	sdelay $0x2  }
0xb9: {  	s31 =	sshll.u32 s1, $0xD;
	s1 =	sshrl.u32 s1, $0x2  }
0xba: {  	s3 =	sand.u32 $0x4000, s31;
	s1 =	sadd.s32 s1, s30  }
0xbb: {  	s0 =	sor.u32 s3, s0;
	s1 =	sshll.u32 s1, $0x11  }
0xbc: {  	s0 =	sor.u32 s1, s0  }
0xbd: {  	s0 =	sadd.s32 $0x8F2B, s0  }
0xbe: {  	[sflag:s0] =	ssyncadd.remote.s32 $0x1  }
0xbf: {  	_ =	sfence.sel $0xFFFF  }
0xc0: {  	[dreg:$0x0] =	wrdreg $0xFFFFFFFF;
	(pc) =	sbr.abs _section_cstart, $3  }
0xc1: {  	[dreg:$0x1] =	wrdreg $0xFFFFFFFF  }
0xc2: {  	_ =	task.clear_ibuf [dreg:s7], $0x2FFFF;
	_ =	strace $0x9FFFFFFF  }
0xc3: {  	(tm) =	ssettm $0x7FFFFFFF  }
tec
execute0_lowered:
.L_overlay_start_1:
0x0: {  	(tag) =	ssettag $0x1  }
0x1: {  	s2 =	rddreg [dreg:$0x0]  }
0x2: {  	s0 =	rddreg [dreg:$0x1]  }
0x3: {  	s3 =	rddreg [dreg:$0x2]  }
0x4: {  	s9 =	stileid.u32;
	s5 =	srdreg.scid;
	s4 =	simm.s32 $0x0  }
0x5: {  	s10 =	simm.s32 $0x72;
	s16 =	simm.s32 $0x3;
	s18 =	simm.s32 $0xB200  }
0x6: {  	s19 =	simm.s32 $0x80;
	s20 =	simm.s32 $0x7200;
	s21 =	simm.s32 $0x9200  }
0x7: {  	s22 =	simm.s32 $0x1;
	s23 =	simm.s32 $0x2;
	s1 =	smul.u32 $0x72, s9  }
0x8: {  	s24 =	simm.s32 $0x0;
	s29 =	simm.s32 $0x100;
	s6 =	smul.u32 $0x2E, s9  }
0x9: {  	s7 =	sand.u32 $0x1, s5;
	s25 =	smul.u32 $0x280, s9;
	[smem:$0x7FF] =	sst s4  }
0xa: {  	s5 =	sadd.s32 $0xDA00, s0;
	s9 =	smul.u32 $0x28000, s9;
	p0 =	seq.s32 s7, $0x0  }
0xb: {  	s8 =	smul.u32 $0x5000, s7;
	_ =	strace $0x80000050;
	s7 =	ssub.s32 $0x2, s7  }
0xc: {  	s6 =	sadd.s32 $0x720, s6;
	s28 =	sshrl.u32 s7, $0x1;
	s10 =	simm.s32 @!p0 $0x2E  }
0xd: {  	s30 =	sshrl.u32 s9, $0x2;
	s6 =	smov.u32 @p0 s1;
	s26 =	sadd.s32 s25, s8  }
0xe: {  	s15 =	ssub.s32 s7, s28;
	s11 =	sadd.s32 $0xFFFFFFFE, s10;
	s9 =	sadd.s32 s30, s3  }
0xf: {  	s12 =	sshll.u32 s10, $0x7;
	s1 =	sshll.u32 s6, $0x4;
	s8 =	sshll.u32 s26, $0x3  }
0x10: {  	s6 =	sadd.s32 $0x36200, s0;
	s31 =	sshll.u32 s11, $0x7;
	s10 =	sshrl.u32 s11, $0x1  }
0x11: {  	s12 =	sadd.s32 $0x3880, s12;
	s15 =	smax.u32 s15, $0x1;
	s1 =	sadd.s32 s1, s0  }
0x12: {  	s0 =	sadd.s32 s8, s0;
	s11 =	sadd.s32 $0x3900, s31;
	s7 =	sadd.s32 $0x2BC00, s1  }
0x13: {  	s8 =	sadd.s32 $0x3400, s1;
	s13 =	sadd.s32 $0x37600, s0;
	s14 =	sadd.s32 $0x4B600, s0  }
.LBB2_1:
0x14: {  	[tilespmem:s4], [sflag:$0x3] =	stream.linear.gather [hbm4b:s7+s4], $0x3900, $0x38;
	[tilespmem:$0x1F200] =	vst v63  }
0x15: {  	_ =	swait.ge [sflag:s16], $0x3900  }
0x16: {  	[sflag:s16] =	ssyncset.done $0x0  }
0x17: {  	s0 =	simm.s32 $0x3900;
	[sflag:s16] =	ssyncadd.s32 $0xFFFFC700  }
0x18: {  	[tilespmem:s0], [sflag:$0x3] =	stream.linear.gather [hbm4b:s8+s4], $0x3900, $0x38;
	[tilespmem:$0x1F200] =	vst v63  }
0x19: {  	_ =	swait.ge [sflag:s16], $0x3900  }
0x1a: {  	[sflag:s16] =	ssyncset.done $0x0  }
0x1b: {  	[sflag:s16] =	ssyncadd.s32 $0xFFFFC700  }
0x1c: {  	[tilespmem:s18], [sflag:$0x3] =	stream.linear.gather [hbm4b:s6+s4], $0xA000, $0x38;
	[tilespmem:$0x1F200] =	vst v63  }
0x1d: {  	_ =	swait.ge [sflag:s16], $0xA000  }
0x1e: {  	[sflag:s16] =	ssyncset.done $0x0  }
0x1f: {  	[sflag:s16] =	ssyncadd.s32 $0xFFFF6000  }
0x20: {  	[spmem:s9] =	stream.linear.scatter [tilespmem:s18], [sflag:$0x3], $0xA000, $0x38;
	[tilespmem:$0x1F200] =	vst v63  }
0x21: {  	_ =	swait.ge [sflag:s16], $0xA000  }
0x22: {  	[sflag:s16] =	ssyncset.done $0x0  }
0x23: {  	[sflag:s16] =	ssyncadd.s32 $0xFFFF6000  }
0x24: {  	[tilespmem:s20], [sflag:$0x1] =	stream.indirect.gather [hbm4b:s2+s19], $0x40, s4, s19, $0xb8;
	[tilespmem:$0x1F200] =	vst v63  }
0x25: {  	_ = 	snop  }
0x26: {  	[tilespmem:s21], [sflag:$0x2] =	stream.indirect.gather [hbm4b:s2+s19], $0x40, s19, s19, $0xb8;
	[tilespmem:$0x1F200] =	vst v63  }
0x27: {  	[bflag:$0x0] =	sbarrier.arrive $0xFFFF  }
0x28: {  	_ =	swait.ge [sflag:s22], $0x2000  }
0x29: {  	[sflag:s22] =	ssyncset.done $0x0  }
0x2a: {  	s26 =	simm.s32 $0x3900;
	[sflag:s22] =	ssyncadd.s32 $0xFFFFE000  }
0x2b: {  	[spmem:s3] =	stream.indirect.scatter.add.f32 [tilespmem:s20], [sflag:$0x3], $0x40, s26, s19, $0xb8;
	[tilespmem:$0x1F200] =	vst v63  }
0x2c: {  	_ =	swait.ge [sflag:s16], $0x2000  }
0x2d: {  	[sflag:s16] =	ssyncset.done $0x0  }
0x2e: {  	[sflag:s16] =	ssyncadd.s32 $0xFFFFE000  }
0x2f: {  	[tilespmem:s20], [sflag:$0x1] =	stream.indirect.gather [hbm4b:s2+s19], $0x40, s29, s19, $0xb8;
	[tilespmem:$0x1F200] =	vst v63  }
0x30: {  	_ =	swait.ge [sflag:s23], $0x2000  }
0x31: {  	p0 =	sne.s32 s10, $0x1;
	[sflag:s23] =	ssyncset.done $0x0  }
.Ltmp0:
0x32: {  	s28 =	simm.s32 $0x3980;
	[sflag:s23] =	ssyncadd.s32 $0xFFFFE000;
	(pc) =	sbr.rel @!p0 .LBB2_3-.Ltmp0, $4  }
0x33: {  	[spmem:s3] =	stream.indirect.scatter.add.f32 [tilespmem:s21], [sflag:$0x3], $0x40, s28, s19, $0xb8;
	[tilespmem:$0x1F200] =	vst v63  }
0x34: {  	s25 =	simm.s32 $0x180;
	_ =	swait.ge [sflag:s16], $0x2000  }
0x35: {  	s30 =	sadd.s32 $0xFFFFFFFF, s10;
	s31 =	simm.s32 $0x280;
	[sflag:s16] =	ssyncset.done $0x0  }
0x36: {  	s1 =	simm.s32 $0x180;
	s0 =	simm.s32 $0x3A80;
	[sflag:s16] =	ssyncadd.s32 $0xFFFFE000  }
.LBB2_2:
0x37: {  	[tilespmem:s21], [sflag:$0x2] =	stream.indirect.gather [hbm4b:s2+s19], $0x40, s1, s19, $0xb8;
	[tilespmem:$0x1F200] =	vst v63  }
0x38: {  	p1 =	sne.s32 s30, $0x1;
	s30 =	sadd.s32 $0xFFFFFFFF, s30;
	_ =	swait.ge [sflag:s22], $0x2000  }
0x39: {  	s1 =	smov.u32 s31;
	[sflag:s22] =	ssyncset.done $0x0  }
0x3a: {  	s17 =	sadd.s32 $0xFFFFFF80, s0;
	[sflag:s22] =	ssyncadd.s32 $0xFFFFE000  }
0x3b: {  	[spmem:s3] =	stream.indirect.scatter.add.f32 [tilespmem:s20], [sflag:$0x3], $0x40, s17, s19, $0xb8;
	[tilespmem:$0x1F200] =	vst v63  }
0x3c: {  	_ =	swait.ge [sflag:s16], $0x2000  }
0x3d: {  	[sflag:s16] =	ssyncset.done $0x0  }
0x3e: {  	s17 =	sadd.s32 $0xFFFFFF80, s31;
	[sflag:s16] =	ssyncadd.s32 $0xFFFFE000  }
0x3f: {  	[tilespmem:s20], [sflag:$0x1] =	stream.indirect.gather [hbm4b:s2+s19], $0x40, s17, s19, $0xb8;
	[tilespmem:$0x1F200] =	vst v63  }
0x40: {  	_ =	swait.ge [sflag:s23], $0x2000  }
0x41: {  	[sflag:s23] =	ssyncset.done $0x0  }
.Ltmp1:
0x42: {  	[sflag:s23] =	ssyncadd.s32 $0xFFFFE000;
	(pc) =	sbr.rel @p1 .LBB2_2-.Ltmp1, $4  }
0x43: {  	[spmem:s3] =	stream.indirect.scatter.add.f32 [tilespmem:s21], [sflag:$0x3], $0x40, s0, s19, $0xb8;
	[tilespmem:$0x1F200] =	vst v63  }
0x44: {  	_ =	swait.ge [sflag:s16], $0x2000  }
0x45: {  	[sflag:s16] =	ssyncset.done $0x0  }
0x46: {  	s31 =	sadd.s32 $0x100, s31;
	s0 =	sadd.s32 $0x100, s0;
	[sflag:s16] =	ssyncadd.s32 $0xFFFFE000  }
.LBB2_3:
0x47: {  	[tilespmem:s21], [sflag:$0x2] =	stream.indirect.gather [hbm4b:s2+s19], $0x40, s1, s19, $0xb8;
	[tilespmem:$0x1F200] =	vst v63  }
0x48: {  	_ =	swait.ge [sflag:s22], $0x2000  }
0x49: {  	[sflag:s22] =	ssyncset.done $0x0  }
0x4a: {  	[sflag:s22] =	ssyncadd.s32 $0xFFFFE000  }
0x4b: {  	[spmem:s3] =	stream.indirect.scatter.add.f32 [tilespmem:s20], [sflag:$0x3], $0x40, s11, s19, $0xb8;
	[tilespmem:$0x1F200] =	vst v63  }
0x4c: {  	_ =	swait.ge [sflag:s16], $0x2000  }
0x4d: {  	[sflag:s16] =	ssyncset.done $0x0  }
0x4e: {  	[sflag:s16] =	ssyncadd.s32 $0xFFFFE000  }
0x4f: {  	_ =	swait.ge [sflag:s23], $0x2000  }
0x50: {  	[sflag:s23] =	ssyncset.done $0x0  }
0x51: {  	[sflag:s23] =	ssyncadd.s32 $0xFFFFE000  }
0x52: {  	[spmem:s3] =	stream.indirect.scatter.add.f32 [tilespmem:s21], [sflag:$0x3], $0x40, s12, s19, $0xb8;
	[tilespmem:$0x1F200] =	vst v63  }
0x53: {  	_ =	swait.ge [sflag:s16], $0x2000  }
0x54: {  	[sflag:s16] =	ssyncset.done $0x0  }
0x55: {  	[sflag:s16] =	ssyncadd.s32 $0xFFFFE000  }
0x56: {  	[bflag:$0x0] =	sbarrier.arrive $0xFFFF  }
0x57: {  	[tilespmem:s18], [sflag:$0x3] =	stream.linear.gather [spmem:s9], $0xA000, $0x38;
	[tilespmem:$0x1F200] =	vst v63  }
0x58: {  	_ =	swait.ge [sflag:s16], $0xA000  }
0x59: {  	[sflag:s16] =	ssyncset.done $0x0  }
0x5a: {  	[sflag:s16] =	ssyncadd.s32 $0xFFFF6000  }
0x5b: {  	[hbm4b:s13+s4] =	stream.linear.scatter [tilespmem:s18], [sflag:$0x3], $0xA000, $0x38;
	[tilespmem:$0x1F200] =	vst v63  }
0x5c: {  	_ =	swait.ge [sflag:s16], $0xA000  }
0x5d: {  	[sflag:s16] =	ssyncset.done $0x0  }
0x5e: {  	[sflag:s16] =	ssyncadd.s32 $0xFFFF6000  }
0x5f: {  	[tilespmem:s18], [sflag:$0x3] =	stream.linear.gather [hbm4b:s6+s4], $0xA000, $0x38;
	[tilespmem:$0x1F200] =	vst v63  }
0x60: {  	_ =	swait.ge [sflag:s16], $0xA000  }
0x61: {  	[sflag:s16] =	ssyncset.done $0x0  }
0x62: {  	[sflag:s16] =	ssyncadd.s32 $0xFFFF6000  }
0x63: {  	[spmem:s9] =	stream.linear.scatter [tilespmem:s18], [sflag:$0x3], $0xA000, $0x38;
	[tilespmem:$0x1F200] =	vst v63  }
0x64: {  	_ =	swait.ge [sflag:s16], $0xA000  }
0x65: {  	[sflag:s16] =	ssyncset.done $0x0  }
0x66: {  	[sflag:s16] =	ssyncadd.s32 $0xFFFF6000  }
0x67: {  	[tilespmem:s20], [sflag:$0x1] =	stream.indirect.gather [hbm4b:s5+s19], $0x40, s4, s19, $0xb8;
	[tilespmem:$0x1F200] =	vst v63  }
0x68: {  	_ = 	snop  }
0x69: {  	[tilespmem:s21], [sflag:$0x2] =	stream.indirect.gather [hbm4b:s5+s19], $0x40, s19, s19, $0xb8;
	[tilespmem:$0x1F200] =	vst v63  }
0x6a: {  	[bflag:$0x0] =	sbarrier.arrive $0xFFFF  }
0x6b: {  	_ =	swait.ge [sflag:s22], $0x2000  }
0x6c: {  	[sflag:s22] =	ssyncset.done $0x0  }
0x6d: {  	[sflag:s22] =	ssyncadd.s32 $0xFFFFE000  }
0x6e: {  	[spmem:s3] =	stream.indirect.scatter.add.f32 [tilespmem:s20], [sflag:$0x3], $0x40, s26, s19, $0xb8;
	[tilespmem:$0x1F200] =	vst v63  }
0x6f: {  	_ =	swait.ge [sflag:s16], $0x2000  }
0x70: {  	[sflag:s16] =	ssyncset.done $0x0  }
0x71: {  	[sflag:s16] =	ssyncadd.s32 $0xFFFFE000  }
0x72: {  	[tilespmem:s20], [sflag:$0x1] =	stream.indirect.gather [hbm4b:s5+s19], $0x40, s29, s19, $0xb8;
	[tilespmem:$0x1F200] =	vst v63  }
0x73: {  	_ =	swait.ge [sflag:s23], $0x2000  }
0x74: {  	[sflag:s23] =	ssyncset.done $0x0  }
.Ltmp2:
0x75: {  	[sflag:s23] =	ssyncadd.s32 $0xFFFFE000;
	(pc) =	sbr.rel @!p0 .LBB2_5-.Ltmp2, $4  }
0x76: {  	[spmem:s3] =	stream.indirect.scatter.add.f32 [tilespmem:s21], [sflag:$0x3], $0x40, s28, s19, $0xb8;
	[tilespmem:$0x1F200] =	vst v63  }
0x77: {  	_ =	swait.ge [sflag:s16], $0x2000  }
0x78: {  	s0 =	simm.s32 $0x280;
	[sflag:s16] =	ssyncset.done $0x0  }
0x79: {  	s26 =	sadd.s32 $0xFFFFFFFF, s10;
	s28 =	simm.s32 $0x3A80;
	[sflag:s16] =	ssyncadd.s32 $0xFFFFE000  }
.LBB2_4:
0x7a: {  	[tilespmem:s21], [sflag:$0x2] =	stream.indirect.gather [hbm4b:s5+s19], $0x40, s25, s19, $0xb8;
	[tilespmem:$0x1F200] =	vst v63  }
0x7b: {  	p0 =	sne.s32 s26, $0x1;
	s26 =	sadd.s32 $0xFFFFFFFF, s26;
	_ =	swait.ge [sflag:s22], $0x2000  }
0x7c: {  	s25 =	smov.u32 s0;
	[sflag:s22] =	ssyncset.done $0x0  }
0x7d: {  	s1 =	sadd.s32 $0xFFFFFF80, s28;
	[sflag:s22] =	ssyncadd.s32 $0xFFFFE000  }
0x7e: {  	[spmem:s3] =	stream.indirect.scatter.add.f32 [tilespmem:s20], [sflag:$0x3], $0x40, s1, s19, $0xb8;
	[tilespmem:$0x1F200] =	vst v63  }
0x7f: {  	_ =	swait.ge [sflag:s16], $0x2000  }
0x80: {  	[sflag:s16] =	ssyncset.done $0x0  }
0x81: {  	s1 =	sadd.s32 $0xFFFFFF80, s0;
	[sflag:s16] =	ssyncadd.s32 $0xFFFFE000  }
0x82: {  	[tilespmem:s20], [sflag:$0x1] =	stream.indirect.gather [hbm4b:s5+s19], $0x40, s1, s19, $0xb8;
	[tilespmem:$0x1F200] =	vst v63  }
0x83: {  	_ =	swait.ge [sflag:s23], $0x2000  }
0x84: {  	[sflag:s23] =	ssyncset.done $0x0  }
.Ltmp3:
0x85: {  	[sflag:s23] =	ssyncadd.s32 $0xFFFFE000;
	(pc) =	sbr.rel @p0 .LBB2_4-.Ltmp3, $4  }
0x86: {  	[spmem:s3] =	stream.indirect.scatter.add.f32 [tilespmem:s21], [sflag:$0x3], $0x40, s28, s19, $0xb8;
	[tilespmem:$0x1F200] =	vst v63  }
0x87: {  	_ =	swait.ge [sflag:s16], $0x2000  }
0x88: {  	[sflag:s16] =	ssyncset.done $0x0  }
0x89: {  	s0 =	sadd.s32 $0x100, s0;
	s28 =	sadd.s32 $0x100, s28;
	[sflag:s16] =	ssyncadd.s32 $0xFFFFE000  }
.LBB2_5:
0x8a: {  	[tilespmem:s21], [sflag:$0x2] =	stream.indirect.gather [hbm4b:s5+s19], $0x40, s25, s19, $0xb8;
	[tilespmem:$0x1F200] =	vst v63  }
0x8b: {  	_ =	swait.ge [sflag:s22], $0x2000  }
0x8c: {  	[sflag:s22] =	ssyncset.done $0x0  }
0x8d: {  	[sflag:s22] =	ssyncadd.s32 $0xFFFFE000  }
0x8e: {  	[spmem:s3] =	stream.indirect.scatter.add.f32 [tilespmem:s20], [sflag:$0x3], $0x40, s11, s19, $0xb8;
	[tilespmem:$0x1F200] =	vst v63  }
0x8f: {  	_ =	swait.ge [sflag:s16], $0x2000  }
0x90: {  	[sflag:s16] =	ssyncset.done $0x0  }
0x91: {  	[sflag:s16] =	ssyncadd.s32 $0xFFFFE000  }
0x92: {  	_ =	swait.ge [sflag:s23], $0x2000  }
0x93: {  	[sflag:s23] =	ssyncset.done $0x0  }
0x94: {  	[sflag:s23] =	ssyncadd.s32 $0xFFFFE000  }
0x95: {  	[spmem:s3] =	stream.indirect.scatter.add.f32 [tilespmem:s21], [sflag:$0x3], $0x40, s12, s19, $0xb8;
	[tilespmem:$0x1F200] =	vst v63  }
0x96: {  	_ =	swait.ge [sflag:s16], $0x2000  }
0x97: {  	[sflag:s16] =	ssyncset.done $0x0  }
0x98: {  	[sflag:s16] =	ssyncadd.s32 $0xFFFFE000  }
0x99: {  	[bflag:$0x0] =	sbarrier.arrive $0xFFFF  }
0x9a: {  	[tilespmem:s18], [sflag:$0x3] =	stream.linear.gather [spmem:s9], $0xA000, $0x38;
	[tilespmem:$0x1F200] =	vst v63  }
0x9b: {  	s24 =	sadd.s32 $0x1, s24;
	_ =	swait.ge [sflag:s16], $0xA000  }
0x9c: {  	p0 =	sne.s32 s24, s15;
	[sflag:s16] =	ssyncset.done $0x0  }
.Ltmp4:
0x9d: {  	[sflag:s16] =	ssyncadd.s32 $0xFFFF6000;
	(pc) =	sbr.rel @p0 .LBB2_1-.Ltmp4, $4  }
0x9e: {  	[hbm4b:s14+s4] =	stream.linear.scatter [tilespmem:s18], [sflag:$0x3], $0xA000, $0x38;
	[tilespmem:$0x1F200] =	vst v63  }
0x9f: {  	_ =	swait.ge [sflag:s16], $0xA000  }
0xa0: {  	[sflag:s16] =	ssyncset.done $0x0  }
0xa1: {  	[sflag:s16] =	ssyncadd.s32 $0xFFFF6000  }
0xa2: {  	_ =	sfence.sel $0x180000  }
0xa3: {  	[bflag:$0x0] =	sbarrier.arrive $0xFFFF  }
0xa4: {  	_ =	strace $0x90000050  }
0xa5: {  	s0 =	stileid.u32;
	[bflag:$0x2] =	sbarrier.arrive $0xFFFF  }
0xa6: {  	p0 =	sne.s32 s0, $0x0;
	s0 =	rddreg [dreg:$0x3]  }
0xa7: {  	s0 =	sadd.s32 @!p0 $0x100000, s0  }
0xa8: {  	[sflag:s0] =	ssyncadd.tile.s32 @!p0 $0x1;
	_ =	shalt  }
.Lfunc_end2:
_tile_overlayer_lowered:
.L_overlay_start_2:
0xa9: {  	(tag) =	ssettag $0x2  }
0xaa: {  	s0 =	rddreg [dreg:$0x0];
	s2 =	stileid.u32  }
0xab: {  	s1 =	rddreg [dreg:$0x1];
	p0 =	sne.s32 s2, $0x0  }
0xac: {  	s3 =	rddreg [dreg:$0x2];
	[bflag:$0x3] =	sbarrier.arrive $0xFFFF;
	s2 =	simm.s32 @!p0 $0x1C03  }
0xad: {  	[timem:s3], [sflag:s2] =	dma.local @!p0 [hbm:s0], s1  }
0xae: {  	s0 =	simm.s32 @!p0 $0x3  }
0xaf: {  	_ =	swait.ge @!p0 [sflag:s0], s1  }
0xb0: {  	s1 =	ssub.s32 @!p0 $0x0, s1;
	[sflag:s0] =	ssyncset.done @!p0 $0x0  }
0xb1: {  	[sflag:s0] =	ssyncadd.s32 @!p0 s1  }
0xb2: {  	[bflag:$0x3] =	sbarrier.arrive $0xFFFF  }
0xb3: {  	_ =	shalt  }

// kernel: sc_sage_aggregate.5.cloned.1.call-start
scs
__scs_entry_jumppad:
0x0: {  	(pc) =	sbr.rel $0x88, $3  }
0x1: {  	(tag) =	ssettag $0x0;
	lr =	simm.s32 $0x1  }
0x2: {  	[smem:$0x3F96] =	sst lr;
	_ =	strace $0xD0000000  }
0x3: {  	_ = 	snop  }
0x4: {  	_ = 	snop  }
0x5: {  	_ = 	snop  }
0x6: {  	_ = 	snop  }
0x7: {  	_ = 	snop  }
__scs_overlays_trampoline_lowered:
0x8: {  	[smem:$0x3FA5] =	sst s0  }
0x9: {  	[smem:$0x3FA6] =	sst s1  }
0xa: {  	[smem:$0x3FA7] =	sst s2  }
0xb: {  	[smem:$0x3FA8] =	sst s3  }
0xc: {  	[smem:$0x3FA9] =	sst s4  }
0xd: {  	[smem:$0x3FAA] =	sst s5  }
0xe: {  	[smem:$0x3FAB] =	sst s6  }
0xf: {  	[smem:$0x3FAC] =	sst s7  }
0x10: {  	[smem:$0x3FAD] =	sst s8  }
0x11: {  	[smem:$0x3FAE] =	sst s9;
	s0 =	simm.s32 @!p0 $0x0  }
0x12: {  	s1 =	sld [smem:$0x3F94];
	s0 =	simm.s32 @p0 $0x1  }
0x13: {  	[smem:$0x3FAF] =	sst s0;
	s0 =	simm.s32 @!p1 $0x0  }
0x14: {  	s2 =	sld [smem:$0x3F93];
	s0 =	simm.s32 @p1 $0x1  }
0x15: {  	[smem:$0x3FB0] =	sst s0;
	s0 =	simm.s32 @!p2 $0x0  }
0x16: {  	s3 =	sld [smem:$0x3FDB];
	s0 =	simm.s32 @p2 $0x1  }
0x17: {  	s4 =	simm.s32 $0x1BF5;
	[smem:$0x3FB2] =	sst s0  }
0x18: {  	s0 =	sld [smem:$0x3F95];
	_ =	swait.ge [sflag:s4], $0x0  }
0x19: {  	s7 =	sld [smem:$0x3F96]  }
0x1a: {  	s8 =	sadd.s32 $0xFFFFE003, lr  }
0x1b: {  	s9 =	sadd.s32 $0xFFFFFEF7, lr;
	s5 =	simm.s32 $0xFFFFFFFF;
	p2 =	slt.u32 s8, $0xFFFFF086  }
0x1c: {  	p1 =	slt.u32 s9, $0xF7A;
	s5 =	simm.s32 @!p2 $0x0  }
0x1d: {  	s5 =	simm.s32 @p1 $0x1;
	p0 =	seq.s32 s7, s2  }
0x1e: {  	s7 =	smul.u32 @!p0 $0xF7A, s2;
	p2 =	seq.s32 @!p0 s5, $0x0  }
0x1f: {  	s9 =	smul.u32 $0xF7A, s1;
	s8 =	simm.s32 @!p0 $0x1BF5;
	p2 =	por !p2, p0  }
0x20: {  	[sflag:s8] =	ssyncset.s32 @!p0 $0xFFFFF086;
	s6 =	sadd.s32 @!p0 s3, s7;
	s7 =	simm.s32 @!p0 $0x108  }
0x21: {  	s3 =	sadd.s32 s3, s9;
	s6 =	sadd.s32 @!p0 $0x88, s6;
	s7 =	simm.s32 @p2 $0x1082  }
0x22: {  	[simem:s7], [sflag:s8] =	dma.local @!p0 [hbm:s6], $0xF7A  }
0x23: {  	s9 =	sor.u32 $0xD0000000, s2;
	s6 =	simm.s32 $0x108;
	_ =	swait.ge @!p0 [sflag:s8], $0x0  }
0x24: {  	s3 =	sadd.s32 $0x88, s3;
	s6 =	simm.s32 @!p1 $0x1082;
	[sflag:s4] =	ssyncset.s32 $0xFFFFF086  }
0x25: {  	[simem:s6], [sflag:s4] =	dma.local [hbm:s3], $0xF7A  }
0x26: {  	[smem:$0x3F96] =	sst s1;
	(tag) =	ssettag s2;
	_ =	strace s9  }
0x27: {  	s1 =	sld [smem:$0x3FA6]  }
0x28: {  	s2 =	sld [smem:$0x3FA7]  }
0x29: {  	s4 =	sld [smem:$0x3FA9]  }
0x2a: {  	p0 =	seq.s32 s5, $0x0;
	s5 =	sld [smem:$0x3FAA]  }
0x2b: {  	s6 =	sld [smem:$0x3FAB]  }
0x2c: {  	s7 =	sld [smem:$0x3FAC]  }
0x2d: {  	s3 =	simm.s32 $0x108;
	s8 =	sld [smem:$0x3FAD]  }
0x2e: {  	s3 =	simm.s32 @!p0 $0x1082;
	s9 =	sld [smem:$0x3FAE]  }
0x2f: {  	lr =	sadd.s32 s0, s3;
	s0 =	sld [smem:$0x3FA5]  }
0x30: {  	s3 =	sld [smem:$0x3FA8]  }
0x31: {  	[smem:$0x3FB1] =	sst s10  }
0x32: {  	s10 =	sld [smem:$0x3FAF];
	_ =	sdelay $0x3  }
0x33: {  	p0 =	seq.s32 s10, $0x1;
	s10 =	sld [smem:$0x3FB1];
	_ =	sdelay $0x3  }
0x34: {  	[smem:$0x3FB1] =	sst s10  }
0x35: {  	s10 =	sld [smem:$0x3FB0];
	_ =	sdelay $0x3  }
0x36: {  	p1 =	seq.s32 s10, $0x1;
	s10 =	sld [smem:$0x3FB1];
	_ =	sdelay $0x3  }
0x37: {  	[smem:$0x3FB1] =	sst s10  }
0x38: {  	s10 =	sld [smem:$0x3FB2]  }
0x39: {  	_ = 	snop;
	(pc) =	sbr.ind lr, $3  }
0x3a: {  	_ = 	snop  }
0x3b: {  	_ = 	snop  }
0x3c: {  	p2 =	seq.s32 s10, $0x1;
	s10 =	sld [smem:$0x3FB1]  }
0x3d: {  	_ =	shalt  }
0x3e: {  	_ =	shalt  }
0x3f: {  	_ =	shalt  }
0x40: {  	_ =	shalt  }
0x41: {  	_ =	shalt  }
0x42: {  	_ =	shalt  }
0x43: {  	_ =	shalt  }
0x44: {  	_ =	shalt  }
0x45: {  	_ =	shalt  }
0x46: {  	_ =	shalt  }
0x47: {  	_ =	shalt  }
0x48: {  	_ =	shalt  }
0x49: {  	_ =	shalt  }
0x4a: {  	_ =	shalt  }
0x4b: {  	_ =	shalt  }
0x4c: {  	_ =	shalt  }
0x4d: {  	_ =	shalt  }
0x4e: {  	_ =	shalt  }
0x4f: {  	_ =	shalt  }
0x50: {  	_ =	shalt  }
0x51: {  	_ =	shalt  }
0x52: {  	_ =	shalt  }
0x53: {  	_ =	shalt  }
0x54: {  	_ =	shalt  }
0x55: {  	_ =	shalt  }
0x56: {  	_ =	shalt  }
0x57: {  	_ =	shalt  }
0x58: {  	_ =	shalt  }
0x59: {  	_ =	shalt  }
0x5a: {  	_ =	shalt  }
0x5b: {  	_ =	shalt  }
0x5c: {  	_ =	shalt  }
0x5d: {  	_ =	shalt  }
0x5e: {  	_ =	shalt  }
0x5f: {  	_ =	shalt  }
0x60: {  	_ =	shalt  }
0x61: {  	_ =	shalt  }
0x62: {  	_ =	shalt  }
0x63: {  	_ =	shalt  }
0x64: {  	_ =	shalt  }
0x65: {  	_ =	shalt  }
0x66: {  	_ =	shalt  }
0x67: {  	_ =	shalt  }
0x68: {  	_ =	shalt  }
0x69: {  	_ =	shalt  }
0x6a: {  	_ =	shalt  }
0x6b: {  	_ =	shalt  }
0x6c: {  	_ =	shalt  }
0x6d: {  	_ =	shalt  }
0x6e: {  	_ =	shalt  }
0x6f: {  	_ =	shalt  }
0x70: {  	_ =	shalt  }
0x71: {  	_ =	shalt  }
0x72: {  	_ =	shalt  }
0x73: {  	_ =	shalt  }
0x74: {  	_ =	shalt  }
0x75: {  	_ =	shalt  }
0x76: {  	_ =	shalt  }
0x77: {  	_ =	shalt  }
0x78: {  	_ =	shalt  }
0x79: {  	_ =	shalt  }
0x7a: {  	_ =	shalt  }
0x7b: {  	_ =	shalt  }
0x7c: {  	_ =	shalt  }
0x7d: {  	_ =	shalt  }
0x7e: {  	_ =	shalt  }
0x7f: {  	_ =	shalt  }
0x80: {  	_ =	shalt  }
0x81: {  	_ =	shalt  }
0x82: {  	_ =	shalt  }
0x83: {  	_ =	shalt  }
0x84: {  	_ =	shalt  }
0x85: {  	_ =	shalt  }
0x86: {  	_ =	shalt  }
0x87: {  	_ =	shalt  }
.Lfunc_end0:
.L_simem_size_0:
called_computation.1_lowered:
.L_overlay_start_0:
0x88: {  	s2 =	sld [smem:$0x3FD9]  }
0x89: {  	s3 =	sld [smem:$0x3FFE];
	_ =	sdelay $0x1  }
0x8a: {  	s1 =	srdreg.scid  }
0x8b: {  	s0 =	sand.u32 $0x1, s1  }
0x8c: {  	s17 =	sshll.u32 s0, $0xA;
	s2 =	sadd.s32 s3, s2  }
0x8d: {  	s2 =	sadd.s32 s2, s17  }
0x8e: {  	[smem:$0x3FBD] =	sst s2  }
0x8f: {  	_ = 	snop  }
0x90: {  	s18 =	sld [smem:$0x3FD0];
	(tm) =	ssettm $0x1  }
0x91: {  	s19 =	sld [smem:$0x3FFB];
	_ =	sdelay $0x3  }
0x92: {  	_ =	strace s19  }
0x93: {  	s2 =	sld [smem:$0x3FFC];
	_ =	sdelay $0x3  }
0x94: {  	_ =	strace s2  }
0x95: {  	s2 =	sld [smem:$0x3FFD];
	_ =	sdelay $0x3  }
0x96: {  	_ =	strace s2  }
0x97: {  	_ =	strace $0x8FFFFFFF  }
0x98: {  	s20 =	sld [smem:$0x3FDB];
	_ =	sdelay $0x1  }
0x99: {  	s4 =	simm.s32 $_scs_section_size  }
0x9a: {  	s5 =	simm.s32 $_size__tile_overlayer_lowered;
	s6 =	simm.s32 $_tile_overlayer_lowered  }
0x9b: {  	s7 =	simm.s32 $0x1BFF;
	s21 =	sshll.u32 s6, $0x1;
	s4 =	sadd.s32 s4, s20  }
0x9c: {  	s22 =	simm.s32 $0x0;
	s5 =	sshll.u32 s5, $0x1;
	s6 =	sadd.s32 s21, s4  }
0x9d: {  	[timem:s22], [sflag:s7] =	dma.local [hbm:s6], s5  }
0x9e: {  	_ =	swait.ge [sflag:s7], s5  }
0x9f: {  	s5 =	ssub.s32 $0x0, s5;
	[sflag:s7] =	ssyncset.done $0x0  }
0xa0: {  	[sflag:s7] =	ssyncadd.s32 s5;
	_ =	sdelay $0x1  }
0xa1: {  	s23 =	simm.s32 $0x1B8B  }
0xa2: {  	_ =	swait.ge [sflag:s23], $0x1  }
0xa3: {  	[sflag:s23] =	ssyncset.done $0x0  }
0xa4: {  	[sflag:s23] =	ssyncadd.s32 $0xFFFFFFFF  }
0xa5: {  	s5 =	sld [smem:$0x0]  }
0xa6: {  	s6 =	sand.u32 $0xFFFFFFFE, s1  }
0xa7: {  	p0 =	sne.s32 s1, s6  }
0xa8: {  	s6 =	sshll.u32 @p0 s6, $0xE  }
0xa9: {  	s6 =	sadd.s32 @p0 $0x11B8D, s6;
	s7 =	sshll.u32 @p0 s5, $0x11  }
0xaa: {  	s6 =	sor.u32 @p0 s7, s6  }
0xab: {  	[sflag:s6] =	ssyncadd.remote.s32 @p0 $0x1;
	_ =	sdelay $0x1  }
0xac: {  	s6 =	simm.s32 @p0 $0x1B8D  }
0xad: {  	_ =	swait.eq @p0 [sflag:s6], $0x1  }
0xae: {  	[sflag:s6] =	ssyncadd.s32 @p0 $0xFFFFFFFF  }
0xaf: {  	s7 =	sshll.u32 @!p0 s1, $0xE  }
0xb0: {  	s7 =	sor.u32 @!p0 $0x4000, s7;
	s6 =	simm.s32 @!p0 $0x1B8D  }
0xb1: {  	s5 =	sshll.u32 @!p0 s5, $0x11;
	s7 =	sadd.s32 @!p0 $0x11B8D, s7;
	_ =	swait.eq @!p0 [sflag:s6], $0x1  }
0xb2: {  	s5 =	sor.u32 @!p0 s5, s7;
	[sflag:s6] =	ssyncadd.s32 @!p0 $0xFFFFFFFF  }
0xb3: {  	s25 =	simm.s32 $0x1B8E;
	s24 =	sld [smem:$0x3FFE];
	[sflag:s5] =	ssyncadd.remote.s32 @!p0 $0x1  }
0xb4: {  	s26 =	simm.s32 $execute0_lowered;
	[smem:$0x3FD2] =	sst s25  }
0xb5: {  	s6 =	sshll.u32 s26, $0x1;
	_ =	strace $0x80000049;
	[dreg:$0x1] =	wrdreg $0xFFFFFFFF  }
0xb6: {  	s28 =	simm.s32 $_size_execute0_lowered;
	s4 =	sadd.s32 s4, s6;
	[dreg:$0x0] =	wrdreg $0x0  }
0xb7: {  	s6 =	sshll.u32 s28, $0x1;
	[dreg:$0x2] =	wrdreg s4  }
0xb8: {  	[dreg:$0x3] =	wrdreg s6  }
0xb9: {  	[dreg:$0x4] =	wrdreg $0xC0  }
0xba: {  	_ =	task [dreg:s22], $0x5FFFF  }
0xbb: {  	[dreg:$0x1] =	wrdreg $0xFFFFFFFF  }
0xbc: {  	[dreg:$0x0] =	wrdreg $0x60  }
0xbd: {  	[dreg:$0x2] =	wrdreg s18  }
0xbe: {  	[dreg:$0x3] =	wrdreg s24  }
0xbf: {  	[dreg:$0x4] =	wrdreg $0x152000  }
0xc0: {  	[dreg:$0x5] =	wrdreg $0xA  }
0xc1: {  	_ =	task.clear_ibuf [dreg:s22], $0x6FFFF;
	_ =	strace $0x90000049  }
0xc2: {  	s29 =	simm.s32 $0xA;
	_ =	strace $0x8000004B  }
0xc3: {  	_ =	swait.ge [sflag:s29], $0x1  }
0xc4: {  	[sflag:s29] =	ssyncadd.s32 $0xFFFFFFFF  }
0xc5: {  	_ =	strace $0x9000004B  }
0xc6: {  	_ =	sfence  }
0xc7: {  	s30 =	sld [smem:$0x0];
	_ =	sdelay $0x2  }
0xc8: {  	s31 =	sshll.u32 s1, $0xD;
	s1 =	sshrl.u32 s1, $0x2  }
0xc9: {  	s4 =	sand.u32 $0x4000, s31;
	s1 =	sadd.s32 s1, s30  }
0xca: {  	s0 =	sor.u32 s4, s0;
	s1 =	sshll.u32 s1, $0x11  }
0xcb: {  	s0 =	sor.u32 s1, s0  }
0xcc: {  	s0 =	sadd.s32 $0x8F2B, s0  }
0xcd: {  	[sflag:s0] =	ssyncadd.remote.s32 $0x1  }
0xce: {  	_ =	sfence.sel $0xFFFF  }
0xcf: {  	[dreg:$0x0] =	wrdreg $0xFFFFFFFF;
	(pc) =	sbr.abs _section_cstart, $3  }
0xd0: {  	[dreg:$0x1] =	wrdreg $0xFFFFFFFF  }
0xd1: {  	_ =	task.clear_ibuf [dreg:s22], $0x2FFFF;
	_ =	strace $0x9FFFFFFF  }
0xd2: {  	(tm) =	ssettm $0x7FFFFFFF  }
0xd3: {  	_ =	shalt  }
tec
execute0_lowered:
.L_overlay_start_1:
0x0: {  	(tag) =	ssettag $0x1  }
0x1: {  	s2 =	rddreg [dreg:$0x0]  }
0x2: {  	s0 =	rddreg [dreg:$0x1]  }
0x3: {  	s3 =	rddreg [dreg:$0x2]  }
0x4: {  	s9 =	stileid.u32;
	s5 =	srdreg.scid;
	s4 =	simm.s32 $0x0  }
0x5: {  	s10 =	simm.s32 $0x72;
	s16 =	simm.s32 $0x3;
	s18 =	simm.s32 $0xB200  }
0x6: {  	s19 =	simm.s32 $0x80;
	s20 =	simm.s32 $0x7200;
	s21 =	simm.s32 $0x9200  }
0x7: {  	s22 =	simm.s32 $0x1;
	s23 =	simm.s32 $0x2;
	s1 =	smul.u32 $0x72, s9  }
0x8: {  	s24 =	simm.s32 $0x0;
	s29 =	simm.s32 $0x100;
	s6 =	smul.u32 $0x2E, s9  }
0x9: {  	s7 =	sand.u32 $0x1, s5;
	s25 =	smul.u32 $0x280, s9;
	[smem:$0x7FF] =	sst s4  }
0xa: {  	s5 =	sadd.s32 $0x18200, s0;
	s9 =	smul.u32 $0x28000, s9;
	p0 =	seq.s32 s7, $0x0  }
0xb: {  	s8 =	smul.u32 $0x5000, s7;
	_ =	strace $0x8000004A;
	s7 =	ssub.s32 $0x2, s7  }
0xc: {  	s6 =	sadd.s32 $0x720, s6;
	s28 =	sshrl.u32 s7, $0x1;
	s10 =	simm.s32 @!p0 $0x2E  }
0xd: {  	s30 =	sshrl.u32 s9, $0x2;
	s6 =	smov.u32 @p0 s1;
	s26 =	sadd.s32 s25, s8  }
0xe: {  	s15 =	ssub.s32 s7, s28;
	s11 =	sadd.s32 $0xFFFFFFFE, s10;
	s9 =	sadd.s32 s30, s3  }
0xf: {  	s12 =	sshll.u32 s10, $0x7;
	s1 =	sshll.u32 s6, $0x4;
	s8 =	sshll.u32 s26, $0x3  }
0x10: {  	s6 =	sadd.s32 $0x36200, s0;
	s31 =	sshll.u32 s11, $0x7;
	s10 =	sshrl.u32 s11, $0x1  }
0x11: {  	s12 =	sadd.s32 $0x3880, s12;
	s15 =	smax.u32 s15, $0x1;
	s1 =	sadd.s32 s1, s0  }
0x12: {  	s0 =	sadd.s32 s8, s0;
	s11 =	sadd.s32 $0x3900, s31;
	s7 =	sadd.s32 $0x2BC00, s1  }
0x13: {  	s8 =	sadd.s32 $0x3400, s1;
	s13 =	sadd.s32 $0x37600, s0;
	s14 =	sadd.s32 $0x4B600, s0  }
.LBB2_1:
0x14: {  	[tilespmem:s4], [sflag:$0x3] =	stream.linear.gather [hbm4b:s7+s4], $0x3900, $0x38;
	[tilespmem:$0x1F200] =	vst v63  }
0x15: {  	_ =	swait.ge [sflag:s16], $0x3900  }
0x16: {  	[sflag:s16] =	ssyncset.done $0x0  }
0x17: {  	s0 =	simm.s32 $0x3900;
	[sflag:s16] =	ssyncadd.s32 $0xFFFFC700  }
0x18: {  	[tilespmem:s0], [sflag:$0x3] =	stream.linear.gather [hbm4b:s8+s4], $0x3900, $0x38;
	[tilespmem:$0x1F200] =	vst v63  }
0x19: {  	_ =	swait.ge [sflag:s16], $0x3900  }
0x1a: {  	[sflag:s16] =	ssyncset.done $0x0  }
0x1b: {  	[sflag:s16] =	ssyncadd.s32 $0xFFFFC700  }
0x1c: {  	[tilespmem:s18], [sflag:$0x3] =	stream.linear.gather [hbm4b:s6+s4], $0xA000, $0x38;
	[tilespmem:$0x1F200] =	vst v63  }
0x1d: {  	_ =	swait.ge [sflag:s16], $0xA000  }
0x1e: {  	[sflag:s16] =	ssyncset.done $0x0  }
0x1f: {  	[sflag:s16] =	ssyncadd.s32 $0xFFFF6000  }
0x20: {  	[spmem:s9] =	stream.linear.scatter [tilespmem:s18], [sflag:$0x3], $0xA000, $0x38;
	[tilespmem:$0x1F200] =	vst v63  }
0x21: {  	_ =	swait.ge [sflag:s16], $0xA000  }
0x22: {  	[sflag:s16] =	ssyncset.done $0x0  }
0x23: {  	[sflag:s16] =	ssyncadd.s32 $0xFFFF6000  }
0x24: {  	[tilespmem:s20], [sflag:$0x1] =	stream.indirect.gather [hbm4b:s2+s19], $0x40, s4, s19, $0xb8;
	[tilespmem:$0x1F200] =	vst v63  }
0x25: {  	_ = 	snop  }
0x26: {  	[tilespmem:s21], [sflag:$0x2] =	stream.indirect.gather [hbm4b:s2+s19], $0x40, s19, s19, $0xb8;
	[tilespmem:$0x1F200] =	vst v63  }
0x27: {  	[bflag:$0x0] =	sbarrier.arrive $0xFFFF  }
0x28: {  	_ =	swait.ge [sflag:s22], $0x2000  }
0x29: {  	[sflag:s22] =	ssyncset.done $0x0  }
0x2a: {  	s26 =	simm.s32 $0x3900;
	[sflag:s22] =	ssyncadd.s32 $0xFFFFE000  }
0x2b: {  	[spmem:s3] =	stream.indirect.scatter.add.f32 [tilespmem:s20], [sflag:$0x3], $0x40, s26, s19, $0xb8;
	[tilespmem:$0x1F200] =	vst v63  }
0x2c: {  	_ =	swait.ge [sflag:s16], $0x2000  }
0x2d: {  	[sflag:s16] =	ssyncset.done $0x0  }
0x2e: {  	[sflag:s16] =	ssyncadd.s32 $0xFFFFE000  }
0x2f: {  	[tilespmem:s20], [sflag:$0x1] =	stream.indirect.gather [hbm4b:s2+s19], $0x40, s29, s19, $0xb8;
	[tilespmem:$0x1F200] =	vst v63  }
0x30: {  	_ =	swait.ge [sflag:s23], $0x2000  }
0x31: {  	p0 =	sne.s32 s10, $0x1;
	[sflag:s23] =	ssyncset.done $0x0  }
.Ltmp0:
0x32: {  	s28 =	simm.s32 $0x3980;
	[sflag:s23] =	ssyncadd.s32 $0xFFFFE000;
	(pc) =	sbr.rel @!p0 .LBB2_3-.Ltmp0, $4  }
0x33: {  	[spmem:s3] =	stream.indirect.scatter.add.f32 [tilespmem:s21], [sflag:$0x3], $0x40, s28, s19, $0xb8;
	[tilespmem:$0x1F200] =	vst v63  }
0x34: {  	s25 =	simm.s32 $0x180;
	_ =	swait.ge [sflag:s16], $0x2000  }
0x35: {  	s30 =	sadd.s32 $0xFFFFFFFF, s10;
	s31 =	simm.s32 $0x280;
	[sflag:s16] =	ssyncset.done $0x0  }
0x36: {  	s1 =	simm.s32 $0x180;
	s0 =	simm.s32 $0x3A80;
	[sflag:s16] =	ssyncadd.s32 $0xFFFFE000  }
.LBB2_2:
0x37: {  	[tilespmem:s21], [sflag:$0x2] =	stream.indirect.gather [hbm4b:s2+s19], $0x40, s1, s19, $0xb8;
	[tilespmem:$0x1F200] =	vst v63  }
0x38: {  	p1 =	sne.s32 s30, $0x1;
	s30 =	sadd.s32 $0xFFFFFFFF, s30;
	_ =	swait.ge [sflag:s22], $0x2000  }
0x39: {  	s1 =	smov.u32 s31;
	[sflag:s22] =	ssyncset.done $0x0  }
0x3a: {  	s17 =	sadd.s32 $0xFFFFFF80, s0;
	[sflag:s22] =	ssyncadd.s32 $0xFFFFE000  }
0x3b: {  	[spmem:s3] =	stream.indirect.scatter.add.f32 [tilespmem:s20], [sflag:$0x3], $0x40, s17, s19, $0xb8;
	[tilespmem:$0x1F200] =	vst v63  }
0x3c: {  	_ =	swait.ge [sflag:s16], $0x2000  }
0x3d: {  	[sflag:s16] =	ssyncset.done $0x0  }
0x3e: {  	s17 =	sadd.s32 $0xFFFFFF80, s31;
	[sflag:s16] =	ssyncadd.s32 $0xFFFFE000  }
0x3f: {  	[tilespmem:s20], [sflag:$0x1] =	stream.indirect.gather [hbm4b:s2+s19], $0x40, s17, s19, $0xb8;
	[tilespmem:$0x1F200] =	vst v63  }
0x40: {  	_ =	swait.ge [sflag:s23], $0x2000  }
0x41: {  	[sflag:s23] =	ssyncset.done $0x0  }
.Ltmp1:
0x42: {  	[sflag:s23] =	ssyncadd.s32 $0xFFFFE000;
	(pc) =	sbr.rel @p1 .LBB2_2-.Ltmp1, $4  }
0x43: {  	[spmem:s3] =	stream.indirect.scatter.add.f32 [tilespmem:s21], [sflag:$0x3], $0x40, s0, s19, $0xb8;
	[tilespmem:$0x1F200] =	vst v63  }
0x44: {  	_ =	swait.ge [sflag:s16], $0x2000  }
0x45: {  	[sflag:s16] =	ssyncset.done $0x0  }
0x46: {  	s31 =	sadd.s32 $0x100, s31;
	s0 =	sadd.s32 $0x100, s0;
	[sflag:s16] =	ssyncadd.s32 $0xFFFFE000  }
.LBB2_3:
0x47: {  	[tilespmem:s21], [sflag:$0x2] =	stream.indirect.gather [hbm4b:s2+s19], $0x40, s1, s19, $0xb8;
	[tilespmem:$0x1F200] =	vst v63  }
0x48: {  	_ =	swait.ge [sflag:s22], $0x2000  }
0x49: {  	[sflag:s22] =	ssyncset.done $0x0  }
0x4a: {  	[sflag:s22] =	ssyncadd.s32 $0xFFFFE000  }
0x4b: {  	[spmem:s3] =	stream.indirect.scatter.add.f32 [tilespmem:s20], [sflag:$0x3], $0x40, s11, s19, $0xb8;
	[tilespmem:$0x1F200] =	vst v63  }
0x4c: {  	_ =	swait.ge [sflag:s16], $0x2000  }
0x4d: {  	[sflag:s16] =	ssyncset.done $0x0  }
0x4e: {  	[sflag:s16] =	ssyncadd.s32 $0xFFFFE000  }
0x4f: {  	_ =	swait.ge [sflag:s23], $0x2000  }
0x50: {  	[sflag:s23] =	ssyncset.done $0x0  }
0x51: {  	[sflag:s23] =	ssyncadd.s32 $0xFFFFE000  }
0x52: {  	[spmem:s3] =	stream.indirect.scatter.add.f32 [tilespmem:s21], [sflag:$0x3], $0x40, s12, s19, $0xb8;
	[tilespmem:$0x1F200] =	vst v63  }
0x53: {  	_ =	swait.ge [sflag:s16], $0x2000  }
0x54: {  	[sflag:s16] =	ssyncset.done $0x0  }
0x55: {  	[sflag:s16] =	ssyncadd.s32 $0xFFFFE000  }
0x56: {  	[bflag:$0x0] =	sbarrier.arrive $0xFFFF  }
0x57: {  	[tilespmem:s18], [sflag:$0x3] =	stream.linear.gather [spmem:s9], $0xA000, $0x38;
	[tilespmem:$0x1F200] =	vst v63  }
0x58: {  	_ =	swait.ge [sflag:s16], $0xA000  }
0x59: {  	[sflag:s16] =	ssyncset.done $0x0  }
0x5a: {  	[sflag:s16] =	ssyncadd.s32 $0xFFFF6000  }
0x5b: {  	[hbm4b:s13+s4] =	stream.linear.scatter [tilespmem:s18], [sflag:$0x3], $0xA000, $0x38;
	[tilespmem:$0x1F200] =	vst v63  }
0x5c: {  	_ =	swait.ge [sflag:s16], $0xA000  }
0x5d: {  	[sflag:s16] =	ssyncset.done $0x0  }
0x5e: {  	[sflag:s16] =	ssyncadd.s32 $0xFFFF6000  }
0x5f: {  	[tilespmem:s18], [sflag:$0x3] =	stream.linear.gather [hbm4b:s6+s4], $0xA000, $0x38;
	[tilespmem:$0x1F200] =	vst v63  }
0x60: {  	_ =	swait.ge [sflag:s16], $0xA000  }
0x61: {  	[sflag:s16] =	ssyncset.done $0x0  }
0x62: {  	[sflag:s16] =	ssyncadd.s32 $0xFFFF6000  }
0x63: {  	[spmem:s9] =	stream.linear.scatter [tilespmem:s18], [sflag:$0x3], $0xA000, $0x38;
	[tilespmem:$0x1F200] =	vst v63  }
0x64: {  	_ =	swait.ge [sflag:s16], $0xA000  }
0x65: {  	[sflag:s16] =	ssyncset.done $0x0  }
0x66: {  	[sflag:s16] =	ssyncadd.s32 $0xFFFF6000  }
0x67: {  	[tilespmem:s20], [sflag:$0x1] =	stream.indirect.gather [hbm4b:s5+s19], $0x40, s4, s19, $0xb8;
	[tilespmem:$0x1F200] =	vst v63  }
0x68: {  	_ = 	snop  }
0x69: {  	[tilespmem:s21], [sflag:$0x2] =	stream.indirect.gather [hbm4b:s5+s19], $0x40, s19, s19, $0xb8;
	[tilespmem:$0x1F200] =	vst v63  }
0x6a: {  	[bflag:$0x0] =	sbarrier.arrive $0xFFFF  }
0x6b: {  	_ =	swait.ge [sflag:s22], $0x2000  }
0x6c: {  	[sflag:s22] =	ssyncset.done $0x0  }
0x6d: {  	[sflag:s22] =	ssyncadd.s32 $0xFFFFE000  }
0x6e: {  	[spmem:s3] =	stream.indirect.scatter.add.f32 [tilespmem:s20], [sflag:$0x3], $0x40, s26, s19, $0xb8;
	[tilespmem:$0x1F200] =	vst v63  }
0x6f: {  	_ =	swait.ge [sflag:s16], $0x2000  }
0x70: {  	[sflag:s16] =	ssyncset.done $0x0  }
0x71: {  	[sflag:s16] =	ssyncadd.s32 $0xFFFFE000  }
0x72: {  	[tilespmem:s20], [sflag:$0x1] =	stream.indirect.gather [hbm4b:s5+s19], $0x40, s29, s19, $0xb8;
	[tilespmem:$0x1F200] =	vst v63  }
0x73: {  	_ =	swait.ge [sflag:s23], $0x2000  }
0x74: {  	[sflag:s23] =	ssyncset.done $0x0  }
.Ltmp2:
0x75: {  	[sflag:s23] =	ssyncadd.s32 $0xFFFFE000;
	(pc) =	sbr.rel @!p0 .LBB2_5-.Ltmp2, $4  }
0x76: {  	[spmem:s3] =	stream.indirect.scatter.add.f32 [tilespmem:s21], [sflag:$0x3], $0x40, s28, s19, $0xb8;
	[tilespmem:$0x1F200] =	vst v63  }
0x77: {  	_ =	swait.ge [sflag:s16], $0x2000  }
0x78: {  	s0 =	simm.s32 $0x280;
	[sflag:s16] =	ssyncset.done $0x0  }
0x79: {  	s26 =	sadd.s32 $0xFFFFFFFF, s10;
	s28 =	simm.s32 $0x3A80;
	[sflag:s16] =	ssyncadd.s32 $0xFFFFE000  }
.LBB2_4:
0x7a: {  	[tilespmem:s21], [sflag:$0x2] =	stream.indirect.gather [hbm4b:s5+s19], $0x40, s25, s19, $0xb8;
	[tilespmem:$0x1F200] =	vst v63  }
0x7b: {  	p0 =	sne.s32 s26, $0x1;
	s26 =	sadd.s32 $0xFFFFFFFF, s26;
	_ =	swait.ge [sflag:s22], $0x2000  }
0x7c: {  	s25 =	smov.u32 s0;
	[sflag:s22] =	ssyncset.done $0x0  }
0x7d: {  	s1 =	sadd.s32 $0xFFFFFF80, s28;
	[sflag:s22] =	ssyncadd.s32 $0xFFFFE000  }
0x7e: {  	[spmem:s3] =	stream.indirect.scatter.add.f32 [tilespmem:s20], [sflag:$0x3], $0x40, s1, s19, $0xb8;
	[tilespmem:$0x1F200] =	vst v63  }
0x7f: {  	_ =	swait.ge [sflag:s16], $0x2000  }
0x80: {  	[sflag:s16] =	ssyncset.done $0x0  }
0x81: {  	s1 =	sadd.s32 $0xFFFFFF80, s0;
	[sflag:s16] =	ssyncadd.s32 $0xFFFFE000  }
0x82: {  	[tilespmem:s20], [sflag:$0x1] =	stream.indirect.gather [hbm4b:s5+s19], $0x40, s1, s19, $0xb8;
	[tilespmem:$0x1F200] =	vst v63  }
0x83: {  	_ =	swait.ge [sflag:s23], $0x2000  }
0x84: {  	[sflag:s23] =	ssyncset.done $0x0  }
.Ltmp3:
0x85: {  	[sflag:s23] =	ssyncadd.s32 $0xFFFFE000;
	(pc) =	sbr.rel @p0 .LBB2_4-.Ltmp3, $4  }
0x86: {  	[spmem:s3] =	stream.indirect.scatter.add.f32 [tilespmem:s21], [sflag:$0x3], $0x40, s28, s19, $0xb8;
	[tilespmem:$0x1F200] =	vst v63  }
0x87: {  	_ =	swait.ge [sflag:s16], $0x2000  }
0x88: {  	[sflag:s16] =	ssyncset.done $0x0  }
0x89: {  	s0 =	sadd.s32 $0x100, s0;
	s28 =	sadd.s32 $0x100, s28;
	[sflag:s16] =	ssyncadd.s32 $0xFFFFE000  }
.LBB2_5:
0x8a: {  	[tilespmem:s21], [sflag:$0x2] =	stream.indirect.gather [hbm4b:s5+s19], $0x40, s25, s19, $0xb8;
	[tilespmem:$0x1F200] =	vst v63  }
0x8b: {  	_ =	swait.ge [sflag:s22], $0x2000  }
0x8c: {  	[sflag:s22] =	ssyncset.done $0x0  }
0x8d: {  	[sflag:s22] =	ssyncadd.s32 $0xFFFFE000  }
0x8e: {  	[spmem:s3] =	stream.indirect.scatter.add.f32 [tilespmem:s20], [sflag:$0x3], $0x40, s11, s19, $0xb8;
	[tilespmem:$0x1F200] =	vst v63  }
0x8f: {  	_ =	swait.ge [sflag:s16], $0x2000  }
0x90: {  	[sflag:s16] =	ssyncset.done $0x0  }
0x91: {  	[sflag:s16] =	ssyncadd.s32 $0xFFFFE000  }
0x92: {  	_ =	swait.ge [sflag:s23], $0x2000  }
0x93: {  	[sflag:s23] =	ssyncset.done $0x0  }
0x94: {  	[sflag:s23] =	ssyncadd.s32 $0xFFFFE000  }
0x95: {  	[spmem:s3] =	stream.indirect.scatter.add.f32 [tilespmem:s21], [sflag:$0x3], $0x40, s12, s19, $0xb8;
	[tilespmem:$0x1F200] =	vst v63  }
0x96: {  	_ =	swait.ge [sflag:s16], $0x2000  }
0x97: {  	[sflag:s16] =	ssyncset.done $0x0  }
0x98: {  	[sflag:s16] =	ssyncadd.s32 $0xFFFFE000  }
0x99: {  	[bflag:$0x0] =	sbarrier.arrive $0xFFFF  }
0x9a: {  	[tilespmem:s18], [sflag:$0x3] =	stream.linear.gather [spmem:s9], $0xA000, $0x38;
	[tilespmem:$0x1F200] =	vst v63  }
0x9b: {  	s24 =	sadd.s32 $0x1, s24;
	_ =	swait.ge [sflag:s16], $0xA000  }
0x9c: {  	p0 =	sne.s32 s24, s15;
	[sflag:s16] =	ssyncset.done $0x0  }
.Ltmp4:
0x9d: {  	[sflag:s16] =	ssyncadd.s32 $0xFFFF6000;
	(pc) =	sbr.rel @p0 .LBB2_1-.Ltmp4, $4  }
0x9e: {  	[hbm4b:s14+s4] =	stream.linear.scatter [tilespmem:s18], [sflag:$0x3], $0xA000, $0x38;
	[tilespmem:$0x1F200] =	vst v63  }
0x9f: {  	_ =	swait.ge [sflag:s16], $0xA000  }
0xa0: {  	[sflag:s16] =	ssyncset.done $0x0  }
0xa1: {  	[sflag:s16] =	ssyncadd.s32 $0xFFFF6000  }
0xa2: {  	_ =	sfence.sel $0x180000  }
0xa3: {  	[bflag:$0x0] =	sbarrier.arrive $0xFFFF  }
0xa4: {  	_ =	strace $0x9000004A  }
0xa5: {  	s0 =	stileid.u32;
	[bflag:$0x2] =	sbarrier.arrive $0xFFFF  }
0xa6: {  	p0 =	sne.s32 s0, $0x0;
	s0 =	rddreg [dreg:$0x3]  }
0xa7: {  	s0 =	sadd.s32 @!p0 $0x100000, s0  }
0xa8: {  	[sflag:s0] =	ssyncadd.tile.s32 @!p0 $0x1;
	_ =	shalt  }
.Lfunc_end2:
_tile_overlayer_lowered:
.L_overlay_start_2:
0xa9: {  	(tag) =	ssettag $0x2  }
0xaa: {  	s0 =	rddreg [dreg:$0x0];
	s2 =	stileid.u32  }
0xab: {  	s1 =	rddreg [dreg:$0x1];
	p0 =	sne.s32 s2, $0x0  }
0xac: {  	s3 =	rddreg [dreg:$0x2];
	[bflag:$0x3] =	sbarrier.arrive $0xFFFF;
	s2 =	simm.s32 @!p0 $0x1C03  }
0xad: {  	[timem:s3], [sflag:s2] =	dma.local @!p0 [hbm:s0], s1  }
0xae: {  	s0 =	simm.s32 @!p0 $0x3  }
0xaf: {  	_ =	swait.ge @!p0 [sflag:s0], s1  }
0xb0: {  	s1 =	ssub.s32 @!p0 $0x0, s1;
	[sflag:s0] =	ssyncset.done @!p0 $0x0  }
0xb1: {  	[sflag:s0] =	ssyncadd.s32 @!p0 s1  }
0xb2: {  	[bflag:$0x3] =	sbarrier.arrive $0xFFFF  }
0xb3: {  	_ =	shalt  }

// kernel: sc_sage_aggregate.8.cloned.1.call-start
scs
__scs_entry_jumppad:
0x0: {  	(pc) =	sbr.rel $0x88, $3  }
0x1: {  	(tag) =	ssettag $0x0;
	lr =	simm.s32 $0x1  }
0x2: {  	[smem:$0x3F96] =	sst lr;
	_ =	strace $0xD0000000  }
0x3: {  	_ = 	snop  }
0x4: {  	_ = 	snop  }
0x5: {  	_ = 	snop  }
0x6: {  	_ = 	snop  }
0x7: {  	_ = 	snop  }
__scs_overlays_trampoline_lowered:
0x8: {  	[smem:$0x3FA5] =	sst s0  }
0x9: {  	[smem:$0x3FA6] =	sst s1  }
0xa: {  	[smem:$0x3FA7] =	sst s2  }
0xb: {  	[smem:$0x3FA8] =	sst s3  }
0xc: {  	[smem:$0x3FA9] =	sst s4  }
0xd: {  	[smem:$0x3FAA] =	sst s5  }
0xe: {  	[smem:$0x3FAB] =	sst s6  }
0xf: {  	[smem:$0x3FAC] =	sst s7  }
0x10: {  	[smem:$0x3FAD] =	sst s8  }
0x11: {  	[smem:$0x3FAE] =	sst s9;
	s0 =	simm.s32 @!p0 $0x0  }
0x12: {  	s1 =	sld [smem:$0x3F94];
	s0 =	simm.s32 @p0 $0x1  }
0x13: {  	[smem:$0x3FAF] =	sst s0;
	s0 =	simm.s32 @!p1 $0x0  }
0x14: {  	s2 =	sld [smem:$0x3F93];
	s0 =	simm.s32 @p1 $0x1  }
0x15: {  	[smem:$0x3FB0] =	sst s0;
	s0 =	simm.s32 @!p2 $0x0  }
0x16: {  	s3 =	sld [smem:$0x3FDB];
	s0 =	simm.s32 @p2 $0x1  }
0x17: {  	s4 =	simm.s32 $0x1BF5;
	[smem:$0x3FB2] =	sst s0  }
0x18: {  	s0 =	sld [smem:$0x3F95];
	_ =	swait.ge [sflag:s4], $0x0  }
0x19: {  	s7 =	sld [smem:$0x3F96]  }
0x1a: {  	s8 =	sadd.s32 $0xFFFFE003, lr  }
0x1b: {  	s9 =	sadd.s32 $0xFFFFFEF7, lr;
	s5 =	simm.s32 $0xFFFFFFFF;
	p2 =	slt.u32 s8, $0xFFFFF086  }
0x1c: {  	p1 =	slt.u32 s9, $0xF7A;
	s5 =	simm.s32 @!p2 $0x0  }
0x1d: {  	s5 =	simm.s32 @p1 $0x1;
	p0 =	seq.s32 s7, s2  }
0x1e: {  	s7 =	smul.u32 @!p0 $0xF7A, s2;
	p2 =	seq.s32 @!p0 s5, $0x0  }
0x1f: {  	s9 =	smul.u32 $0xF7A, s1;
	s8 =	simm.s32 @!p0 $0x1BF5;
	p2 =	por !p2, p0  }
0x20: {  	[sflag:s8] =	ssyncset.s32 @!p0 $0xFFFFF086;
	s6 =	sadd.s32 @!p0 s3, s7;
	s7 =	simm.s32 @!p0 $0x108  }
0x21: {  	s3 =	sadd.s32 s3, s9;
	s6 =	sadd.s32 @!p0 $0x88, s6;
	s7 =	simm.s32 @p2 $0x1082  }
0x22: {  	[simem:s7], [sflag:s8] =	dma.local @!p0 [hbm:s6], $0xF7A  }
0x23: {  	s9 =	sor.u32 $0xD0000000, s2;
	s6 =	simm.s32 $0x108;
	_ =	swait.ge @!p0 [sflag:s8], $0x0  }
0x24: {  	s3 =	sadd.s32 $0x88, s3;
	s6 =	simm.s32 @!p1 $0x1082;
	[sflag:s4] =	ssyncset.s32 $0xFFFFF086  }
0x25: {  	[simem:s6], [sflag:s4] =	dma.local [hbm:s3], $0xF7A  }
0x26: {  	[smem:$0x3F96] =	sst s1;
	(tag) =	ssettag s2;
	_ =	strace s9  }
0x27: {  	s1 =	sld [smem:$0x3FA6]  }
0x28: {  	s2 =	sld [smem:$0x3FA7]  }
0x29: {  	s4 =	sld [smem:$0x3FA9]  }
0x2a: {  	p0 =	seq.s32 s5, $0x0;
	s5 =	sld [smem:$0x3FAA]  }
0x2b: {  	s6 =	sld [smem:$0x3FAB]  }
0x2c: {  	s7 =	sld [smem:$0x3FAC]  }
0x2d: {  	s3 =	simm.s32 $0x108;
	s8 =	sld [smem:$0x3FAD]  }
0x2e: {  	s3 =	simm.s32 @!p0 $0x1082;
	s9 =	sld [smem:$0x3FAE]  }
0x2f: {  	lr =	sadd.s32 s0, s3;
	s0 =	sld [smem:$0x3FA5]  }
0x30: {  	s3 =	sld [smem:$0x3FA8]  }
0x31: {  	[smem:$0x3FB1] =	sst s10  }
0x32: {  	s10 =	sld [smem:$0x3FAF];
	_ =	sdelay $0x3  }
0x33: {  	p0 =	seq.s32 s10, $0x1;
	s10 =	sld [smem:$0x3FB1];
	_ =	sdelay $0x3  }
0x34: {  	[smem:$0x3FB1] =	sst s10  }
0x35: {  	s10 =	sld [smem:$0x3FB0];
	_ =	sdelay $0x3  }
0x36: {  	p1 =	seq.s32 s10, $0x1;
	s10 =	sld [smem:$0x3FB1];
	_ =	sdelay $0x3  }
0x37: {  	[smem:$0x3FB1] =	sst s10  }
0x38: {  	s10 =	sld [smem:$0x3FB2]  }
0x39: {  	_ = 	snop;
	(pc) =	sbr.ind lr, $3  }
0x3a: {  	_ = 	snop  }
0x3b: {  	_ = 	snop  }
0x3c: {  	p2 =	seq.s32 s10, $0x1;
	s10 =	sld [smem:$0x3FB1]  }
0x3d: {  	_ =	shalt  }
0x3e: {  	_ =	shalt  }
0x3f: {  	_ =	shalt  }
0x40: {  	_ =	shalt  }
0x41: {  	_ =	shalt  }
0x42: {  	_ =	shalt  }
0x43: {  	_ =	shalt  }
0x44: {  	_ =	shalt  }
0x45: {  	_ =	shalt  }
0x46: {  	_ =	shalt  }
0x47: {  	_ =	shalt  }
0x48: {  	_ =	shalt  }
0x49: {  	_ =	shalt  }
0x4a: {  	_ =	shalt  }
0x4b: {  	_ =	shalt  }
0x4c: {  	_ =	shalt  }
0x4d: {  	_ =	shalt  }
0x4e: {  	_ =	shalt  }
0x4f: {  	_ =	shalt  }
0x50: {  	_ =	shalt  }
0x51: {  	_ =	shalt  }
0x52: {  	_ =	shalt  }
0x53: {  	_ =	shalt  }
0x54: {  	_ =	shalt  }
0x55: {  	_ =	shalt  }
0x56: {  	_ =	shalt  }
0x57: {  	_ =	shalt  }
0x58: {  	_ =	shalt  }
0x59: {  	_ =	shalt  }
0x5a: {  	_ =	shalt  }
0x5b: {  	_ =	shalt  }
0x5c: {  	_ =	shalt  }
0x5d: {  	_ =	shalt  }
0x5e: {  	_ =	shalt  }
0x5f: {  	_ =	shalt  }
0x60: {  	_ =	shalt  }
0x61: {  	_ =	shalt  }
0x62: {  	_ =	shalt  }
0x63: {  	_ =	shalt  }
0x64: {  	_ =	shalt  }
0x65: {  	_ =	shalt  }
0x66: {  	_ =	shalt  }
0x67: {  	_ =	shalt  }
0x68: {  	_ =	shalt  }
0x69: {  	_ =	shalt  }
0x6a: {  	_ =	shalt  }
0x6b: {  	_ =	shalt  }
0x6c: {  	_ =	shalt  }
0x6d: {  	_ =	shalt  }
0x6e: {  	_ =	shalt  }
0x6f: {  	_ =	shalt  }
0x70: {  	_ =	shalt  }
0x71: {  	_ =	shalt  }
0x72: {  	_ =	shalt  }
0x73: {  	_ =	shalt  }
0x74: {  	_ =	shalt  }
0x75: {  	_ =	shalt  }
0x76: {  	_ =	shalt  }
0x77: {  	_ =	shalt  }
0x78: {  	_ =	shalt  }
0x79: {  	_ =	shalt  }
0x7a: {  	_ =	shalt  }
0x7b: {  	_ =	shalt  }
0x7c: {  	_ =	shalt  }
0x7d: {  	_ =	shalt  }
0x7e: {  	_ =	shalt  }
0x7f: {  	_ =	shalt  }
0x80: {  	_ =	shalt  }
0x81: {  	_ =	shalt  }
0x82: {  	_ =	shalt  }
0x83: {  	_ =	shalt  }
0x84: {  	_ =	shalt  }
0x85: {  	_ =	shalt  }
0x86: {  	_ =	shalt  }
0x87: {  	_ =	shalt  }
.Lfunc_end0:
.L_simem_size_0:
called_computation.2_lowered:
.L_overlay_start_0:
0x88: {  	s2 =	sld [smem:$0x3FD9]  }
0x89: {  	s3 =	sld [smem:$0x3FFE];
	_ =	sdelay $0x1  }
0x8a: {  	s1 =	srdreg.scid  }
0x8b: {  	s0 =	sand.u32 $0x1, s1  }
0x8c: {  	s17 =	sshll.u32 s0, $0xA;
	s2 =	sadd.s32 s3, s2  }
0x8d: {  	s2 =	sadd.s32 s2, s17  }
0x8e: {  	[smem:$0x3FBD] =	sst s2  }
0x8f: {  	_ = 	snop  }
0x90: {  	s2 =	sld [smem:$0x3FD0];
	(tm) =	ssettm $0x1  }
0x91: {  	s18 =	sld [smem:$0x3FFB];
	_ =	sdelay $0x3  }
0x92: {  	_ =	strace s18  }
0x93: {  	s3 =	sld [smem:$0x3FFC];
	_ =	sdelay $0x3  }
0x94: {  	_ =	strace s3  }
0x95: {  	s3 =	sld [smem:$0x3FFD];
	_ =	sdelay $0x3  }
0x96: {  	_ =	strace s3  }
0x97: {  	_ =	strace $0x8FFFFFFF  }
0x98: {  	s19 =	sld [smem:$0x3FDB];
	_ =	sdelay $0x1  }
0x99: {  	s4 =	simm.s32 $_scs_section_size  }
0x9a: {  	s5 =	simm.s32 $_size__tile_overlayer_lowered;
	s6 =	simm.s32 $_tile_overlayer_lowered  }
0x9b: {  	s22 =	simm.s32 $0x1BFF;
	s21 =	sshll.u32 s6, $0x1;
	s3 =	sadd.s32 s4, s19  }
0x9c: {  	s7 =	simm.s32 $0x0;
	s20 =	sshll.u32 s5, $0x1;
	s5 =	sadd.s32 s21, s3  }
0x9d: {  	[timem:s7], [sflag:s22] =	dma.local [hbm:s5], s20  }
0x9e: {  	_ =	swait.ge [sflag:s22], s20  }
0x9f: {  	s4 =	ssub.s32 $0x0, s20;
	[sflag:s22] =	ssyncset.done $0x0  }
0xa0: {  	[sflag:s22] =	ssyncadd.s32 s4;
	_ =	sdelay $0x1  }
0xa1: {  	s23 =	simm.s32 $0x1B8B  }
0xa2: {  	_ =	swait.ge [sflag:s23], $0x1  }
0xa3: {  	[sflag:s23] =	ssyncset.done $0x0  }
0xa4: {  	s25 =	simm.s32 $0x1B8E;
	s24 =	sld [smem:$0x3FFE];
	[sflag:s23] =	ssyncadd.s32 $0xFFFFFFFF  }
0xa5: {  	s26 =	simm.s32 $execute0_lowered;
	[smem:$0x3FD2] =	sst s25  }
0xa6: {  	s5 =	sshll.u32 s26, $0x1;
	_ =	strace $0x8000004C;
	[dreg:$0x1] =	wrdreg $0xFFFFFFFF  }
0xa7: {  	s28 =	simm.s32 $_size_execute0_lowered;
	s3 =	sadd.s32 s3, s5;
	[dreg:$0x0] =	wrdreg $0x0  }
0xa8: {  	s5 =	sshll.u32 s28, $0x1;
	[dreg:$0x2] =	wrdreg s3  }
0xa9: {  	[dreg:$0x3] =	wrdreg s5  }
0xaa: {  	[dreg:$0x4] =	wrdreg $0xC0  }
0xab: {  	_ =	task [dreg:s7], $0x5FFFF  }
0xac: {  	[dreg:$0x1] =	wrdreg $0xFFFFFFFF  }
0xad: {  	[dreg:$0x0] =	wrdreg $0x60  }
0xae: {  	[dreg:$0x2] =	wrdreg s2  }
0xaf: {  	[dreg:$0x3] =	wrdreg s24  }
0xb0: {  	[dreg:$0x4] =	wrdreg $0x152000  }
0xb1: {  	[dreg:$0x5] =	wrdreg $0x9  }
0xb2: {  	_ =	task.clear_ibuf [dreg:s7], $0x6FFFF;
	_ =	strace $0x9000004C  }
0xb3: {  	s29 =	simm.s32 $0x9;
	_ =	strace $0x8000004E  }
0xb4: {  	_ =	swait.ge [sflag:s29], $0x1  }
0xb5: {  	[sflag:s29] =	ssyncadd.s32 $0xFFFFFFFF  }
0xb6: {  	_ =	strace $0x9000004E  }
0xb7: {  	_ =	sfence  }
0xb8: {  	s30 =	sld [smem:$0x0];
	_ =	sdelay $0x2  }
0xb9: {  	s31 =	sshll.u32 s1, $0xD;
	s1 =	sshrl.u32 s1, $0x2  }
0xba: {  	s3 =	sand.u32 $0x4000, s31;
	s1 =	sadd.s32 s1, s30  }
0xbb: {  	s0 =	sor.u32 s3, s0;
	s1 =	sshll.u32 s1, $0x11  }
0xbc: {  	s0 =	sor.u32 s1, s0  }
0xbd: {  	s0 =	sadd.s32 $0x8F2B, s0  }
0xbe: {  	[sflag:s0] =	ssyncadd.remote.s32 $0x1  }
0xbf: {  	_ =	sfence.sel $0xFFFF  }
0xc0: {  	[dreg:$0x0] =	wrdreg $0xFFFFFFFF;
	(pc) =	sbr.abs _section_cstart, $3  }
0xc1: {  	[dreg:$0x1] =	wrdreg $0xFFFFFFFF  }
0xc2: {  	_ =	task.clear_ibuf [dreg:s7], $0x2FFFF;
	_ =	strace $0x9FFFFFFF  }
0xc3: {  	(tm) =	ssettm $0x7FFFFFFF  }
tec
execute0_lowered:
.L_overlay_start_1:
0x0: {  	(tag) =	ssettag $0x1  }
0x1: {  	s2 =	rddreg [dreg:$0x0]  }
0x2: {  	s0 =	rddreg [dreg:$0x1]  }
0x3: {  	s3 =	rddreg [dreg:$0x2]  }
0x4: {  	s9 =	stileid.u32;
	s5 =	srdreg.scid;
	s4 =	simm.s32 $0x0  }
0x5: {  	s10 =	simm.s32 $0x72;
	s16 =	simm.s32 $0x3;
	s18 =	simm.s32 $0xB200  }
0x6: {  	s19 =	simm.s32 $0x80;
	s20 =	simm.s32 $0x7200;
	s21 =	simm.s32 $0x9200  }
0x7: {  	s22 =	simm.s32 $0x1;
	s23 =	simm.s32 $0x2;
	s1 =	smul.u32 $0x72, s9  }
0x8: {  	s24 =	simm.s32 $0x0;
	s29 =	simm.s32 $0x100;
	s6 =	smul.u32 $0x2E, s9  }
0x9: {  	s7 =	sand.u32 $0x1, s5;
	s25 =	smul.u32 $0x280, s9;
	[smem:$0x7FF] =	sst s4  }
0xa: {  	s5 =	sadd.s32 $0xDA00, s0;
	s9 =	smul.u32 $0x28000, s9;
	p0 =	seq.s32 s7, $0x0  }
0xb: {  	s8 =	smul.u32 $0x5000, s7;
	_ =	strace $0x8000004D;
	s7 =	ssub.s32 $0x2, s7  }
0xc: {  	s6 =	sadd.s32 $0x720, s6;
	s28 =	sshrl.u32 s7, $0x1;
	s10 =	simm.s32 @!p0 $0x2E  }
0xd: {  	s30 =	sshrl.u32 s9, $0x2;
	s6 =	smov.u32 @p0 s1;
	s26 =	sadd.s32 s25, s8  }
0xe: {  	s15 =	ssub.s32 s7, s28;
	s11 =	sadd.s32 $0xFFFFFFFE, s10;
	s9 =	sadd.s32 s30, s3  }
0xf: {  	s12 =	sshll.u32 s10, $0x7;
	s1 =	sshll.u32 s6, $0x4;
	s8 =	sshll.u32 s26, $0x3  }
0x10: {  	s6 =	sadd.s32 $0x36200, s0;
	s31 =	sshll.u32 s11, $0x7;
	s10 =	sshrl.u32 s11, $0x1  }
0x11: {  	s12 =	sadd.s32 $0x3880, s12;
	s15 =	smax.u32 s15, $0x1;
	s1 =	sadd.s32 s1, s0  }
0x12: {  	s0 =	sadd.s32 s8, s0;
	s11 =	sadd.s32 $0x3900, s31;
	s7 =	sadd.s32 $0x2BC00, s1  }
0x13: {  	s8 =	sadd.s32 $0x3400, s1;
	s13 =	sadd.s32 $0x37600, s0;
	s14 =	sadd.s32 $0x4B600, s0  }
.LBB2_1:
0x14: {  	[tilespmem:s4], [sflag:$0x3] =	stream.linear.gather [hbm4b:s7+s4], $0x3900, $0x38;
	[tilespmem:$0x1F200] =	vst v63  }
0x15: {  	_ =	swait.ge [sflag:s16], $0x3900  }
0x16: {  	[sflag:s16] =	ssyncset.done $0x0  }
0x17: {  	s0 =	simm.s32 $0x3900;
	[sflag:s16] =	ssyncadd.s32 $0xFFFFC700  }
0x18: {  	[tilespmem:s0], [sflag:$0x3] =	stream.linear.gather [hbm4b:s8+s4], $0x3900, $0x38;
	[tilespmem:$0x1F200] =	vst v63  }
0x19: {  	_ =	swait.ge [sflag:s16], $0x3900  }
0x1a: {  	[sflag:s16] =	ssyncset.done $0x0  }
0x1b: {  	[sflag:s16] =	ssyncadd.s32 $0xFFFFC700  }
0x1c: {  	[tilespmem:s18], [sflag:$0x3] =	stream.linear.gather [hbm4b:s6+s4], $0xA000, $0x38;
	[tilespmem:$0x1F200] =	vst v63  }
0x1d: {  	_ =	swait.ge [sflag:s16], $0xA000  }
0x1e: {  	[sflag:s16] =	ssyncset.done $0x0  }
0x1f: {  	[sflag:s16] =	ssyncadd.s32 $0xFFFF6000  }
0x20: {  	[spmem:s9] =	stream.linear.scatter [tilespmem:s18], [sflag:$0x3], $0xA000, $0x38;
	[tilespmem:$0x1F200] =	vst v63  }
0x21: {  	_ =	swait.ge [sflag:s16], $0xA000  }
0x22: {  	[sflag:s16] =	ssyncset.done $0x0  }
0x23: {  	[sflag:s16] =	ssyncadd.s32 $0xFFFF6000  }
0x24: {  	[tilespmem:s20], [sflag:$0x1] =	stream.indirect.gather [hbm4b:s2+s19], $0x40, s4, s19, $0xb8;
	[tilespmem:$0x1F200] =	vst v63  }
0x25: {  	_ = 	snop  }
0x26: {  	[tilespmem:s21], [sflag:$0x2] =	stream.indirect.gather [hbm4b:s2+s19], $0x40, s19, s19, $0xb8;
	[tilespmem:$0x1F200] =	vst v63  }
0x27: {  	[bflag:$0x0] =	sbarrier.arrive $0xFFFF  }
0x28: {  	_ =	swait.ge [sflag:s22], $0x2000  }
0x29: {  	[sflag:s22] =	ssyncset.done $0x0  }
0x2a: {  	s26 =	simm.s32 $0x3900;
	[sflag:s22] =	ssyncadd.s32 $0xFFFFE000  }
0x2b: {  	[spmem:s3] =	stream.indirect.scatter.add.f32 [tilespmem:s20], [sflag:$0x3], $0x40, s26, s19, $0xb8;
	[tilespmem:$0x1F200] =	vst v63  }
0x2c: {  	_ =	swait.ge [sflag:s16], $0x2000  }
0x2d: {  	[sflag:s16] =	ssyncset.done $0x0  }
0x2e: {  	[sflag:s16] =	ssyncadd.s32 $0xFFFFE000  }
0x2f: {  	[tilespmem:s20], [sflag:$0x1] =	stream.indirect.gather [hbm4b:s2+s19], $0x40, s29, s19, $0xb8;
	[tilespmem:$0x1F200] =	vst v63  }
0x30: {  	_ =	swait.ge [sflag:s23], $0x2000  }
0x31: {  	p0 =	sne.s32 s10, $0x1;
	[sflag:s23] =	ssyncset.done $0x0  }
.Ltmp0:
0x32: {  	s28 =	simm.s32 $0x3980;
	[sflag:s23] =	ssyncadd.s32 $0xFFFFE000;
	(pc) =	sbr.rel @!p0 .LBB2_3-.Ltmp0, $4  }
0x33: {  	[spmem:s3] =	stream.indirect.scatter.add.f32 [tilespmem:s21], [sflag:$0x3], $0x40, s28, s19, $0xb8;
	[tilespmem:$0x1F200] =	vst v63  }
0x34: {  	s25 =	simm.s32 $0x180;
	_ =	swait.ge [sflag:s16], $0x2000  }
0x35: {  	s30 =	sadd.s32 $0xFFFFFFFF, s10;
	s31 =	simm.s32 $0x280;
	[sflag:s16] =	ssyncset.done $0x0  }
0x36: {  	s1 =	simm.s32 $0x180;
	s0 =	simm.s32 $0x3A80;
	[sflag:s16] =	ssyncadd.s32 $0xFFFFE000  }
.LBB2_2:
0x37: {  	[tilespmem:s21], [sflag:$0x2] =	stream.indirect.gather [hbm4b:s2+s19], $0x40, s1, s19, $0xb8;
	[tilespmem:$0x1F200] =	vst v63  }
0x38: {  	p1 =	sne.s32 s30, $0x1;
	s30 =	sadd.s32 $0xFFFFFFFF, s30;
	_ =	swait.ge [sflag:s22], $0x2000  }
0x39: {  	s1 =	smov.u32 s31;
	[sflag:s22] =	ssyncset.done $0x0  }
0x3a: {  	s17 =	sadd.s32 $0xFFFFFF80, s0;
	[sflag:s22] =	ssyncadd.s32 $0xFFFFE000  }
0x3b: {  	[spmem:s3] =	stream.indirect.scatter.add.f32 [tilespmem:s20], [sflag:$0x3], $0x40, s17, s19, $0xb8;
	[tilespmem:$0x1F200] =	vst v63  }
0x3c: {  	_ =	swait.ge [sflag:s16], $0x2000  }
0x3d: {  	[sflag:s16] =	ssyncset.done $0x0  }
0x3e: {  	s17 =	sadd.s32 $0xFFFFFF80, s31;
	[sflag:s16] =	ssyncadd.s32 $0xFFFFE000  }
0x3f: {  	[tilespmem:s20], [sflag:$0x1] =	stream.indirect.gather [hbm4b:s2+s19], $0x40, s17, s19, $0xb8;
	[tilespmem:$0x1F200] =	vst v63  }
0x40: {  	_ =	swait.ge [sflag:s23], $0x2000  }
0x41: {  	[sflag:s23] =	ssyncset.done $0x0  }
.Ltmp1:
0x42: {  	[sflag:s23] =	ssyncadd.s32 $0xFFFFE000;
	(pc) =	sbr.rel @p1 .LBB2_2-.Ltmp1, $4  }
0x43: {  	[spmem:s3] =	stream.indirect.scatter.add.f32 [tilespmem:s21], [sflag:$0x3], $0x40, s0, s19, $0xb8;
	[tilespmem:$0x1F200] =	vst v63  }
0x44: {  	_ =	swait.ge [sflag:s16], $0x2000  }
0x45: {  	[sflag:s16] =	ssyncset.done $0x0  }
0x46: {  	s31 =	sadd.s32 $0x100, s31;
	s0 =	sadd.s32 $0x100, s0;
	[sflag:s16] =	ssyncadd.s32 $0xFFFFE000  }
.LBB2_3:
0x47: {  	[tilespmem:s21], [sflag:$0x2] =	stream.indirect.gather [hbm4b:s2+s19], $0x40, s1, s19, $0xb8;
	[tilespmem:$0x1F200] =	vst v63  }
0x48: {  	_ =	swait.ge [sflag:s22], $0x2000  }
0x49: {  	[sflag:s22] =	ssyncset.done $0x0  }
0x4a: {  	[sflag:s22] =	ssyncadd.s32 $0xFFFFE000  }
0x4b: {  	[spmem:s3] =	stream.indirect.scatter.add.f32 [tilespmem:s20], [sflag:$0x3], $0x40, s11, s19, $0xb8;
	[tilespmem:$0x1F200] =	vst v63  }
0x4c: {  	_ =	swait.ge [sflag:s16], $0x2000  }
0x4d: {  	[sflag:s16] =	ssyncset.done $0x0  }
0x4e: {  	[sflag:s16] =	ssyncadd.s32 $0xFFFFE000  }
0x4f: {  	_ =	swait.ge [sflag:s23], $0x2000  }
0x50: {  	[sflag:s23] =	ssyncset.done $0x0  }
0x51: {  	[sflag:s23] =	ssyncadd.s32 $0xFFFFE000  }
0x52: {  	[spmem:s3] =	stream.indirect.scatter.add.f32 [tilespmem:s21], [sflag:$0x3], $0x40, s12, s19, $0xb8;
	[tilespmem:$0x1F200] =	vst v63  }
0x53: {  	_ =	swait.ge [sflag:s16], $0x2000  }
0x54: {  	[sflag:s16] =	ssyncset.done $0x0  }
0x55: {  	[sflag:s16] =	ssyncadd.s32 $0xFFFFE000  }
0x56: {  	[bflag:$0x0] =	sbarrier.arrive $0xFFFF  }
0x57: {  	[tilespmem:s18], [sflag:$0x3] =	stream.linear.gather [spmem:s9], $0xA000, $0x38;
	[tilespmem:$0x1F200] =	vst v63  }
0x58: {  	_ =	swait.ge [sflag:s16], $0xA000  }
0x59: {  	[sflag:s16] =	ssyncset.done $0x0  }
0x5a: {  	[sflag:s16] =	ssyncadd.s32 $0xFFFF6000  }
0x5b: {  	[hbm4b:s13+s4] =	stream.linear.scatter [tilespmem:s18], [sflag:$0x3], $0xA000, $0x38;
	[tilespmem:$0x1F200] =	vst v63  }
0x5c: {  	_ =	swait.ge [sflag:s16], $0xA000  }
0x5d: {  	[sflag:s16] =	ssyncset.done $0x0  }
0x5e: {  	[sflag:s16] =	ssyncadd.s32 $0xFFFF6000  }
0x5f: {  	[tilespmem:s18], [sflag:$0x3] =	stream.linear.gather [hbm4b:s6+s4], $0xA000, $0x38;
	[tilespmem:$0x1F200] =	vst v63  }
0x60: {  	_ =	swait.ge [sflag:s16], $0xA000  }
0x61: {  	[sflag:s16] =	ssyncset.done $0x0  }
0x62: {  	[sflag:s16] =	ssyncadd.s32 $0xFFFF6000  }
0x63: {  	[spmem:s9] =	stream.linear.scatter [tilespmem:s18], [sflag:$0x3], $0xA000, $0x38;
	[tilespmem:$0x1F200] =	vst v63  }
0x64: {  	_ =	swait.ge [sflag:s16], $0xA000  }
0x65: {  	[sflag:s16] =	ssyncset.done $0x0  }
0x66: {  	[sflag:s16] =	ssyncadd.s32 $0xFFFF6000  }
0x67: {  	[tilespmem:s20], [sflag:$0x1] =	stream.indirect.gather [hbm4b:s5+s19], $0x40, s4, s19, $0xb8;
	[tilespmem:$0x1F200] =	vst v63  }
0x68: {  	_ = 	snop  }
0x69: {  	[tilespmem:s21], [sflag:$0x2] =	stream.indirect.gather [hbm4b:s5+s19], $0x40, s19, s19, $0xb8;
	[tilespmem:$0x1F200] =	vst v63  }
0x6a: {  	[bflag:$0x0] =	sbarrier.arrive $0xFFFF  }
0x6b: {  	_ =	swait.ge [sflag:s22], $0x2000  }
0x6c: {  	[sflag:s22] =	ssyncset.done $0x0  }
0x6d: {  	[sflag:s22] =	ssyncadd.s32 $0xFFFFE000  }
0x6e: {  	[spmem:s3] =	stream.indirect.scatter.add.f32 [tilespmem:s20], [sflag:$0x3], $0x40, s26, s19, $0xb8;
	[tilespmem:$0x1F200] =	vst v63  }
0x6f: {  	_ =	swait.ge [sflag:s16], $0x2000  }
0x70: {  	[sflag:s16] =	ssyncset.done $0x0  }
0x71: {  	[sflag:s16] =	ssyncadd.s32 $0xFFFFE000  }
0x72: {  	[tilespmem:s20], [sflag:$0x1] =	stream.indirect.gather [hbm4b:s5+s19], $0x40, s29, s19, $0xb8;
	[tilespmem:$0x1F200] =	vst v63  }
0x73: {  	_ =	swait.ge [sflag:s23], $0x2000  }
0x74: {  	[sflag:s23] =	ssyncset.done $0x0  }
.Ltmp2:
0x75: {  	[sflag:s23] =	ssyncadd.s32 $0xFFFFE000;
	(pc) =	sbr.rel @!p0 .LBB2_5-.Ltmp2, $4  }
0x76: {  	[spmem:s3] =	stream.indirect.scatter.add.f32 [tilespmem:s21], [sflag:$0x3], $0x40, s28, s19, $0xb8;
	[tilespmem:$0x1F200] =	vst v63  }
0x77: {  	_ =	swait.ge [sflag:s16], $0x2000  }
0x78: {  	s0 =	simm.s32 $0x280;
	[sflag:s16] =	ssyncset.done $0x0  }
0x79: {  	s26 =	sadd.s32 $0xFFFFFFFF, s10;
	s28 =	simm.s32 $0x3A80;
	[sflag:s16] =	ssyncadd.s32 $0xFFFFE000  }
.LBB2_4:
0x7a: {  	[tilespmem:s21], [sflag:$0x2] =	stream.indirect.gather [hbm4b:s5+s19], $0x40, s25, s19, $0xb8;
	[tilespmem:$0x1F200] =	vst v63  }
0x7b: {  	p0 =	sne.s32 s26, $0x1;
	s26 =	sadd.s32 $0xFFFFFFFF, s26;
	_ =	swait.ge [sflag:s22], $0x2000  }
0x7c: {  	s25 =	smov.u32 s0;
	[sflag:s22] =	ssyncset.done $0x0  }
0x7d: {  	s1 =	sadd.s32 $0xFFFFFF80, s28;
	[sflag:s22] =	ssyncadd.s32 $0xFFFFE000  }
0x7e: {  	[spmem:s3] =	stream.indirect.scatter.add.f32 [tilespmem:s20], [sflag:$0x3], $0x40, s1, s19, $0xb8;
	[tilespmem:$0x1F200] =	vst v63  }
0x7f: {  	_ =	swait.ge [sflag:s16], $0x2000  }
0x80: {  	[sflag:s16] =	ssyncset.done $0x0  }
0x81: {  	s1 =	sadd.s32 $0xFFFFFF80, s0;
	[sflag:s16] =	ssyncadd.s32 $0xFFFFE000  }
0x82: {  	[tilespmem:s20], [sflag:$0x1] =	stream.indirect.gather [hbm4b:s5+s19], $0x40, s1, s19, $0xb8;
	[tilespmem:$0x1F200] =	vst v63  }
0x83: {  	_ =	swait.ge [sflag:s23], $0x2000  }
0x84: {  	[sflag:s23] =	ssyncset.done $0x0  }
.Ltmp3:
0x85: {  	[sflag:s23] =	ssyncadd.s32 $0xFFFFE000;
	(pc) =	sbr.rel @p0 .LBB2_4-.Ltmp3, $4  }
0x86: {  	[spmem:s3] =	stream.indirect.scatter.add.f32 [tilespmem:s21], [sflag:$0x3], $0x40, s28, s19, $0xb8;
	[tilespmem:$0x1F200] =	vst v63  }
0x87: {  	_ =	swait.ge [sflag:s16], $0x2000  }
0x88: {  	[sflag:s16] =	ssyncset.done $0x0  }
0x89: {  	s0 =	sadd.s32 $0x100, s0;
	s28 =	sadd.s32 $0x100, s28;
	[sflag:s16] =	ssyncadd.s32 $0xFFFFE000  }
.LBB2_5:
0x8a: {  	[tilespmem:s21], [sflag:$0x2] =	stream.indirect.gather [hbm4b:s5+s19], $0x40, s25, s19, $0xb8;
	[tilespmem:$0x1F200] =	vst v63  }
0x8b: {  	_ =	swait.ge [sflag:s22], $0x2000  }
0x8c: {  	[sflag:s22] =	ssyncset.done $0x0  }
0x8d: {  	[sflag:s22] =	ssyncadd.s32 $0xFFFFE000  }
0x8e: {  	[spmem:s3] =	stream.indirect.scatter.add.f32 [tilespmem:s20], [sflag:$0x3], $0x40, s11, s19, $0xb8;
	[tilespmem:$0x1F200] =	vst v63  }
0x8f: {  	_ =	swait.ge [sflag:s16], $0x2000  }
0x90: {  	[sflag:s16] =	ssyncset.done $0x0  }
0x91: {  	[sflag:s16] =	ssyncadd.s32 $0xFFFFE000  }
0x92: {  	_ =	swait.ge [sflag:s23], $0x2000  }
0x93: {  	[sflag:s23] =	ssyncset.done $0x0  }
0x94: {  	[sflag:s23] =	ssyncadd.s32 $0xFFFFE000  }
0x95: {  	[spmem:s3] =	stream.indirect.scatter.add.f32 [tilespmem:s21], [sflag:$0x3], $0x40, s12, s19, $0xb8;
	[tilespmem:$0x1F200] =	vst v63  }
0x96: {  	_ =	swait.ge [sflag:s16], $0x2000  }
0x97: {  	[sflag:s16] =	ssyncset.done $0x0  }
0x98: {  	[sflag:s16] =	ssyncadd.s32 $0xFFFFE000  }
0x99: {  	[bflag:$0x0] =	sbarrier.arrive $0xFFFF  }
0x9a: {  	[tilespmem:s18], [sflag:$0x3] =	stream.linear.gather [spmem:s9], $0xA000, $0x38;
	[tilespmem:$0x1F200] =	vst v63  }
0x9b: {  	s24 =	sadd.s32 $0x1, s24;
	_ =	swait.ge [sflag:s16], $0xA000  }
0x9c: {  	p0 =	sne.s32 s24, s15;
	[sflag:s16] =	ssyncset.done $0x0  }
.Ltmp4:
0x9d: {  	[sflag:s16] =	ssyncadd.s32 $0xFFFF6000;
	(pc) =	sbr.rel @p0 .LBB2_1-.Ltmp4, $4  }
0x9e: {  	[hbm4b:s14+s4] =	stream.linear.scatter [tilespmem:s18], [sflag:$0x3], $0xA000, $0x38;
	[tilespmem:$0x1F200] =	vst v63  }
0x9f: {  	_ =	swait.ge [sflag:s16], $0xA000  }
0xa0: {  	[sflag:s16] =	ssyncset.done $0x0  }
0xa1: {  	[sflag:s16] =	ssyncadd.s32 $0xFFFF6000  }
0xa2: {  	_ =	sfence.sel $0x180000  }
0xa3: {  	[bflag:$0x0] =	sbarrier.arrive $0xFFFF  }
0xa4: {  	_ =	strace $0x9000004D  }
0xa5: {  	s0 =	stileid.u32;
	[bflag:$0x2] =	sbarrier.arrive $0xFFFF  }
0xa6: {  	p0 =	sne.s32 s0, $0x0;
	s0 =	rddreg [dreg:$0x3]  }
0xa7: {  	s0 =	sadd.s32 @!p0 $0x100000, s0  }
0xa8: {  	[sflag:s0] =	ssyncadd.tile.s32 @!p0 $0x1;
	_ =	shalt  }
.Lfunc_end2:
_tile_overlayer_lowered:
.L_overlay_start_2:
0xa9: {  	(tag) =	ssettag $0x2  }
0xaa: {  	s0 =	rddreg [dreg:$0x0];
	s2 =	stileid.u32  }
0xab: {  	s1 =	rddreg [dreg:$0x1];
	p0 =	sne.s32 s2, $0x0  }
0xac: {  	s3 =	rddreg [dreg:$0x2];
	[bflag:$0x3] =	sbarrier.arrive $0xFFFF;
	s2 =	simm.s32 @!p0 $0x1C03  }
0xad: {  	[timem:s3], [sflag:s2] =	dma.local @!p0 [hbm:s0], s1  }
0xae: {  	s0 =	simm.s32 @!p0 $0x3  }
0xaf: {  	_ =	swait.ge @!p0 [sflag:s0], s1  }
0xb0: {  	s1 =	ssub.s32 @!p0 $0x0, s1;
	[sflag:s0] =	ssyncset.done @!p0 $0x0  }
0xb1: {  	[sflag:s0] =	ssyncadd.s32 @!p0 s1  }
0xb2: {  	[bflag:$0x3] =	sbarrier.arrive $0xFFFF  }
0xb3: {  	_ =	shalt  }

// kernel: sc_sage_degree.3.cloned.1.call-start
scs
__scs_entry_jumppad:
0x0: {  	(pc) =	sbr.rel $0x88, $3  }
0x1: {  	(tag) =	ssettag $0x0;
	lr =	simm.s32 $0x1  }
0x2: {  	[smem:$0x3F96] =	sst lr;
	_ =	strace $0xD0000000  }
0x3: {  	_ = 	snop  }
0x4: {  	_ = 	snop  }
0x5: {  	_ = 	snop  }
0x6: {  	_ = 	snop  }
0x7: {  	_ = 	snop  }
__scs_overlays_trampoline_lowered:
0x8: {  	[smem:$0x3FA5] =	sst s0  }
0x9: {  	[smem:$0x3FA6] =	sst s1  }
0xa: {  	[smem:$0x3FA7] =	sst s2  }
0xb: {  	[smem:$0x3FA8] =	sst s3  }
0xc: {  	[smem:$0x3FA9] =	sst s4  }
0xd: {  	[smem:$0x3FAA] =	sst s5  }
0xe: {  	[smem:$0x3FAB] =	sst s6  }
0xf: {  	[smem:$0x3FAC] =	sst s7  }
0x10: {  	[smem:$0x3FAD] =	sst s8  }
0x11: {  	[smem:$0x3FAE] =	sst s9;
	s0 =	simm.s32 @!p0 $0x0  }
0x12: {  	s1 =	sld [smem:$0x3F94];
	s0 =	simm.s32 @p0 $0x1  }
0x13: {  	[smem:$0x3FAF] =	sst s0;
	s0 =	simm.s32 @!p1 $0x0  }
0x14: {  	s2 =	sld [smem:$0x3F93];
	s0 =	simm.s32 @p1 $0x1  }
0x15: {  	[smem:$0x3FB0] =	sst s0;
	s0 =	simm.s32 @!p2 $0x0  }
0x16: {  	s3 =	sld [smem:$0x3FDB];
	s0 =	simm.s32 @p2 $0x1  }
0x17: {  	s4 =	simm.s32 $0x1BF5;
	[smem:$0x3FB2] =	sst s0  }
0x18: {  	s0 =	sld [smem:$0x3F95];
	_ =	swait.ge [sflag:s4], $0x0  }
0x19: {  	s7 =	sld [smem:$0x3F96]  }
0x1a: {  	s8 =	sadd.s32 $0xFFFFE003, lr  }
0x1b: {  	s9 =	sadd.s32 $0xFFFFFEF7, lr;
	s5 =	simm.s32 $0xFFFFFFFF;
	p2 =	slt.u32 s8, $0xFFFFF086  }
0x1c: {  	p1 =	slt.u32 s9, $0xF7A;
	s5 =	simm.s32 @!p2 $0x0  }
0x1d: {  	s5 =	simm.s32 @p1 $0x1;
	p0 =	seq.s32 s7, s2  }
0x1e: {  	s7 =	smul.u32 @!p0 $0xF7A, s2;
	p2 =	seq.s32 @!p0 s5, $0x0  }
0x1f: {  	s9 =	smul.u32 $0xF7A, s1;
	s8 =	simm.s32 @!p0 $0x1BF5;
	p2 =	por !p2, p0  }
0x20: {  	[sflag:s8] =	ssyncset.s32 @!p0 $0xFFFFF086;
	s6 =	sadd.s32 @!p0 s3, s7;
	s7 =	simm.s32 @!p0 $0x108  }
0x21: {  	s3 =	sadd.s32 s3, s9;
	s6 =	sadd.s32 @!p0 $0x88, s6;
	s7 =	simm.s32 @p2 $0x1082  }
0x22: {  	[simem:s7], [sflag:s8] =	dma.local @!p0 [hbm:s6], $0xF7A  }
0x23: {  	s9 =	sor.u32 $0xD0000000, s2;
	s6 =	simm.s32 $0x108;
	_ =	swait.ge @!p0 [sflag:s8], $0x0  }
0x24: {  	s3 =	sadd.s32 $0x88, s3;
	s6 =	simm.s32 @!p1 $0x1082;
	[sflag:s4] =	ssyncset.s32 $0xFFFFF086  }
0x25: {  	[simem:s6], [sflag:s4] =	dma.local [hbm:s3], $0xF7A  }
0x26: {  	[smem:$0x3F96] =	sst s1;
	(tag) =	ssettag s2;
	_ =	strace s9  }
0x27: {  	s1 =	sld [smem:$0x3FA6]  }
0x28: {  	s2 =	sld [smem:$0x3FA7]  }
0x29: {  	s4 =	sld [smem:$0x3FA9]  }
0x2a: {  	p0 =	seq.s32 s5, $0x0;
	s5 =	sld [smem:$0x3FAA]  }
0x2b: {  	s6 =	sld [smem:$0x3FAB]  }
0x2c: {  	s7 =	sld [smem:$0x3FAC]  }
0x2d: {  	s3 =	simm.s32 $0x108;
	s8 =	sld [smem:$0x3FAD]  }
0x2e: {  	s3 =	simm.s32 @!p0 $0x1082;
	s9 =	sld [smem:$0x3FAE]  }
0x2f: {  	lr =	sadd.s32 s0, s3;
	s0 =	sld [smem:$0x3FA5]  }
0x30: {  	s3 =	sld [smem:$0x3FA8]  }
0x31: {  	[smem:$0x3FB1] =	sst s10  }
0x32: {  	s10 =	sld [smem:$0x3FAF];
	_ =	sdelay $0x3  }
0x33: {  	p0 =	seq.s32 s10, $0x1;
	s10 =	sld [smem:$0x3FB1];
	_ =	sdelay $0x3  }
0x34: {  	[smem:$0x3FB1] =	sst s10  }
0x35: {  	s10 =	sld [smem:$0x3FB0];
	_ =	sdelay $0x3  }
0x36: {  	p1 =	seq.s32 s10, $0x1;
	s10 =	sld [smem:$0x3FB1];
	_ =	sdelay $0x3  }
0x37: {  	[smem:$0x3FB1] =	sst s10  }
0x38: {  	s10 =	sld [smem:$0x3FB2]  }
0x39: {  	_ = 	snop;
	(pc) =	sbr.ind lr, $3  }
0x3a: {  	_ = 	snop  }
0x3b: {  	_ = 	snop  }
0x3c: {  	p2 =	seq.s32 s10, $0x1;
	s10 =	sld [smem:$0x3FB1]  }
0x3d: {  	_ =	shalt  }
0x3e: {  	_ =	shalt  }
0x3f: {  	_ =	shalt  }
0x40: {  	_ =	shalt  }
0x41: {  	_ =	shalt  }
0x42: {  	_ =	shalt  }
0x43: {  	_ =	shalt  }
0x44: {  	_ =	shalt  }
0x45: {  	_ =	shalt  }
0x46: {  	_ =	shalt  }
0x47: {  	_ =	shalt  }
0x48: {  	_ =	shalt  }
0x49: {  	_ =	shalt  }
0x4a: {  	_ =	shalt  }
0x4b: {  	_ =	shalt  }
0x4c: {  	_ =	shalt  }
0x4d: {  	_ =	shalt  }
0x4e: {  	_ =	shalt  }
0x4f: {  	_ =	shalt  }
0x50: {  	_ =	shalt  }
0x51: {  	_ =	shalt  }
0x52: {  	_ =	shalt  }
0x53: {  	_ =	shalt  }
0x54: {  	_ =	shalt  }
0x55: {  	_ =	shalt  }
0x56: {  	_ =	shalt  }
0x57: {  	_ =	shalt  }
0x58: {  	_ =	shalt  }
0x59: {  	_ =	shalt  }
0x5a: {  	_ =	shalt  }
0x5b: {  	_ =	shalt  }
0x5c: {  	_ =	shalt  }
0x5d: {  	_ =	shalt  }
0x5e: {  	_ =	shalt  }
0x5f: {  	_ =	shalt  }
0x60: {  	_ =	shalt  }
0x61: {  	_ =	shalt  }
0x62: {  	_ =	shalt  }
0x63: {  	_ =	shalt  }
0x64: {  	_ =	shalt  }
0x65: {  	_ =	shalt  }
0x66: {  	_ =	shalt  }
0x67: {  	_ =	shalt  }
0x68: {  	_ =	shalt  }
0x69: {  	_ =	shalt  }
0x6a: {  	_ =	shalt  }
0x6b: {  	_ =	shalt  }
0x6c: {  	_ =	shalt  }
0x6d: {  	_ =	shalt  }
0x6e: {  	_ =	shalt  }
0x6f: {  	_ =	shalt  }
0x70: {  	_ =	shalt  }
0x71: {  	_ =	shalt  }
0x72: {  	_ =	shalt  }
0x73: {  	_ =	shalt  }
0x74: {  	_ =	shalt  }
0x75: {  	_ =	shalt  }
0x76: {  	_ =	shalt  }
0x77: {  	_ =	shalt  }
0x78: {  	_ =	shalt  }
0x79: {  	_ =	shalt  }
0x7a: {  	_ =	shalt  }
0x7b: {  	_ =	shalt  }
0x7c: {  	_ =	shalt  }
0x7d: {  	_ =	shalt  }
0x7e: {  	_ =	shalt  }
0x7f: {  	_ =	shalt  }
0x80: {  	_ =	shalt  }
0x81: {  	_ =	shalt  }
0x82: {  	_ =	shalt  }
0x83: {  	_ =	shalt  }
0x84: {  	_ =	shalt  }
0x85: {  	_ =	shalt  }
0x86: {  	_ =	shalt  }
0x87: {  	_ =	shalt  }
.Lfunc_end0:
.L_simem_size_0:
called_computation_lowered:
.L_overlay_start_0:
0x88: {  	s2 =	sld [smem:$0x3FD9]  }
0x89: {  	s3 =	sld [smem:$0x3FFE];
	_ =	sdelay $0x1  }
0x8a: {  	s1 =	srdreg.scid  }
0x8b: {  	s0 =	sand.u32 $0x1, s1  }
0x8c: {  	s16 =	sshll.u32 s0, $0xA;
	s2 =	sadd.s32 s3, s2  }
0x8d: {  	s2 =	sadd.s32 s2, s16  }
0x8e: {  	[smem:$0x3FBD] =	sst s2  }
0x8f: {  	_ = 	snop  }
0x90: {  	(tm) =	ssettm $0x1  }
0x91: {  	s17 =	sld [smem:$0x3FFB];
	_ =	sdelay $0x3  }
0x92: {  	_ =	strace s17  }
0x93: {  	s2 =	sld [smem:$0x3FFC];
	_ =	sdelay $0x3  }
0x94: {  	_ =	strace s2  }
0x95: {  	s2 =	sld [smem:$0x3FFD];
	_ =	sdelay $0x3  }
0x96: {  	_ =	strace s2  }
0x97: {  	_ =	strace $0x8FFFFFFF  }
0x98: {  	s18 =	sld [smem:$0x3FDB];
	_ =	sdelay $0x1  }
0x99: {  	s19 =	simm.s32 $_scs_section_size  }
0x9a: {  	s4 =	simm.s32 $_size__tile_overlayer_lowered;
	s5 =	simm.s32 $_tile_overlayer_lowered  }
0x9b: {  	s22 =	simm.s32 $0x1BFF;
	s21 =	sshll.u32 s5, $0x1;
	s2 =	sadd.s32 s19, s18  }
0x9c: {  	s6 =	simm.s32 $0x0;
	s20 =	sshll.u32 s4, $0x1;
	s4 =	sadd.s32 s21, s2  }
0x9d: {  	[timem:s6], [sflag:s22] =	dma.local [hbm:s4], s20  }
0x9e: {  	_ =	swait.ge [sflag:s22], s20  }
0x9f: {  	s3 =	ssub.s32 $0x0, s20;
	[sflag:s22] =	ssyncset.done $0x0  }
0xa0: {  	[sflag:s22] =	ssyncadd.s32 s3;
	_ =	sdelay $0x1  }
0xa1: {  	s23 =	simm.s32 $0x1B8B  }
0xa2: {  	_ =	swait.ge [sflag:s23], $0x1  }
0xa3: {  	[sflag:s23] =	ssyncset.done $0x0  }
0xa4: {  	s25 =	simm.s32 $0x1B8E;
	s24 =	sld [smem:$0x3FFE];
	[sflag:s23] =	ssyncadd.s32 $0xFFFFFFFF  }
0xa5: {  	s26 =	simm.s32 $execute0_lowered;
	[smem:$0x3FD2] =	sst s25  }
0xa6: {  	s4 =	sshll.u32 s26, $0x1;
	_ =	strace $0x80000046;
	[dreg:$0x1] =	wrdreg $0xFFFFFFFF  }
0xa7: {  	s28 =	simm.s32 $_size_execute0_lowered;
	s2 =	sadd.s32 s2, s4;
	[dreg:$0x0] =	wrdreg $0x0  }
0xa8: {  	s4 =	sshll.u32 s28, $0x1;
	[dreg:$0x2] =	wrdreg s2  }
0xa9: {  	[dreg:$0x3] =	wrdreg s4  }
0xaa: {  	[dreg:$0x4] =	wrdreg $0xC0  }
0xab: {  	_ =	task [dreg:s6], $0x5FFFF  }
0xac: {  	[dreg:$0x1] =	wrdreg $0xFFFFFFFF  }
0xad: {  	[dreg:$0x0] =	wrdreg $0x60  }
0xae: {  	[dreg:$0x2] =	wrdreg s24  }
0xaf: {  	[dreg:$0x3] =	wrdreg $0x58000  }
0xb0: {  	[dreg:$0x4] =	wrdreg $0x9  }
0xb1: {  	_ =	task.clear_ibuf [dreg:s6], $0x5FFFF;
	_ =	strace $0x90000046  }
0xb2: {  	s29 =	simm.s32 $0x9;
	_ =	strace $0x80000048  }
0xb3: {  	_ =	swait.ge [sflag:s29], $0x1  }
0xb4: {  	[sflag:s29] =	ssyncadd.s32 $0xFFFFFFFF  }
0xb5: {  	_ =	strace $0x90000048  }
0xb6: {  	_ =	sfence  }
0xb7: {  	s30 =	sld [smem:$0x0];
	_ =	sdelay $0x2  }
0xb8: {  	s31 =	sshll.u32 s1, $0xD;
	s1 =	sshrl.u32 s1, $0x2  }
0xb9: {  	s3 =	sand.u32 $0x4000, s31;
	s1 =	sadd.s32 s1, s30  }
0xba: {  	s0 =	sor.u32 s3, s0;
	s1 =	sshll.u32 s1, $0x11  }
0xbb: {  	s0 =	sor.u32 s1, s0  }
0xbc: {  	s0 =	sadd.s32 $0x8F2B, s0  }
0xbd: {  	[sflag:s0] =	ssyncadd.remote.s32 $0x1  }
0xbe: {  	_ =	sfence.sel $0xFFFF  }
0xbf: {  	[dreg:$0x0] =	wrdreg $0xFFFFFFFF;
	(pc) =	sbr.abs _section_cstart, $3  }
0xc0: {  	[dreg:$0x1] =	wrdreg $0xFFFFFFFF  }
0xc1: {  	_ =	task.clear_ibuf [dreg:s6], $0x2FFFF;
	_ =	strace $0x9FFFFFFF  }
0xc2: {  	(tm) =	ssettm $0x7FFFFFFF  }
0xc3: {  	_ =	shalt  }
tec
execute0_lowered:
.L_overlay_start_1:
0x0: {  	(tag) =	ssettag $0x1  }
0x1: {  	s6 =	rddreg [dreg:$0x0]  }
0x2: {  	s0 =	srdreg.scid;
	s2 =	rddreg [dreg:$0x1]  }
0x3: {  	s3 =	simm.s32 $0x0;
	s5 =	sand.u32 $0x1, s0;
	s0 =	stileid.u32  }
0x4: {  	s13 =	simm.s32 $0x80;
	s14 =	simm.s32 $0x0;
	s7 =	smul.u32 $0x500, s0  }
0x5: {  	[smem:$0x7FF] =	sst s3;
	s1 =	sshll.u32 s5, $0x4;
	s9 =	smul.u32 $0x5000, s5  }
0x6: {  	s10 =	ssub.s32 $0x2, s5;
	s11 =	smul.u32 $0xA000, s0;
	s5 =	sadd.s32 $0xDA00, s6  }
0x7: {  	s4 =	sor.u32 s0, s1;
	s1 =	rddreg [dreg:$0x2];
	_ =	strace $0x80000047  }
0x8: {  	s30 =	sshrl.u32 s10, $0x1;
	s4 =	smul.u32 $0x500, s4;
	s7 =	sadd.s32 s7, s9  }
0x9: {  	s9 =	ssub.s32 s10, s30;
	s31 =	sshrl.u32 s11, $0x2;
	s10 =	simm.s32 $0x1  }
0xa: {  	s11 =	simm.s32 $0x2800;
	s12 =	sadd.s32 s7, s6;
	s7 =	sadd.s32 s31, s2  }
0xb: {  	s9 =	smax.u32 s9, $0x1;
	s8 =	sadd.s32 s4, s6;
	s4 =	sadd.s32 $0xDC00, s6  }
0xc: {  	s6 =	sadd.s32 $0x3400, s8;
	s8 =	sadd.s32 $0xE200, s12;
	s12 =	simm.s32 $0x3000  }
.LBB2_1:
0xd: {  	[tilespmem:s3], [sflag:$0x1] =	stream.linear.gather [hbm4b:s6+s3], $0x2800, $0x38;
	[tilespmem:$0x8000] =	vst v63  }
0xe: {  	_ =	swait.ge [sflag:s10], $0x2800  }
0xf: {  	[sflag:s10] =	ssyncset.done $0x0  }
0x10: {  	[sflag:s10] =	ssyncadd.s32 $0xFFFFD800  }
0x11: {  	[tilespmem:s11], [sflag:$0x1] =	stream.linear.gather [hbm4b:s5+s3], $0x800, $0x38;
	[tilespmem:$0x8000] =	vst v63  }
0x12: {  	_ =	swait.ge [sflag:s10], $0x800  }
0x13: {  	[sflag:s10] =	ssyncset.done $0x0  }
0x14: {  	[sflag:s10] =	ssyncadd.s32 $0xFFFFF800  }
0x15: {  	[tilespmem:s12], [sflag:$0x1] =	stream.linear.gather [hbm4b:s4+s3], $0x2800, $0x38;
	[tilespmem:$0x8000] =	vst v63  }
0x16: {  	_ =	swait.ge [sflag:s10], $0x2800  }
0x17: {  	[sflag:s10] =	ssyncset.done $0x0  }
0x18: {  	[sflag:s10] =	ssyncadd.s32 $0xFFFFD800  }
0x19: {  	[spmem:s7] =	stream.linear.scatter [tilespmem:s12], [sflag:$0x1], $0x2800, $0x38;
	[tilespmem:$0x8000] =	vst v63  }
0x1a: {  	_ =	swait.ge [sflag:s10], $0x2800  }
0x1b: {  	[sflag:s10] =	ssyncset.done $0x0  }
0x1c: {  	[sflag:s10] =	ssyncadd.s32 $0xFFFFD800  }
0x1d: {  	s15 =	simm.s32 $0x0;
	[bflag:$0x0] =	sbarrier.arrive $0xFFFF  }
0x1e: {  	[spmem:s2] =	stream.indirect.scatter.add.f32 [tilespmem:s11], [sflag:$0x1], $0x10, s15, s13, $0xb8;
	[tilespmem:$0x8000] =	vst v63  }
0x1f: {  	_ =	swait.ge [sflag:s10], $0x800  }
0x20: {  	s15 =	simm.s32 $0x200;
	[sflag:s10] =	ssyncset.done $0x0  }
.LBB2_2:
0x21: {  	s16 =	sshra.s32 s15, $0x2;
	[sflag:s10] =	ssyncadd.s32 $0xFFFFF800;
	p0 =	sne.s32 s15, $0x9E00  }
0x22: {  	[spmem:s2] =	stream.indirect.scatter.add.f32 [tilespmem:s11], [sflag:$0x1], $0x10, s16, s13, $0xb8;
	[tilespmem:$0x8000] =	vst v63  }
.Ltmp0:
0x23: {  	_ = 	snop;
	(pc) =	sbr.rel @p0 .LBB2_2-.Ltmp0, $4  }
0x24: {  	_ = 	snop  }
0x25: {  	s15 =	sadd.s32 $0x200, s15  }
0x26: {  	_ =	swait.ge [sflag:s10], $0x800  }
0x27: {  	[sflag:s10] =	ssyncset.done $0x0  }
0x28: {  	[sflag:s10] =	ssyncadd.s32 $0xFFFFF800  }
0x29: {  	[bflag:$0x0] =	sbarrier.arrive $0xFFFF  }
0x2a: {  	[tilespmem:s12], [sflag:$0x1] =	stream.linear.gather [spmem:s7], $0x2800, $0x38;
	[tilespmem:$0x8000] =	vst v63  }
0x2b: {  	s14 =	sadd.s32 $0x1, s14;
	_ =	swait.ge [sflag:s10], $0x2800  }
0x2c: {  	p0 =	sne.s32 s14, s9;
	[sflag:s10] =	ssyncset.done $0x0  }
.Ltmp1:
0x2d: {  	[sflag:s10] =	ssyncadd.s32 $0xFFFFD800;
	(pc) =	sbr.rel @p0 .LBB2_1-.Ltmp1, $4  }
0x2e: {  	[hbm4b:s8+s3] =	stream.linear.scatter [tilespmem:s12], [sflag:$0x1], $0x2800, $0x38;
	[tilespmem:$0x8000] =	vst v63  }
0x2f: {  	_ =	swait.ge [sflag:s10], $0x2800  }
0x30: {  	[sflag:s10] =	ssyncset.done $0x0  }
0x31: {  	[sflag:s10] =	ssyncadd.s32 $0xFFFFD800  }
0x32: {  	_ =	sfence.sel $0x180000  }
0x33: {  	[bflag:$0x0] =	sbarrier.arrive $0xFFFF  }
0x34: {  	p0 =	sne.s32 s0, $0x0;
	_ =	strace $0x90000047  }
0x35: {  	s0 =	sadd.s32 @!p0 $0x100000, s1;
	[bflag:$0x2] =	sbarrier.arrive $0xFFFF  }
0x36: {  	[sflag:s0] =	ssyncadd.tile.s32 @!p0 $0x1;
	_ =	shalt  }
.Lfunc_end2:
_tile_overlayer_lowered:
.L_overlay_start_2:
0x37: {  	(tag) =	ssettag $0x2  }
0x38: {  	s0 =	rddreg [dreg:$0x0];
	s2 =	stileid.u32  }
0x39: {  	s1 =	rddreg [dreg:$0x1];
	p0 =	sne.s32 s2, $0x0  }
0x3a: {  	s3 =	rddreg [dreg:$0x2];
	[bflag:$0x3] =	sbarrier.arrive $0xFFFF;
	s2 =	simm.s32 @!p0 $0x1C01  }
0x3b: {  	[timem:s3], [sflag:s2] =	dma.local @!p0 [hbm:s0], s1  }
0x3c: {  	s0 =	simm.s32 @!p0 $0x1  }
0x3d: {  	_ =	swait.ge @!p0 [sflag:s0], s1  }
0x3e: {  	s1 =	ssub.s32 @!p0 $0x0, s1;
	[sflag:s0] =	ssyncset.done @!p0 $0x0  }
0x3f: {  	[sflag:s0] =	ssyncadd.s32 @!p0 s1  }
0x40: {  	[bflag:$0x3] =	sbarrier.arrive $0xFFFF  }
0x41: {  	_ =	shalt  }

</sc_bundles>
